<compile_context>
chip_gen: v7x
topology: tpu7x:2x2x1
jax: 0.10.2.dev20260603
libtpu: 0.0.44.dev20260713+nightly
codegen_flags: <defaults>
</compile_context>

<pallas_src>
import functools

import jax
import jax.numpy as jnp
from jax import lax
from jax.experimental import pallas as pl
from jax.experimental.pallas import tpu as pltpu
from jax.experimental.pallas import tpu_sc as plsc

NC = 2
NS = 16
WU = 400
WE = 512


def _rup(x, m):
    return -(-x // m) * m


def _vperm(x, idx):
    dnums = lax.GatherDimensionNumbers(
        offset_dims=(), collapsed_slice_dims=(0,), start_index_map=(0,))
    return lax.gather(x, idx[:, None], dnums, (1,),
                      mode=lax.GatherScatterMode.PROMISE_IN_BOUNDS)


def _pad1(a, n, val=0.0):
    return jnp.pad(a, (0, n - a.shape[0]), constant_values=val)


def _padlast(a, n):
    pw = [(0, 0)] * (a.ndim - 1) + [(0, n - a.shape[-1])]
    return jnp.pad(a, pw)


def _make_sc_kernel(N, D, R, TS, N_IN, NPAD, ZL, XP, PT_REC, PT_INE, ZTAB):
    PT = NPAD // NS
    NWU = PT // WU
    Z1OFF = N * D
    ZB1 = _rup(N, WU)
    ACC = R * ZB1
    ACCH = R * NPAD
    NCH_Z = ZL // 4096
    NCH_A = ACC // (R * WU)
    PT_X = XP // NS
    NWP_REC = PT_REC // (2 * WE)
    NWP_INE = PT_INE // (2 * WE)

    mesh = plsc.VectorSubcoreMesh(core_axis_name="c", subcore_axis_name="s")
    f32 = jnp.float32

    out_type = (
        jax.ShapeDtypeStruct((NC * TS * 2 * NPAD,), f32),
        jax.ShapeDtypeStruct((NC * 2 * ACCH,), f32),
        jax.ShapeDtypeStruct((NC * 2 * ACCH,), f32),
    )
    scratch = [
        pltpu.VMEM_SHARED((ZTAB,), f32),
        pltpu.VMEM_SHARED((ACC,), f32),
        pltpu.VMEM_SHARED((ACC,), f32),
        pltpu.VMEM_SHARED((XP,), f32),
        pltpu.VMEM_SHARED((XP,), f32),
        pltpu.VMEM((PT,), f32), pltpu.VMEM((PT,), f32),
        pltpu.VMEM((PT,), f32), pltpu.VMEM((PT,), f32),
        pltpu.VMEM((PT,), f32), pltpu.VMEM((PT,), f32),
        pltpu.VMEM((PT,), f32), pltpu.VMEM((PT,), f32),
        pltpu.VMEM((WU,), f32), pltpu.VMEM((WU,), f32), pltpu.VMEM((WU,), f32),
        pltpu.VMEM((WU,), f32), pltpu.VMEM((WU,), f32), pltpu.VMEM((WU,), f32),
        pltpu.VMEM((WU,), f32), pltpu.VMEM((WU,), f32), pltpu.VMEM((WU,), f32),
        pltpu.VMEM((WU,), f32), pltpu.VMEM((WU,), f32),
        pltpu.VMEM((WE,), jnp.int32), pltpu.VMEM((WE,), jnp.int32),
        pltpu.VMEM((WE,), f32), pltpu.VMEM((WE,), f32),
        pltpu.VMEM((WE,), f32), pltpu.VMEM((WE,), f32),
        pltpu.VMEM((WE,), jnp.int32), pltpu.VMEM((WE,), jnp.int32),
        pltpu.VMEM((WE,), f32), pltpu.VMEM((WE,), f32),
        pltpu.VMEM((WE,), f32), pltpu.VMEM((WE,), f32),
        pltpu.VMEM((R * WU,), f32), pltpu.VMEM((R * WU,), f32),
        pltpu.VMEM((R * WU,), f32), pltpu.VMEM((R * WU,), f32),
        pltpu.VMEM((R * WU,), f32), pltpu.VMEM((R * WU,), f32),
        pltpu.VMEM((R * WU,), f32), pltpu.VMEM((R * WU,), f32),
        pltpu.VMEM((R * WU,), f32),
        pltpu.VMEM((WU,), f32),
        pltpu.VMEM((WU,), f32), pltpu.VMEM((WU,), f32),
        pltpu.VMEM((WU,), f32),
        pltpu.VMEM((WU,), f32),
        pltpu.SemaphoreType.DMA, pltpu.SemaphoreType.DMA,
        pltpu.SemaphoreType.DMA, pltpu.SemaphoreType.DMA,
        pltpu.SemaphoreType.DMA, pltpu.SemaphoreType.DMA,
        pltpu.SemaphoreType.DMA,
    ]

    @functools.partial(pl.kernel, mesh=mesh, out_type=out_type,
                       scratch_types=scratch)
    def sck(zb_h, x_h, recc_h, recr_h, recw_h, inc_h, inr_h, inw_h,
            pr_h, pp_h, v_h, r_h, a1_h, a2_h,
            vth_h, el_h, vres_h, g_h, tref_h, k1_h, k2_h, am1_h, am2_h,
            dec_h, cf_h, bkg_h, sd_h, pi_h,
            zout_h, prb_h, ppb_h,
            ztab, acc0, acc1, xt0, xt1,
            v0, v1, rst0, rst1, a10, a11, a20, a21,
            pvth, pel, pvres, pg, ptref, pk1, pk2, pam1, pam2, pdec, pcf,
            cb0, rb0, wb0, gg0, ga0, gb0,
            cb1, rb1, wb1, gg1, ga1, gb1,
            accw0, accw1, prw0, prw1, ppw0, ppw1, bkgw, sdw, pinw,
            pzwp, zw0, zw1, zwp, zerobuf,
            semL0, semL1, semG0, semG1, semS0, semS1, semU):
        c = lax.axis_index("c")
        s = lax.axis_index("s")
        acc = (acc0, acc1)
        xt = (xt0, xt1)
        vst = (v0, v1)
        rst = (rst0, rst1)
        a1st = (a10, a11)
        a2st = (a20, a21)
        accw = (accw0, accw1)
        prw = (prw0, prw1)
        ppw = (ppw0, ppw1)
        zw = (zw0, zw1)
        slot = ((cb0, rb0, wb0, gg0, ga0, gb0, semL0, semG0, semS0),
                (cb1, rb1, wb1, gg1, ga1, gb1, semL1, semG1, semS1))
        iota = lax.broadcasted_iota(jnp.int32, (16,), 0)

        @pl.loop(0, WU // 16)
        def _(j):
            zerobuf[pl.ds(j * 16, 16)] = jnp.zeros((16,), f32)

        for p in range(2):
            @pl.loop(0, -(-NCH_A // NS))
            def _(k, p=p):
                j = k * NS + s

                @pl.when(j < NCH_A)
                def _():
                    @pl.loop(0, R)
                    def _(rr, j=j):
                        pltpu.sync_copy(
                            zerobuf,
                            acc[p].at[pl.ds(j * (R * WU) + rr * WU, WU)])
        @pl.loop(0, -(-NCH_Z // NS))
        def _(k):
            j = k * NS + s

            @pl.when(j < NCH_Z)
            def _():
                pltpu.sync_copy(zb_h.at[pl.ds(c * ZL + j * 4096, 4096)],
                                ztab.at[pl.ds(j * 4096, 4096)])
        for t in range(TS):
            pltpu.sync_copy(
                x_h.at[pl.ds((c * TS + t) * XP + s * PT_X, PT_X)],
                xt[t].at[pl.ds(s * PT_X, PT_X)])
        for p in range(2):
            sl = pl.ds((c * 2 + p) * NPAD + s * PT, PT)
            pltpu.sync_copy(v_h.at[sl], vst[p])
            pltpu.sync_copy(r_h.at[sl], rst[p])
            pltpu.sync_copy(a1_h.at[sl], a1st[p])
            pltpu.sync_copy(a2_h.at[sl], a2st[p])
        plsc.subcore_barrier()

        def decode_mult(gg, wb, ga, gb):
            @pl.loop(0, WE // 16)
            def _(j):
                jsl = pl.ds(j * 16, 16)
                v = gg[jsl]
                wv = wb[jsl]
                z1 = jnp.where(v >= 2.0, 1.0, 0.0)
                ga[jsl] = (v - 2.0 * z1) * wv
                gb[jsl] = z1 * wv

        def remap_fn(cb):
            @pl.loop(0, WE // 16)
            def _(j):
                jsl = pl.ds(j * 16, 16)
                cc = cb[jsl]
                cb[jsl] = jnp.where(cc < N, cc + Z1OFF, cc - N)

        def edge_pipeline(nwp, pt_len, c_h, r_h, w_h, tab, remap):
            @pl.loop(0, nwp)
            def _(i):
                def issueL(k, sl):
                    cb, rb, wb, _, _, _, semL, _, _ = sl
                    base = s * pt_len + k * WE
                    return [
                        pltpu.async_copy(c_h.at[pl.ds(base, WE)], cb, semL),
                        pltpu.async_copy(r_h.at[pl.ds(base, WE)], rb, semL),
                        pltpu.async_copy(w_h.at[pl.ds(base, WE)], wb, semL)]

                s0 = slot[0]
                s1 = slot[1]
                dL0 = issueL(2 * i, s0)
                dL1 = issueL(2 * i + 1, s1)
                for d in dL0:
                    d.wait()
                if remap:
                    remap_fn(s0[0])
                dG0 = pltpu.async_copy(tab.at[s0[0]], s0[3], s0[7])
                for d in dL1:
                    d.wait()
                if remap:
                    remap_fn(s1[0])
                dG0.wait()
                dG1 = pltpu.async_copy(tab.at[s1[0]], s1[3], s1[7])
                decode_mult(s0[3], s0[2], s0[4], s0[5])
                dS0a = pltpu.async_copy(s0[4], acc0.at[s0[1]], s0[8],
                                        add=True)
                dS0b = pltpu.async_copy(s0[5], acc1.at[s0[1]], s0[8],
                                        add=True)
                dG1.wait()
                decode_mult(s1[3], s1[2], s1[4], s1[5])
                dS0a.wait()
                dS0b.wait()
                dS1a = pltpu.async_copy(s1[4], acc0.at[s1[1]], s1[8],
                                        add=True)
                dS1b = pltpu.async_copy(s1[5], acc1.at[s1[1]], s1[8],
                                        add=True)
                dS1a.wait()
                dS1b.wait()

        for t in range(TS):
            edge_pipeline(NWP_INE, PT_INE, inc_h, inr_h, inw_h, xt[t],
                          remap=False)
            edge_pipeline(NWP_REC, PT_REC, recc_h, recr_h, recw_h, ztab,
                          remap=(t == 1))

            plsc.subcore_barrier()

            @pl.loop(0, NWU)
            def _(w, t=t):
                gn0 = s * PT + w * WU
                ew = pl.ds(R * gn0, R * WU)
                nw = pl.ds(gn0, WU)
                real = gn0 < ZB1
                ds = [pltpu.async_copy(bkg_h.at[ew], bkgw, semU),
                      pltpu.async_copy(sd_h.at[ew], sdw, semU),
                      pltpu.async_copy(pi_h.at[ew], pinw, semU)]
                for src, dstb in ((vth_h, pvth), (el_h, pel),
                                  (vres_h, pvres), (g_h, pg),
                                  (tref_h, ptref), (k1_h, pk1), (k2_h, pk2),
                                  (am1_h, pam1), (am2_h, pam2),
                                  (dec_h, pdec), (cf_h, pcf)):
                    ds.append(pltpu.async_copy(src.at[nw], dstb, semU))
                for p in range(2):
                    ewh = pl.ds((c * 2 + p) * ACCH + R * gn0, R * WU)
                    if t == 0:
                        ds.append(pltpu.async_copy(pr_h.at[ewh], prw[p],
                                                   semU))
                        ds.append(pltpu.async_copy(pp_h.at[ewh], ppw[p],
                                                   semU))
                    else:
                        ds.append(pltpu.async_copy(prb_h.at[ewh], prw[p],
                                                   semU))
                        ds.append(pltpu.async_copy(ppb_h.at[ewh], ppw[p],
                                                   semU))
                if t == 0:
                    pltpu.sync_copy(ztab.at[nw], pzwp)
                else:
                    @pl.when(real)
                    def _(gn0=gn0):
                        pltpu.sync_copy(ztab.at[pl.ds(Z1OFF + gn0, WU)],
                                        pzwp)
                for p in range(2):
                    @pl.when(real)
                    def _(p=p, ew=ew):
                        pltpu.sync_copy(acc[p].at[ew], accw[p])
                for d in ds:
                    d.wait()

                for p in range(2):
                    @pl.loop(0, WU // 16)
                    def _(j, p=p, w=w):
                        b64 = j * R * 16
                        for rr in range(R):
                            rsl = pl.ds(b64 + rr * 16, 16)
                            prv = prw[p][rsl]
                            ppv = ppw[p][rsl]
                            sdv = sdw[rsl]
                            rec_in = accw[p][rsl] + bkgw[rsl]
                            prw[p][rsl] = sdv * prv + rec_in * pinw[rsl]
                            ppw[p][rsl] = ppv * sdv + sdv * prv
                        ms = []
                        for kk in range(R):
                            xv = ppw[p][pl.ds(b64 + kk * 16, 16)]
                            s1 = xv + _vperm(xv, iota ^ 1)
                            s2 = s1 + _vperm(s1, iota ^ 2)
                            ms.append(_vperm(s2, (iota & 3) * 4))
                        ksel = iota >> 2
                        icur = jnp.where(
                            ksel == 0, ms[0],
                            jnp.where(ksel == 1, ms[1],
                                      jnp.where(ksel == 2, ms[2], ms[3])))
                        jsl = pl.ds(j * 16, 16)
                        q = pl.ds(w * WU + j * 16, 16)
                        pzq = pzwp[jsl]
                        z1p = jnp.where(pzq >= 2.0, 1.0, 0.0)
                        pz = (pzq - 2.0 * z1p) if p == 0 else z1p
                        vv = vst[p][q]
                        rv = rst[p][q]
                        a1v = a1st[p][q]
                        a2v = a2st[p][q]
                        vt = pvth[jsl]
                        el = pel[jsl]
                        nr = jnp.maximum(rv + pz * ptref[jsl] - 1.0, 0.0)
                        na1 = pk1[jsl] * a1v + pz * pam1[jsl]
                        na2 = pk2[jsl] * a2v + pz * pam2[jsl]
                        c1 = icur + na1 + na2 + pg[jsl] * el
                        nv = pdec[jsl] * vv + pcf[jsl] * c1 + pz * (
                            pvres[jsl] - vt)
                        vsc = (nv - vt) / (vt - el)
                        z = jnp.where(vsc > 0.0, 1.0, 0.0)
                        z = jnp.where(nr > 0.0, 0.0, z)
                        vst[p][q] = nv
                        rst[p][q] = nr
                        a1st[p][q] = na1
                        a2st[p][q] = na2
                        zw[p][jsl] = z

                for p in range(2):
                    ewh = pl.ds((c * 2 + p) * ACCH + R * gn0, R * WU)
                    pltpu.sync_copy(prw[p], prb_h.at[ewh])
                    pltpu.sync_copy(ppw[p], ppb_h.at[ewh])
                    pltpu.sync_copy(
                        zw[p],
                        zout_h.at[pl.ds(((c * TS + t) * 2 + p) * NPAD + gn0,
                                        WU)])
                    if t == 0:
                        @pl.when(real)
                        def _(p=p, gn0=gn0):
                            @pl.loop(0, R)
                            def _(rr, p=p, gn0=gn0):
                                pltpu.sync_copy(
                                    zerobuf,
                                    acc[p].at[pl.ds(R * gn0 + rr * WU, WU)])
                if t == 0:
                    @pl.when(real)
                    def _(gn0=gn0):
                        @pl.loop(0, WU // 16)
                        def _(j):
                            jsl = pl.ds(j * 16, 16)
                            zwp[jsl] = zw0[jsl] + 2.0 * zw1[jsl]
                        pltpu.sync_copy(zwp,
                                        ztab.at[pl.ds(Z1OFF + gn0, WU)])

            plsc.subcore_barrier()

    return sck


def kernel(x, rec_w, in_w, bkg_w, z_buf, v, r, asc_1, asc_2, psc_rise, psc,
           rec_rows, rec_cols, rec_sign, in_rows, in_cols, in_sign,
           v_th, e_l, v_reset, param_g, t_ref, asc_amps, param_k,
           decay, current_factor, syn_decay, psc_initial):
    del rec_sign, in_sign
    B, TS, N_IN = x.shape
    N = v.shape[1]
    D = z_buf.shape[1] // N
    R = psc.shape[1] // N
    E_REC = rec_rows.shape[0]
    E_IN = in_rows.shape[0]
    assert B == 2 * NC

    NPAD = _rup(N, NS * WU)
    ZL = _rup(N * D, 4096)
    XP = _rup(N_IN, NS * 16)
    PT_REC = _rup(-(-E_REC // NS), 2 * WE)
    PT_INE = _rup(-(-E_IN // NS), 2 * WE)
    ZTAB = N * D + _rup(N, WU)
    assert ZTAB >= ZL

    f32 = jnp.float32
    i32 = jnp.int32
    sck = _make_sc_kernel(N, D, R, TS, N_IN, NPAD, ZL, XP, PT_REC, PT_INE,
                          ZTAB)

    zb2 = z_buf.astype(f32).reshape(NC, 2, N * D)
    zb_h = _padlast(zb2[:, 0] + 2.0 * zb2[:, 1], ZL).reshape(-1)
    x2 = x.astype(f32).reshape(NC, 2, TS, N_IN)
    x_h = _padlast(x2[:, 0] + 2.0 * x2[:, 1], XP).reshape(-1)
    recc_h = _pad1(rec_cols.astype(i32), NS * PT_REC)
    recr_h = _pad1(rec_rows.astype(i32), NS * PT_REC)
    recw_h = _pad1(rec_w.astype(f32), NS * PT_REC)
    inc_h = _pad1(in_cols.astype(i32), NS * PT_INE)
    inr_h = _pad1(in_rows.astype(i32), NS * PT_INE)
    inw_h = _pad1(in_w.astype(f32), NS * PT_INE)
    pr_h = _padlast(psc_rise.astype(f32).reshape(NC, 2, N * R),
                    R * NPAD).reshape(-1)
    pp_h = _padlast(psc.astype(f32).reshape(NC, 2, N * R),
                    R * NPAD).reshape(-1)
    v_h = _padlast(v.astype(f32).reshape(NC, 2, N), NPAD).reshape(-1)
    r_h = _padlast(r.astype(f32).reshape(NC, 2, N), NPAD).reshape(-1)
    a1_h = _padlast(asc_1.astype(f32).reshape(NC, 2, N), NPAD).reshape(-1)
    a2_h = _padlast(asc_2.astype(f32).reshape(NC, 2, N), NPAD).reshape(-1)
    vth_h = _pad1(v_th.astype(f32), NPAD, 1.0)
    el_h = _pad1(e_l.astype(f32), NPAD)
    vres_h = _pad1(v_reset.astype(f32), NPAD)
    g_h = _pad1(param_g.astype(f32), NPAD)
    tref_h = _pad1(t_ref.astype(f32), NPAD)
    k1_h = _pad1(jnp.exp(-param_k[:, 0].astype(f32)), NPAD)
    k2_h = _pad1(jnp.exp(-param_k[:, 1].astype(f32)), NPAD)
    am1_h = _pad1(asc_amps[:, 0].astype(f32), NPAD)
    am2_h = _pad1(asc_amps[:, 1].astype(f32), NPAD)
    dec_h = _pad1(decay.astype(f32), NPAD)
    cf_h = _pad1(current_factor.astype(f32), NPAD)
    bkg_h = _pad1(bkg_w.astype(f32), R * NPAD)
    sd_h = _pad1(syn_decay.astype(f32).reshape(-1), R * NPAD)
    pi_h = _pad1(psc_initial.astype(f32).reshape(-1), R * NPAD)

    zout, _, _ = sck(zb_h, x_h, recc_h, recr_h, recw_h, inc_h, inr_h, inw_h,
                     pr_h, pp_h, v_h, r_h, a1_h, a2_h,
                     vth_h, el_h, vres_h, g_h, tref_h, k1_h, k2_h, am1_h,
                     am2_h, dec_h, cf_h, bkg_h, sd_h, pi_h)
    return (zout.reshape(NC, TS, 2, NPAD).transpose(0, 2, 1, 3)
            .reshape(B, TS, NPAD)[:, :, :N])

# --- scband reference (transcript-rebuilt; emitter-appended) ---
"""Pipeline reference for scband-billeh-column-torch-83236466196564 (READ-ONLY COPY).

The authoritative reference and input builder live on the scoring server;
editing this copy changes nothing except your own understanding.
"""

import jax, jax.numpy as jnp
import numpy as np

N = 50000
R = 4
D = 5
NT = 100
B = 4
TS = 2
E_REC = 1600000
E_IN = 1000000
N_IN = 10000
DT = 1.0
GAUSS_STD = 0.5
DAMPENING = 0.3

@jax.custom_vjp
def spike_gauss(v_scaled):
    return (v_scaled > 0.0).astype(v_scaled.dtype)

def _sg_fwd(v):
    return (v > 0.0).astype(v.dtype), v

def _sg_bwd(v, g):
    return (g * jnp.exp(-v ** 2 / GAUSS_STD ** 2) * DAMPENING,)

spike_gauss.defvjp(_sg_fwd, _sg_bwd)

def _constrain(vals, signs):
    return jnp.where(signs >= 0, jax.nn.relu(vals), -jax.nn.relu(-vals))

def _sparse_mm(rows, cols, vals, dense, n_out):
    gathered = dense[:, cols] * vals[None, :]
    return jax.ops.segment_sum(gathered.T, rows, num_segments=n_out).T

def setup_inputs(seed: int = 0) -> dict:
    rng = np.random.RandomState(0)
    ids = rng.randint(0, NT, size=N)
    V_th_t = rng.uniform(-55.0, -45.0, NT).astype(np.float32)
    E_L_t = rng.uniform(-75.0, -65.0, NT).astype(np.float32)
    V_reset_t = (E_L_t + rng.uniform(-2.0, 2.0, NT)).astype(np.float32)
    g_t = rng.uniform(3.0, 10.0, NT).astype(np.float32)
    C_m_t = rng.uniform(50.0, 200.0, NT).astype(np.float32)
    t_ref_t = rng.uniform(1.0, 4.0, NT).astype(np.float32)
    asc_amps_t = rng.uniform(-50.0, 10.0, (NT, 2)).astype(np.float32)
    k_t = rng.uniform(0.1, 0.5, (NT, 2)).astype(np.float32)
    tau_syn_t = rng.uniform(2.0, 10.0, (NT, R)).astype(np.float32)
    vscale_t = V_th_t - E_L_t
    vscale = vscale_t[ids]
    voff = E_L_t[ids]
    v_th = (V_th_t[ids] - voff) / vscale
    e_l = (E_L_t[ids] - voff) / vscale
    v_reset = (V_reset_t[ids] - voff) / vscale
    param_g = g_t[ids]
    t_ref = t_ref_t[ids]
    asc_amps = asc_amps_t[ids] / vscale[:, None]
    param_k = k_t[ids]
    tau = C_m_t[ids] / g_t[ids]
    decay = np.exp(-DT / tau).astype(np.float32)
    current_factor = ((1.0 / C_m_t[ids]) * (1.0 - decay) * tau).astype(np.float32)
    tau_syn = tau_syn_t[ids]
    syn_decay = np.exp(-DT / tau_syn).astype(np.float32)
    psc_initial = (np.e / tau_syn).astype(np.float32)
    rec_rows = rng.randint(0, N * R, size=E_REC).astype(np.int64)
    rec_src = rng.randint(0, N, size=E_REC)
    rec_delay = rng.randint(1, D + 1, size=E_REC)
    rec_cols = (rec_src + N * (rec_delay - 1)).astype(np.int64)
    rec_tt = ids[rec_rows // R]
    rec_w = (rng.randn(E_REC).astype(np.float32)) / vscale_t[rec_tt]
    rec_sign = np.sign(rec_w).astype(np.float32)
    in_rows = rng.randint(0, N * R, size=E_IN).astype(np.int64)
    in_cols = rng.randint(0, N_IN, size=E_IN).astype(np.int64)
    in_tt = ids[in_rows // R]
    in_w = (rng.randn(E_IN).astype(np.float32)) / vscale_t[in_tt]
    in_sign = np.sign(in_w).astype(np.float32)
    bkg_w = (rng.randn(N * R).astype(np.float32) / np.repeat(vscale, R) * 10.0).astype(np.float32)
    key = jax.random.key(seed)
    k1, k2, k3, k4 = jax.random.split(key, 4)
    x = (jax.random.uniform(k1, (B, TS, N_IN)) < 0.05).astype(jnp.float32)
    z_buf = (jax.random.uniform(k2, (B, N * D)) < 0.02).astype(jnp.float32)
    psc_rise0 = jax.random.uniform(k3, (B, N * R), dtype=jnp.float32) * 0.1
    psc0 = jax.random.uniform(k4, (B, N * R), dtype=jnp.float32) * 0.1
    return {
        "x": x,
        "rec_w": jnp.asarray(rec_w), "in_w": jnp.asarray(in_w), "bkg_w": jnp.asarray(bkg_w),
        "z_buf": z_buf,
        "v": jnp.tile(jnp.asarray(v_reset)[None, :], (B, 1)).astype(jnp.float32),
        "r": jnp.zeros((B, N), jnp.float32),
        "asc_1": jnp.zeros((B, N), jnp.float32),
        "asc_2": jnp.zeros((B, N), jnp.float32),
        "psc_rise": psc_rise0,
        "psc": psc0,
        "rec_rows": jnp.asarray(rec_rows), "rec_cols": jnp.asarray(rec_cols), "rec_sign": jnp.asarray(rec_sign),
        "in_rows": jnp.asarray(in_rows), "in_cols": jnp.asarray(in_cols), "in_sign": jnp.asarray(in_sign),
        "v_th": jnp.asarray(v_th), "e_l": jnp.asarray(e_l), "v_reset": jnp.asarray(v_reset),
        "param_g": jnp.asarray(param_g), "t_ref": jnp.asarray(t_ref),
        "asc_amps": jnp.asarray(asc_amps), "param_k": jnp.asarray(param_k),
        "decay": jnp.asarray(decay), "current_factor": jnp.asarray(current_factor),
        "syn_decay": jnp.asarray(syn_decay), "psc_initial": jnp.asarray(psc_initial),
    }

def _step(inputs, state, rec_vals, bkg_w, rec_rows, rec_cols, v_th, e_l, v_reset, param_g, t_ref, asc_amps, param_k, decay, current_factor, syn_decay, psc_initial):
    z_buf, v, r, asc_1, asc_2, psc_rise, psc = state
    shaped = z_buf.reshape(B, D, N)
    prev_z = shaped[:, 0]
    psc_rise_r = psc_rise.reshape(B, N, R)
    psc_r = psc.reshape(B, N, R)
    i_rec = _sparse_mm(rec_rows, rec_cols, rec_vals, z_buf, N * R)
    rec_in = (i_rec + inputs + bkg_w[None, :]).reshape(B, N, R)
    new_psc_rise = syn_decay[None] * psc_rise_r + rec_in * psc_initial[None]
    new_psc = psc_r * syn_decay[None] + DT * syn_decay[None] * psc_rise_r
    new_r = jax.nn.relu(r + prev_z * t_ref[None, :] - DT)
    new_asc_1 = jnp.exp(-DT * param_k[:, 0])[None, :] * asc_1 + prev_z * asc_amps[:, 0][None, :]
    new_asc_2 = jnp.exp(-DT * param_k[:, 1])[None, :] * asc_2 + prev_z * asc_amps[:, 1][None, :]
    reset_current = prev_z * (v_reset - v_th)[None, :]
    input_current = jnp.sum(new_psc, axis=-1)
    c1 = input_current + new_asc_1 + new_asc_2 + (param_g * e_l)[None, :]
    new_v = decay[None, :] * v + current_factor[None, :] * c1 + reset_current
    v_sc = (new_v - v_th[None, :]) / (v_th - e_l)[None, :]
    new_z = spike_gauss(v_sc)
    new_z = jnp.where(new_r > 0.0, 0.0, new_z)
    new_shaped = jnp.concatenate([new_z[:, None, :], shaped[:, :-1]], axis=1)
    new_state = (new_shaped.reshape(B, N * D), new_v, new_r, new_asc_1, new_asc_2,
                 new_psc_rise.reshape(B, N * R), new_psc.reshape(B, N * R))
    return new_state, new_z

def reference(x, rec_w, in_w, bkg_w, z_buf, v, r, asc_1, asc_2, psc_rise, psc,
              rec_rows, rec_cols, rec_sign, in_rows, in_cols, in_sign,
              v_th, e_l, v_reset, param_g, t_ref, asc_amps, param_k,
              decay, current_factor, syn_decay, psc_initial):
    rec_vals = _constrain(rec_w, rec_sign)
    in_vals = _constrain(in_w, in_sign)
    state = (z_buf, v, r, asc_1, asc_2, psc_rise, psc)
    zs = []
    for t in range(TS):
        inputs = _sparse_mm(in_rows, in_cols, in_vals, x[:, t], N * R)
        state, new_z = _step(inputs, state, rec_vals, bkg_w, rec_rows, rec_cols,
                             v_th, e_l, v_reset, param_g, t_ref, asc_amps, param_k,
                             decay, current_factor, syn_decay, psc_initial)
        zs.append(new_z)
    return jnp.stack(zs, axis=1)

if __name__ == "__main__":
    import jax
    _d = setup_inputs()
    print(jax.jit(kernel)(*tuple(_d.values())))

</pallas_src>

<mosaic_0001>
#map = affine_map<(d0, d1) -> (0)>
module attributes {stable_mosaic.version = 14 : i64} {
  func.func @sck(%arg0: i32, %arg1: i32, %arg2: memref<507904xf32, #tpu.memory_space<hbm>>, %arg3: memref<40960xf32, #tpu.memory_space<hbm>>, %arg4: memref<1605632xi32, #tpu.memory_space<hbm>>, %arg5: memref<1605632xi32, #tpu.memory_space<hbm>>, %arg6: memref<1605632xf32, #tpu.memory_space<hbm>>, %arg7: memref<1015808xi32, #tpu.memory_space<hbm>>, %arg8: memref<1015808xi32, #tpu.memory_space<hbm>>, %arg9: memref<1015808xf32, #tpu.memory_space<hbm>>, %arg10: memref<819200xf32, #tpu.memory_space<hbm>>, %arg11: memref<819200xf32, #tpu.memory_space<hbm>>, %arg12: memref<204800xf32, #tpu.memory_space<hbm>>, %arg13: memref<204800xf32, #tpu.memory_space<hbm>>, %arg14: memref<204800xf32, #tpu.memory_space<hbm>>, %arg15: memref<204800xf32, #tpu.memory_space<hbm>>, %arg16: memref<51200xf32, #tpu.memory_space<hbm>>, %arg17: memref<51200xf32, #tpu.memory_space<hbm>>, %arg18: memref<51200xf32, #tpu.memory_space<hbm>>, %arg19: memref<51200xf32, #tpu.memory_space<hbm>>, %arg20: memref<51200xf32, #tpu.memory_space<hbm>>, %arg21: memref<51200xf32, #tpu.memory_space<hbm>>, %arg22: memref<51200xf32, #tpu.memory_space<hbm>>, %arg23: memref<51200xf32, #tpu.memory_space<hbm>>, %arg24: memref<51200xf32, #tpu.memory_space<hbm>>, %arg25: memref<51200xf32, #tpu.memory_space<hbm>>, %arg26: memref<51200xf32, #tpu.memory_space<hbm>>, %arg27: memref<204800xf32, #tpu.memory_space<hbm>>, %arg28: memref<204800xf32, #tpu.memory_space<hbm>>, %arg29: memref<204800xf32, #tpu.memory_space<hbm>>, %arg30: memref<409600xf32, #tpu.memory_space<hbm>>, %arg31: memref<819200xf32, #tpu.memory_space<hbm>>, %arg32: memref<819200xf32, #tpu.memory_space<hbm>>, %arg33: memref<300000xf32, #tpu.memory_space<vmem_shared>>, %arg34: memref<200000xf32, #tpu.memory_space<vmem_shared>>, %arg35: memref<200000xf32, #tpu.memory_space<vmem_shared>>, %arg36: memref<10240xf32, #tpu.memory_space<vmem_shared>>, %arg37: memref<10240xf32, #tpu.memory_space<vmem_shared>>, %arg38: memref<3200xf32, #tpu.memory_space<vmem>>, %arg39: memref<3200xf32, #tpu.memory_space<vmem>>, %arg40: memref<3200xf32, #tpu.memory_space<vmem>>, %arg41: memref<3200xf32, #tpu.memory_space<vmem>>, %arg42: memref<3200xf32, #tpu.memory_space<vmem>>, %arg43: memref<3200xf32, #tpu.memory_space<vmem>>, %arg44: memref<3200xf32, #tpu.memory_space<vmem>>, %arg45: memref<3200xf32, #tpu.memory_space<vmem>>, %arg46: memref<400xf32, #tpu.memory_space<vmem>>, %arg47: memref<400xf32, #tpu.memory_space<vmem>>, %arg48: memref<400xf32, #tpu.memory_space<vmem>>, %arg49: memref<400xf32, #tpu.memory_space<vmem>>, %arg50: memref<400xf32, #tpu.memory_space<vmem>>, %arg51: memref<400xf32, #tpu.memory_space<vmem>>, %arg52: memref<400xf32, #tpu.memory_space<vmem>>, %arg53: memref<400xf32, #tpu.memory_space<vmem>>, %arg54: memref<400xf32, #tpu.memory_space<vmem>>, %arg55: memref<400xf32, #tpu.memory_space<vmem>>, %arg56: memref<400xf32, #tpu.memory_space<vmem>>, %arg57: memref<512xi32, #tpu.memory_space<vmem>>, %arg58: memref<512xi32, #tpu.memory_space<vmem>>, %arg59: memref<512xf32, #tpu.memory_space<vmem>>, %arg60: memref<512xf32, #tpu.memory_space<vmem>>, %arg61: memref<512xf32, #tpu.memory_space<vmem>>, %arg62: memref<512xf32, #tpu.memory_space<vmem>>, %arg63: memref<512xi32, #tpu.memory_space<vmem>>, %arg64: memref<512xi32, #tpu.memory_space<vmem>>, %arg65: memref<512xf32, #tpu.memory_space<vmem>>, %arg66: memref<512xf32, #tpu.memory_space<vmem>>, %arg67: memref<512xf32, #tpu.memory_space<vmem>>, %arg68: memref<512xf32, #tpu.memory_space<vmem>>, %arg69: memref<1600xf32, #tpu.memory_space<vmem>>, %arg70: memref<1600xf32, #tpu.memory_space<vmem>>, %arg71: memref<1600xf32, #tpu.memory_space<vmem>>, %arg72: memref<1600xf32, #tpu.memory_space<vmem>>, %arg73: memref<1600xf32, #tpu.memory_space<vmem>>, %arg74: memref<1600xf32, #tpu.memory_space<vmem>>, %arg75: memref<1600xf32, #tpu.memory_space<vmem>>, %arg76: memref<1600xf32, #tpu.memory_space<vmem>>, %arg77: memref<1600xf32, #tpu.memory_space<vmem>>, %arg78: memref<400xf32, #tpu.memory_space<vmem>>, %arg79: memref<400xf32, #tpu.memory_space<vmem>>, %arg80: memref<400xf32, #tpu.memory_space<vmem>>, %arg81: memref<400xf32, #tpu.memory_space<vmem>>, %arg82: memref<400xf32, #tpu.memory_space<vmem>>, %arg83: memref<!tpu.dma_semaphore, #tpu.memory_space<semaphore_mem>>, %arg84: memref<!tpu.dma_semaphore, #tpu.memory_space<semaphore_mem>>, %arg85: memref<!tpu.dma_semaphore, #tpu.memory_space<semaphore_mem>>, %arg86: memref<!tpu.dma_semaphore, #tpu.memory_space<semaphore_mem>>, %arg87: memref<!tpu.dma_semaphore, #tpu.memory_space<semaphore_mem>>, %arg88: memref<!tpu.dma_semaphore, #tpu.memory_space<semaphore_mem>>, %arg89: memref<!tpu.dma_semaphore, #tpu.memory_space<semaphore_mem>>) attributes {dimension_semantics = [#tpu.dimension_semantics<core_parallel>, #tpu.dimension_semantics<subcore_parallel>], iteration_bounds = array<i64: 2, 16>, scalar_prefetch = 0 : i64, scratch_operands = 57 : i64, tpu.core_type = #tpu.core_type<sc_vector_subcore>, window_params = [{transform_indices = #map}, {transform_indices = #map}, {transform_indices = #map}, {transform_indices = #map}, {transform_indices = #map}, {transform_indices = #map}, {transform_indices = #map}, {transform_indices = #map}, {transform_indices = #map}, {transform_indices = #map}, {transform_indices = #map}, {transform_indices = #map}, {transform_indices = #map}, {transform_indices = #map}, {transform_indices = #map}, {transform_indices = #map}, {transform_indices = #map}, {transform_indices = #map}, {transform_indices = #map}, {transform_indices = #map}, {transform_indices = #map}, {transform_indices = #map}, {transform_indices = #map}, {transform_indices = #map}, {transform_indices = #map}, {transform_indices = #map}, {transform_indices = #map}, {transform_indices = #map}, {transform_indices = #map}, {transform_indices = #map}, {transform_indices = #map}]} {
    %iota3A = tpu.iota {dimensions = array<i32: 0>} : vector<16xi32>
    %scan3A = arith.constant 0 : i32
    %scan3A_0 = arith.constant 25 : i32
    %scan3A_1 = arith.addi %scan3A, %scan3A_0 : i32
    %scan3A_2 = arith.constant 1 : i32
    scf.for %scan3A_91 = %scan3A to %scan3A_1 step %scan3A_2  : i32 {
      %mul3A_92 = arith.constant 1 : i32
      %mul3A_93 = arith.muli %scan3A_91, %mul3A_92 : i32
      %add3A_94 = arith.constant 0 : i32
      %add3A_95 = arith.addi %add3A_94, %mul3A_93 : i32
      %broadcast_in_dim3A = arith.constant 0.000000e+00 : f32
      %broadcast_in_dim3A_96 = vector.broadcast %broadcast_in_dim3A : f32 to vector<16xf32>
      %mul3A_97 = arith.constant 16 : i32
      %mul3A_98 = arith.muli %add3A_95, %mul3A_97 : i32
      %swap3A = arith.index_cast %mul3A_98 : i32 to index
      %swap3A_99 = tpu.vector_load %arg82[%swap3A] {strides = array<i32>} : memref<400xf32, #tpu.memory_space<vmem>>, vector<16xf32>,
      %swap3A_100 = vector.shape_cast %swap3A_99 : vector<16xf32> to vector<16xf32>
      %swap3A_101 = vector.shape_cast %broadcast_in_dim3A_96 : vector<16xf32> to vector<16xf32>
      tpu.vector_store %arg82[%swap3A], %swap3A_101 {strides = array<i32>} : memref<400xf32, #tpu.memory_space<vmem>>, vector<16xf32>,
    }
    %scan3A_3 = arith.constant 25 : i32
    %scan3A_4 = arith.constant 0 : i32
    %scan3A_5 = arith.constant 8 : i32
    %scan3A_6 = arith.addi %scan3A_4, %scan3A_5 : i32
    %scan3A_7 = arith.constant 1 : i32
    scf.for %scan3A_91 = %scan3A_4 to %scan3A_6 step %scan3A_7  : i32 {
      %mul3A_92 = arith.constant 1 : i32
      %mul3A_93 = arith.muli %scan3A_91, %mul3A_92 : i32
      %add3A_94 = arith.constant 0 : i32
      %add3A_95 = arith.addi %add3A_94, %mul3A_93 : i32
      %mul3A_96 = arith.constant 16 : i32
      %mul3A_97 = arith.muli %add3A_95, %mul3A_96 : i32
      %add3A_98 = arith.addi %mul3A_97, %arg1 : i32
      %lt3A = arith.constant 125 : i32
      %lt3A_99 = arith.cmpi slt, %add3A_98, %lt3A : i32
      %convert_element_type3A = arith.extui %lt3A_99 : i1 to i32
      %cond3A = arith.constant 0 : i32
      %cond3A_100 = arith.cmpi ne, %convert_element_type3A, %cond3A : i32
      scf.if %cond3A_100 {
        %scan3A_101 = arith.constant 0 : i32
        %scan3A_102 = arith.constant 4 : i32
        %scan3A_103 = arith.addi %scan3A_101, %scan3A_102 : i32
        %scan3A_104 = arith.constant 1 : i32
        scf.for %scan3A_106 = %scan3A_101 to %scan3A_103 step %scan3A_104  : i32 {
          %mul3A_107 = arith.constant 1 : i32
          %mul3A_108 = arith.muli %scan3A_106, %mul3A_107 : i32
          %add3A_109 = arith.constant 0 : i32
          %add3A_110 = arith.addi %add3A_109, %mul3A_108 : i32
          %mul3A_111 = arith.constant 1600 : i32
          %mul3A_112 = arith.muli %add3A_98, %mul3A_111 : i32
          %mul3A_113 = arith.constant 400 : i32
          %mul3A_114 = arith.muli %add3A_110, %mul3A_113 : i32
          %add3A_115 = arith.addi %mul3A_112, %mul3A_114 : i32
          "tpu.region"() ({
            %run_scoped3A = tpu.sem_alloc : memref<!tpu.dma_semaphore, #tpu.memory_space<semaphore_mem>>
            %dma_start3A = tpu.memref_slice %arg34[%add3A_115] : memref<200000xf32, #tpu.memory_space<vmem_shared>> -> memref<400xf32, #tpu.memory_space<vmem_shared>>
            %dma_start3A_116 = tpu.memref_slice %arg34[%add3A_115] : memref<200000xf32, #tpu.memory_space<vmem_shared>> -> memref<400xf32, #tpu.memory_space<vmem_shared>>
            tpu.enqueue_dma source(%arg82 : memref<400xf32, #tpu.memory_space<vmem>>) target(%dma_start3A_116 : memref<400xf32, #tpu.memory_space<vmem_shared>>) target_semaphore(%run_scoped3A : memref<!tpu.dma_semaphore, #tpu.memory_space<semaphore_mem>>)
            %dma_wait3A = tpu.memref_slice %arg34[%add3A_115] : memref<200000xf32, #tpu.memory_space<vmem_shared>> -> memref<400xf32, #tpu.memory_space<vmem_shared>>
            %dma_wait3A_117 = tpu.memref_slice %arg34[%add3A_115] : memref<200000xf32, #tpu.memory_space<vmem_shared>> -> memref<400xf32, #tpu.memory_space<vmem_shared>>
            tpu.wait_dma2 semaphore(%run_scoped3A : memref<!tpu.dma_semaphore, #tpu.memory_space<semaphore_mem>>) src(%arg82 : memref<400xf32, #tpu.memory_space<vmem>>) dst(%dma_wait3A_117 : memref<400xf32, #tpu.memory_space<vmem_shared>>)
            tpu.yield
          }) : () -> ()
        }
        %scan3A_105 = arith.constant 4 : i32
      } else {
      }
    }
    %scan3A_8 = arith.constant 8 : i32
    %scan3A_9 = arith.constant 0 : i32
    %scan3A_10 = arith.constant 8 : i32
    %scan3A_11 = arith.addi %scan3A_9, %scan3A_10 : i32
    %scan3A_12 = arith.constant 1 : i32
    scf.for %scan3A_91 = %scan3A_9 to %scan3A_11 step %scan3A_12  : i32 {
      %mul3A_92 = arith.constant 1 : i32
      %mul3A_93 = arith.muli %scan3A_91, %mul3A_92 : i32
      %add3A_94 = arith.constant 0 : i32
      %add3A_95 = arith.addi %add3A_94, %mul3A_93 : i32
      %mul3A_96 = arith.constant 16 : i32
      %mul3A_97 = arith.muli %add3A_95, %mul3A_96 : i32
      %add3A_98 = arith.addi %mul3A_97, %arg1 : i32
      %lt3A = arith.constant 125 : i32
      %lt3A_99 = arith.cmpi slt, %add3A_98, %lt3A : i32
      %convert_element_type3A = arith.extui %lt3A_99 : i1 to i32
      %cond3A = arith.constant 0 : i32
      %cond3A_100 = arith.cmpi ne, %convert_element_type3A, %cond3A : i32
      scf.if %cond3A_100 {
        %scan3A_101 = arith.constant 0 : i32
        %scan3A_102 = arith.constant 4 : i32
        %scan3A_103 = arith.addi %scan3A_101, %scan3A_102 : i32
        %scan3A_104 = arith.constant 1 : i32
        scf.for %scan3A_106 = %scan3A_101 to %scan3A_103 step %scan3A_104  : i32 {
          %mul3A_107 = arith.constant 1 : i32
          %mul3A_108 = arith.muli %scan3A_106, %mul3A_107 : i32
          %add3A_109 = arith.constant 0 : i32
          %add3A_110 = arith.addi %add3A_109, %mul3A_108 : i32
          %mul3A_111 = arith.constant 1600 : i32
          %mul3A_112 = arith.muli %add3A_98, %mul3A_111 : i32
          %mul3A_113 = arith.constant 400 : i32
          %mul3A_114 = arith.muli %add3A_110, %mul3A_113 : i32
          %add3A_115 = arith.addi %mul3A_112, %mul3A_114 : i32
          "tpu.region"() ({
            %run_scoped3A = tpu.sem_alloc : memref<!tpu.dma_semaphore, #tpu.memory_space<semaphore_mem>>
            %dma_start3A = tpu.memref_slice %arg35[%add3A_115] : memref<200000xf32, #tpu.memory_space<vmem_shared>> -> memref<400xf32, #tpu.memory_space<vmem_shared>>
            %dma_start3A_116 = tpu.memref_slice %arg35[%add3A_115] : memref<200000xf32, #tpu.memory_space<vmem_shared>> -> memref<400xf32, #tpu.memory_space<vmem_shared>>
            tpu.enqueue_dma source(%arg82 : memref<400xf32, #tpu.memory_space<vmem>>) target(%dma_start3A_116 : memref<400xf32, #tpu.memory_space<vmem_shared>>) target_semaphore(%run_scoped3A : memref<!tpu.dma_semaphore, #tpu.memory_space<semaphore_mem>>)
            %dma_wait3A = tpu.memref_slice %arg35[%add3A_115] : memref<200000xf32, #tpu.memory_space<vmem_shared>> -> memref<400xf32, #tpu.memory_space<vmem_shared>>
            %dma_wait3A_117 = tpu.memref_slice %arg35[%add3A_115] : memref<200000xf32, #tpu.memory_space<vmem_shared>> -> memref<400xf32, #tpu.memory_space<vmem_shared>>
            tpu.wait_dma2 semaphore(%run_scoped3A : memref<!tpu.dma_semaphore, #tpu.memory_space<semaphore_mem>>) src(%arg82 : memref<400xf32, #tpu.memory_space<vmem>>) dst(%dma_wait3A_117 : memref<400xf32, #tpu.memory_space<vmem_shared>>)
            tpu.yield
          }) : () -> ()
        }
        %scan3A_105 = arith.constant 4 : i32
      } else {
      }
    }
    %scan3A_13 = arith.constant 8 : i32
    %scan3A_14 = arith.constant 0 : i32
    %scan3A_15 = arith.constant 4 : i32
    %scan3A_16 = arith.addi %scan3A_14, %scan3A_15 : i32
    %scan3A_17 = arith.constant 1 : i32
    scf.for %scan3A_91 = %scan3A_14 to %scan3A_16 step %scan3A_17  : i32 {
      %mul3A_92 = arith.constant 1 : i32
      %mul3A_93 = arith.muli %scan3A_91, %mul3A_92 : i32
      %add3A_94 = arith.constant 0 : i32
      %add3A_95 = arith.addi %add3A_94, %mul3A_93 : i32
      %mul3A_96 = arith.constant 16 : i32
      %mul3A_97 = arith.muli %add3A_95, %mul3A_96 : i32
      %add3A_98 = arith.addi %mul3A_97, %arg1 : i32
      %lt3A = arith.constant 62 : i32
      %lt3A_99 = arith.cmpi slt, %add3A_98, %lt3A : i32
      %convert_element_type3A = arith.extui %lt3A_99 : i1 to i32
      %cond3A = arith.constant 0 : i32
      %cond3A_100 = arith.cmpi ne, %convert_element_type3A, %cond3A : i32
      scf.if %cond3A_100 {
        %mul3A_101 = arith.constant 253952 : i32
        %mul3A_102 = arith.muli %arg0, %mul3A_101 : i32
        %mul3A_103 = arith.constant 4096 : i32
        %mul3A_104 = arith.muli %add3A_98, %mul3A_103 : i32
        %add3A_105 = arith.addi %mul3A_102, %mul3A_104 : i32
        %mul3A_106 = arith.constant 4096 : i32
        %mul3A_107 = arith.muli %add3A_98, %mul3A_106 : i32
        "tpu.region"() ({
          %run_scoped3A = tpu.sem_alloc : memref<!tpu.dma_semaphore, #tpu.memory_space<semaphore_mem>>
          %dma_start3A = tpu.memref_slice %arg33[%mul3A_107] : memref<300000xf32, #tpu.memory_space<vmem_shared>> -> memref<4096xf32, #tpu.memory_space<vmem_shared>>
          %dma_start3A_108 = tpu.memref_slice %arg2[%add3A_105] : memref<507904xf32, #tpu.memory_space<hbm>> -> memref<4096xf32, #tpu.memory_space<hbm>>
          tpu.enqueue_dma source(%dma_start3A_108 : memref<4096xf32, #tpu.memory_space<hbm>>) target(%dma_start3A : memref<4096xf32, #tpu.memory_space<vmem_shared>>) target_semaphore(%run_scoped3A : memref<!tpu.dma_semaphore, #tpu.memory_space<semaphore_mem>>)
          %dma_wait3A = tpu.memref_slice %arg33[%mul3A_107] : memref<300000xf32, #tpu.memory_space<vmem_shared>> -> memref<4096xf32, #tpu.memory_space<vmem_shared>>
          %dma_wait3A_109 = tpu.memref_slice %arg2[%add3A_105] : memref<507904xf32, #tpu.memory_space<hbm>> -> memref<4096xf32, #tpu.memory_space<hbm>>
          tpu.wait_dma2 semaphore(%run_scoped3A : memref<!tpu.dma_semaphore, #tpu.memory_space<semaphore_mem>>) src(%dma_wait3A_109 : memref<4096xf32, #tpu.memory_space<hbm>>) dst(%dma_wait3A : memref<4096xf32, #tpu.memory_space<vmem_shared>>)
          tpu.yield
        }) : () -> ()
      } else {
      }
    }
    %scan3A_18 = arith.constant 4 : i32
    %mul3A = arith.constant 2 : i32
    %mul3A_19 = arith.muli %arg0, %mul3A : i32
    %add3A = arith.constant 0 : i32
    %add3A_20 = arith.addi %mul3A_19, %add3A : i32
    %mul3A_21 = arith.constant 10240 : i32
    %mul3A_22 = arith.muli %add3A_20, %mul3A_21 : i32
    %mul3A_23 = arith.constant 640 : i32
    %mul3A_24 = arith.muli %arg1, %mul3A_23 : i32
    %add3A_25 = arith.addi %mul3A_22, %mul3A_24 : i32
    %mul3A_26 = arith.constant 640 : i32
    %mul3A_27 = arith.muli %arg1, %mul3A_26 : i32
    "tpu.region"() ({
      %run_scoped3A = tpu.sem_alloc : memref<!tpu.dma_semaphore, #tpu.memory_space<semaphore_mem>>
      %dma_start3A = tpu.memref_slice %arg36[%mul3A_27] : memref<10240xf32, #tpu.memory_space<vmem_shared>> -> memref<640xf32, #tpu.memory_space<vmem_shared>>
      %dma_start3A_91 = tpu.memref_slice %arg3[%add3A_25] : memref<40960xf32, #tpu.memory_space<hbm>> -> memref<640xf32, #tpu.memory_space<hbm>>
      tpu.enqueue_dma source(%dma_start3A_91 : memref<640xf32, #tpu.memory_space<hbm>>) target(%dma_start3A : memref<640xf32, #tpu.memory_space<vmem_shared>>) target_semaphore(%run_scoped3A : memref<!tpu.dma_semaphore, #tpu.memory_space<semaphore_mem>>)
      %dma_wait3A = tpu.memref_slice %arg36[%mul3A_27] : memref<10240xf32, #tpu.memory_space<vmem_shared>> -> memref<640xf32, #tpu.memory_space<vmem_shared>>
      %dma_wait3A_92 = tpu.memref_slice %arg3[%add3A_25] : memref<40960xf32, #tpu.memory_space<hbm>> -> memref<640xf32, #tpu.memory_space<hbm>>
      tpu.wait_dma2 semaphore(%run_scoped3A : memref<!tpu.dma_semaphore, #tpu.memory_space<semaphore_mem>>) src(%dma_wait3A_92 : memref<640xf32, #tpu.memory_space<hbm>>) dst(%dma_wait3A : memref<640xf32, #tpu.memory_space<vmem_shared>>)
      tpu.yield
    }) : () -> ()
    %mul3A_28 = arith.constant 2 : i32
    %mul3A_29 = arith.muli %arg0, %mul3A_28 : i32
    %add3A_30 = arith.constant 1 : i32
    %add3A_31 = arith.addi %mul3A_29, %add3A_30 : i32
    %mul3A_32 = arith.constant 10240 : i32
    %mul3A_33 = arith.muli %add3A_31, %mul3A_32 : i32
    %mul3A_34 = arith.constant 640 : i32
    %mul3A_35 = arith.muli %arg1, %mul3A_34 : i32
    %add3A_36 = arith.addi %mul3A_33, %mul3A_35 : i32
    %mul3A_37 = arith.constant 640 : i32
    %mul3A_38 = arith.muli %arg1, %mul3A_37 : i32
    "tpu.region"() ({
      %run_scoped3A = tpu.sem_alloc : memref<!tpu.dma_semaphore, #tpu.memory_space<semaphore_mem>>
      %dma_start3A = tpu.memref_slice %arg37[%mul3A_38] : memref<10240xf32, #tpu.memory_space<vmem_shared>> -> memref<640xf32, #tpu.memory_space<vmem_shared>>
      %dma_start3A_91 = tpu.memref_slice %arg3[%add3A_36] : memref<40960xf32, #tpu.memory_space<hbm>> -> memref<640xf32, #tpu.memory_space<hbm>>
      tpu.enqueue_dma source(%dma_start3A_91 : memref<640xf32, #tpu.memory_space<hbm>>) target(%dma_start3A : memref<640xf32, #tpu.memory_space<vmem_shared>>) target_semaphore(%run_scoped3A : memref<!tpu.dma_semaphore, #tpu.memory_space<semaphore_mem>>)
      %dma_wait3A = tpu.memref_slice %arg37[%mul3A_38] : memref<10240xf32, #tpu.memory_space<vmem_shared>> -> memref<640xf32, #tpu.memory_space<vmem_shared>>
      %dma_wait3A_92 = tpu.memref_slice %arg3[%add3A_36] : memref<40960xf32, #tpu.memory_space<hbm>> -> memref<640xf32, #tpu.memory_space<hbm>>
      tpu.wait_dma2 semaphore(%run_scoped3A : memref<!tpu.dma_semaphore, #tpu.memory_space<semaphore_mem>>) src(%dma_wait3A_92 : memref<640xf32, #tpu.memory_space<hbm>>) dst(%dma_wait3A : memref<640xf32, #tpu.memory_space<vmem_shared>>)
      tpu.yield
    }) : () -> ()
    %mul3A_39 = arith.constant 2 : i32
    %mul3A_40 = arith.muli %arg0, %mul3A_39 : i32
    %add3A_41 = arith.constant 0 : i32
    %add3A_42 = arith.addi %mul3A_40, %add3A_41 : i32
    %mul3A_43 = arith.constant 51200 : i32
    %mul3A_44 = arith.muli %add3A_42, %mul3A_43 : i32
    %mul3A_45 = arith.constant 3200 : i32
    %mul3A_46 = arith.muli %arg1, %mul3A_45 : i32
    %add3A_47 = arith.addi %mul3A_44, %mul3A_46 : i32
    "tpu.region"() ({
      %run_scoped3A = tpu.sem_alloc : memref<!tpu.dma_semaphore, #tpu.memory_space<semaphore_mem>>
      %dma_start3A = tpu.memref_slice %arg12[%add3A_47] : memref<204800xf32, #tpu.memory_space<hbm>> -> memref<3200xf32, #tpu.memory_space<hbm>>
      %dma_start3A_91 = tpu.memref_slice %arg12[%add3A_47] : memref<204800xf32, #tpu.memory_space<hbm>> -> memref<3200xf32, #tpu.memory_space<hbm>>
      tpu.enqueue_dma source(%dma_start3A_91 : memref<3200xf32, #tpu.memory_space<hbm>>) target(%arg38 : memref<3200xf32, #tpu.memory_space<vmem>>) target_semaphore(%run_scoped3A : memref<!tpu.dma_semaphore, #tpu.memory_space<semaphore_mem>>)
      %dma_wait3A = tpu.memref_slice %arg12[%add3A_47] : memref<204800xf32, #tpu.memory_space<hbm>> -> memref<3200xf32, #tpu.memory_space<hbm>>
      %dma_wait3A_92 = tpu.memref_slice %arg12[%add3A_47] : memref<204800xf32, #tpu.memory_space<hbm>> -> memref<3200xf32, #tpu.memory_space<hbm>>
      tpu.wait_dma2 semaphore(%run_scoped3A : memref<!tpu.dma_semaphore, #tpu.memory_space<semaphore_mem>>) src(%dma_wait3A_92 : memref<3200xf32, #tpu.memory_space<hbm>>) dst(%arg38 : memref<3200xf32, #tpu.memory_space<vmem>>)
      tpu.yield
    }) : () -> ()
    "tpu.region"() ({
      %run_scoped3A = tpu.sem_alloc : memref<!tpu.dma_semaphore, #tpu.memory_space<semaphore_mem>>
      %dma_start3A = tpu.memref_slice %arg13[%add3A_47] : memref<204800xf32, #tpu.memory_space<hbm>> -> memref<3200xf32, #tpu.memory_space<hbm>>
      %dma_start3A_91 = tpu.memref_slice %arg13[%add3A_47] : memref<204800xf32, #tpu.memory_space<hbm>> -> memref<3200xf32, #tpu.memory_space<hbm>>
      tpu.enqueue_dma source(%dma_start3A_91 : memref<3200xf32, #tpu.memory_space<hbm>>) target(%arg40 : memref<3200xf32, #tpu.memory_space<vmem>>) target_semaphore(%run_scoped3A : memref<!tpu.dma_semaphore, #tpu.memory_space<semaphore_mem>>)
      %dma_wait3A = tpu.memref_slice %arg13[%add3A_47] : memref<204800xf32, #tpu.memory_space<hbm>> -> memref<3200xf32, #tpu.memory_space<hbm>>
      %dma_wait3A_92 = tpu.memref_slice %arg13[%add3A_47] : memref<204800xf32, #tpu.memory_space<hbm>> -> memref<3200xf32, #tpu.memory_space<hbm>>
      tpu.wait_dma2 semaphore(%run_scoped3A : memref<!tpu.dma_semaphore, #tpu.memory_space<semaphore_mem>>) src(%dma_wait3A_92 : memref<3200xf32, #tpu.memory_space<hbm>>) dst(%arg40 : memref<3200xf32, #tpu.memory_space<vmem>>)
      tpu.yield
    }) : () -> ()
    "tpu.region"() ({
      %run_scoped3A = tpu.sem_alloc : memref<!tpu.dma_semaphore, #tpu.memory_space<semaphore_mem>>
      %dma_start3A = tpu.memref_slice %arg14[%add3A_47] : memref<204800xf32, #tpu.memory_space<hbm>> -> memref<3200xf32, #tpu.memory_space<hbm>>
      %dma_start3A_91 = tpu.memref_slice %arg14[%add3A_47] : memref<204800xf32, #tpu.memory_space<hbm>> -> memref<3200xf32, #tpu.memory_space<hbm>>
      tpu.enqueue_dma source(%dma_start3A_91 : memref<3200xf32, #tpu.memory_space<hbm>>) target(%arg42 : memref<3200xf32, #tpu.memory_space<vmem>>) target_semaphore(%run_scoped3A : memref<!tpu.dma_semaphore, #tpu.memory_space<semaphore_mem>>)
      %dma_wait3A = tpu.memref_slice %arg14[%add3A_47] : memref<204800xf32, #tpu.memory_space<hbm>> -> memref<3200xf32, #tpu.memory_space<hbm>>
      %dma_wait3A_92 = tpu.memref_slice %arg14[%add3A_47] : memref<204800xf32, #tpu.memory_space<hbm>> -> memref<3200xf32, #tpu.memory_space<hbm>>
      tpu.wait_dma2 semaphore(%run_scoped3A : memref<!tpu.dma_semaphore, #tpu.memory_space<semaphore_mem>>) src(%dma_wait3A_92 : memref<3200xf32, #tpu.memory_space<hbm>>) dst(%arg42 : memref<3200xf32, #tpu.memory_space<vmem>>)
      tpu.yield
    }) : () -> ()
    "tpu.region"() ({
      %run_scoped3A = tpu.sem_alloc : memref<!tpu.dma_semaphore, #tpu.memory_space<semaphore_mem>>
      %dma_start3A = tpu.memref_slice %arg15[%add3A_47] : memref<204800xf32, #tpu.memory_space<hbm>> -> memref<3200xf32, #tpu.memory_space<hbm>>
      %dma_start3A_91 = tpu.memref_slice %arg15[%add3A_47] : memref<204800xf32, #tpu.memory_space<hbm>> -> memref<3200xf32, #tpu.memory_space<hbm>>
      tpu.enqueue_dma source(%dma_start3A_91 : memref<3200xf32, #tpu.memory_space<hbm>>) target(%arg44 : memref<3200xf32, #tpu.memory_space<vmem>>) target_semaphore(%run_scoped3A : memref<!tpu.dma_semaphore, #tpu.memory_space<semaphore_mem>>)
      %dma_wait3A = tpu.memref_slice %arg15[%add3A_47] : memref<204800xf32, #tpu.memory_space<hbm>> -> memref<3200xf32, #tpu.memory_space<hbm>>
      %dma_wait3A_92 = tpu.memref_slice %arg15[%add3A_47] : memref<204800xf32, #tpu.memory_space<hbm>> -> memref<3200xf32, #tpu.memory_space<hbm>>
      tpu.wait_dma2 semaphore(%run_scoped3A : memref<!tpu.dma_semaphore, #tpu.memory_space<semaphore_mem>>) src(%dma_wait3A_92 : memref<3200xf32, #tpu.memory_space<hbm>>) dst(%arg44 : memref<3200xf32, #tpu.memory_space<vmem>>)
      tpu.yield
    }) : () -> ()
    %mul3A_48 = arith.constant 2 : i32
    %mul3A_49 = arith.muli %arg0, %mul3A_48 : i32
    %add3A_50 = arith.constant 1 : i32
    %add3A_51 = arith.addi %mul3A_49, %add3A_50 : i32
    %mul3A_52 = arith.constant 51200 : i32
    %mul3A_53 = arith.muli %add3A_51, %mul3A_52 : i32
    %mul3A_54 = arith.constant 3200 : i32
    %mul3A_55 = arith.muli %arg1, %mul3A_54 : i32
    %add3A_56 = arith.addi %mul3A_53, %mul3A_55 : i32
    "tpu.region"() ({
      %run_scoped3A = tpu.sem_alloc : memref<!tpu.dma_semaphore, #tpu.memory_space<semaphore_mem>>
      %dma_start3A = tpu.memref_slice %arg12[%add3A_56] : memref<204800xf32, #tpu.memory_space<hbm>> -> memref<3200xf32, #tpu.memory_space<hbm>>
      %dma_start3A_91 = tpu.memref_slice %arg12[%add3A_56] : memref<204800xf32, #tpu.memory_space<hbm>> -> memref<3200xf32, #tpu.memory_space<hbm>>
      tpu.enqueue_dma source(%dma_start3A_91 : memref<3200xf32, #tpu.memory_space<hbm>>) target(%arg39 : memref<3200xf32, #tpu.memory_space<vmem>>) target_semaphore(%run_scoped3A : memref<!tpu.dma_semaphore, #tpu.memory_space<semaphore_mem>>)
      %dma_wait3A = tpu.memref_slice %arg12[%add3A_56] : memref<204800xf32, #tpu.memory_space<hbm>> -> memref<3200xf32, #tpu.memory_space<hbm>>
      %dma_wait3A_92 = tpu.memref_slice %arg12[%add3A_56] : memref<204800xf32, #tpu.memory_space<hbm>> -> memref<3200xf32, #tpu.memory_space<hbm>>
      tpu.wait_dma2 semaphore(%run_scoped3A : memref<!tpu.dma_semaphore, #tpu.memory_space<semaphore_mem>>) src(%dma_wait3A_92 : memref<3200xf32, #tpu.memory_space<hbm>>) dst(%arg39 : memref<3200xf32, #tpu.memory_space<vmem>>)
      tpu.yield
    }) : () -> ()
    "tpu.region"() ({
      %run_scoped3A = tpu.sem_alloc : memref<!tpu.dma_semaphore, #tpu.memory_space<semaphore_mem>>
      %dma_start3A = tpu.memref_slice %arg13[%add3A_56] : memref<204800xf32, #tpu.memory_space<hbm>> -> memref<3200xf32, #tpu.memory_space<hbm>>
      %dma_start3A_91 = tpu.memref_slice %arg13[%add3A_56] : memref<204800xf32, #tpu.memory_space<hbm>> -> memref<3200xf32, #tpu.memory_space<hbm>>
      tpu.enqueue_dma source(%dma_start3A_91 : memref<3200xf32, #tpu.memory_space<hbm>>) target(%arg41 : memref<3200xf32, #tpu.memory_space<vmem>>) target_semaphore(%run_scoped3A : memref<!tpu.dma_semaphore, #tpu.memory_space<semaphore_mem>>)
      %dma_wait3A = tpu.memref_slice %arg13[%add3A_56] : memref<204800xf32, #tpu.memory_space<hbm>> -> memref<3200xf32, #tpu.memory_space<hbm>>
      %dma_wait3A_92 = tpu.memref_slice %arg13[%add3A_56] : memref<204800xf32, #tpu.memory_space<hbm>> -> memref<3200xf32, #tpu.memory_space<hbm>>
      tpu.wait_dma2 semaphore(%run_scoped3A : memref<!tpu.dma_semaphore, #tpu.memory_space<semaphore_mem>>) src(%dma_wait3A_92 : memref<3200xf32, #tpu.memory_space<hbm>>) dst(%arg41 : memref<3200xf32, #tpu.memory_space<vmem>>)
      tpu.yield
    }) : () -> ()
    "tpu.region"() ({
      %run_scoped3A = tpu.sem_alloc : memref<!tpu.dma_semaphore, #tpu.memory_space<semaphore_mem>>
      %dma_start3A = tpu.memref_slice %arg14[%add3A_56] : memref<204800xf32, #tpu.memory_space<hbm>> -> memref<3200xf32, #tpu.memory_space<hbm>>
      %dma_start3A_91 = tpu.memref_slice %arg14[%add3A_56] : memref<204800xf32, #tpu.memory_space<hbm>> -> memref<3200xf32, #tpu.memory_space<hbm>>
      tpu.enqueue_dma source(%dma_start3A_91 : memref<3200xf32, #tpu.memory_space<hbm>>) target(%arg43 : memref<3200xf32, #tpu.memory_space<vmem>>) target_semaphore(%run_scoped3A : memref<!tpu.dma_semaphore, #tpu.memory_space<semaphore_mem>>)
      %dma_wait3A = tpu.memref_slice %arg14[%add3A_56] : memref<204800xf32, #tpu.memory_space<hbm>> -> memref<3200xf32, #tpu.memory_space<hbm>>
      %dma_wait3A_92 = tpu.memref_slice %arg14[%add3A_56] : memref<204800xf32, #tpu.memory_space<hbm>> -> memref<3200xf32, #tpu.memory_space<hbm>>
      tpu.wait_dma2 semaphore(%run_scoped3A : memref<!tpu.dma_semaphore, #tpu.memory_space<semaphore_mem>>) src(%dma_wait3A_92 : memref<3200xf32, #tpu.memory_space<hbm>>) dst(%arg43 : memref<3200xf32, #tpu.memory_space<vmem>>)
      tpu.yield
    }) : () -> ()
    "tpu.region"() ({
      %run_scoped3A = tpu.sem_alloc : memref<!tpu.dma_semaphore, #tpu.memory_space<semaphore_mem>>
      %dma_start3A = tpu.memref_slice %arg15[%add3A_56] : memref<204800xf32, #tpu.memory_space<hbm>> -> memref<3200xf32, #tpu.memory_space<hbm>>
      %dma_start3A_91 = tpu.memref_slice %arg15[%add3A_56] : memref<204800xf32, #tpu.memory_space<hbm>> -> memref<3200xf32, #tpu.memory_space<hbm>>
      tpu.enqueue_dma source(%dma_start3A_91 : memref<3200xf32, #tpu.memory_space<hbm>>) target(%arg45 : memref<3200xf32, #tpu.memory_space<vmem>>) target_semaphore(%run_scoped3A : memref<!tpu.dma_semaphore, #tpu.memory_space<semaphore_mem>>)
      %dma_wait3A = tpu.memref_slice %arg15[%add3A_56] : memref<204800xf32, #tpu.memory_space<hbm>> -> memref<3200xf32, #tpu.memory_space<hbm>>
      %dma_wait3A_92 = tpu.memref_slice %arg15[%add3A_56] : memref<204800xf32, #tpu.memory_space<hbm>> -> memref<3200xf32, #tpu.memory_space<hbm>>
      tpu.wait_dma2 semaphore(%run_scoped3A : memref<!tpu.dma_semaphore, #tpu.memory_space<semaphore_mem>>) src(%dma_wait3A_92 : memref<3200xf32, #tpu.memory_space<hbm>>) dst(%arg45 : memref<3200xf32, #tpu.memory_space<vmem>>)
      tpu.yield
    }) : () -> ()
    %barrier3A = arith.constant 0 : index
    tpu.barrier barrier_id(%barrier3A)
    %scan3A_57 = arith.constant 0 : i32
    %scan3A_58 = arith.constant 62 : i32
    %scan3A_59 = arith.addi %scan3A_57, %scan3A_58 : i32
    %scan3A_60 = arith.constant 1 : i32
    scf.for %scan3A_91 = %scan3A_57 to %scan3A_59 step %scan3A_60  : i32 {
      %mul3A_92 = arith.constant 1 : i32
      %mul3A_93 = arith.muli %scan3A_91, %mul3A_92 : i32
      %add3A_94 = arith.constant 0 : i32
      %add3A_95 = arith.addi %add3A_94, %mul3A_93 : i32
      %mul3A_96 = arith.constant 2 : i32
      %mul3A_97 = arith.muli %mul3A_96, %add3A_95 : i32
      %mul3A_98 = arith.constant 63488 : i32
      %mul3A_99 = arith.muli %arg1, %mul3A_98 : i32
      %mul3A_100 = arith.constant 512 : i32
      %mul3A_101 = arith.muli %mul3A_97, %mul3A_100 : i32
      %add3A_102 = arith.addi %mul3A_99, %mul3A_101 : i32
      %dma_start3A = tpu.memref_slice %arg7[%add3A_102] : memref<1015808xi32, #tpu.memory_space<hbm>> -> memref<512xi32, #tpu.memory_space<hbm>>
      %dma_start3A_103 = tpu.memref_slice %arg7[%add3A_102] : memref<1015808xi32, #tpu.memory_space<hbm>> -> memref<512xi32, #tpu.memory_space<hbm>>
      tpu.enqueue_dma source(%dma_start3A_103 : memref<512xi32, #tpu.memory_space<hbm>>) target(%arg57 : memref<512xi32, #tpu.memory_space<vmem>>) target_semaphore(%arg83 : memref<!tpu.dma_semaphore, #tpu.memory_space<semaphore_mem>>)
      %dma_start3A_104 = tpu.memref_slice %arg8[%add3A_102] : memref<1015808xi32, #tpu.memory_space<hbm>> -> memref<512xi32, #tpu.memory_space<hbm>>
      %dma_start3A_105 = tpu.memref_slice %arg8[%add3A_102] : memref<1015808xi32, #tpu.memory_space<hbm>> -> memref<512xi32, #tpu.memory_space<hbm>>
      tpu.enqueue_dma source(%dma_start3A_105 : memref<512xi32, #tpu.memory_space<hbm>>) target(%arg58 : memref<512xi32, #tpu.memory_space<vmem>>) target_semaphore(%arg83 : memref<!tpu.dma_semaphore, #tpu.memory_space<semaphore_mem>>)
      %dma_start3A_106 = tpu.memref_slice %arg9[%add3A_102] : memref<1015808xf32, #tpu.memory_space<hbm>> -> memref<512xf32, #tpu.memory_space<hbm>>
      %dma_start3A_107 = tpu.memref_slice %arg9[%add3A_102] : memref<1015808xf32, #tpu.memory_space<hbm>> -> memref<512xf32, #tpu.memory_space<hbm>>
      tpu.enqueue_dma source(%dma_start3A_107 : memref<512xf32, #tpu.memory_space<hbm>>) target(%arg59 : memref<512xf32, #tpu.memory_space<vmem>>) target_semaphore(%arg83 : memref<!tpu.dma_semaphore, #tpu.memory_space<semaphore_mem>>)
      %mul3A_108 = arith.constant 2 : i32
      %mul3A_109 = arith.muli %mul3A_108, %add3A_95 : i32
      %add3A_110 = arith.constant 1 : i32
      %add3A_111 = arith.addi %mul3A_109, %add3A_110 : i32
      %mul3A_112 = arith.constant 63488 : i32
      %mul3A_113 = arith.muli %arg1, %mul3A_112 : i32
      %mul3A_114 = arith.constant 512 : i32
      %mul3A_115 = arith.muli %add3A_111, %mul3A_114 : i32
      %add3A_116 = arith.addi %mul3A_113, %mul3A_115 : i32
      %dma_start3A_117 = tpu.memref_slice %arg7[%add3A_116] : memref<1015808xi32, #tpu.memory_space<hbm>> -> memref<512xi32, #tpu.memory_space<hbm>>
      %dma_start3A_118 = tpu.memref_slice %arg7[%add3A_116] : memref<1015808xi32, #tpu.memory_space<hbm>> -> memref<512xi32, #tpu.memory_space<hbm>>
      tpu.enqueue_dma source(%dma_start3A_118 : memref<512xi32, #tpu.memory_space<hbm>>) target(%arg63 : memref<512xi32, #tpu.memory_space<vmem>>) target_semaphore(%arg84 : memref<!tpu.dma_semaphore, #tpu.memory_space<semaphore_mem>>)
      %dma_start3A_119 = tpu.memref_slice %arg8[%add3A_116] : memref<1015808xi32, #tpu.memory_space<hbm>> -> memref<512xi32, #tpu.memory_space<hbm>>
      %dma_start3A_120 = tpu.memref_slice %arg8[%add3A_116] : memref<1015808xi32, #tpu.memory_space<hbm>> -> memref<512xi32, #tpu.memory_space<hbm>>
      tpu.enqueue_dma source(%dma_start3A_120 : memref<512xi32, #tpu.memory_space<hbm>>) target(%arg64 : memref<512xi32, #tpu.memory_space<vmem>>) target_semaphore(%arg84 : memref<!tpu.dma_semaphore, #tpu.memory_space<semaphore_mem>>)
      %dma_start3A_121 = tpu.memref_slice %arg9[%add3A_116] : memref<1015808xf32, #tpu.memory_space<hbm>> -> memref<512xf32, #tpu.memory_space<hbm>>
      %dma_start3A_122 = tpu.memref_slice %arg9[%add3A_116] : memref<1015808xf32, #tpu.memory_space<hbm>> -> memref<512xf32, #tpu.memory_space<hbm>>
      tpu.enqueue_dma source(%dma_start3A_122 : memref<512xf32, #tpu.memory_space<hbm>>) target(%arg65 : memref<512xf32, #tpu.memory_space<vmem>>) target_semaphore(%arg84 : memref<!tpu.dma_semaphore, #tpu.memory_space<semaphore_mem>>)
      %dma_wait3A = tpu.memref_slice %arg7[%add3A_102] : memref<1015808xi32, #tpu.memory_space<hbm>> -> memref<512xi32, #tpu.memory_space<hbm>>
      %dma_wait3A_123 = tpu.memref_slice %arg7[%add3A_102] : memref<1015808xi32, #tpu.memory_space<hbm>> -> memref<512xi32, #tpu.memory_space<hbm>>
      tpu.wait_dma2 semaphore(%arg83 : memref<!tpu.dma_semaphore, #tpu.memory_space<semaphore_mem>>) src(%dma_wait3A_123 : memref<512xi32, #tpu.memory_space<hbm>>) dst(%arg57 : memref<512xi32, #tpu.memory_space<vmem>>)
      %dma_wait3A_124 = tpu.memref_slice %arg8[%add3A_102] : memref<1015808xi32, #tpu.memory_space<hbm>> -> memref<512xi32, #tpu.memory_space<hbm>>
      %dma_wait3A_125 = tpu.memref_slice %arg8[%add3A_102] : memref<1015808xi32, #tpu.memory_space<hbm>> -> memref<512xi32, #tpu.memory_space<hbm>>
      tpu.wait_dma2 semaphore(%arg83 : memref<!tpu.dma_semaphore, #tpu.memory_space<semaphore_mem>>) src(%dma_wait3A_125 : memref<512xi32, #tpu.memory_space<hbm>>) dst(%arg58 : memref<512xi32, #tpu.memory_space<vmem>>)
      %dma_wait3A_126 = tpu.memref_slice %arg9[%add3A_102] : memref<1015808xf32, #tpu.memory_space<hbm>> -> memref<512xf32, #tpu.memory_space<hbm>>
      %dma_wait3A_127 = tpu.memref_slice %arg9[%add3A_102] : memref<1015808xf32, #tpu.memory_space<hbm>> -> memref<512xf32, #tpu.memory_space<hbm>>
      tpu.wait_dma2 semaphore(%arg83 : memref<!tpu.dma_semaphore, #tpu.memory_space<semaphore_mem>>) src(%dma_wait3A_127 : memref<512xf32, #tpu.memory_space<hbm>>) dst(%arg59 : memref<512xf32, #tpu.memory_space<vmem>>)
      %dma_start3A_128 = arith.constant 0 : i32
      %dma_start3A_129 = tpu.memref_slice %arg36[%dma_start3A_128] : memref<10240xf32, #tpu.memory_space<vmem_shared>> -> memref<10240xf32, #tpu.memory_space<vmem_shared>>
      tpu.enqueue_indirect_dma source(%dma_start3A_129 : memref<10240xf32, #tpu.memory_space<vmem_shared>>) target(%arg60 : memref<512xf32, #tpu.memory_space<vmem>>) offsets(%arg57 : memref<512xi32, #tpu.memory_space<vmem>>) semaphore(%arg85 : memref<!tpu.dma_semaphore, #tpu.memory_space<semaphore_mem>>)
      %dma_wait3A_130 = tpu.memref_slice %arg7[%add3A_116] : memref<1015808xi32, #tpu.memory_space<hbm>> -> memref<512xi32, #tpu.memory_space<hbm>>
      %dma_wait3A_131 = tpu.memref_slice %arg7[%add3A_116] : memref<1015808xi32, #tpu.memory_space<hbm>> -> memref<512xi32, #tpu.memory_space<hbm>>
      tpu.wait_dma2 semaphore(%arg84 : memref<!tpu.dma_semaphore, #tpu.memory_space<semaphore_mem>>) src(%dma_wait3A_131 : memref<512xi32, #tpu.memory_space<hbm>>) dst(%arg63 : memref<512xi32, #tpu.memory_space<vmem>>)
      %dma_wait3A_132 = tpu.memref_slice %arg8[%add3A_116] : memref<1015808xi32, #tpu.memory_space<hbm>> -> memref<512xi32, #tpu.memory_space<hbm>>
      %dma_wait3A_133 = tpu.memref_slice %arg8[%add3A_116] : memref<1015808xi32, #tpu.memory_space<hbm>> -> memref<512xi32, #tpu.memory_space<hbm>>
      tpu.wait_dma2 semaphore(%arg84 : memref<!tpu.dma_semaphore, #tpu.memory_space<semaphore_mem>>) src(%dma_wait3A_133 : memref<512xi32, #tpu.memory_space<hbm>>) dst(%arg64 : memref<512xi32, #tpu.memory_space<vmem>>)
      %dma_wait3A_134 = tpu.memref_slice %arg9[%add3A_116] : memref<1015808xf32, #tpu.memory_space<hbm>> -> memref<512xf32, #tpu.memory_space<hbm>>
      %dma_wait3A_135 = tpu.memref_slice %arg9[%add3A_116] : memref<1015808xf32, #tpu.memory_space<hbm>> -> memref<512xf32, #tpu.memory_space<hbm>>
      tpu.wait_dma2 semaphore(%arg84 : memref<!tpu.dma_semaphore, #tpu.memory_space<semaphore_mem>>) src(%dma_wait3A_135 : memref<512xf32, #tpu.memory_space<hbm>>) dst(%arg65 : memref<512xf32, #tpu.memory_space<vmem>>)
      %dma_wait3A_136 = arith.constant 0 : i32
      %dma_wait3A_137 = tpu.memref_slice %arg36[%dma_wait3A_136] : memref<10240xf32, #tpu.memory_space<vmem_shared>> -> memref<10240xf32, #tpu.memory_space<vmem_shared>>
      tpu.wait_indirect_dma semaphore(%arg85 : memref<!tpu.dma_semaphore, #tpu.memory_space<semaphore_mem>>) src(%dma_wait3A_137 : memref<10240xf32, #tpu.memory_space<vmem_shared>>) dst(%arg60 : memref<512xf32, #tpu.memory_space<vmem>>)
      %dma_start3A_138 = arith.constant 0 : i32
      %dma_start3A_139 = tpu.memref_slice %arg36[%dma_start3A_138] : memref<10240xf32, #tpu.memory_space<vmem_shared>> -> memref<10240xf32, #tpu.memory_space<vmem_shared>>
      tpu.enqueue_indirect_dma source(%dma_start3A_139 : memref<10240xf32, #tpu.memory_space<vmem_shared>>) target(%arg66 : memref<512xf32, #tpu.memory_space<vmem>>) offsets(%arg63 : memref<512xi32, #tpu.memory_space<vmem>>) semaphore(%arg86 : memref<!tpu.dma_semaphore, #tpu.memory_space<semaphore_mem>>)
      %scan3A_140 = arith.constant 0 : i32
      %scan3A_141 = arith.constant 32 : i32
      %scan3A_142 = arith.addi %scan3A_140, %scan3A_141 : i32
      %scan3A_143 = arith.constant 1 : i32
      scf.for %scan3A_168 = %scan3A_140 to %scan3A_142 step %scan3A_143  : i32 {
        %mul3A_169 = arith.constant 1 : i32
        %mul3A_170 = arith.muli %scan3A_168, %mul3A_169 : i32
        %add3A_171 = arith.constant 0 : i32
        %add3A_172 = arith.addi %add3A_171, %mul3A_170 : i32
        %mul3A_173 = arith.constant 16 : i32
        %mul3A_174 = arith.muli %add3A_172, %mul3A_173 : i32
        %get3A = arith.index_cast %mul3A_174 : i32 to index
        %get3A_175 = tpu.vector_load %arg60[%get3A] {strides = array<i32>} : memref<512xf32, #tpu.memory_space<vmem>>, vector<16xf32>,
        %get3A_176 = vector.shape_cast %get3A_175 : vector<16xf32> to vector<16xf32>
        %get3A_177 = arith.index_cast %mul3A_174 : i32 to index
        %get3A_178 = tpu.vector_load %arg59[%get3A_177] {strides = array<i32>} : memref<512xf32, #tpu.memory_space<vmem>>, vector<16xf32>,
        %get3A_179 = vector.shape_cast %get3A_178 : vector<16xf32> to vector<16xf32>
        %ge3A = arith.constant 2.000000e+00 : f32
        %ge3A_180 = vector.broadcast %ge3A : f32 to vector<16xf32>
        %ge3A_181 = arith.cmpf oge, %get3A_176, %ge3A_180 : vector<16xf32>
        %jit3A = arith.constant 1.000000e+00 : f32
        %jit3A_182 = arith.constant 0.000000e+00 : f32
        %broadcast_in_dim3A = vector.broadcast %jit3A : f32 to vector<16xf32>
        %broadcast_in_dim3A_183 = vector.broadcast %jit3A_182 : f32 to vector<16xf32>
        %select_n3A = arith.select %ge3A_181, %broadcast_in_dim3A, %broadcast_in_dim3A_183 : vector<16xi1>, vector<16xf32>
        %mul3A_184 = arith.constant 2.000000e+00 : f32
        %mul3A_185 = vector.broadcast %mul3A_184 : f32 to vector<16xf32>
        %mul3A_186 = arith.mulf %mul3A_185, %select_n3A : vector<16xf32>
        %sub3A = arith.subf %get3A_176, %mul3A_186 : vector<16xf32>
        %mul3A_187 = arith.mulf %sub3A, %get3A_179 : vector<16xf32>
        %swap3A = arith.index_cast %mul3A_174 : i32 to index
        %swap3A_188 = tpu.vector_load %arg61[%swap3A] {strides = array<i32>} : memref<512xf32, #tpu.memory_space<vmem>>, vector<16xf32>,
        %swap3A_189 = vector.shape_cast %swap3A_188 : vector<16xf32> to vector<16xf32>
        %swap3A_190 = vector.shape_cast %mul3A_187 : vector<16xf32> to vector<16xf32>
        tpu.vector_store %arg61[%swap3A], %swap3A_190 {strides = array<i32>} : memref<512xf32, #tpu.memory_space<vmem>>, vector<16xf32>,
        %mul3A_191 = arith.mulf %select_n3A, %get3A_179 : vector<16xf32>
        %swap3A_192 = arith.index_cast %mul3A_174 : i32 to index
        %swap3A_193 = tpu.vector_load %arg62[%swap3A_192] {strides = array<i32>} : memref<512xf32, #tpu.memory_space<vmem>>, vector<16xf32>,
        %swap3A_194 = vector.shape_cast %swap3A_193 : vector<16xf32> to vector<16xf32>
        %swap3A_195 = vector.shape_cast %mul3A_191 : vector<16xf32> to vector<16xf32>
        tpu.vector_store %arg62[%swap3A_192], %swap3A_195 {strides = array<i32>} : memref<512xf32, #tpu.memory_space<vmem>>, vector<16xf32>,
      }
      %scan3A_144 = arith.constant 32 : i32
      %dma_start3A_145 = arith.constant 0 : i32
      %dma_start3A_146 = tpu.memref_slice %arg34[%dma_start3A_145] : memref<200000xf32, #tpu.memory_space<vmem_shared>> -> memref<200000xf32, #tpu.memory_space<vmem_shared>>
      tpu.enqueue_indirect_dma source(%arg61 : memref<512xf32, #tpu.memory_space<vmem>>) target(%dma_start3A_146 : memref<200000xf32, #tpu.memory_space<vmem_shared>>) offsets(%arg58 : memref<512xi32, #tpu.memory_space<vmem>>) semaphore(%arg87 : memref<!tpu.dma_semaphore, #tpu.memory_space<semaphore_mem>>) {add = true}
      %dma_start3A_147 = arith.constant 0 : i32
      %dma_start3A_148 = tpu.memref_slice %arg35[%dma_start3A_147] : memref<200000xf32, #tpu.memory_space<vmem_shared>> -> memref<200000xf32, #tpu.memory_space<vmem_shared>>
      tpu.enqueue_indirect_dma source(%arg62 : memref<512xf32, #tpu.memory_space<vmem>>) target(%dma_start3A_148 : memref<200000xf32, #tpu.memory_space<vmem_shared>>) offsets(%arg58 : memref<512xi32, #tpu.memory_space<vmem>>) semaphore(%arg87 : memref<!tpu.dma_semaphore, #tpu.memory_space<semaphore_mem>>) {add = true}
      %dma_wait3A_149 = arith.constant 0 : i32
      %dma_wait3A_150 = tpu.memref_slice %arg36[%dma_wait3A_149] : memref<10240xf32, #tpu.memory_space<vmem_shared>> -> memref<10240xf32, #tpu.memory_space<vmem_shared>>
      tpu.wait_indirect_dma semaphore(%arg86 : memref<!tpu.dma_semaphore, #tpu.memory_space<semaphore_mem>>) src(%dma_wait3A_150 : memref<10240xf32, #tpu.memory_space<vmem_shared>>) dst(%arg66 : memref<512xf32, #tpu.memory_space<vmem>>)
      %scan3A_151 = arith.constant 0 : i32
      %scan3A_152 = arith.constant 32 : i32
      %scan3A_153 = arith.addi %scan3A_151, %scan3A_152 : i32
      %scan3A_154 = arith.constant 1 : i32
      scf.for %scan3A_168 = %scan3A_151 to %scan3A_153 step %scan3A_154  : i32 {
        %mul3A_169 = arith.constant 1 : i32
        %mul3A_170 = arith.muli %scan3A_168, %mul3A_169 : i32
        %add3A_171 = arith.constant 0 : i32
        %add3A_172 = arith.addi %add3A_171, %mul3A_170 : i32
        %mul3A_173 = arith.constant 16 : i32
        %mul3A_174 = arith.muli %add3A_172, %mul3A_173 : i32
        %get3A = arith.index_cast %mul3A_174 : i32 to index
        %get3A_175 = tpu.vector_load %arg66[%get3A] {strides = array<i32>} : memref<512xf32, #tpu.memory_space<vmem>>, vector<16xf32>,
        %get3A_176 = vector.shape_cast %get3A_175 : vector<16xf32> to vector<16xf32>
        %get3A_177 = arith.index_cast %mul3A_174 : i32 to index
        %get3A_178 = tpu.vector_load %arg65[%get3A_177] {strides = array<i32>} : memref<512xf32, #tpu.memory_space<vmem>>, vector<16xf32>,
        %get3A_179 = vector.shape_cast %get3A_178 : vector<16xf32> to vector<16xf32>
        %ge3A = arith.constant 2.000000e+00 : f32
        %ge3A_180 = vector.broadcast %ge3A : f32 to vector<16xf32>
        %ge3A_181 = arith.cmpf oge, %get3A_176, %ge3A_180 : vector<16xf32>
        %jit3A = arith.constant 1.000000e+00 : f32
        %jit3A_182 = arith.constant 0.000000e+00 : f32
        %broadcast_in_dim3A = vector.broadcast %jit3A : f32 to vector<16xf32>
        %broadcast_in_dim3A_183 = vector.broadcast %jit3A_182 : f32 to vector<16xf32>
        %select_n3A = arith.select %ge3A_181, %broadcast_in_dim3A, %broadcast_in_dim3A_183 : vector<16xi1>, vector<16xf32>
        %mul3A_184 = arith.constant 2.000000e+00 : f32
        %mul3A_185 = vector.broadcast %mul3A_184 : f32 to vector<16xf32>
        %mul3A_186 = arith.mulf %mul3A_185, %select_n3A : vector<16xf32>
        %sub3A = arith.subf %get3A_176, %mul3A_186 : vector<16xf32>
        %mul3A_187 = arith.mulf %sub3A, %get3A_179 : vector<16xf32>
        %swap3A = arith.index_cast %mul3A_174 : i32 to index
        %swap3A_188 = tpu.vector_load %arg67[%swap3A] {strides = array<i32>} : memref<512xf32, #tpu.memory_space<vmem>>, vector<16xf32>,
        %swap3A_189 = vector.shape_cast %swap3A_188 : vector<16xf32> to vector<16xf32>
        %swap3A_190 = vector.shape_cast %mul3A_187 : vector<16xf32> to vector<16xf32>
        tpu.vector_store %arg67[%swap3A], %swap3A_190 {strides = array<i32>} : memref<512xf32, #tpu.memory_space<vmem>>, vector<16xf32>,
        %mul3A_191 = arith.mulf %select_n3A, %get3A_179 : vector<16xf32>
        %swap3A_192 = arith.index_cast %mul3A_174 : i32 to index
        %swap3A_193 = tpu.vector_load %arg68[%swap3A_192] {strides = array<i32>} : memref<512xf32, #tpu.memory_space<vmem>>, vector<16xf32>,
        %swap3A_194 = vector.shape_cast %swap3A_193 : vector<16xf32> to vector<16xf32>
        %swap3A_195 = vector.shape_cast %mul3A_191 : vector<16xf32> to vector<16xf32>
        tpu.vector_store %arg68[%swap3A_192], %swap3A_195 {strides = array<i32>} : memref<512xf32, #tpu.memory_space<vmem>>, vector<16xf32>,
      }
      %scan3A_155 = arith.constant 32 : i32
      %dma_wait3A_156 = arith.constant 0 : i32
      %dma_wait3A_157 = tpu.memref_slice %arg34[%dma_wait3A_156] : memref<200000xf32, #tpu.memory_space<vmem_shared>> -> memref<200000xf32, #tpu.memory_space<vmem_shared>>
      tpu.wait_indirect_dma semaphore(%arg87 : memref<!tpu.dma_semaphore, #tpu.memory_space<semaphore_mem>>) src(%arg61 : memref<512xf32, #tpu.memory_space<vmem>>) dst(%dma_wait3A_157 : memref<200000xf32, #tpu.memory_space<vmem_shared>>)
      %dma_wait3A_158 = arith.constant 0 : i32
      %dma_wait3A_159 = tpu.memref_slice %arg35[%dma_wait3A_158] : memref<200000xf32, #tpu.memory_space<vmem_shared>> -> memref<200000xf32, #tpu.memory_space<vmem_shared>>
      tpu.wait_indirect_dma semaphore(%arg87 : memref<!tpu.dma_semaphore, #tpu.memory_space<semaphore_mem>>) src(%arg62 : memref<512xf32, #tpu.memory_space<vmem>>) dst(%dma_wait3A_159 : memref<200000xf32, #tpu.memory_space<vmem_shared>>)
      %dma_start3A_160 = arith.constant 0 : i32
      %dma_start3A_161 = tpu.memref_slice %arg34[%dma_start3A_160] : memref<200000xf32, #tpu.memory_space<vmem_shared>> -> memref<200000xf32, #tpu.memory_space<vmem_shared>>
      tpu.enqueue_indirect_dma source(%arg67 : memref<512xf32, #tpu.memory_space<vmem>>) target(%dma_start3A_161 : memref<200000xf32, #tpu.memory_space<vmem_shared>>) offsets(%arg64 : memref<512xi32, #tpu.memory_space<vmem>>) semaphore(%arg88 : memref<!tpu.dma_semaphore, #tpu.memory_space<semaphore_mem>>) {add = true}
      %dma_start3A_162 = arith.constant 0 : i32
      %dma_start3A_163 = tpu.memref_slice %arg35[%dma_start3A_162] : memref<200000xf32, #tpu.memory_space<vmem_shared>> -> memref<200000xf32, #tpu.memory_space<vmem_shared>>
      tpu.enqueue_indirect_dma source(%arg68 : memref<512xf32, #tpu.memory_space<vmem>>) target(%dma_start3A_163 : memref<200000xf32, #tpu.memory_space<vmem_shared>>) offsets(%arg64 : memref<512xi32, #tpu.memory_space<vmem>>) semaphore(%arg88 : memref<!tpu.dma_semaphore, #tpu.memory_space<semaphore_mem>>) {add = true}
      %dma_wait3A_164 = arith.constant 0 : i32
      %dma_wait3A_165 = tpu.memref_slice %arg34[%dma_wait3A_164] : memref<200000xf32, #tpu.memory_space<vmem_shared>> -> memref<200000xf32, #tpu.memory_space<vmem_shared>>
      tpu.wait_indirect_dma semaphore(%arg88 : memref<!tpu.dma_semaphore, #tpu.memory_space<semaphore_mem>>) src(%arg67 : memref<512xf32, #tpu.memory_space<vmem>>) dst(%dma_wait3A_165 : memref<200000xf32, #tpu.memory_space<vmem_shared>>)
      %dma_wait3A_166 = arith.constant 0 : i32
      %dma_wait3A_167 = tpu.memref_slice %arg35[%dma_wait3A_166] : memref<200000xf32, #tpu.memory_space<vmem_shared>> -> memref<200000xf32, #tpu.memory_space<vmem_shared>>
      tpu.wait_indirect_dma semaphore(%arg88 : memref<!tpu.dma_semaphore, #tpu.memory_space<semaphore_mem>>) src(%arg68 : memref<512xf32, #tpu.memory_space<vmem>>) dst(%dma_wait3A_167 : memref<200000xf32, #tpu.memory_space<vmem_shared>>)
    }
    %scan3A_61 = arith.constant 62 : i32
    %scan3A_62 = arith.constant 0 : i32
    %scan3A_63 = arith.constant 98 : i32
    %scan3A_64 = arith.addi %scan3A_62, %scan3A_63 : i32
    %scan3A_65 = arith.constant 1 : i32
    scf.for %scan3A_91 = %scan3A_62 to %scan3A_64 step %scan3A_65  : i32 {
      %mul3A_92 = arith.constant 1 : i32
      %mul3A_93 = arith.muli %scan3A_91, %mul3A_92 : i32
      %add3A_94 = arith.constant 0 : i32
      %add3A_95 = arith.addi %add3A_94, %mul3A_93 : i32
      %mul3A_96 = arith.constant 2 : i32
      %mul3A_97 = arith.muli %mul3A_96, %add3A_95 : i32
      %mul3A_98 = arith.constant 100352 : i32
      %mul3A_99 = arith.muli %arg1, %mul3A_98 : i32
      %mul3A_100 = arith.constant 512 : i32
      %mul3A_101 = arith.muli %mul3A_97, %mul3A_100 : i32
      %add3A_102 = arith.addi %mul3A_99, %mul3A_101 : i32
      %dma_start3A = tpu.memref_slice %arg4[%add3A_102] : memref<1605632xi32, #tpu.memory_space<hbm>> -> memref<512xi32, #tpu.memory_space<hbm>>
      %dma_start3A_103 = tpu.memref_slice %arg4[%add3A_102] : memref<1605632xi32, #tpu.memory_space<hbm>> -> memref<512xi32, #tpu.memory_space<hbm>>
      tpu.enqueue_dma source(%dma_start3A_103 : memref<512xi32, #tpu.memory_space<hbm>>) target(%arg57 : memref<512xi32, #tpu.memory_space<vmem>>) target_semaphore(%arg83 : memref<!tpu.dma_semaphore, #tpu.memory_space<semaphore_mem>>)
      %dma_start3A_104 = tpu.memref_slice %arg5[%add3A_102] : memref<1605632xi32, #tpu.memory_space<hbm>> -> memref<512xi32, #tpu.memory_space<hbm>>
      %dma_start3A_105 = tpu.memref_slice %arg5[%add3A_102] : memref<1605632xi32, #tpu.memory_space<hbm>> -> memref<512xi32, #tpu.memory_space<hbm>>
      tpu.enqueue_dma source(%dma_start3A_105 : memref<512xi32, #tpu.memory_space<hbm>>) target(%arg58 : memref<512xi32, #tpu.memory_space<vmem>>) target_semaphore(%arg83 : memref<!tpu.dma_semaphore, #tpu.memory_space<semaphore_mem>>)
      %dma_start3A_106 = tpu.memref_slice %arg6[%add3A_102] : memref<1605632xf32, #tpu.memory_space<hbm>> -> memref<512xf32, #tpu.memory_space<hbm>>
      %dma_start3A_107 = tpu.memref_slice %arg6[%add3A_102] : memref<1605632xf32, #tpu.memory_space<hbm>> -> memref<512xf32, #tpu.memory_space<hbm>>
      tpu.enqueue_dma source(%dma_start3A_107 : memref<512xf32, #tpu.memory_space<hbm>>) target(%arg59 : memref<512xf32, #tpu.memory_space<vmem>>) target_semaphore(%arg83 : memref<!tpu.dma_semaphore, #tpu.memory_space<semaphore_mem>>)
      %mul3A_108 = arith.constant 2 : i32
      %mul3A_109 = arith.muli %mul3A_108, %add3A_95 : i32
      %add3A_110 = arith.constant 1 : i32
      %add3A_111 = arith.addi %mul3A_109, %add3A_110 : i32
      %mul3A_112 = arith.constant 100352 : i32
      %mul3A_113 = arith.muli %arg1, %mul3A_112 : i32
      %mul3A_114 = arith.constant 512 : i32
      %mul3A_115 = arith.muli %add3A_111, %mul3A_114 : i32
      %add3A_116 = arith.addi %mul3A_113, %mul3A_115 : i32
      %dma_start3A_117 = tpu.memref_slice %arg4[%add3A_116] : memref<1605632xi32, #tpu.memory_space<hbm>> -> memref<512xi32, #tpu.memory_space<hbm>>
      %dma_start3A_118 = tpu.memref_slice %arg4[%add3A_116] : memref<1605632xi32, #tpu.memory_space<hbm>> -> memref<512xi32, #tpu.memory_space<hbm>>
      tpu.enqueue_dma source(%dma_start3A_118 : memref<512xi32, #tpu.memory_space<hbm>>) target(%arg63 : memref<512xi32, #tpu.memory_space<vmem>>) target_semaphore(%arg84 : memref<!tpu.dma_semaphore, #tpu.memory_space<semaphore_mem>>)
      %dma_start3A_119 = tpu.memref_slice %arg5[%add3A_116] : memref<1605632xi32, #tpu.memory_space<hbm>> -> memref<512xi32, #tpu.memory_space<hbm>>
      %dma_start3A_120 = tpu.memref_slice %arg5[%add3A_116] : memref<1605632xi32, #tpu.memory_space<hbm>> -> memref<512xi32, #tpu.memory_space<hbm>>
      tpu.enqueue_dma source(%dma_start3A_120 : memref<512xi32, #tpu.memory_space<hbm>>) target(%arg64 : memref<512xi32, #tpu.memory_space<vmem>>) target_semaphore(%arg84 : memref<!tpu.dma_semaphore, #tpu.memory_space<semaphore_mem>>)
      %dma_start3A_121 = tpu.memref_slice %arg6[%add3A_116] : memref<1605632xf32, #tpu.memory_space<hbm>> -> memref<512xf32, #tpu.memory_space<hbm>>
      %dma_start3A_122 = tpu.memref_slice %arg6[%add3A_116] : memref<1605632xf32, #tpu.memory_space<hbm>> -> memref<512xf32, #tpu.memory_space<hbm>>
      tpu.enqueue_dma source(%dma_start3A_122 : memref<512xf32, #tpu.memory_space<hbm>>) target(%arg65 : memref<512xf32, #tpu.memory_space<vmem>>) target_semaphore(%arg84 : memref<!tpu.dma_semaphore, #tpu.memory_space<semaphore_mem>>)
      %dma_wait3A = tpu.memref_slice %arg4[%add3A_102] : memref<1605632xi32, #tpu.memory_space<hbm>> -> memref<512xi32, #tpu.memory_space<hbm>>
      %dma_wait3A_123 = tpu.memref_slice %arg4[%add3A_102] : memref<1605632xi32, #tpu.memory_space<hbm>> -> memref<512xi32, #tpu.memory_space<hbm>>
      tpu.wait_dma2 semaphore(%arg83 : memref<!tpu.dma_semaphore, #tpu.memory_space<semaphore_mem>>) src(%dma_wait3A_123 : memref<512xi32, #tpu.memory_space<hbm>>) dst(%arg57 : memref<512xi32, #tpu.memory_space<vmem>>)
      %dma_wait3A_124 = tpu.memref_slice %arg5[%add3A_102] : memref<1605632xi32, #tpu.memory_space<hbm>> -> memref<512xi32, #tpu.memory_space<hbm>>
      %dma_wait3A_125 = tpu.memref_slice %arg5[%add3A_102] : memref<1605632xi32, #tpu.memory_space<hbm>> -> memref<512xi32, #tpu.memory_space<hbm>>
      tpu.wait_dma2 semaphore(%arg83 : memref<!tpu.dma_semaphore, #tpu.memory_space<semaphore_mem>>) src(%dma_wait3A_125 : memref<512xi32, #tpu.memory_space<hbm>>) dst(%arg58 : memref<512xi32, #tpu.memory_space<vmem>>)
      %dma_wait3A_126 = tpu.memref_slice %arg6[%add3A_102] : memref<1605632xf32, #tpu.memory_space<hbm>> -> memref<512xf32, #tpu.memory_space<hbm>>
      %dma_wait3A_127 = tpu.memref_slice %arg6[%add3A_102] : memref<1605632xf32, #tpu.memory_space<hbm>> -> memref<512xf32, #tpu.memory_space<hbm>>
      tpu.wait_dma2 semaphore(%arg83 : memref<!tpu.dma_semaphore, #tpu.memory_space<semaphore_mem>>) src(%dma_wait3A_127 : memref<512xf32, #tpu.memory_space<hbm>>) dst(%arg59 : memref<512xf32, #tpu.memory_space<vmem>>)
      %dma_start3A_128 = arith.constant 0 : i32
      %dma_start3A_129 = tpu.memref_slice %arg33[%dma_start3A_128] : memref<300000xf32, #tpu.memory_space<vmem_shared>> -> memref<300000xf32, #tpu.memory_space<vmem_shared>>
      tpu.enqueue_indirect_dma source(%dma_start3A_129 : memref<300000xf32, #tpu.memory_space<vmem_shared>>) target(%arg60 : memref<512xf32, #tpu.memory_space<vmem>>) offsets(%arg57 : memref<512xi32, #tpu.memory_space<vmem>>) semaphore(%arg85 : memref<!tpu.dma_semaphore, #tpu.memory_space<semaphore_mem>>)
      %dma_wait3A_130 = tpu.memref_slice %arg4[%add3A_116] : memref<1605632xi32, #tpu.memory_space<hbm>> -> memref<512xi32, #tpu.memory_space<hbm>>
      %dma_wait3A_131 = tpu.memref_slice %arg4[%add3A_116] : memref<1605632xi32, #tpu.memory_space<hbm>> -> memref<512xi32, #tpu.memory_space<hbm>>
      tpu.wait_dma2 semaphore(%arg84 : memref<!tpu.dma_semaphore, #tpu.memory_space<semaphore_mem>>) src(%dma_wait3A_131 : memref<512xi32, #tpu.memory_space<hbm>>) dst(%arg63 : memref<512xi32, #tpu.memory_space<vmem>>)
      %dma_wait3A_132 = tpu.memref_slice %arg5[%add3A_116] : memref<1605632xi32, #tpu.memory_space<hbm>> -> memref<512xi32, #tpu.memory_space<hbm>>
      %dma_wait3A_133 = tpu.memref_slice %arg5[%add3A_116] : memref<1605632xi32, #tpu.memory_space<hbm>> -> memref<512xi32, #tpu.memory_space<hbm>>
      tpu.wait_dma2 semaphore(%arg84 : memref<!tpu.dma_semaphore, #tpu.memory_space<semaphore_mem>>) src(%dma_wait3A_133 : memref<512xi32, #tpu.memory_space<hbm>>) dst(%arg64 : memref<512xi32, #tpu.memory_space<vmem>>)
      %dma_wait3A_134 = tpu.memref_slice %arg6[%add3A_116] : memref<1605632xf32, #tpu.memory_space<hbm>> -> memref<512xf32, #tpu.memory_space<hbm>>
      %dma_wait3A_135 = tpu.memref_slice %arg6[%add3A_116] : memref<1605632xf32, #tpu.memory_space<hbm>> -> memref<512xf32, #tpu.memory_space<hbm>>
      tpu.wait_dma2 semaphore(%arg84 : memref<!tpu.dma_semaphore, #tpu.memory_space<semaphore_mem>>) src(%dma_wait3A_135 : memref<512xf32, #tpu.memory_space<hbm>>) dst(%arg65 : memref<512xf32, #tpu.memory_space<vmem>>)
      %dma_wait3A_136 = arith.constant 0 : i32
      %dma_wait3A_137 = tpu.memref_slice %arg33[%dma_wait3A_136] : memref<300000xf32, #tpu.memory_space<vmem_shared>> -> memref<300000xf32, #tpu.memory_space<vmem_shared>>
      tpu.wait_indirect_dma semaphore(%arg85 : memref<!tpu.dma_semaphore, #tpu.memory_space<semaphore_mem>>) src(%dma_wait3A_137 : memref<300000xf32, #tpu.memory_space<vmem_shared>>) dst(%arg60 : memref<512xf32, #tpu.memory_space<vmem>>)
      %dma_start3A_138 = arith.constant 0 : i32
      %dma_start3A_139 = tpu.memref_slice %arg33[%dma_start3A_138] : memref<300000xf32, #tpu.memory_space<vmem_shared>> -> memref<300000xf32, #tpu.memory_space<vmem_shared>>
      tpu.enqueue_indirect_dma source(%dma_start3A_139 : memref<300000xf32, #tpu.memory_space<vmem_shared>>) target(%arg66 : memref<512xf32, #tpu.memory_space<vmem>>) offsets(%arg63 : memref<512xi32, #tpu.memory_space<vmem>>) semaphore(%arg86 : memref<!tpu.dma_semaphore, #tpu.memory_space<semaphore_mem>>)
      %scan3A_140 = arith.constant 0 : i32
      %scan3A_141 = arith.constant 32 : i32
      %scan3A_142 = arith.addi %scan3A_140, %scan3A_141 : i32
      %scan3A_143 = arith.constant 1 : i32
      scf.for %scan3A_168 = %scan3A_140 to %scan3A_142 step %scan3A_143  : i32 {
        %mul3A_169 = arith.constant 1 : i32
        %mul3A_170 = arith.muli %scan3A_168, %mul3A_169 : i32
        %add3A_171 = arith.constant 0 : i32
        %add3A_172 = arith.addi %add3A_171, %mul3A_170 : i32
        %mul3A_173 = arith.constant 16 : i32
        %mul3A_174 = arith.muli %add3A_172, %mul3A_173 : i32
        %get3A = arith.index_cast %mul3A_174 : i32 to index
        %get3A_175 = tpu.vector_load %arg60[%get3A] {strides = array<i32>} : memref<512xf32, #tpu.memory_space<vmem>>, vector<16xf32>,
        %get3A_176 = vector.shape_cast %get3A_175 : vector<16xf32> to vector<16xf32>
        %get3A_177 = arith.index_cast %mul3A_174 : i32 to index
        %get3A_178 = tpu.vector_load %arg59[%get3A_177] {strides = array<i32>} : memref<512xf32, #tpu.memory_space<vmem>>, vector<16xf32>,
        %get3A_179 = vector.shape_cast %get3A_178 : vector<16xf32> to vector<16xf32>
        %ge3A = arith.constant 2.000000e+00 : f32
        %ge3A_180 = vector.broadcast %ge3A : f32 to vector<16xf32>
        %ge3A_181 = arith.cmpf oge, %get3A_176, %ge3A_180 : vector<16xf32>
        %jit3A = arith.constant 1.000000e+00 : f32
        %jit3A_182 = arith.constant 0.000000e+00 : f32
        %broadcast_in_dim3A = vector.broadcast %jit3A : f32 to vector<16xf32>
        %broadcast_in_dim3A_183 = vector.broadcast %jit3A_182 : f32 to vector<16xf32>
        %select_n3A = arith.select %ge3A_181, %broadcast_in_dim3A, %broadcast_in_dim3A_183 : vector<16xi1>, vector<16xf32>
        %mul3A_184 = arith.constant 2.000000e+00 : f32
        %mul3A_185 = vector.broadcast %mul3A_184 : f32 to vector<16xf32>
        %mul3A_186 = arith.mulf %mul3A_185, %select_n3A : vector<16xf32>
        %sub3A = arith.subf %get3A_176, %mul3A_186 : vector<16xf32>
        %mul3A_187 = arith.mulf %sub3A, %get3A_179 : vector<16xf32>
        %swap3A = arith.index_cast %mul3A_174 : i32 to index
        %swap3A_188 = tpu.vector_load %arg61[%swap3A] {strides = array<i32>} : memref<512xf32, #tpu.memory_space<vmem>>, vector<16xf32>,
        %swap3A_189 = vector.shape_cast %swap3A_188 : vector<16xf32> to vector<16xf32>
        %swap3A_190 = vector.shape_cast %mul3A_187 : vector<16xf32> to vector<16xf32>
        tpu.vector_store %arg61[%swap3A], %swap3A_190 {strides = array<i32>} : memref<512xf32, #tpu.memory_space<vmem>>, vector<16xf32>,
        %mul3A_191 = arith.mulf %select_n3A, %get3A_179 : vector<16xf32>
        %swap3A_192 = arith.index_cast %mul3A_174 : i32 to index
        %swap3A_193 = tpu.vector_load %arg62[%swap3A_192] {strides = array<i32>} : memref<512xf32, #tpu.memory_space<vmem>>, vector<16xf32>,
        %swap3A_194 = vector.shape_cast %swap3A_193 : vector<16xf32> to vector<16xf32>
        %swap3A_195 = vector.shape_cast %mul3A_191 : vector<16xf32> to vector<16xf32>
        tpu.vector_store %arg62[%swap3A_192], %swap3A_195 {strides = array<i32>} : memref<512xf32, #tpu.memory_space<vmem>>, vector<16xf32>,
      }
      %scan3A_144 = arith.constant 32 : i32
      %dma_start3A_145 = arith.constant 0 : i32
      %dma_start3A_146 = tpu.memref_slice %arg34[%dma_start3A_145] : memref<200000xf32, #tpu.memory_space<vmem_shared>> -> memref<200000xf32, #tpu.memory_space<vmem_shared>>
      tpu.enqueue_indirect_dma source(%arg61 : memref<512xf32, #tpu.memory_space<vmem>>) target(%dma_start3A_146 : memref<200000xf32, #tpu.memory_space<vmem_shared>>) offsets(%arg58 : memref<512xi32, #tpu.memory_space<vmem>>) semaphore(%arg87 : memref<!tpu.dma_semaphore, #tpu.memory_space<semaphore_mem>>) {add = true}
      %dma_start3A_147 = arith.constant 0 : i32
      %dma_start3A_148 = tpu.memref_slice %arg35[%dma_start3A_147] : memref<200000xf32, #tpu.memory_space<vmem_shared>> -> memref<200000xf32, #tpu.memory_space<vmem_shared>>
      tpu.enqueue_indirect_dma source(%arg62 : memref<512xf32, #tpu.memory_space<vmem>>) target(%dma_start3A_148 : memref<200000xf32, #tpu.memory_space<vmem_shared>>) offsets(%arg58 : memref<512xi32, #tpu.memory_space<vmem>>) semaphore(%arg87 : memref<!tpu.dma_semaphore, #tpu.memory_space<semaphore_mem>>) {add = true}
      %dma_wait3A_149 = arith.constant 0 : i32
      %dma_wait3A_150 = tpu.memref_slice %arg33[%dma_wait3A_149] : memref<300000xf32, #tpu.memory_space<vmem_shared>> -> memref<300000xf32, #tpu.memory_space<vmem_shared>>
      tpu.wait_indirect_dma semaphore(%arg86 : memref<!tpu.dma_semaphore, #tpu.memory_space<semaphore_mem>>) src(%dma_wait3A_150 : memref<300000xf32, #tpu.memory_space<vmem_shared>>) dst(%arg66 : memref<512xf32, #tpu.memory_space<vmem>>)
      %scan3A_151 = arith.constant 0 : i32
      %scan3A_152 = arith.constant 32 : i32
      %scan3A_153 = arith.addi %scan3A_151, %scan3A_152 : i32
      %scan3A_154 = arith.constant 1 : i32
      scf.for %scan3A_168 = %scan3A_151 to %scan3A_153 step %scan3A_154  : i32 {
        %mul3A_169 = arith.constant 1 : i32
        %mul3A_170 = arith.muli %scan3A_168, %mul3A_169 : i32
        %add3A_171 = arith.constant 0 : i32
        %add3A_172 = arith.addi %add3A_171, %mul3A_170 : i32
        %mul3A_173 = arith.constant 16 : i32
        %mul3A_174 = arith.muli %add3A_172, %mul3A_173 : i32
        %get3A = arith.index_cast %mul3A_174 : i32 to index
        %get3A_175 = tpu.vector_load %arg66[%get3A] {strides = array<i32>} : memref<512xf32, #tpu.memory_space<vmem>>, vector<16xf32>,
        %get3A_176 = vector.shape_cast %get3A_175 : vector<16xf32> to vector<16xf32>
        %get3A_177 = arith.index_cast %mul3A_174 : i32 to index
        %get3A_178 = tpu.vector_load %arg65[%get3A_177] {strides = array<i32>} : memref<512xf32, #tpu.memory_space<vmem>>, vector<16xf32>,
        %get3A_179 = vector.shape_cast %get3A_178 : vector<16xf32> to vector<16xf32>
        %ge3A = arith.constant 2.000000e+00 : f32
        %ge3A_180 = vector.broadcast %ge3A : f32 to vector<16xf32>
        %ge3A_181 = arith.cmpf oge, %get3A_176, %ge3A_180 : vector<16xf32>
        %jit3A = arith.constant 1.000000e+00 : f32
        %jit3A_182 = arith.constant 0.000000e+00 : f32
        %broadcast_in_dim3A = vector.broadcast %jit3A : f32 to vector<16xf32>
        %broadcast_in_dim3A_183 = vector.broadcast %jit3A_182 : f32 to vector<16xf32>
        %select_n3A = arith.select %ge3A_181, %broadcast_in_dim3A, %broadcast_in_dim3A_183 : vector<16xi1>, vector<16xf32>
        %mul3A_184 = arith.constant 2.000000e+00 : f32
        %mul3A_185 = vector.broadcast %mul3A_184 : f32 to vector<16xf32>
        %mul3A_186 = arith.mulf %mul3A_185, %select_n3A : vector<16xf32>
        %sub3A = arith.subf %get3A_176, %mul3A_186 : vector<16xf32>
        %mul3A_187 = arith.mulf %sub3A, %get3A_179 : vector<16xf32>
        %swap3A = arith.index_cast %mul3A_174 : i32 to index
        %swap3A_188 = tpu.vector_load %arg67[%swap3A] {strides = array<i32>} : memref<512xf32, #tpu.memory_space<vmem>>, vector<16xf32>,
        %swap3A_189 = vector.shape_cast %swap3A_188 : vector<16xf32> to vector<16xf32>
        %swap3A_190 = vector.shape_cast %mul3A_187 : vector<16xf32> to vector<16xf32>
        tpu.vector_store %arg67[%swap3A], %swap3A_190 {strides = array<i32>} : memref<512xf32, #tpu.memory_space<vmem>>, vector<16xf32>,
        %mul3A_191 = arith.mulf %select_n3A, %get3A_179 : vector<16xf32>
        %swap3A_192 = arith.index_cast %mul3A_174 : i32 to index
        %swap3A_193 = tpu.vector_load %arg68[%swap3A_192] {strides = array<i32>} : memref<512xf32, #tpu.memory_space<vmem>>, vector<16xf32>,
        %swap3A_194 = vector.shape_cast %swap3A_193 : vector<16xf32> to vector<16xf32>
        %swap3A_195 = vector.shape_cast %mul3A_191 : vector<16xf32> to vector<16xf32>
        tpu.vector_store %arg68[%swap3A_192], %swap3A_195 {strides = array<i32>} : memref<512xf32, #tpu.memory_space<vmem>>, vector<16xf32>,
      }
      %scan3A_155 = arith.constant 32 : i32
      %dma_wait3A_156 = arith.constant 0 : i32
      %dma_wait3A_157 = tpu.memref_slice %arg34[%dma_wait3A_156] : memref<200000xf32, #tpu.memory_space<vmem_shared>> -> memref<200000xf32, #tpu.memory_space<vmem_shared>>
      tpu.wait_indirect_dma semaphore(%arg87 : memref<!tpu.dma_semaphore, #tpu.memory_space<semaphore_mem>>) src(%arg61 : memref<512xf32, #tpu.memory_space<vmem>>) dst(%dma_wait3A_157 : memref<200000xf32, #tpu.memory_space<vmem_shared>>)
      %dma_wait3A_158 = arith.constant 0 : i32
      %dma_wait3A_159 = tpu.memref_slice %arg35[%dma_wait3A_158] : memref<200000xf32, #tpu.memory_space<vmem_shared>> -> memref<200000xf32, #tpu.memory_space<vmem_shared>>
      tpu.wait_indirect_dma semaphore(%arg87 : memref<!tpu.dma_semaphore, #tpu.memory_space<semaphore_mem>>) src(%arg62 : memref<512xf32, #tpu.memory_space<vmem>>) dst(%dma_wait3A_159 : memref<200000xf32, #tpu.memory_space<vmem_shared>>)
      %dma_start3A_160 = arith.constant 0 : i32
      %dma_start3A_161 = tpu.memref_slice %arg34[%dma_start3A_160] : memref<200000xf32, #tpu.memory_space<vmem_shared>> -> memref<200000xf32, #tpu.memory_space<vmem_shared>>
      tpu.enqueue_indirect_dma source(%arg67 : memref<512xf32, #tpu.memory_space<vmem>>) target(%dma_start3A_161 : memref<200000xf32, #tpu.memory_space<vmem_shared>>) offsets(%arg64 : memref<512xi32, #tpu.memory_space<vmem>>) semaphore(%arg88 : memref<!tpu.dma_semaphore, #tpu.memory_space<semaphore_mem>>) {add = true}
      %dma_start3A_162 = arith.constant 0 : i32
      %dma_start3A_163 = tpu.memref_slice %arg35[%dma_start3A_162] : memref<200000xf32, #tpu.memory_space<vmem_shared>> -> memref<200000xf32, #tpu.memory_space<vmem_shared>>
      tpu.enqueue_indirect_dma source(%arg68 : memref<512xf32, #tpu.memory_space<vmem>>) target(%dma_start3A_163 : memref<200000xf32, #tpu.memory_space<vmem_shared>>) offsets(%arg64 : memref<512xi32, #tpu.memory_space<vmem>>) semaphore(%arg88 : memref<!tpu.dma_semaphore, #tpu.memory_space<semaphore_mem>>) {add = true}
      %dma_wait3A_164 = arith.constant 0 : i32
      %dma_wait3A_165 = tpu.memref_slice %arg34[%dma_wait3A_164] : memref<200000xf32, #tpu.memory_space<vmem_shared>> -> memref<200000xf32, #tpu.memory_space<vmem_shared>>
      tpu.wait_indirect_dma semaphore(%arg88 : memref<!tpu.dma_semaphore, #tpu.memory_space<semaphore_mem>>) src(%arg67 : memref<512xf32, #tpu.memory_space<vmem>>) dst(%dma_wait3A_165 : memref<200000xf32, #tpu.memory_space<vmem_shared>>)
      %dma_wait3A_166 = arith.constant 0 : i32
      %dma_wait3A_167 = tpu.memref_slice %arg35[%dma_wait3A_166] : memref<200000xf32, #tpu.memory_space<vmem_shared>> -> memref<200000xf32, #tpu.memory_space<vmem_shared>>
      tpu.wait_indirect_dma semaphore(%arg88 : memref<!tpu.dma_semaphore, #tpu.memory_space<semaphore_mem>>) src(%arg68 : memref<512xf32, #tpu.memory_space<vmem>>) dst(%dma_wait3A_167 : memref<200000xf32, #tpu.memory_space<vmem_shared>>)
    }
    %scan3A_66 = arith.constant 98 : i32
    %barrier3A_67 = arith.constant 0 : index
    tpu.barrier barrier_id(%barrier3A_67)
    %scan3A_68 = arith.constant 0 : i32
    %scan3A_69 = arith.constant 8 : i32
    %scan3A_70 = arith.addi %scan3A_68, %scan3A_69 : i32
    %scan3A_71 = arith.constant 1 : i32
    scf.for %scan3A_91 = %scan3A_68 to %scan3A_70 step %scan3A_71  : i32 {
      %mul3A_92 = arith.constant 1 : i32
      %mul3A_93 = arith.muli %scan3A_91, %mul3A_92 : i32
      %add3A_94 = arith.constant 0 : i32
      %add3A_95 = arith.addi %add3A_94, %mul3A_93 : i32
      %mul3A_96 = arith.constant 3200 : i32
      %mul3A_97 = arith.muli %arg1, %mul3A_96 : i32
      %mul3A_98 = arith.constant 400 : i32
      %mul3A_99 = arith.muli %add3A_95, %mul3A_98 : i32
      %add3A_100 = arith.addi %mul3A_97, %mul3A_99 : i32
      %mul3A_101 = arith.constant 4 : i32
      %mul3A_102 = arith.muli %mul3A_101, %add3A_100 : i32
      %lt3A = arith.constant 50000 : i32
      %lt3A_103 = arith.cmpi slt, %add3A_100, %lt3A : i32
      %dma_start3A = tpu.memref_slice %arg27[%mul3A_102] : memref<204800xf32, #tpu.memory_space<hbm>> -> memref<1600xf32, #tpu.memory_space<hbm>>
      %dma_start3A_104 = tpu.memref_slice %arg27[%mul3A_102] : memref<204800xf32, #tpu.memory_space<hbm>> -> memref<1600xf32, #tpu.memory_space<hbm>>
      tpu.enqueue_dma source(%dma_start3A_104 : memref<1600xf32, #tpu.memory_space<hbm>>) target(%arg75 : memref<1600xf32, #tpu.memory_space<vmem>>) target_semaphore(%arg89 : memref<!tpu.dma_semaphore, #tpu.memory_space<semaphore_mem>>)
      %dma_start3A_105 = tpu.memref_slice %arg28[%mul3A_102] : memref<204800xf32, #tpu.memory_space<hbm>> -> memref<1600xf32, #tpu.memory_space<hbm>>
      %dma_start3A_106 = tpu.memref_slice %arg28[%mul3A_102] : memref<204800xf32, #tpu.memory_space<hbm>> -> memref<1600xf32, #tpu.memory_space<hbm>>
      tpu.enqueue_dma source(%dma_start3A_106 : memref<1600xf32, #tpu.memory_space<hbm>>) target(%arg76 : memref<1600xf32, #tpu.memory_space<vmem>>) target_semaphore(%arg89 : memref<!tpu.dma_semaphore, #tpu.memory_space<semaphore_mem>>)
      %dma_start3A_107 = tpu.memref_slice %arg29[%mul3A_102] : memref<204800xf32, #tpu.memory_space<hbm>> -> memref<1600xf32, #tpu.memory_space<hbm>>
      %dma_start3A_108 = tpu.memref_slice %arg29[%mul3A_102] : memref<204800xf32, #tpu.memory_space<hbm>> -> memref<1600xf32, #tpu.memory_space<hbm>>
      tpu.enqueue_dma source(%dma_start3A_108 : memref<1600xf32, #tpu.memory_space<hbm>>) target(%arg77 : memref<1600xf32, #tpu.memory_space<vmem>>) target_semaphore(%arg89 : memref<!tpu.dma_semaphore, #tpu.memory_space<semaphore_mem>>)
      %dma_start3A_109 = tpu.memref_slice %arg16[%add3A_100] : memref<51200xf32, #tpu.memory_space<hbm>> -> memref<400xf32, #tpu.memory_space<hbm>>
      %dma_start3A_110 = tpu.memref_slice %arg16[%add3A_100] : memref<51200xf32, #tpu.memory_space<hbm>> -> memref<400xf32, #tpu.memory_space<hbm>>
      tpu.enqueue_dma source(%dma_start3A_110 : memref<400xf32, #tpu.memory_space<hbm>>) target(%arg46 : memref<400xf32, #tpu.memory_space<vmem>>) target_semaphore(%arg89 : memref<!tpu.dma_semaphore, #tpu.memory_space<semaphore_mem>>)
      %dma_start3A_111 = tpu.memref_slice %arg17[%add3A_100] : memref<51200xf32, #tpu.memory_space<hbm>> -> memref<400xf32, #tpu.memory_space<hbm>>
      %dma_start3A_112 = tpu.memref_slice %arg17[%add3A_100] : memref<51200xf32, #tpu.memory_space<hbm>> -> memref<400xf32, #tpu.memory_space<hbm>>
      tpu.enqueue_dma source(%dma_start3A_112 : memref<400xf32, #tpu.memory_space<hbm>>) target(%arg47 : memref<400xf32, #tpu.memory_space<vmem>>) target_semaphore(%arg89 : memref<!tpu.dma_semaphore, #tpu.memory_space<semaphore_mem>>)
      %dma_start3A_113 = tpu.memref_slice %arg18[%add3A_100] : memref<51200xf32, #tpu.memory_space<hbm>> -> memref<400xf32, #tpu.memory_space<hbm>>
      %dma_start3A_114 = tpu.memref_slice %arg18[%add3A_100] : memref<51200xf32, #tpu.memory_space<hbm>> -> memref<400xf32, #tpu.memory_space<hbm>>
      tpu.enqueue_dma source(%dma_start3A_114 : memref<400xf32, #tpu.memory_space<hbm>>) target(%arg48 : memref<400xf32, #tpu.memory_space<vmem>>) target_semaphore(%arg89 : memref<!tpu.dma_semaphore, #tpu.memory_space<semaphore_mem>>)
      %dma_start3A_115 = tpu.memref_slice %arg19[%add3A_100] : memref<51200xf32, #tpu.memory_space<hbm>> -> memref<400xf32, #tpu.memory_space<hbm>>
      %dma_start3A_116 = tpu.memref_slice %arg19[%add3A_100] : memref<51200xf32, #tpu.memory_space<hbm>> -> memref<400xf32, #tpu.memory_space<hbm>>
      tpu.enqueue_dma source(%dma_start3A_116 : memref<400xf32, #tpu.memory_space<hbm>>) target(%arg49 : memref<400xf32, #tpu.memory_space<vmem>>) target_semaphore(%arg89 : memref<!tpu.dma_semaphore, #tpu.memory_space<semaphore_mem>>)
      %dma_start3A_117 = tpu.memref_slice %arg20[%add3A_100] : memref<51200xf32, #tpu.memory_space<hbm>> -> memref<400xf32, #tpu.memory_space<hbm>>
      %dma_start3A_118 = tpu.memref_slice %arg20[%add3A_100] : memref<51200xf32, #tpu.memory_space<hbm>> -> memref<400xf32, #tpu.memory_space<hbm>>
      tpu.enqueue_dma source(%dma_start3A_118 : memref<400xf32, #tpu.memory_space<hbm>>) target(%arg50 : memref<400xf32, #tpu.memory_space<vmem>>) target_semaphore(%arg89 : memref<!tpu.dma_semaphore, #tpu.memory_space<semaphore_mem>>)
      %dma_start3A_119 = tpu.memref_slice %arg21[%add3A_100] : memref<51200xf32, #tpu.memory_space<hbm>> -> memref<400xf32, #tpu.memory_space<hbm>>
      %dma_start3A_120 = tpu.memref_slice %arg21[%add3A_100] : memref<51200xf32, #tpu.memory_space<hbm>> -> memref<400xf32, #tpu.memory_space<hbm>>
      tpu.enqueue_dma source(%dma_start3A_120 : memref<400xf32, #tpu.memory_space<hbm>>) target(%arg51 : memref<400xf32, #tpu.memory_space<vmem>>) target_semaphore(%arg89 : memref<!tpu.dma_semaphore, #tpu.memory_space<semaphore_mem>>)
      %dma_start3A_121 = tpu.memref_slice %arg22[%add3A_100] : memref<51200xf32, #tpu.memory_space<hbm>> -> memref<400xf32, #tpu.memory_space<hbm>>
      %dma_start3A_122 = tpu.memref_slice %arg22[%add3A_100] : memref<51200xf32, #tpu.memory_space<hbm>> -> memref<400xf32, #tpu.memory_space<hbm>>
      tpu.enqueue_dma source(%dma_start3A_122 : memref<400xf32, #tpu.memory_space<hbm>>) target(%arg52 : memref<400xf32, #tpu.memory_space<vmem>>) target_semaphore(%arg89 : memref<!tpu.dma_semaphore, #tpu.memory_space<semaphore_mem>>)
      %dma_start3A_123 = tpu.memref_slice %arg23[%add3A_100] : memref<51200xf32, #tpu.memory_space<hbm>> -> memref<400xf32, #tpu.memory_space<hbm>>
      %dma_start3A_124 = tpu.memref_slice %arg23[%add3A_100] : memref<51200xf32, #tpu.memory_space<hbm>> -> memref<400xf32, #tpu.memory_space<hbm>>
      tpu.enqueue_dma source(%dma_start3A_124 : memref<400xf32, #tpu.memory_space<hbm>>) target(%arg53 : memref<400xf32, #tpu.memory_space<vmem>>) target_semaphore(%arg89 : memref<!tpu.dma_semaphore, #tpu.memory_space<semaphore_mem>>)
      %dma_start3A_125 = tpu.memref_slice %arg24[%add3A_100] : memref<51200xf32, #tpu.memory_space<hbm>> -> memref<400xf32, #tpu.memory_space<hbm>>
      %dma_start3A_126 = tpu.memref_slice %arg24[%add3A_100] : memref<51200xf32, #tpu.memory_space<hbm>> -> memref<400xf32, #tpu.memory_space<hbm>>
      tpu.enqueue_dma source(%dma_start3A_126 : memref<400xf32, #tpu.memory_space<hbm>>) target(%arg54 : memref<400xf32, #tpu.memory_space<vmem>>) target_semaphore(%arg89 : memref<!tpu.dma_semaphore, #tpu.memory_space<semaphore_mem>>)
      %dma_start3A_127 = tpu.memref_slice %arg25[%add3A_100] : memref<51200xf32, #tpu.memory_space<hbm>> -> memref<400xf32, #tpu.memory_space<hbm>>
      %dma_start3A_128 = tpu.memref_slice %arg25[%add3A_100] : memref<51200xf32, #tpu.memory_space<hbm>> -> memref<400xf32, #tpu.memory_space<hbm>>
      tpu.enqueue_dma source(%dma_start3A_128 : memref<400xf32, #tpu.memory_space<hbm>>) target(%arg55 : memref<400xf32, #tpu.memory_space<vmem>>) target_semaphore(%arg89 : memref<!tpu.dma_semaphore, #tpu.memory_space<semaphore_mem>>)
      %dma_start3A_129 = tpu.memref_slice %arg26[%add3A_100] : memref<51200xf32, #tpu.memory_space<hbm>> -> memref<400xf32, #tpu.memory_space<hbm>>
      %dma_start3A_130 = tpu.memref_slice %arg26[%add3A_100] : memref<51200xf32, #tpu.memory_space<hbm>> -> memref<400xf32, #tpu.memory_space<hbm>>
      tpu.enqueue_dma source(%dma_start3A_130 : memref<400xf32, #tpu.memory_space<hbm>>) target(%arg56 : memref<400xf32, #tpu.memory_space<vmem>>) target_semaphore(%arg89 : memref<!tpu.dma_semaphore, #tpu.memory_space<semaphore_mem>>)
      %mul3A_131 = arith.constant 2 : i32
      %mul3A_132 = arith.muli %arg0, %mul3A_131 : i32
      %add3A_133 = arith.constant 0 : i32
      %add3A_134 = arith.addi %mul3A_132, %add3A_133 : i32
      %mul3A_135 = arith.constant 204800 : i32
      %mul3A_136 = arith.muli %add3A_134, %mul3A_135 : i32
      %mul3A_137 = arith.constant 4 : i32
      %mul3A_138 = arith.muli %mul3A_137, %add3A_100 : i32
      %add3A_139 = arith.addi %mul3A_136, %mul3A_138 : i32
      %dma_start3A_140 = tpu.memref_slice %arg10[%add3A_139] : memref<819200xf32, #tpu.memory_space<hbm>> -> memref<1600xf32, #tpu.memory_space<hbm>>
      %dma_start3A_141 = tpu.memref_slice %arg10[%add3A_139] : memref<819200xf32, #tpu.memory_space<hbm>> -> memref<1600xf32, #tpu.memory_space<hbm>>
      tpu.enqueue_dma source(%dma_start3A_141 : memref<1600xf32, #tpu.memory_space<hbm>>) target(%arg71 : memref<1600xf32, #tpu.memory_space<vmem>>) target_semaphore(%arg89 : memref<!tpu.dma_semaphore, #tpu.memory_space<semaphore_mem>>)
      %dma_start3A_142 = tpu.memref_slice %arg11[%add3A_139] : memref<819200xf32, #tpu.memory_space<hbm>> -> memref<1600xf32, #tpu.memory_space<hbm>>
      %dma_start3A_143 = tpu.memref_slice %arg11[%add3A_139] : memref<819200xf32, #tpu.memory_space<hbm>> -> memref<1600xf32, #tpu.memory_space<hbm>>
      tpu.enqueue_dma source(%dma_start3A_143 : memref<1600xf32, #tpu.memory_space<hbm>>) target(%arg73 : memref<1600xf32, #tpu.memory_space<vmem>>) target_semaphore(%arg89 : memref<!tpu.dma_semaphore, #tpu.memory_space<semaphore_mem>>)
      %mul3A_144 = arith.constant 2 : i32
      %mul3A_145 = arith.muli %arg0, %mul3A_144 : i32
      %add3A_146 = arith.constant 1 : i32
      %add3A_147 = arith.addi %mul3A_145, %add3A_146 : i32
      %mul3A_148 = arith.constant 204800 : i32
      %mul3A_149 = arith.muli %add3A_147, %mul3A_148 : i32
      %mul3A_150 = arith.constant 4 : i32
      %mul3A_151 = arith.muli %mul3A_150, %add3A_100 : i32
      %add3A_152 = arith.addi %mul3A_149, %mul3A_151 : i32
      %dma_start3A_153 = tpu.memref_slice %arg10[%add3A_152] : memref<819200xf32, #tpu.memory_space<hbm>> -> memref<1600xf32, #tpu.memory_space<hbm>>
      %dma_start3A_154 = tpu.memref_slice %arg10[%add3A_152] : memref<819200xf32, #tpu.memory_space<hbm>> -> memref<1600xf32, #tpu.memory_space<hbm>>
      tpu.enqueue_dma source(%dma_start3A_154 : memref<1600xf32, #tpu.memory_space<hbm>>) target(%arg72 : memref<1600xf32, #tpu.memory_space<vmem>>) target_semaphore(%arg89 : memref<!tpu.dma_semaphore, #tpu.memory_space<semaphore_mem>>)
      %dma_start3A_155 = tpu.memref_slice %arg11[%add3A_152] : memref<819200xf32, #tpu.memory_space<hbm>> -> memref<1600xf32, #tpu.memory_space<hbm>>
      %dma_start3A_156 = tpu.memref_slice %arg11[%add3A_152] : memref<819200xf32, #tpu.memory_space<hbm>> -> memref<1600xf32, #tpu.memory_space<hbm>>
      tpu.enqueue_dma source(%dma_start3A_156 : memref<1600xf32, #tpu.memory_space<hbm>>) target(%arg74 : memref<1600xf32, #tpu.memory_space<vmem>>) target_semaphore(%arg89 : memref<!tpu.dma_semaphore, #tpu.memory_space<semaphore_mem>>)
      "tpu.region"() ({
        %run_scoped3A = tpu.sem_alloc : memref<!tpu.dma_semaphore, #tpu.memory_space<semaphore_mem>>
        %dma_start3A_255 = tpu.memref_slice %arg33[%add3A_100] : memref<300000xf32, #tpu.memory_space<vmem_shared>> -> memref<400xf32, #tpu.memory_space<vmem_shared>>
        %dma_start3A_256 = tpu.memref_slice %arg33[%add3A_100] : memref<300000xf32, #tpu.memory_space<vmem_shared>> -> memref<400xf32, #tpu.memory_space<vmem_shared>>
        tpu.enqueue_dma source(%dma_start3A_256 : memref<400xf32, #tpu.memory_space<vmem_shared>>) target(%arg78 : memref<400xf32, #tpu.memory_space<vmem>>) target_semaphore(%run_scoped3A : memref<!tpu.dma_semaphore, #tpu.memory_space<semaphore_mem>>)
        %dma_wait3A_257 = tpu.memref_slice %arg33[%add3A_100] : memref<300000xf32, #tpu.memory_space<vmem_shared>> -> memref<400xf32, #tpu.memory_space<vmem_shared>>
        %dma_wait3A_258 = tpu.memref_slice %arg33[%add3A_100] : memref<300000xf32, #tpu.memory_space<vmem_shared>> -> memref<400xf32, #tpu.memory_space<vmem_shared>>
        tpu.wait_dma2 semaphore(%run_scoped3A : memref<!tpu.dma_semaphore, #tpu.memory_space<semaphore_mem>>) src(%dma_wait3A_258 : memref<400xf32, #tpu.memory_space<vmem_shared>>) dst(%arg78 : memref<400xf32, #tpu.memory_space<vmem>>)
        tpu.yield
      }) : () -> ()
      %convert_element_type3A = arith.extui %lt3A_103 : i1 to i32
      %cond3A = arith.constant 0 : i32
      %cond3A_157 = arith.cmpi ne, %convert_element_type3A, %cond3A : i32
      scf.if %cond3A_157 {
        "tpu.region"() ({
          %run_scoped3A = tpu.sem_alloc : memref<!tpu.dma_semaphore, #tpu.memory_space<semaphore_mem>>
          %dma_start3A_255 = tpu.memref_slice %arg34[%mul3A_102] : memref<200000xf32, #tpu.memory_space<vmem_shared>> -> memref<1600xf32, #tpu.memory_space<vmem_shared>>
          %dma_start3A_256 = tpu.memref_slice %arg34[%mul3A_102] : memref<200000xf32, #tpu.memory_space<vmem_shared>> -> memref<1600xf32, #tpu.memory_space<vmem_shared>>
          tpu.enqueue_dma source(%dma_start3A_256 : memref<1600xf32, #tpu.memory_space<vmem_shared>>) target(%arg69 : memref<1600xf32, #tpu.memory_space<vmem>>) target_semaphore(%run_scoped3A : memref<!tpu.dma_semaphore, #tpu.memory_space<semaphore_mem>>)
          %dma_wait3A_257 = tpu.memref_slice %arg34[%mul3A_102] : memref<200000xf32, #tpu.memory_space<vmem_shared>> -> memref<1600xf32, #tpu.memory_space<vmem_shared>>
          %dma_wait3A_258 = tpu.memref_slice %arg34[%mul3A_102] : memref<200000xf32, #tpu.memory_space<vmem_shared>> -> memref<1600xf32, #tpu.memory_space<vmem_shared>>
          tpu.wait_dma2 semaphore(%run_scoped3A : memref<!tpu.dma_semaphore, #tpu.memory_space<semaphore_mem>>) src(%dma_wait3A_258 : memref<1600xf32, #tpu.memory_space<vmem_shared>>) dst(%arg69 : memref<1600xf32, #tpu.memory_space<vmem>>)
          tpu.yield
        }) : () -> ()
      } else {
      }
      %convert_element_type3A_158 = arith.extui %lt3A_103 : i1 to i32
      %cond3A_159 = arith.constant 0 : i32
      %cond3A_160 = arith.cmpi ne, %convert_element_type3A_158, %cond3A_159 : i32
      scf.if %cond3A_160 {
        "tpu.region"() ({
          %run_scoped3A = tpu.sem_alloc : memref<!tpu.dma_semaphore, #tpu.memory_space<semaphore_mem>>
          %dma_start3A_255 = tpu.memref_slice %arg35[%mul3A_102] : memref<200000xf32, #tpu.memory_space<vmem_shared>> -> memref<1600xf32, #tpu.memory_space<vmem_shared>>
          %dma_start3A_256 = tpu.memref_slice %arg35[%mul3A_102] : memref<200000xf32, #tpu.memory_space<vmem_shared>> -> memref<1600xf32, #tpu.memory_space<vmem_shared>>
          tpu.enqueue_dma source(%dma_start3A_256 : memref<1600xf32, #tpu.memory_space<vmem_shared>>) target(%arg70 : memref<1600xf32, #tpu.memory_space<vmem>>) target_semaphore(%run_scoped3A : memref<!tpu.dma_semaphore, #tpu.memory_space<semaphore_mem>>)
          %dma_wait3A_257 = tpu.memref_slice %arg35[%mul3A_102] : memref<200000xf32, #tpu.memory_space<vmem_shared>> -> memref<1600xf32, #tpu.memory_space<vmem_shared>>
          %dma_wait3A_258 = tpu.memref_slice %arg35[%mul3A_102] : memref<200000xf32, #tpu.memory_space<vmem_shared>> -> memref<1600xf32, #tpu.memory_space<vmem_shared>>
          tpu.wait_dma2 semaphore(%run_scoped3A : memref<!tpu.dma_semaphore, #tpu.memory_space<semaphore_mem>>) src(%dma_wait3A_258 : memref<1600xf32, #tpu.memory_space<vmem_shared>>) dst(%arg70 : memref<1600xf32, #tpu.memory_space<vmem>>)
          tpu.yield
        }) : () -> ()
      } else {
      }
      %dma_wait3A = tpu.memref_slice %arg27[%mul3A_102] : memref<204800xf32, #tpu.memory_space<hbm>> -> memref<1600xf32, #tpu.memory_space<hbm>>
      %dma_wait3A_161 = tpu.memref_slice %arg27[%mul3A_102] : memref<204800xf32, #tpu.memory_space<hbm>> -> memref<1600xf32, #tpu.memory_space<hbm>>
      tpu.wait_dma2 semaphore(%arg89 : memref<!tpu.dma_semaphore, #tpu.memory_space<semaphore_mem>>) src(%dma_wait3A_161 : memref<1600xf32, #tpu.memory_space<hbm>>) dst(%arg75 : memref<1600xf32, #tpu.memory_space<vmem>>)
      %dma_wait3A_162 = tpu.memref_slice %arg28[%mul3A_102] : memref<204800xf32, #tpu.memory_space<hbm>> -> memref<1600xf32, #tpu.memory_space<hbm>>
      %dma_wait3A_163 = tpu.memref_slice %arg28[%mul3A_102] : memref<204800xf32, #tpu.memory_space<hbm>> -> memref<1600xf32, #tpu.memory_space<hbm>>
      tpu.wait_dma2 semaphore(%arg89 : memref<!tpu.dma_semaphore, #tpu.memory_space<semaphore_mem>>) src(%dma_wait3A_163 : memref<1600xf32, #tpu.memory_space<hbm>>) dst(%arg76 : memref<1600xf32, #tpu.memory_space<vmem>>)
      %dma_wait3A_164 = tpu.memref_slice %arg29[%mul3A_102] : memref<204800xf32, #tpu.memory_space<hbm>> -> memref<1600xf32, #tpu.memory_space<hbm>>
      %dma_wait3A_165 = tpu.memref_slice %arg29[%mul3A_102] : memref<204800xf32, #tpu.memory_space<hbm>> -> memref<1600xf32, #tpu.memory_space<hbm>>
      tpu.wait_dma2 semaphore(%arg89 : memref<!tpu.dma_semaphore, #tpu.memory_space<semaphore_mem>>) src(%dma_wait3A_165 : memref<1600xf32, #tpu.memory_space<hbm>>) dst(%arg77 : memref<1600xf32, #tpu.memory_space<vmem>>)
      %dma_wait3A_166 = tpu.memref_slice %arg16[%add3A_100] : memref<51200xf32, #tpu.memory_space<hbm>> -> memref<400xf32, #tpu.memory_space<hbm>>
      %dma_wait3A_167 = tpu.memref_slice %arg16[%add3A_100] : memref<51200xf32, #tpu.memory_space<hbm>> -> memref<400xf32, #tpu.memory_space<hbm>>
      tpu.wait_dma2 semaphore(%arg89 : memref<!tpu.dma_semaphore, #tpu.memory_space<semaphore_mem>>) src(%dma_wait3A_167 : memref<400xf32, #tpu.memory_space<hbm>>) dst(%arg46 : memref<400xf32, #tpu.memory_space<vmem>>)
      %dma_wait3A_168 = tpu.memref_slice %arg17[%add3A_100] : memref<51200xf32, #tpu.memory_space<hbm>> -> memref<400xf32, #tpu.memory_space<hbm>>
      %dma_wait3A_169 = tpu.memref_slice %arg17[%add3A_100] : memref<51200xf32, #tpu.memory_space<hbm>> -> memref<400xf32, #tpu.memory_space<hbm>>
      tpu.wait_dma2 semaphore(%arg89 : memref<!tpu.dma_semaphore, #tpu.memory_space<semaphore_mem>>) src(%dma_wait3A_169 : memref<400xf32, #tpu.memory_space<hbm>>) dst(%arg47 : memref<400xf32, #tpu.memory_space<vmem>>)
      %dma_wait3A_170 = tpu.memref_slice %arg18[%add3A_100] : memref<51200xf32, #tpu.memory_space<hbm>> -> memref<400xf32, #tpu.memory_space<hbm>>
      %dma_wait3A_171 = tpu.memref_slice %arg18[%add3A_100] : memref<51200xf32, #tpu.memory_space<hbm>> -> memref<400xf32, #tpu.memory_space<hbm>>
      tpu.wait_dma2 semaphore(%arg89 : memref<!tpu.dma_semaphore, #tpu.memory_space<semaphore_mem>>) src(%dma_wait3A_171 : memref<400xf32, #tpu.memory_space<hbm>>) dst(%arg48 : memref<400xf32, #tpu.memory_space<vmem>>)
      %dma_wait3A_172 = tpu.memref_slice %arg19[%add3A_100] : memref<51200xf32, #tpu.memory_space<hbm>> -> memref<400xf32, #tpu.memory_space<hbm>>
      %dma_wait3A_173 = tpu.memref_slice %arg19[%add3A_100] : memref<51200xf32, #tpu.memory_space<hbm>> -> memref<400xf32, #tpu.memory_space<hbm>>
      tpu.wait_dma2 semaphore(%arg89 : memref<!tpu.dma_semaphore, #tpu.memory_space<semaphore_mem>>) src(%dma_wait3A_173 : memref<400xf32, #tpu.memory_space<hbm>>) dst(%arg49 : memref<400xf32, #tpu.memory_space<vmem>>)
      %dma_wait3A_174 = tpu.memref_slice %arg20[%add3A_100] : memref<51200xf32, #tpu.memory_space<hbm>> -> memref<400xf32, #tpu.memory_space<hbm>>
      %dma_wait3A_175 = tpu.memref_slice %arg20[%add3A_100] : memref<51200xf32, #tpu.memory_space<hbm>> -> memref<400xf32, #tpu.memory_space<hbm>>
      tpu.wait_dma2 semaphore(%arg89 : memref<!tpu.dma_semaphore, #tpu.memory_space<semaphore_mem>>) src(%dma_wait3A_175 : memref<400xf32, #tpu.memory_space<hbm>>) dst(%arg50 : memref<400xf32, #tpu.memory_space<vmem>>)
      %dma_wait3A_176 = tpu.memref_slice %arg21[%add3A_100] : memref<51200xf32, #tpu.memory_space<hbm>> -> memref<400xf32, #tpu.memory_space<hbm>>
      %dma_wait3A_177 = tpu.memref_slice %arg21[%add3A_100] : memref<51200xf32, #tpu.memory_space<hbm>> -> memref<400xf32, #tpu.memory_space<hbm>>
      tpu.wait_dma2 semaphore(%arg89 : memref<!tpu.dma_semaphore, #tpu.memory_space<semaphore_mem>>) src(%dma_wait3A_177 : memref<400xf32, #tpu.memory_space<hbm>>) dst(%arg51 : memref<400xf32, #tpu.memory_space<vmem>>)
      %dma_wait3A_178 = tpu.memref_slice %arg22[%add3A_100] : memref<51200xf32, #tpu.memory_space<hbm>> -> memref<400xf32, #tpu.memory_space<hbm>>
      %dma_wait3A_179 = tpu.memref_slice %arg22[%add3A_100] : memref<51200xf32, #tpu.memory_space<hbm>> -> memref<400xf32, #tpu.memory_space<hbm>>
      tpu.wait_dma2 semaphore(%arg89 : memref<!tpu.dma_semaphore, #tpu.memory_space<semaphore_mem>>) src(%dma_wait3A_179 : memref<400xf32, #tpu.memory_space<hbm>>) dst(%arg52 : memref<400xf32, #tpu.memory_space<vmem>>)
      %dma_wait3A_180 = tpu.memref_slice %arg23[%add3A_100] : memref<51200xf32, #tpu.memory_space<hbm>> -> memref<400xf32, #tpu.memory_space<hbm>>
      %dma_wait3A_181 = tpu.memref_slice %arg23[%add3A_100] : memref<51200xf32, #tpu.memory_space<hbm>> -> memref<400xf32, #tpu.memory_space<hbm>>
      tpu.wait_dma2 semaphore(%arg89 : memref<!tpu.dma_semaphore, #tpu.memory_space<semaphore_mem>>) src(%dma_wait3A_181 : memref<400xf32, #tpu.memory_space<hbm>>) dst(%arg53 : memref<400xf32, #tpu.memory_space<vmem>>)
      %dma_wait3A_182 = tpu.memref_slice %arg24[%add3A_100] : memref<51200xf32, #tpu.memory_space<hbm>> -> memref<400xf32, #tpu.memory_space<hbm>>
      %dma_wait3A_183 = tpu.memref_slice %arg24[%add3A_100] : memref<51200xf32, #tpu.memory_space<hbm>> -> memref<400xf32, #tpu.memory_space<hbm>>
      tpu.wait_dma2 semaphore(%arg89 : memref<!tpu.dma_semaphore, #tpu.memory_space<semaphore_mem>>) src(%dma_wait3A_183 : memref<400xf32, #tpu.memory_space<hbm>>) dst(%arg54 : memref<400xf32, #tpu.memory_space<vmem>>)
      %dma_wait3A_184 = tpu.memref_slice %arg25[%add3A_100] : memref<51200xf32, #tpu.memory_space<hbm>> -> memref<400xf32, #tpu.memory_space<hbm>>
      %dma_wait3A_185 = tpu.memref_slice %arg25[%add3A_100] : memref<51200xf32, #tpu.memory_space<hbm>> -> memref<400xf32, #tpu.memory_space<hbm>>
      tpu.wait_dma2 semaphore(%arg89 : memref<!tpu.dma_semaphore, #tpu.memory_space<semaphore_mem>>) src(%dma_wait3A_185 : memref<400xf32, #tpu.memory_space<hbm>>) dst(%arg55 : memref<400xf32, #tpu.memory_space<vmem>>)
      %dma_wait3A_186 = tpu.memref_slice %arg26[%add3A_100] : memref<51200xf32, #tpu.memory_space<hbm>> -> memref<400xf32, #tpu.memory_space<hbm>>
      %dma_wait3A_187 = tpu.memref_slice %arg26[%add3A_100] : memref<51200xf32, #tpu.memory_space<hbm>> -> memref<400xf32, #tpu.memory_space<hbm>>
      tpu.wait_dma2 semaphore(%arg89 : memref<!tpu.dma_semaphore, #tpu.memory_space<semaphore_mem>>) src(%dma_wait3A_187 : memref<400xf32, #tpu.memory_space<hbm>>) dst(%arg56 : memref<400xf32, #tpu.memory_space<vmem>>)
      %dma_wait3A_188 = tpu.memref_slice %arg10[%add3A_139] : memref<819200xf32, #tpu.memory_space<hbm>> -> memref<1600xf32, #tpu.memory_space<hbm>>
      %dma_wait3A_189 = tpu.memref_slice %arg10[%add3A_139] : memref<819200xf32, #tpu.memory_space<hbm>> -> memref<1600xf32, #tpu.memory_space<hbm>>
      tpu.wait_dma2 semaphore(%arg89 : memref<!tpu.dma_semaphore, #tpu.memory_space<semaphore_mem>>) src(%dma_wait3A_189 : memref<1600xf32, #tpu.memory_space<hbm>>) dst(%arg71 : memref<1600xf32, #tpu.memory_space<vmem>>)
      %dma_wait3A_190 = tpu.memref_slice %arg11[%add3A_139] : memref<819200xf32, #tpu.memory_space<hbm>> -> memref<1600xf32, #tpu.memory_space<hbm>>
      %dma_wait3A_191 = tpu.memref_slice %arg11[%add3A_139] : memref<819200xf32, #tpu.memory_space<hbm>> -> memref<1600xf32, #tpu.memory_space<hbm>>
      tpu.wait_dma2 semaphore(%arg89 : memref<!tpu.dma_semaphore, #tpu.memory_space<semaphore_mem>>) src(%dma_wait3A_191 : memref<1600xf32, #tpu.memory_space<hbm>>) dst(%arg73 : memref<1600xf32, #tpu.memory_space<vmem>>)
      %dma_wait3A_192 = tpu.memref_slice %arg10[%add3A_152] : memref<819200xf32, #tpu.memory_space<hbm>> -> memref<1600xf32, #tpu.memory_space<hbm>>
      %dma_wait3A_193 = tpu.memref_slice %arg10[%add3A_152] : memref<819200xf32, #tpu.memory_space<hbm>> -> memref<1600xf32, #tpu.memory_space<hbm>>
      tpu.wait_dma2 semaphore(%arg89 : memref<!tpu.dma_semaphore, #tpu.memory_space<semaphore_mem>>) src(%dma_wait3A_193 : memref<1600xf32, #tpu.memory_space<hbm>>) dst(%arg72 : memref<1600xf32, #tpu.memory_space<vmem>>)
      %dma_wait3A_194 = tpu.memref_slice %arg11[%add3A_152] : memref<819200xf32, #tpu.memory_space<hbm>> -> memref<1600xf32, #tpu.memory_space<hbm>>
      %dma_wait3A_195 = tpu.memref_slice %arg11[%add3A_152] : memref<819200xf32, #tpu.memory_space<hbm>> -> memref<1600xf32, #tpu.memory_space<hbm>>
      tpu.wait_dma2 semaphore(%arg89 : memref<!tpu.dma_semaphore, #tpu.memory_space<semaphore_mem>>) src(%dma_wait3A_195 : memref<1600xf32, #tpu.memory_space<hbm>>) dst(%arg74 : memref<1600xf32, #tpu.memory_space<vmem>>)
      %scan3A_196 = arith.constant 0 : i32
      %scan3A_197 = arith.constant 25 : i32
      %scan3A_198 = arith.addi %scan3A_196, %scan3A_197 : i32
      %scan3A_199 = arith.constant 1 : i32
      scf.for %scan3A_255 = %scan3A_196 to %scan3A_198 step %scan3A_199  : i32 {
        %mul3A_256 = arith.constant 1 : i32
        %mul3A_257 = arith.muli %scan3A_255, %mul3A_256 : i32
        %add3A_258 = arith.constant 0 : i32
        %add3A_259 = arith.addi %add3A_258, %mul3A_257 : i32
        %mul3A_260 = arith.constant 4 : i32
        %mul3A_261 = arith.muli %add3A_259, %mul3A_260 : i32
        %mul3A_262 = arith.constant 16 : i32
        %mul3A_263 = arith.muli %mul3A_261, %mul3A_262 : i32
        %add3A_264 = arith.constant 0 : i32
        %add3A_265 = arith.addi %mul3A_263, %add3A_264 : i32
        %get3A = arith.index_cast %add3A_265 : i32 to index
        %get3A_266 = tpu.vector_load %arg71[%get3A] {strides = array<i32>} : memref<1600xf32, #tpu.memory_space<vmem>>, vector<16xf32>,
        %get3A_267 = vector.shape_cast %get3A_266 : vector<16xf32> to vector<16xf32>
        %get3A_268 = arith.index_cast %add3A_265 : i32 to index
        %get3A_269 = tpu.vector_load %arg73[%get3A_268] {strides = array<i32>} : memref<1600xf32, #tpu.memory_space<vmem>>, vector<16xf32>,
        %get3A_270 = vector.shape_cast %get3A_269 : vector<16xf32> to vector<16xf32>
        %get3A_271 = arith.index_cast %add3A_265 : i32 to index
        %get3A_272 = tpu.vector_load %arg76[%get3A_271] {strides = array<i32>} : memref<1600xf32, #tpu.memory_space<vmem>>, vector<16xf32>,
        %get3A_273 = vector.shape_cast %get3A_272 : vector<16xf32> to vector<16xf32>
        %get3A_274 = arith.index_cast %add3A_265 : i32 to index
        %get3A_275 = tpu.vector_load %arg69[%get3A_274] {strides = array<i32>} : memref<1600xf32, #tpu.memory_space<vmem>>, vector<16xf32>,
        %get3A_276 = vector.shape_cast %get3A_275 : vector<16xf32> to vector<16xf32>
        %get3A_277 = arith.index_cast %add3A_265 : i32 to index
        %get3A_278 = tpu.vector_load %arg75[%get3A_277] {strides = array<i32>} : memref<1600xf32, #tpu.memory_space<vmem>>, vector<16xf32>,
        %get3A_279 = vector.shape_cast %get3A_278 : vector<16xf32> to vector<16xf32>
        %add3A_280 = arith.addf %get3A_276, %get3A_279 : vector<16xf32>
        %mul3A_281 = arith.mulf %get3A_273, %get3A_267 : vector<16xf32>
        %get3A_282 = arith.index_cast %add3A_265 : i32 to index
        %get3A_283 = tpu.vector_load %arg77[%get3A_282] {strides = array<i32>} : memref<1600xf32, #tpu.memory_space<vmem>>, vector<16xf32>,
        %get3A_284 = vector.shape_cast %get3A_283 : vector<16xf32> to vector<16xf32>
        %mul3A_285 = arith.mulf %add3A_280, %get3A_284 : vector<16xf32>
        %add3A_286 = arith.addf %mul3A_281, %mul3A_285 : vector<16xf32>
        %swap3A = arith.index_cast %add3A_265 : i32 to index
        %swap3A_287 = tpu.vector_load %arg71[%swap3A] {strides = array<i32>} : memref<1600xf32, #tpu.memory_space<vmem>>, vector<16xf32>,
        %swap3A_288 = vector.shape_cast %swap3A_287 : vector<16xf32> to vector<16xf32>
        %swap3A_289 = vector.shape_cast %add3A_286 : vector<16xf32> to vector<16xf32>
        tpu.vector_store %arg71[%swap3A], %swap3A_289 {strides = array<i32>} : memref<1600xf32, #tpu.memory_space<vmem>>, vector<16xf32>,
        %mul3A_290 = arith.mulf %get3A_270, %get3A_273 : vector<16xf32>
        %mul3A_291 = arith.mulf %get3A_273, %get3A_267 : vector<16xf32>
        %add3A_292 = arith.addf %mul3A_290, %mul3A_291 : vector<16xf32>
        %swap3A_293 = arith.index_cast %add3A_265 : i32 to index
        %swap3A_294 = tpu.vector_load %arg73[%swap3A_293] {strides = array<i32>} : memref<1600xf32, #tpu.memory_space<vmem>>, vector<16xf32>,
        %swap3A_295 = vector.shape_cast %swap3A_294 : vector<16xf32> to vector<16xf32>
        %swap3A_296 = vector.shape_cast %add3A_292 : vector<16xf32> to vector<16xf32>
        tpu.vector_store %arg73[%swap3A_293], %swap3A_296 {strides = array<i32>} : memref<1600xf32, #tpu.memory_space<vmem>>, vector<16xf32>,
        %add3A_297 = arith.constant 16 : i32
        %add3A_298 = arith.addi %mul3A_263, %add3A_297 : i32
        %get3A_299 = arith.index_cast %add3A_298 : i32 to index
        %get3A_300 = tpu.vector_load %arg71[%get3A_299] {strides = array<i32>} : memref<1600xf32, #tpu.memory_space<vmem>>, vector<16xf32>,
        %get3A_301 = vector.shape_cast %get3A_300 : vector<16xf32> to vector<16xf32>
        %get3A_302 = arith.index_cast %add3A_298 : i32 to index
        %get3A_303 = tpu.vector_load %arg73[%get3A_302] {strides = array<i32>} : memref<1600xf32, #tpu.memory_space<vmem>>, vector<16xf32>,
        %get3A_304 = vector.shape_cast %get3A_303 : vector<16xf32> to vector<16xf32>
        %get3A_305 = arith.index_cast %add3A_298 : i32 to index
        %get3A_306 = tpu.vector_load %arg76[%get3A_305] {strides = array<i32>} : memref<1600xf32, #tpu.memory_space<vmem>>, vector<16xf32>,
        %get3A_307 = vector.shape_cast %get3A_306 : vector<16xf32> to vector<16xf32>
        %get3A_308 = arith.index_cast %add3A_298 : i32 to index
        %get3A_309 = tpu.vector_load %arg69[%get3A_308] {strides = array<i32>} : memref<1600xf32, #tpu.memory_space<vmem>>, vector<16xf32>,
        %get3A_310 = vector.shape_cast %get3A_309 : vector<16xf32> to vector<16xf32>
        %get3A_311 = arith.index_cast %add3A_298 : i32 to index
        %get3A_312 = tpu.vector_load %arg75[%get3A_311] {strides = array<i32>} : memref<1600xf32, #tpu.memory_space<vmem>>, vector<16xf32>,
        %get3A_313 = vector.shape_cast %get3A_312 : vector<16xf32> to vector<16xf32>
        %add3A_314 = arith.addf %get3A_310, %get3A_313 : vector<16xf32>
        %mul3A_315 = arith.mulf %get3A_307, %get3A_301 : vector<16xf32>
        %get3A_316 = arith.index_cast %add3A_298 : i32 to index
        %get3A_317 = tpu.vector_load %arg77[%get3A_316] {strides = array<i32>} : memref<1600xf32, #tpu.memory_space<vmem>>, vector<16xf32>,
        %get3A_318 = vector.shape_cast %get3A_317 : vector<16xf32> to vector<16xf32>
        %mul3A_319 = arith.mulf %add3A_314, %get3A_318 : vector<16xf32>
        %add3A_320 = arith.addf %mul3A_315, %mul3A_319 : vector<16xf32>
        %swap3A_321 = arith.index_cast %add3A_298 : i32 to index
        %swap3A_322 = tpu.vector_load %arg71[%swap3A_321] {strides = array<i32>} : memref<1600xf32, #tpu.memory_space<vmem>>, vector<16xf32>,
        %swap3A_323 = vector.shape_cast %swap3A_322 : vector<16xf32> to vector<16xf32>
        %swap3A_324 = vector.shape_cast %add3A_320 : vector<16xf32> to vector<16xf32>
        tpu.vector_store %arg71[%swap3A_321], %swap3A_324 {strides = array<i32>} : memref<1600xf32, #tpu.memory_space<vmem>>, vector<16xf32>,
        %mul3A_325 = arith.mulf %get3A_304, %get3A_307 : vector<16xf32>
        %mul3A_326 = arith.mulf %get3A_307, %get3A_301 : vector<16xf32>
        %add3A_327 = arith.addf %mul3A_325, %mul3A_326 : vector<16xf32>
        %swap3A_328 = arith.index_cast %add3A_298 : i32 to index
        %swap3A_329 = tpu.vector_load %arg73[%swap3A_328] {strides = array<i32>} : memref<1600xf32, #tpu.memory_space<vmem>>, vector<16xf32>,
        %swap3A_330 = vector.shape_cast %swap3A_329 : vector<16xf32> to vector<16xf32>
        %swap3A_331 = vector.shape_cast %add3A_327 : vector<16xf32> to vector<16xf32>
        tpu.vector_store %arg73[%swap3A_328], %swap3A_331 {strides = array<i32>} : memref<1600xf32, #tpu.memory_space<vmem>>, vector<16xf32>,
        %add3A_332 = arith.constant 32 : i32
        %add3A_333 = arith.addi %mul3A_263, %add3A_332 : i32
        %get3A_334 = arith.index_cast %add3A_333 : i32 to index
        %get3A_335 = tpu.vector_load %arg71[%get3A_334] {strides = array<i32>} : memref<1600xf32, #tpu.memory_space<vmem>>, vector<16xf32>,
        %get3A_336 = vector.shape_cast %get3A_335 : vector<16xf32> to vector<16xf32>
        %get3A_337 = arith.index_cast %add3A_333 : i32 to index
        %get3A_338 = tpu.vector_load %arg73[%get3A_337] {strides = array<i32>} : memref<1600xf32, #tpu.memory_space<vmem>>, vector<16xf32>,
        %get3A_339 = vector.shape_cast %get3A_338 : vector<16xf32> to vector<16xf32>
        %get3A_340 = arith.index_cast %add3A_333 : i32 to index
        %get3A_341 = tpu.vector_load %arg76[%get3A_340] {strides = array<i32>} : memref<1600xf32, #tpu.memory_space<vmem>>, vector<16xf32>,
        %get3A_342 = vector.shape_cast %get3A_341 : vector<16xf32> to vector<16xf32>
        %get3A_343 = arith.index_cast %add3A_333 : i32 to index
        %get3A_344 = tpu.vector_load %arg69[%get3A_343] {strides = array<i32>} : memref<1600xf32, #tpu.memory_space<vmem>>, vector<16xf32>,
        %get3A_345 = vector.shape_cast %get3A_344 : vector<16xf32> to vector<16xf32>
        %get3A_346 = arith.index_cast %add3A_333 : i32 to index
        %get3A_347 = tpu.vector_load %arg75[%get3A_346] {strides = array<i32>} : memref<1600xf32, #tpu.memory_space<vmem>>, vector<16xf32>,
        %get3A_348 = vector.shape_cast %get3A_347 : vector<16xf32> to vector<16xf32>
        %add3A_349 = arith.addf %get3A_345, %get3A_348 : vector<16xf32>
        %mul3A_350 = arith.mulf %get3A_342, %get3A_336 : vector<16xf32>
        %get3A_351 = arith.index_cast %add3A_333 : i32 to index
        %get3A_352 = tpu.vector_load %arg77[%get3A_351] {strides = array<i32>} : memref<1600xf32, #tpu.memory_space<vmem>>, vector<16xf32>,
        %get3A_353 = vector.shape_cast %get3A_352 : vector<16xf32> to vector<16xf32>
        %mul3A_354 = arith.mulf %add3A_349, %get3A_353 : vector<16xf32>
        %add3A_355 = arith.addf %mul3A_350, %mul3A_354 : vector<16xf32>
        %swap3A_356 = arith.index_cast %add3A_333 : i32 to index
        %swap3A_357 = tpu.vector_load %arg71[%swap3A_356] {strides = array<i32>} : memref<1600xf32, #tpu.memory_space<vmem>>, vector<16xf32>,
        %swap3A_358 = vector.shape_cast %swap3A_357 : vector<16xf32> to vector<16xf32>
        %swap3A_359 = vector.shape_cast %add3A_355 : vector<16xf32> to vector<16xf32>
        tpu.vector_store %arg71[%swap3A_356], %swap3A_359 {strides = array<i32>} : memref<1600xf32, #tpu.memory_space<vmem>>, vector<16xf32>,
        %mul3A_360 = arith.mulf %get3A_339, %get3A_342 : vector<16xf32>
        %mul3A_361 = arith.mulf %get3A_342, %get3A_336 : vector<16xf32>
        %add3A_362 = arith.addf %mul3A_360, %mul3A_361 : vector<16xf32>
        %swap3A_363 = arith.index_cast %add3A_333 : i32 to index
        %swap3A_364 = tpu.vector_load %arg73[%swap3A_363] {strides = array<i32>} : memref<1600xf32, #tpu.memory_space<vmem>>, vector<16xf32>,
        %swap3A_365 = vector.shape_cast %swap3A_364 : vector<16xf32> to vector<16xf32>
        %swap3A_366 = vector.shape_cast %add3A_362 : vector<16xf32> to vector<16xf32>
        tpu.vector_store %arg73[%swap3A_363], %swap3A_366 {strides = array<i32>} : memref<1600xf32, #tpu.memory_space<vmem>>, vector<16xf32>,
        %add3A_367 = arith.constant 48 : i32
        %add3A_368 = arith.addi %mul3A_263, %add3A_367 : i32
        %get3A_369 = arith.index_cast %add3A_368 : i32 to index
        %get3A_370 = tpu.vector_load %arg71[%get3A_369] {strides = array<i32>} : memref<1600xf32, #tpu.memory_space<vmem>>, vector<16xf32>,
        %get3A_371 = vector.shape_cast %get3A_370 : vector<16xf32> to vector<16xf32>
        %get3A_372 = arith.index_cast %add3A_368 : i32 to index
        %get3A_373 = tpu.vector_load %arg73[%get3A_372] {strides = array<i32>} : memref<1600xf32, #tpu.memory_space<vmem>>, vector<16xf32>,
        %get3A_374 = vector.shape_cast %get3A_373 : vector<16xf32> to vector<16xf32>
        %get3A_375 = arith.index_cast %add3A_368 : i32 to index
        %get3A_376 = tpu.vector_load %arg76[%get3A_375] {strides = array<i32>} : memref<1600xf32, #tpu.memory_space<vmem>>, vector<16xf32>,
        %get3A_377 = vector.shape_cast %get3A_376 : vector<16xf32> to vector<16xf32>
        %get3A_378 = arith.index_cast %add3A_368 : i32 to index
        %get3A_379 = tpu.vector_load %arg69[%get3A_378] {strides = array<i32>} : memref<1600xf32, #tpu.memory_space<vmem>>, vector<16xf32>,
        %get3A_380 = vector.shape_cast %get3A_379 : vector<16xf32> to vector<16xf32>
        %get3A_381 = arith.index_cast %add3A_368 : i32 to index
        %get3A_382 = tpu.vector_load %arg75[%get3A_381] {strides = array<i32>} : memref<1600xf32, #tpu.memory_space<vmem>>, vector<16xf32>,
        %get3A_383 = vector.shape_cast %get3A_382 : vector<16xf32> to vector<16xf32>
        %add3A_384 = arith.addf %get3A_380, %get3A_383 : vector<16xf32>
        %mul3A_385 = arith.mulf %get3A_377, %get3A_371 : vector<16xf32>
        %get3A_386 = arith.index_cast %add3A_368 : i32 to index
        %get3A_387 = tpu.vector_load %arg77[%get3A_386] {strides = array<i32>} : memref<1600xf32, #tpu.memory_space<vmem>>, vector<16xf32>,
        %get3A_388 = vector.shape_cast %get3A_387 : vector<16xf32> to vector<16xf32>
        %mul3A_389 = arith.mulf %add3A_384, %get3A_388 : vector<16xf32>
        %add3A_390 = arith.addf %mul3A_385, %mul3A_389 : vector<16xf32>
        %swap3A_391 = arith.index_cast %add3A_368 : i32 to index
        %swap3A_392 = tpu.vector_load %arg71[%swap3A_391] {strides = array<i32>} : memref<1600xf32, #tpu.memory_space<vmem>>, vector<16xf32>,
        %swap3A_393 = vector.shape_cast %swap3A_392 : vector<16xf32> to vector<16xf32>
        %swap3A_394 = vector.shape_cast %add3A_390 : vector<16xf32> to vector<16xf32>
        tpu.vector_store %arg71[%swap3A_391], %swap3A_394 {strides = array<i32>} : memref<1600xf32, #tpu.memory_space<vmem>>, vector<16xf32>,
        %mul3A_395 = arith.mulf %get3A_374, %get3A_377 : vector<16xf32>
        %mul3A_396 = arith.mulf %get3A_377, %get3A_371 : vector<16xf32>
        %add3A_397 = arith.addf %mul3A_395, %mul3A_396 : vector<16xf32>
        %swap3A_398 = arith.index_cast %add3A_368 : i32 to index
        %swap3A_399 = tpu.vector_load %arg73[%swap3A_398] {strides = array<i32>} : memref<1600xf32, #tpu.memory_space<vmem>>, vector<16xf32>,
        %swap3A_400 = vector.shape_cast %swap3A_399 : vector<16xf32> to vector<16xf32>
        %swap3A_401 = vector.shape_cast %add3A_397 : vector<16xf32> to vector<16xf32>
        tpu.vector_store %arg73[%swap3A_398], %swap3A_401 {strides = array<i32>} : memref<1600xf32, #tpu.memory_space<vmem>>, vector<16xf32>,
        %add3A_402 = arith.constant 0 : i32
        %add3A_403 = arith.addi %mul3A_263, %add3A_402 : i32
        %get3A_404 = arith.index_cast %add3A_403 : i32 to index
        %get3A_405 = tpu.vector_load %arg73[%get3A_404] {strides = array<i32>} : memref<1600xf32, #tpu.memory_space<vmem>>, vector<16xf32>,
        %get3A_406 = vector.shape_cast %get3A_405 : vector<16xf32> to vector<16xf32>
        %xor3A = arith.constant 1 : i32
        %xor3A_407 = vector.broadcast %xor3A : i32 to vector<16xi32>
        %xor3A_408 = arith.xori %iota3A, %xor3A_407 : vector<16xi32>
        %broadcast_in_dim3A = vector.shape_cast %xor3A_408 : vector<16xi32> to vector<16x1xi32>
        %gather3A = vector.shape_cast %broadcast_in_dim3A : vector<16x1xi32> to vector<16xi32>
        %gather3A_409 = tpu.dynamic_gather %get3A_406[%gather3A] in [0] : vector<16xf32>, vector<16xi32> -> vector<16xf32>
        %add3A_410 = arith.addf %get3A_406, %gather3A_409 : vector<16xf32>
        %xor3A_411 = arith.constant 2 : i32
        %xor3A_412 = vector.broadcast %xor3A_411 : i32 to vector<16xi32>
        %xor3A_413 = arith.xori %iota3A, %xor3A_412 : vector<16xi32>
        %broadcast_in_dim3A_414 = vector.shape_cast %xor3A_413 : vector<16xi32> to vector<16x1xi32>
        %gather3A_415 = vector.shape_cast %broadcast_in_dim3A_414 : vector<16x1xi32> to vector<16xi32>
        %gather3A_416 = tpu.dynamic_gather %add3A_410[%gather3A_415] in [0] : vector<16xf32>, vector<16xi32> -> vector<16xf32>
        %add3A_417 = arith.addf %add3A_410, %gather3A_416 : vector<16xf32>
        %and3A = arith.constant 3 : i32
        %and3A_418 = vector.broadcast %and3A : i32 to vector<16xi32>
        %and3A_419 = arith.andi %iota3A, %and3A_418 : vector<16xi32>
        %mul3A_420 = arith.constant 4 : i32
        %mul3A_421 = vector.broadcast %mul3A_420 : i32 to vector<16xi32>
        %mul3A_422 = arith.muli %and3A_419, %mul3A_421 : vector<16xi32>
        %broadcast_in_dim3A_423 = vector.shape_cast %mul3A_422 : vector<16xi32> to vector<16x1xi32>
        %gather3A_424 = vector.shape_cast %broadcast_in_dim3A_423 : vector<16x1xi32> to vector<16xi32>
        %gather3A_425 = tpu.dynamic_gather %add3A_417[%gather3A_424] in [0] : vector<16xf32>, vector<16xi32> -> vector<16xf32>
        %add3A_426 = arith.constant 16 : i32
        %add3A_427 = arith.addi %mul3A_263, %add3A_426 : i32
        %get3A_428 = arith.index_cast %add3A_427 : i32 to index
        %get3A_429 = tpu.vector_load %arg73[%get3A_428] {strides = array<i32>} : memref<1600xf32, #tpu.memory_space<vmem>>, vector<16xf32>,
        %get3A_430 = vector.shape_cast %get3A_429 : vector<16xf32> to vector<16xf32>
        %xor3A_431 = arith.constant 1 : i32
        %xor3A_432 = vector.broadcast %xor3A_431 : i32 to vector<16xi32>
        %xor3A_433 = arith.xori %iota3A, %xor3A_432 : vector<16xi32>
        %broadcast_in_dim3A_434 = vector.shape_cast %xor3A_433 : vector<16xi32> to vector<16x1xi32>
        %gather3A_435 = vector.shape_cast %broadcast_in_dim3A_434 : vector<16x1xi32> to vector<16xi32>
        %gather3A_436 = tpu.dynamic_gather %get3A_430[%gather3A_435] in [0] : vector<16xf32>, vector<16xi32> -> vector<16xf32>
        %add3A_437 = arith.addf %get3A_430, %gather3A_436 : vector<16xf32>
        %xor3A_438 = arith.constant 2 : i32
        %xor3A_439 = vector.broadcast %xor3A_438 : i32 to vector<16xi32>
        %xor3A_440 = arith.xori %iota3A, %xor3A_439 : vector<16xi32>
        %broadcast_in_dim3A_441 = vector.shape_cast %xor3A_440 : vector<16xi32> to vector<16x1xi32>
        %gather3A_442 = vector.shape_cast %broadcast_in_dim3A_441 : vector<16x1xi32> to vector<16xi32>
        %gather3A_443 = tpu.dynamic_gather %add3A_437[%gather3A_442] in [0] : vector<16xf32>, vector<16xi32> -> vector<16xf32>
        %add3A_444 = arith.addf %add3A_437, %gather3A_443 : vector<16xf32>
        %and3A_445 = arith.constant 3 : i32
        %and3A_446 = vector.broadcast %and3A_445 : i32 to vector<16xi32>
        %and3A_447 = arith.andi %iota3A, %and3A_446 : vector<16xi32>
        %mul3A_448 = arith.constant 4 : i32
        %mul3A_449 = vector.broadcast %mul3A_448 : i32 to vector<16xi32>
        %mul3A_450 = arith.muli %and3A_447, %mul3A_449 : vector<16xi32>
        %broadcast_in_dim3A_451 = vector.shape_cast %mul3A_450 : vector<16xi32> to vector<16x1xi32>
        %gather3A_452 = vector.shape_cast %broadcast_in_dim3A_451 : vector<16x1xi32> to vector<16xi32>
        %gather3A_453 = tpu.dynamic_gather %add3A_444[%gather3A_452] in [0] : vector<16xf32>, vector<16xi32> -> vector<16xf32>
        %add3A_454 = arith.constant 32 : i32
        %add3A_455 = arith.addi %mul3A_263, %add3A_454 : i32
        %get3A_456 = arith.index_cast %add3A_455 : i32 to index
        %get3A_457 = tpu.vector_load %arg73[%get3A_456] {strides = array<i32>} : memref<1600xf32, #tpu.memory_space<vmem>>, vector<16xf32>,
        %get3A_458 = vector.shape_cast %get3A_457 : vector<16xf32> to vector<16xf32>
        %xor3A_459 = arith.constant 1 : i32
        %xor3A_460 = vector.broadcast %xor3A_459 : i32 to vector<16xi32>
        %xor3A_461 = arith.xori %iota3A, %xor3A_460 : vector<16xi32>
        %broadcast_in_dim3A_462 = vector.shape_cast %xor3A_461 : vector<16xi32> to vector<16x1xi32>
        %gather3A_463 = vector.shape_cast %broadcast_in_dim3A_462 : vector<16x1xi32> to vector<16xi32>
        %gather3A_464 = tpu.dynamic_gather %get3A_458[%gather3A_463] in [0] : vector<16xf32>, vector<16xi32> -> vector<16xf32>
        %add3A_465 = arith.addf %get3A_458, %gather3A_464 : vector<16xf32>
        %xor3A_466 = arith.constant 2 : i32
        %xor3A_467 = vector.broadcast %xor3A_466 : i32 to vector<16xi32>
        %xor3A_468 = arith.xori %iota3A, %xor3A_467 : vector<16xi32>
        %broadcast_in_dim3A_469 = vector.shape_cast %xor3A_468 : vector<16xi32> to vector<16x1xi32>
        %gather3A_470 = vector.shape_cast %broadcast_in_dim3A_469 : vector<16x1xi32> to vector<16xi32>
        %gather3A_471 = tpu.dynamic_gather %add3A_465[%gather3A_470] in [0] : vector<16xf32>, vector<16xi32> -> vector<16xf32>
        %add3A_472 = arith.addf %add3A_465, %gather3A_471 : vector<16xf32>
        %and3A_473 = arith.constant 3 : i32
        %and3A_474 = vector.broadcast %and3A_473 : i32 to vector<16xi32>
        %and3A_475 = arith.andi %iota3A, %and3A_474 : vector<16xi32>
        %mul3A_476 = arith.constant 4 : i32
        %mul3A_477 = vector.broadcast %mul3A_476 : i32 to vector<16xi32>
        %mul3A_478 = arith.muli %and3A_475, %mul3A_477 : vector<16xi32>
        %broadcast_in_dim3A_479 = vector.shape_cast %mul3A_478 : vector<16xi32> to vector<16x1xi32>
        %gather3A_480 = vector.shape_cast %broadcast_in_dim3A_479 : vector<16x1xi32> to vector<16xi32>
        %gather3A_481 = tpu.dynamic_gather %add3A_472[%gather3A_480] in [0] : vector<16xf32>, vector<16xi32> -> vector<16xf32>
        %add3A_482 = arith.constant 48 : i32
        %add3A_483 = arith.addi %mul3A_263, %add3A_482 : i32
        %get3A_484 = arith.index_cast %add3A_483 : i32 to index
        %get3A_485 = tpu.vector_load %arg73[%get3A_484] {strides = array<i32>} : memref<1600xf32, #tpu.memory_space<vmem>>, vector<16xf32>,
        %get3A_486 = vector.shape_cast %get3A_485 : vector<16xf32> to vector<16xf32>
        %xor3A_487 = arith.constant 1 : i32
        %xor3A_488 = vector.broadcast %xor3A_487 : i32 to vector<16xi32>
        %xor3A_489 = arith.xori %iota3A, %xor3A_488 : vector<16xi32>
        %broadcast_in_dim3A_490 = vector.shape_cast %xor3A_489 : vector<16xi32> to vector<16x1xi32>
        %gather3A_491 = vector.shape_cast %broadcast_in_dim3A_490 : vector<16x1xi32> to vector<16xi32>
        %gather3A_492 = tpu.dynamic_gather %get3A_486[%gather3A_491] in [0] : vector<16xf32>, vector<16xi32> -> vector<16xf32>
        %add3A_493 = arith.addf %get3A_486, %gather3A_492 : vector<16xf32>
        %xor3A_494 = arith.constant 2 : i32
        %xor3A_495 = vector.broadcast %xor3A_494 : i32 to vector<16xi32>
        %xor3A_496 = arith.xori %iota3A, %xor3A_495 : vector<16xi32>
        %broadcast_in_dim3A_497 = vector.shape_cast %xor3A_496 : vector<16xi32> to vector<16x1xi32>
        %gather3A_498 = vector.shape_cast %broadcast_in_dim3A_497 : vector<16x1xi32> to vector<16xi32>
        %gather3A_499 = tpu.dynamic_gather %add3A_493[%gather3A_498] in [0] : vector<16xf32>, vector<16xi32> -> vector<16xf32>
        %add3A_500 = arith.addf %add3A_493, %gather3A_499 : vector<16xf32>
        %and3A_501 = arith.constant 3 : i32
        %and3A_502 = vector.broadcast %and3A_501 : i32 to vector<16xi32>
        %and3A_503 = arith.andi %iota3A, %and3A_502 : vector<16xi32>
        %mul3A_504 = arith.constant 4 : i32
        %mul3A_505 = vector.broadcast %mul3A_504 : i32 to vector<16xi32>
        %mul3A_506 = arith.muli %and3A_503, %mul3A_505 : vector<16xi32>
        %broadcast_in_dim3A_507 = vector.shape_cast %mul3A_506 : vector<16xi32> to vector<16x1xi32>
        %gather3A_508 = vector.shape_cast %broadcast_in_dim3A_507 : vector<16x1xi32> to vector<16xi32>
        %gather3A_509 = tpu.dynamic_gather %add3A_500[%gather3A_508] in [0] : vector<16xf32>, vector<16xi32> -> vector<16xf32>
        %shift_right_arithmetic3A = arith.constant 2 : i32
        %shift_right_arithmetic3A_510 = vector.broadcast %shift_right_arithmetic3A : i32 to vector<16xi32>
        %shift_right_arithmetic3A_511 = arith.shrsi %iota3A, %shift_right_arithmetic3A_510 : vector<16xi32>
        %eq3A = arith.constant 0 : i32
        %eq3A_512 = vector.broadcast %eq3A : i32 to vector<16xi32>
        %eq3A_513 = arith.cmpi eq, %shift_right_arithmetic3A_511, %eq3A_512 : vector<16xi32>
        %eq3A_514 = arith.constant 1 : i32
        %eq3A_515 = vector.broadcast %eq3A_514 : i32 to vector<16xi32>
        %eq3A_516 = arith.cmpi eq, %shift_right_arithmetic3A_511, %eq3A_515 : vector<16xi32>
        %eq3A_517 = arith.constant 2 : i32
        %eq3A_518 = vector.broadcast %eq3A_517 : i32 to vector<16xi32>
        %eq3A_519 = arith.cmpi eq, %shift_right_arithmetic3A_511, %eq3A_518 : vector<16xi32>
        %select_n3A = arith.select %eq3A_519, %gather3A_481, %gather3A_509 : vector<16xi1>, vector<16xf32>
        %select_n3A_520 = arith.select %eq3A_516, %gather3A_453, %select_n3A : vector<16xi1>, vector<16xf32>
        %select_n3A_521 = arith.select %eq3A_513, %gather3A_425, %select_n3A_520 : vector<16xi1>, vector<16xf32>
        %mul3A_522 = arith.constant 16 : i32
        %mul3A_523 = arith.muli %add3A_259, %mul3A_522 : i32
        %mul3A_524 = arith.constant 400 : i32
        %mul3A_525 = arith.muli %add3A_95, %mul3A_524 : i32
        %mul3A_526 = arith.constant 16 : i32
        %mul3A_527 = arith.muli %add3A_259, %mul3A_526 : i32
        %add3A_528 = arith.addi %mul3A_525, %mul3A_527 : i32
        %get3A_529 = arith.index_cast %mul3A_523 : i32 to index
        %get3A_530 = tpu.vector_load %arg78[%get3A_529] {strides = array<i32>} : memref<400xf32, #tpu.memory_space<vmem>>, vector<16xf32>,
        %get3A_531 = vector.shape_cast %get3A_530 : vector<16xf32> to vector<16xf32>
        %ge3A = arith.constant 2.000000e+00 : f32
        %ge3A_532 = vector.broadcast %ge3A : f32 to vector<16xf32>
        %ge3A_533 = arith.cmpf oge, %get3A_531, %ge3A_532 : vector<16xf32>
        %jit3A = arith.constant 1.000000e+00 : f32
        %jit3A_534 = arith.constant 0.000000e+00 : f32
        %broadcast_in_dim3A_535 = vector.broadcast %jit3A : f32 to vector<16xf32>
        %broadcast_in_dim3A_536 = vector.broadcast %jit3A_534 : f32 to vector<16xf32>
        %select_n3A_537 = arith.select %ge3A_533, %broadcast_in_dim3A_535, %broadcast_in_dim3A_536 : vector<16xi1>, vector<16xf32>
        %mul3A_538 = arith.constant 2.000000e+00 : f32
        %mul3A_539 = vector.broadcast %mul3A_538 : f32 to vector<16xf32>
        %mul3A_540 = arith.mulf %mul3A_539, %select_n3A_537 : vector<16xf32>
        %sub3A = arith.subf %get3A_531, %mul3A_540 : vector<16xf32>
        %get3A_541 = arith.index_cast %add3A_528 : i32 to index
        %get3A_542 = tpu.vector_load %arg38[%get3A_541] {strides = array<i32>} : memref<3200xf32, #tpu.memory_space<vmem>>, vector<16xf32>,
        %get3A_543 = vector.shape_cast %get3A_542 : vector<16xf32> to vector<16xf32>
        %get3A_544 = arith.index_cast %add3A_528 : i32 to index
        %get3A_545 = tpu.vector_load %arg40[%get3A_544] {strides = array<i32>} : memref<3200xf32, #tpu.memory_space<vmem>>, vector<16xf32>,
        %get3A_546 = vector.shape_cast %get3A_545 : vector<16xf32> to vector<16xf32>
        %get3A_547 = arith.index_cast %add3A_528 : i32 to index
        %get3A_548 = tpu.vector_load %arg42[%get3A_547] {strides = array<i32>} : memref<3200xf32, #tpu.memory_space<vmem>>, vector<16xf32>,
        %get3A_549 = vector.shape_cast %get3A_548 : vector<16xf32> to vector<16xf32>
        %get3A_550 = arith.index_cast %add3A_528 : i32 to index
        %get3A_551 = tpu.vector_load %arg44[%get3A_550] {strides = array<i32>} : memref<3200xf32, #tpu.memory_space<vmem>>, vector<16xf32>,
        %get3A_552 = vector.shape_cast %get3A_551 : vector<16xf32> to vector<16xf32>
        %get3A_553 = arith.index_cast %mul3A_523 : i32 to index
        %get3A_554 = tpu.vector_load %arg46[%get3A_553] {strides = array<i32>} : memref<400xf32, #tpu.memory_space<vmem>>, vector<16xf32>,
        %get3A_555 = vector.shape_cast %get3A_554 : vector<16xf32> to vector<16xf32>
        %get3A_556 = arith.index_cast %mul3A_523 : i32 to index
        %get3A_557 = tpu.vector_load %arg47[%get3A_556] {strides = array<i32>} : memref<400xf32, #tpu.memory_space<vmem>>, vector<16xf32>,
        %get3A_558 = vector.shape_cast %get3A_557 : vector<16xf32> to vector<16xf32>
        %get3A_559 = arith.index_cast %mul3A_523 : i32 to index
        %get3A_560 = tpu.vector_load %arg50[%get3A_559] {strides = array<i32>} : memref<400xf32, #tpu.memory_space<vmem>>, vector<16xf32>,
        %get3A_561 = vector.shape_cast %get3A_560 : vector<16xf32> to vector<16xf32>
        %mul3A_562 = arith.mulf %sub3A, %get3A_561 : vector<16xf32>
        %add3A_563 = arith.addf %get3A_546, %mul3A_562 : vector<16xf32>
        %sub3A_564 = arith.constant 1.000000e+00 : f32
        %sub3A_565 = vector.broadcast %sub3A_564 : f32 to vector<16xf32>
        %sub3A_566 = arith.subf %add3A_563, %sub3A_565 : vector<16xf32>
        %max3A = arith.constant 0.000000e+00 : f32
        %max3A_567 = vector.broadcast %max3A : f32 to vector<16xf32>
        %max3A_568 = arith.maximumf %sub3A_566, %max3A_567 : vector<16xf32>
        %get3A_569 = arith.index_cast %mul3A_523 : i32 to index
        %get3A_570 = tpu.vector_load %arg51[%get3A_569] {strides = array<i32>} : memref<400xf32, #tpu.memory_space<vmem>>, vector<16xf32>,
        %get3A_571 = vector.shape_cast %get3A_570 : vector<16xf32> to vector<16xf32>
        %mul3A_572 = arith.mulf %get3A_571, %get3A_549 : vector<16xf32>
        %get3A_573 = arith.index_cast %mul3A_523 : i32 to index
        %get3A_574 = tpu.vector_load %arg53[%get3A_573] {strides = array<i32>} : memref<400xf32, #tpu.memory_space<vmem>>, vector<16xf32>,
        %get3A_575 = vector.shape_cast %get3A_574 : vector<16xf32> to vector<16xf32>
        %mul3A_576 = arith.mulf %sub3A, %get3A_575 : vector<16xf32>
        %add3A_577 = arith.addf %mul3A_572, %mul3A_576 : vector<16xf32>
        %get3A_578 = arith.index_cast %mul3A_523 : i32 to index
        %get3A_579 = tpu.vector_load %arg52[%get3A_578] {strides = array<i32>} : memref<400xf32, #tpu.memory_space<vmem>>, vector<16xf32>,
        %get3A_580 = vector.shape_cast %get3A_579 : vector<16xf32> to vector<16xf32>
        %mul3A_581 = arith.mulf %get3A_580, %get3A_552 : vector<16xf32>
        %get3A_582 = arith.index_cast %mul3A_523 : i32 to index
        %get3A_583 = tpu.vector_load %arg54[%get3A_582] {strides = array<i32>} : memref<400xf32, #tpu.memory_space<vmem>>, vector<16xf32>,
        %get3A_584 = vector.shape_cast %get3A_583 : vector<16xf32> to vector<16xf32>
        %mul3A_585 = arith.mulf %sub3A, %get3A_584 : vector<16xf32>
        %add3A_586 = arith.addf %mul3A_581, %mul3A_585 : vector<16xf32>
        %add3A_587 = arith.addf %select_n3A_521, %add3A_577 : vector<16xf32>
        %add3A_588 = arith.addf %add3A_587, %add3A_586 : vector<16xf32>
        %get3A_589 = arith.index_cast %mul3A_523 : i32 to index
        %get3A_590 = tpu.vector_load %arg49[%get3A_589] {strides = array<i32>} : memref<400xf32, #tpu.memory_space<vmem>>, vector<16xf32>,
        %get3A_591 = vector.shape_cast %get3A_590 : vector<16xf32> to vector<16xf32>
        %mul3A_592 = arith.mulf %get3A_591, %get3A_558 : vector<16xf32>
        %add3A_593 = arith.addf %add3A_588, %mul3A_592 : vector<16xf32>
        %get3A_594 = arith.index_cast %mul3A_523 : i32 to index
        %get3A_595 = tpu.vector_load %arg55[%get3A_594] {strides = array<i32>} : memref<400xf32, #tpu.memory_space<vmem>>, vector<16xf32>,
        %get3A_596 = vector.shape_cast %get3A_595 : vector<16xf32> to vector<16xf32>
        %mul3A_597 = arith.mulf %get3A_596, %get3A_543 : vector<16xf32>
        %get3A_598 = arith.index_cast %mul3A_523 : i32 to index
        %get3A_599 = tpu.vector_load %arg56[%get3A_598] {strides = array<i32>} : memref<400xf32, #tpu.memory_space<vmem>>, vector<16xf32>,
        %get3A_600 = vector.shape_cast %get3A_599 : vector<16xf32> to vector<16xf32>
        %mul3A_601 = arith.mulf %get3A_600, %add3A_593 : vector<16xf32>
        %add3A_602 = arith.addf %mul3A_597, %mul3A_601 : vector<16xf32>
        %get3A_603 = arith.index_cast %mul3A_523 : i32 to index
        %get3A_604 = tpu.vector_load %arg48[%get3A_603] {strides = array<i32>} : memref<400xf32, #tpu.memory_space<vmem>>, vector<16xf32>,
        %get3A_605 = vector.shape_cast %get3A_604 : vector<16xf32> to vector<16xf32>
        %sub3A_606 = arith.subf %get3A_605, %get3A_555 : vector<16xf32>
        %mul3A_607 = arith.mulf %sub3A, %sub3A_606 : vector<16xf32>
        %add3A_608 = arith.addf %add3A_602, %mul3A_607 : vector<16xf32>
        %sub3A_609 = arith.subf %add3A_608, %get3A_555 : vector<16xf32>
        %sub3A_610 = arith.subf %get3A_555, %get3A_558 : vector<16xf32>
        %div3A = arith.divf %sub3A_609, %sub3A_610 : vector<16xf32>
        %gt3A = arith.constant 0.000000e+00 : f32
        %gt3A_611 = vector.broadcast %gt3A : f32 to vector<16xf32>
        %gt3A_612 = arith.cmpf ogt, %div3A, %gt3A_611 : vector<16xf32>
        %jit3A_613 = arith.constant 1.000000e+00 : f32
        %jit3A_614 = arith.constant 0.000000e+00 : f32
        %broadcast_in_dim3A_615 = vector.broadcast %jit3A_613 : f32 to vector<16xf32>
        %broadcast_in_dim3A_616 = vector.broadcast %jit3A_614 : f32 to vector<16xf32>
        %select_n3A_617 = arith.select %gt3A_612, %broadcast_in_dim3A_615, %broadcast_in_dim3A_616 : vector<16xi1>, vector<16xf32>
        %gt3A_618 = arith.constant 0.000000e+00 : f32
        %gt3A_619 = vector.broadcast %gt3A_618 : f32 to vector<16xf32>
        %gt3A_620 = arith.cmpf ogt, %max3A_568, %gt3A_619 : vector<16xf32>
        %jit3A_621 = arith.constant 0.000000e+00 : f32
        %broadcast_in_dim3A_622 = vector.broadcast %jit3A_621 : f32 to vector<16xf32>
        %select_n3A_623 = arith.select %gt3A_620, %broadcast_in_dim3A_622, %select_n3A_617 : vector<16xi1>, vector<16xf32>
        %swap3A_624 = arith.index_cast %add3A_528 : i32 to index
        %swap3A_625 = tpu.vector_load %arg38[%swap3A_624] {strides = array<i32>} : memref<3200xf32, #tpu.memory_space<vmem>>, vector<16xf32>,
        %swap3A_626 = vector.shape_cast %swap3A_625 : vector<16xf32> to vector<16xf32>
        %swap3A_627 = vector.shape_cast %add3A_608 : vector<16xf32> to vector<16xf32>
        tpu.vector_store %arg38[%swap3A_624], %swap3A_627 {strides = array<i32>} : memref<3200xf32, #tpu.memory_space<vmem>>, vector<16xf32>,
        %swap3A_628 = arith.index_cast %add3A_528 : i32 to index
        %swap3A_629 = tpu.vector_load %arg40[%swap3A_628] {strides = array<i32>} : memref<3200xf32, #tpu.memory_space<vmem>>, vector<16xf32>,
        %swap3A_630 = vector.shape_cast %swap3A_629 : vector<16xf32> to vector<16xf32>
        %swap3A_631 = vector.shape_cast %max3A_568 : vector<16xf32> to vector<16xf32>
        tpu.vector_store %arg40[%swap3A_628], %swap3A_631 {strides = array<i32>} : memref<3200xf32, #tpu.memory_space<vmem>>, vector<16xf32>,
        %swap3A_632 = arith.index_cast %add3A_528 : i32 to index
        %swap3A_633 = tpu.vector_load %arg42[%swap3A_632] {strides = array<i32>} : memref<3200xf32, #tpu.memory_space<vmem>>, vector<16xf32>,
        %swap3A_634 = vector.shape_cast %swap3A_633 : vector<16xf32> to vector<16xf32>
        %swap3A_635 = vector.shape_cast %add3A_577 : vector<16xf32> to vector<16xf32>
        tpu.vector_store %arg42[%swap3A_632], %swap3A_635 {strides = array<i32>} : memref<3200xf32, #tpu.memory_space<vmem>>, vector<16xf32>,
        %swap3A_636 = arith.index_cast %add3A_528 : i32 to index
        %swap3A_637 = tpu.vector_load %arg44[%swap3A_636] {strides = array<i32>} : memref<3200xf32, #tpu.memory_space<vmem>>, vector<16xf32>,
        %swap3A_638 = vector.shape_cast %swap3A_637 : vector<16xf32> to vector<16xf32>
        %swap3A_639 = vector.shape_cast %add3A_586 : vector<16xf32> to vector<16xf32>
        tpu.vector_store %arg44[%swap3A_636], %swap3A_639 {strides = array<i32>} : memref<3200xf32, #tpu.memory_space<vmem>>, vector<16xf32>,
        %swap3A_640 = arith.index_cast %mul3A_523 : i32 to index
        %swap3A_641 = tpu.vector_load %arg79[%swap3A_640] {strides = array<i32>} : memref<400xf32, #tpu.memory_space<vmem>>, vector<16xf32>,
        %swap3A_642 = vector.shape_cast %swap3A_641 : vector<16xf32> to vector<16xf32>
        %swap3A_643 = vector.shape_cast %select_n3A_623 : vector<16xf32> to vector<16xf32>
        tpu.vector_store %arg79[%swap3A_640], %swap3A_643 {strides = array<i32>} : memref<400xf32, #tpu.memory_space<vmem>>, vector<16xf32>,
      }
      %scan3A_200 = arith.constant 25 : i32
      %scan3A_201 = arith.constant 0 : i32
      %scan3A_202 = arith.constant 25 : i32
      %scan3A_203 = arith.addi %scan3A_201, %scan3A_202 : i32
      %scan3A_204 = arith.constant 1 : i32
      scf.for %scan3A_255 = %scan3A_201 to %scan3A_203 step %scan3A_204  : i32 {
        %mul3A_256 = arith.constant 1 : i32
        %mul3A_257 = arith.muli %scan3A_255, %mul3A_256 : i32
        %add3A_258 = arith.constant 0 : i32
        %add3A_259 = arith.addi %add3A_258, %mul3A_257 : i32
        %mul3A_260 = arith.constant 4 : i32
        %mul3A_261 = arith.muli %add3A_259, %mul3A_260 : i32
        %mul3A_262 = arith.constant 16 : i32
        %mul3A_263 = arith.muli %mul3A_261, %mul3A_262 : i32
        %add3A_264 = arith.constant 0 : i32
        %add3A_265 = arith.addi %mul3A_263, %add3A_264 : i32
        %get3A = arith.index_cast %add3A_265 : i32 to index
        %get3A_266 = tpu.vector_load %arg72[%get3A] {strides = array<i32>} : memref<1600xf32, #tpu.memory_space<vmem>>, vector<16xf32>,
        %get3A_267 = vector.shape_cast %get3A_266 : vector<16xf32> to vector<16xf32>
        %get3A_268 = arith.index_cast %add3A_265 : i32 to index
        %get3A_269 = tpu.vector_load %arg74[%get3A_268] {strides = array<i32>} : memref<1600xf32, #tpu.memory_space<vmem>>, vector<16xf32>,
        %get3A_270 = vector.shape_cast %get3A_269 : vector<16xf32> to vector<16xf32>
        %get3A_271 = arith.index_cast %add3A_265 : i32 to index
        %get3A_272 = tpu.vector_load %arg76[%get3A_271] {strides = array<i32>} : memref<1600xf32, #tpu.memory_space<vmem>>, vector<16xf32>,
        %get3A_273 = vector.shape_cast %get3A_272 : vector<16xf32> to vector<16xf32>
        %get3A_274 = arith.index_cast %add3A_265 : i32 to index
        %get3A_275 = tpu.vector_load %arg70[%get3A_274] {strides = array<i32>} : memref<1600xf32, #tpu.memory_space<vmem>>, vector<16xf32>,
        %get3A_276 = vector.shape_cast %get3A_275 : vector<16xf32> to vector<16xf32>
        %get3A_277 = arith.index_cast %add3A_265 : i32 to index
        %get3A_278 = tpu.vector_load %arg75[%get3A_277] {strides = array<i32>} : memref<1600xf32, #tpu.memory_space<vmem>>, vector<16xf32>,
        %get3A_279 = vector.shape_cast %get3A_278 : vector<16xf32> to vector<16xf32>
        %add3A_280 = arith.addf %get3A_276, %get3A_279 : vector<16xf32>
        %mul3A_281 = arith.mulf %get3A_273, %get3A_267 : vector<16xf32>
        %get3A_282 = arith.index_cast %add3A_265 : i32 to index
        %get3A_283 = tpu.vector_load %arg77[%get3A_282] {strides = array<i32>} : memref<1600xf32, #tpu.memory_space<vmem>>, vector<16xf32>,
        %get3A_284 = vector.shape_cast %get3A_283 : vector<16xf32> to vector<16xf32>
        %mul3A_285 = arith.mulf %add3A_280, %get3A_284 : vector<16xf32>
        %add3A_286 = arith.addf %mul3A_281, %mul3A_285 : vector<16xf32>
        %swap3A = arith.index_cast %add3A_265 : i32 to index
        %swap3A_287 = tpu.vector_load %arg72[%swap3A] {strides = array<i32>} : memref<1600xf32, #tpu.memory_space<vmem>>, vector<16xf32>,
        %swap3A_288 = vector.shape_cast %swap3A_287 : vector<16xf32> to vector<16xf32>
        %swap3A_289 = vector.shape_cast %add3A_286 : vector<16xf32> to vector<16xf32>
        tpu.vector_store %arg72[%swap3A], %swap3A_289 {strides = array<i32>} : memref<1600xf32, #tpu.memory_space<vmem>>, vector<16xf32>,
        %mul3A_290 = arith.mulf %get3A_270, %get3A_273 : vector<16xf32>
        %mul3A_291 = arith.mulf %get3A_273, %get3A_267 : vector<16xf32>
        %add3A_292 = arith.addf %mul3A_290, %mul3A_291 : vector<16xf32>
        %swap3A_293 = arith.index_cast %add3A_265 : i32 to index
        %swap3A_294 = tpu.vector_load %arg74[%swap3A_293] {strides = array<i32>} : memref<1600xf32, #tpu.memory_space<vmem>>, vector<16xf32>,
        %swap3A_295 = vector.shape_cast %swap3A_294 : vector<16xf32> to vector<16xf32>
        %swap3A_296 = vector.shape_cast %add3A_292 : vector<16xf32> to vector<16xf32>
        tpu.vector_store %arg74[%swap3A_293], %swap3A_296 {strides = array<i32>} : memref<1600xf32, #tpu.memory_space<vmem>>, vector<16xf32>,
        %add3A_297 = arith.constant 16 : i32
        %add3A_298 = arith.addi %mul3A_263, %add3A_297 : i32
        %get3A_299 = arith.index_cast %add3A_298 : i32 to index
        %get3A_300 = tpu.vector_load %arg72[%get3A_299] {strides = array<i32>} : memref<1600xf32, #tpu.memory_space<vmem>>, vector<16xf32>,
        %get3A_301 = vector.shape_cast %get3A_300 : vector<16xf32> to vector<16xf32>
        %get3A_302 = arith.index_cast %add3A_298 : i32 to index
        %get3A_303 = tpu.vector_load %arg74[%get3A_302] {strides = array<i32>} : memref<1600xf32, #tpu.memory_space<vmem>>, vector<16xf32>,
        %get3A_304 = vector.shape_cast %get3A_303 : vector<16xf32> to vector<16xf32>
        %get3A_305 = arith.index_cast %add3A_298 : i32 to index
        %get3A_306 = tpu.vector_load %arg76[%get3A_305] {strides = array<i32>} : memref<1600xf32, #tpu.memory_space<vmem>>, vector<16xf32>,
        %get3A_307 = vector.shape_cast %get3A_306 : vector<16xf32> to vector<16xf32>
        %get3A_308 = arith.index_cast %add3A_298 : i32 to index
        %get3A_309 = tpu.vector_load %arg70[%get3A_308] {strides = array<i32>} : memref<1600xf32, #tpu.memory_space<vmem>>, vector<16xf32>,
        %get3A_310 = vector.shape_cast %get3A_309 : vector<16xf32> to vector<16xf32>
        %get3A_311 = arith.index_cast %add3A_298 : i32 to index
        %get3A_312 = tpu.vector_load %arg75[%get3A_311] {strides = array<i32>} : memref<1600xf32, #tpu.memory_space<vmem>>, vector<16xf32>,
        %get3A_313 = vector.shape_cast %get3A_312 : vector<16xf32> to vector<16xf32>
        %add3A_314 = arith.addf %get3A_310, %get3A_313 : vector<16xf32>
        %mul3A_315 = arith.mulf %get3A_307, %get3A_301 : vector<16xf32>
        %get3A_316 = arith.index_cast %add3A_298 : i32 to index
        %get3A_317 = tpu.vector_load %arg77[%get3A_316] {strides = array<i32>} : memref<1600xf32, #tpu.memory_space<vmem>>, vector<16xf32>,
        %get3A_318 = vector.shape_cast %get3A_317 : vector<16xf32> to vector<16xf32>
        %mul3A_319 = arith.mulf %add3A_314, %get3A_318 : vector<16xf32>
        %add3A_320 = arith.addf %mul3A_315, %mul3A_319 : vector<16xf32>
        %swap3A_321 = arith.index_cast %add3A_298 : i32 to index
        %swap3A_322 = tpu.vector_load %arg72[%swap3A_321] {strides = array<i32>} : memref<1600xf32, #tpu.memory_space<vmem>>, vector<16xf32>,
        %swap3A_323 = vector.shape_cast %swap3A_322 : vector<16xf32> to vector<16xf32>
        %swap3A_324 = vector.shape_cast %add3A_320 : vector<16xf32> to vector<16xf32>
        tpu.vector_store %arg72[%swap3A_321], %swap3A_324 {strides = array<i32>} : memref<1600xf32, #tpu.memory_space<vmem>>, vector<16xf32>,
        %mul3A_325 = arith.mulf %get3A_304, %get3A_307 : vector<16xf32>
        %mul3A_326 = arith.mulf %get3A_307, %get3A_301 : vector<16xf32>
        %add3A_327 = arith.addf %mul3A_325, %mul3A_326 : vector<16xf32>
        %swap3A_328 = arith.index_cast %add3A_298 : i32 to index
        %swap3A_329 = tpu.vector_load %arg74[%swap3A_328] {strides = array<i32>} : memref<1600xf32, #tpu.memory_space<vmem>>, vector<16xf32>,
        %swap3A_330 = vector.shape_cast %swap3A_329 : vector<16xf32> to vector<16xf32>
        %swap3A_331 = vector.shape_cast %add3A_327 : vector<16xf32> to vector<16xf32>
        tpu.vector_store %arg74[%swap3A_328], %swap3A_331 {strides = array<i32>} : memref<1600xf32, #tpu.memory_space<vmem>>, vector<16xf32>,
        %add3A_332 = arith.constant 32 : i32
        %add3A_333 = arith.addi %mul3A_263, %add3A_332 : i32
        %get3A_334 = arith.index_cast %add3A_333 : i32 to index
        %get3A_335 = tpu.vector_load %arg72[%get3A_334] {strides = array<i32>} : memref<1600xf32, #tpu.memory_space<vmem>>, vector<16xf32>,
        %get3A_336 = vector.shape_cast %get3A_335 : vector<16xf32> to vector<16xf32>
        %get3A_337 = arith.index_cast %add3A_333 : i32 to index
        %get3A_338 = tpu.vector_load %arg74[%get3A_337] {strides = array<i32>} : memref<1600xf32, #tpu.memory_space<vmem>>, vector<16xf32>,
        %get3A_339 = vector.shape_cast %get3A_338 : vector<16xf32> to vector<16xf32>
        %get3A_340 = arith.index_cast %add3A_333 : i32 to index
        %get3A_341 = tpu.vector_load %arg76[%get3A_340] {strides = array<i32>} : memref<1600xf32, #tpu.memory_space<vmem>>, vector<16xf32>,
        %get3A_342 = vector.shape_cast %get3A_341 : vector<16xf32> to vector<16xf32>
        %get3A_343 = arith.index_cast %add3A_333 : i32 to index
        %get3A_344 = tpu.vector_load %arg70[%get3A_343] {strides = array<i32>} : memref<1600xf32, #tpu.memory_space<vmem>>, vector<16xf32>,
        %get3A_345 = vector.shape_cast %get3A_344 : vector<16xf32> to vector<16xf32>
        %get3A_346 = arith.index_cast %add3A_333 : i32 to index
        %get3A_347 = tpu.vector_load %arg75[%get3A_346] {strides = array<i32>} : memref<1600xf32, #tpu.memory_space<vmem>>, vector<16xf32>,
        %get3A_348 = vector.shape_cast %get3A_347 : vector<16xf32> to vector<16xf32>
        %add3A_349 = arith.addf %get3A_345, %get3A_348 : vector<16xf32>
        %mul3A_350 = arith.mulf %get3A_342, %get3A_336 : vector<16xf32>
        %get3A_351 = arith.index_cast %add3A_333 : i32 to index
        %get3A_352 = tpu.vector_load %arg77[%get3A_351] {strides = array<i32>} : memref<1600xf32, #tpu.memory_space<vmem>>, vector<16xf32>,
        %get3A_353 = vector.shape_cast %get3A_352 : vector<16xf32> to vector<16xf32>
        %mul3A_354 = arith.mulf %add3A_349, %get3A_353 : vector<16xf32>
        %add3A_355 = arith.addf %mul3A_350, %mul3A_354 : vector<16xf32>
        %swap3A_356 = arith.index_cast %add3A_333 : i32 to index
        %swap3A_357 = tpu.vector_load %arg72[%swap3A_356] {strides = array<i32>} : memref<1600xf32, #tpu.memory_space<vmem>>, vector<16xf32>,
        %swap3A_358 = vector.shape_cast %swap3A_357 : vector<16xf32> to vector<16xf32>
        %swap3A_359 = vector.shape_cast %add3A_355 : vector<16xf32> to vector<16xf32>
        tpu.vector_store %arg72[%swap3A_356], %swap3A_359 {strides = array<i32>} : memref<1600xf32, #tpu.memory_space<vmem>>, vector<16xf32>,
        %mul3A_360 = arith.mulf %get3A_339, %get3A_342 : vector<16xf32>
        %mul3A_361 = arith.mulf %get3A_342, %get3A_336 : vector<16xf32>
        %add3A_362 = arith.addf %mul3A_360, %mul3A_361 : vector<16xf32>
        %swap3A_363 = arith.index_cast %add3A_333 : i32 to index
        %swap3A_364 = tpu.vector_load %arg74[%swap3A_363] {strides = array<i32>} : memref<1600xf32, #tpu.memory_space<vmem>>, vector<16xf32>,
        %swap3A_365 = vector.shape_cast %swap3A_364 : vector<16xf32> to vector<16xf32>
        %swap3A_366 = vector.shape_cast %add3A_362 : vector<16xf32> to vector<16xf32>
        tpu.vector_store %arg74[%swap3A_363], %swap3A_366 {strides = array<i32>} : memref<1600xf32, #tpu.memory_space<vmem>>, vector<16xf32>,
        %add3A_367 = arith.constant 48 : i32
        %add3A_368 = arith.addi %mul3A_263, %add3A_367 : i32
        %get3A_369 = arith.index_cast %add3A_368 : i32 to index
        %get3A_370 = tpu.vector_load %arg72[%get3A_369] {strides = array<i32>} : memref<1600xf32, #tpu.memory_space<vmem>>, vector<16xf32>,
        %get3A_371 = vector.shape_cast %get3A_370 : vector<16xf32> to vector<16xf32>
        %get3A_372 = arith.index_cast %add3A_368 : i32 to index
        %get3A_373 = tpu.vector_load %arg74[%get3A_372] {strides = array<i32>} : memref<1600xf32, #tpu.memory_space<vmem>>, vector<16xf32>,
        %get3A_374 = vector.shape_cast %get3A_373 : vector<16xf32> to vector<16xf32>
        %get3A_375 = arith.index_cast %add3A_368 : i32 to index
        %get3A_376 = tpu.vector_load %arg76[%get3A_375] {strides = array<i32>} : memref<1600xf32, #tpu.memory_space<vmem>>, vector<16xf32>,
        %get3A_377 = vector.shape_cast %get3A_376 : vector<16xf32> to vector<16xf32>
        %get3A_378 = arith.index_cast %add3A_368 : i32 to index
        %get3A_379 = tpu.vector_load %arg70[%get3A_378] {strides = array<i32>} : memref<1600xf32, #tpu.memory_space<vmem>>, vector<16xf32>,
        %get3A_380 = vector.shape_cast %get3A_379 : vector<16xf32> to vector<16xf32>
        %get3A_381 = arith.index_cast %add3A_368 : i32 to index
        %get3A_382 = tpu.vector_load %arg75[%get3A_381] {strides = array<i32>} : memref<1600xf32, #tpu.memory_space<vmem>>, vector<16xf32>,
        %get3A_383 = vector.shape_cast %get3A_382 : vector<16xf32> to vector<16xf32>
        %add3A_384 = arith.addf %get3A_380, %get3A_383 : vector<16xf32>
        %mul3A_385 = arith.mulf %get3A_377, %get3A_371 : vector<16xf32>
        %get3A_386 = arith.index_cast %add3A_368 : i32 to index
        %get3A_387 = tpu.vector_load %arg77[%get3A_386] {strides = array<i32>} : memref<1600xf32, #tpu.memory_space<vmem>>, vector<16xf32>,
        %get3A_388 = vector.shape_cast %get3A_387 : vector<16xf32> to vector<16xf32>
        %mul3A_389 = arith.mulf %add3A_384, %get3A_388 : vector<16xf32>
        %add3A_390 = arith.addf %mul3A_385, %mul3A_389 : vector<16xf32>
        %swap3A_391 = arith.index_cast %add3A_368 : i32 to index
        %swap3A_392 = tpu.vector_load %arg72[%swap3A_391] {strides = array<i32>} : memref<1600xf32, #tpu.memory_space<vmem>>, vector<16xf32>,
        %swap3A_393 = vector.shape_cast %swap3A_392 : vector<16xf32> to vector<16xf32>
        %swap3A_394 = vector.shape_cast %add3A_390 : vector<16xf32> to vector<16xf32>
        tpu.vector_store %arg72[%swap3A_391], %swap3A_394 {strides = array<i32>} : memref<1600xf32, #tpu.memory_space<vmem>>, vector<16xf32>,
        %mul3A_395 = arith.mulf %get3A_374, %get3A_377 : vector<16xf32>
        %mul3A_396 = arith.mulf %get3A_377, %get3A_371 : vector<16xf32>
        %add3A_397 = arith.addf %mul3A_395, %mul3A_396 : vector<16xf32>
        %swap3A_398 = arith.index_cast %add3A_368 : i32 to index
        %swap3A_399 = tpu.vector_load %arg74[%swap3A_398] {strides = array<i32>} : memref<1600xf32, #tpu.memory_space<vmem>>, vector<16xf32>,
        %swap3A_400 = vector.shape_cast %swap3A_399 : vector<16xf32> to vector<16xf32>
        %swap3A_401 = vector.shape_cast %add3A_397 : vector<16xf32> to vector<16xf32>
        tpu.vector_store %arg74[%swap3A_398], %swap3A_401 {strides = array<i32>} : memref<1600xf32, #tpu.memory_space<vmem>>, vector<16xf32>,
        %add3A_402 = arith.constant 0 : i32
        %add3A_403 = arith.addi %mul3A_263, %add3A_402 : i32
        %get3A_404 = arith.index_cast %add3A_403 : i32 to index
        %get3A_405 = tpu.vector_load %arg74[%get3A_404] {strides = array<i32>} : memref<1600xf32, #tpu.memory_space<vmem>>, vector<16xf32>,
        %get3A_406 = vector.shape_cast %get3A_405 : vector<16xf32> to vector<16xf32>
        %xor3A = arith.constant 1 : i32
        %xor3A_407 = vector.broadcast %xor3A : i32 to vector<16xi32>
        %xor3A_408 = arith.xori %iota3A, %xor3A_407 : vector<16xi32>
        %broadcast_in_dim3A = vector.shape_cast %xor3A_408 : vector<16xi32> to vector<16x1xi32>
        %gather3A = vector.shape_cast %broadcast_in_dim3A : vector<16x1xi32> to vector<16xi32>
        %gather3A_409 = tpu.dynamic_gather %get3A_406[%gather3A] in [0] : vector<16xf32>, vector<16xi32> -> vector<16xf32>
        %add3A_410 = arith.addf %get3A_406, %gather3A_409 : vector<16xf32>
        %xor3A_411 = arith.constant 2 : i32
        %xor3A_412 = vector.broadcast %xor3A_411 : i32 to vector<16xi32>
        %xor3A_413 = arith.xori %iota3A, %xor3A_412 : vector<16xi32>
        %broadcast_in_dim3A_414 = vector.shape_cast %xor3A_413 : vector<16xi32> to vector<16x1xi32>
        %gather3A_415 = vector.shape_cast %broadcast_in_dim3A_414 : vector<16x1xi32> to vector<16xi32>
        %gather3A_416 = tpu.dynamic_gather %add3A_410[%gather3A_415] in [0] : vector<16xf32>, vector<16xi32> -> vector<16xf32>
        %add3A_417 = arith.addf %add3A_410, %gather3A_416 : vector<16xf32>
        %and3A = arith.constant 3 : i32
        %and3A_418 = vector.broadcast %and3A : i32 to vector<16xi32>
        %and3A_419 = arith.andi %iota3A, %and3A_418 : vector<16xi32>
        %mul3A_420 = arith.constant 4 : i32
        %mul3A_421 = vector.broadcast %mul3A_420 : i32 to vector<16xi32>
        %mul3A_422 = arith.muli %and3A_419, %mul3A_421 : vector<16xi32>
        %broadcast_in_dim3A_423 = vector.shape_cast %mul3A_422 : vector<16xi32> to vector<16x1xi32>
        %gather3A_424 = vector.shape_cast %broadcast_in_dim3A_423 : vector<16x1xi32> to vector<16xi32>
        %gather3A_425 = tpu.dynamic_gather %add3A_417[%gather3A_424] in [0] : vector<16xf32>, vector<16xi32> -> vector<16xf32>
        %add3A_426 = arith.constant 16 : i32
        %add3A_427 = arith.addi %mul3A_263, %add3A_426 : i32
        %get3A_428 = arith.index_cast %add3A_427 : i32 to index
        %get3A_429 = tpu.vector_load %arg74[%get3A_428] {strides = array<i32>} : memref<1600xf32, #tpu.memory_space<vmem>>, vector<16xf32>,
        %get3A_430 = vector.shape_cast %get3A_429 : vector<16xf32> to vector<16xf32>
        %xor3A_431 = arith.constant 1 : i32
        %xor3A_432 = vector.broadcast %xor3A_431 : i32 to vector<16xi32>
        %xor3A_433 = arith.xori %iota3A, %xor3A_432 : vector<16xi32>
        %broadcast_in_dim3A_434 = vector.shape_cast %xor3A_433 : vector<16xi32> to vector<16x1xi32>
        %gather3A_435 = vector.shape_cast %broadcast_in_dim3A_434 : vector<16x1xi32> to vector<16xi32>
        %gather3A_436 = tpu.dynamic_gather %get3A_430[%gather3A_435] in [0] : vector<16xf32>, vector<16xi32> -> vector<16xf32>
        %add3A_437 = arith.addf %get3A_430, %gather3A_436 : vector<16xf32>
        %xor3A_438 = arith.constant 2 : i32
        %xor3A_439 = vector.broadcast %xor3A_438 : i32 to vector<16xi32>
        %xor3A_440 = arith.xori %iota3A, %xor3A_439 : vector<16xi32>
        %broadcast_in_dim3A_441 = vector.shape_cast %xor3A_440 : vector<16xi32> to vector<16x1xi32>
        %gather3A_442 = vector.shape_cast %broadcast_in_dim3A_441 : vector<16x1xi32> to vector<16xi32>
        %gather3A_443 = tpu.dynamic_gather %add3A_437[%gather3A_442] in [0] : vector<16xf32>, vector<16xi32> -> vector<16xf32>
        %add3A_444 = arith.addf %add3A_437, %gather3A_443 : vector<16xf32>
        %and3A_445 = arith.constant 3 : i32
        %and3A_446 = vector.broadcast %and3A_445 : i32 to vector<16xi32>
        %and3A_447 = arith.andi %iota3A, %and3A_446 : vector<16xi32>
        %mul3A_448 = arith.constant 4 : i32
        %mul3A_449 = vector.broadcast %mul3A_448 : i32 to vector<16xi32>
        %mul3A_450 = arith.muli %and3A_447, %mul3A_449 : vector<16xi32>
        %broadcast_in_dim3A_451 = vector.shape_cast %mul3A_450 : vector<16xi32> to vector<16x1xi32>
        %gather3A_452 = vector.shape_cast %broadcast_in_dim3A_451 : vector<16x1xi32> to vector<16xi32>
        %gather3A_453 = tpu.dynamic_gather %add3A_444[%gather3A_452] in [0] : vector<16xf32>, vector<16xi32> -> vector<16xf32>
        %add3A_454 = arith.constant 32 : i32
        %add3A_455 = arith.addi %mul3A_263, %add3A_454 : i32
        %get3A_456 = arith.index_cast %add3A_455 : i32 to index
        %get3A_457 = tpu.vector_load %arg74[%get3A_456] {strides = array<i32>} : memref<1600xf32, #tpu.memory_space<vmem>>, vector<16xf32>,
        %get3A_458 = vector.shape_cast %get3A_457 : vector<16xf32> to vector<16xf32>
        %xor3A_459 = arith.constant 1 : i32
        %xor3A_460 = vector.broadcast %xor3A_459 : i32 to vector<16xi32>
        %xor3A_461 = arith.xori %iota3A, %xor3A_460 : vector<16xi32>
        %broadcast_in_dim3A_462 = vector.shape_cast %xor3A_461 : vector<16xi32> to vector<16x1xi32>
        %gather3A_463 = vector.shape_cast %broadcast_in_dim3A_462 : vector<16x1xi32> to vector<16xi32>
        %gather3A_464 = tpu.dynamic_gather %get3A_458[%gather3A_463] in [0] : vector<16xf32>, vector<16xi32> -> vector<16xf32>
        %add3A_465 = arith.addf %get3A_458, %gather3A_464 : vector<16xf32>
        %xor3A_466 = arith.constant 2 : i32
        %xor3A_467 = vector.broadcast %xor3A_466 : i32 to vector<16xi32>
        %xor3A_468 = arith.xori %iota3A, %xor3A_467 : vector<16xi32>
        %broadcast_in_dim3A_469 = vector.shape_cast %xor3A_468 : vector<16xi32> to vector<16x1xi32>
        %gather3A_470 = vector.shape_cast %broadcast_in_dim3A_469 : vector<16x1xi32> to vector<16xi32>
        %gather3A_471 = tpu.dynamic_gather %add3A_465[%gather3A_470] in [0] : vector<16xf32>, vector<16xi32> -> vector<16xf32>
        %add3A_472 = arith.addf %add3A_465, %gather3A_471 : vector<16xf32>
        %and3A_473 = arith.constant 3 : i32
        %and3A_474 = vector.broadcast %and3A_473 : i32 to vector<16xi32>
        %and3A_475 = arith.andi %iota3A, %and3A_474 : vector<16xi32>
        %mul3A_476 = arith.constant 4 : i32
        %mul3A_477 = vector.broadcast %mul3A_476 : i32 to vector<16xi32>
        %mul3A_478 = arith.muli %and3A_475, %mul3A_477 : vector<16xi32>
        %broadcast_in_dim3A_479 = vector.shape_cast %mul3A_478 : vector<16xi32> to vector<16x1xi32>
        %gather3A_480 = vector.shape_cast %broadcast_in_dim3A_479 : vector<16x1xi32> to vector<16xi32>
        %gather3A_481 = tpu.dynamic_gather %add3A_472[%gather3A_480] in [0] : vector<16xf32>, vector<16xi32> -> vector<16xf32>
        %add3A_482 = arith.constant 48 : i32
        %add3A_483 = arith.addi %mul3A_263, %add3A_482 : i32
        %get3A_484 = arith.index_cast %add3A_483 : i32 to index
        %get3A_485 = tpu.vector_load %arg74[%get3A_484] {strides = array<i32>} : memref<1600xf32, #tpu.memory_space<vmem>>, vector<16xf32>,
        %get3A_486 = vector.shape_cast %get3A_485 : vector<16xf32> to vector<16xf32>
        %xor3A_487 = arith.constant 1 : i32
        %xor3A_488 = vector.broadcast %xor3A_487 : i32 to vector<16xi32>
        %xor3A_489 = arith.xori %iota3A, %xor3A_488 : vector<16xi32>
        %broadcast_in_dim3A_490 = vector.shape_cast %xor3A_489 : vector<16xi32> to vector<16x1xi32>
        %gather3A_491 = vector.shape_cast %broadcast_in_dim3A_490 : vector<16x1xi32> to vector<16xi32>
        %gather3A_492 = tpu.dynamic_gather %get3A_486[%gather3A_491] in [0] : vector<16xf32>, vector<16xi32> -> vector<16xf32>
        %add3A_493 = arith.addf %get3A_486, %gather3A_492 : vector<16xf32>
        %xor3A_494 = arith.constant 2 : i32
        %xor3A_495 = vector.broadcast %xor3A_494 : i32 to vector<16xi32>
        %xor3A_496 = arith.xori %iota3A, %xor3A_495 : vector<16xi32>
        %broadcast_in_dim3A_497 = vector.shape_cast %xor3A_496 : vector<16xi32> to vector<16x1xi32>
        %gather3A_498 = vector.shape_cast %broadcast_in_dim3A_497 : vector<16x1xi32> to vector<16xi32>
        %gather3A_499 = tpu.dynamic_gather %add3A_493[%gather3A_498] in [0] : vector<16xf32>, vector<16xi32> -> vector<16xf32>
        %add3A_500 = arith.addf %add3A_493, %gather3A_499 : vector<16xf32>
        %and3A_501 = arith.constant 3 : i32
        %and3A_502 = vector.broadcast %and3A_501 : i32 to vector<16xi32>
        %and3A_503 = arith.andi %iota3A, %and3A_502 : vector<16xi32>
        %mul3A_504 = arith.constant 4 : i32
        %mul3A_505 = vector.broadcast %mul3A_504 : i32 to vector<16xi32>
        %mul3A_506 = arith.muli %and3A_503, %mul3A_505 : vector<16xi32>
        %broadcast_in_dim3A_507 = vector.shape_cast %mul3A_506 : vector<16xi32> to vector<16x1xi32>
        %gather3A_508 = vector.shape_cast %broadcast_in_dim3A_507 : vector<16x1xi32> to vector<16xi32>
        %gather3A_509 = tpu.dynamic_gather %add3A_500[%gather3A_508] in [0] : vector<16xf32>, vector<16xi32> -> vector<16xf32>
        %shift_right_arithmetic3A = arith.constant 2 : i32
        %shift_right_arithmetic3A_510 = vector.broadcast %shift_right_arithmetic3A : i32 to vector<16xi32>
        %shift_right_arithmetic3A_511 = arith.shrsi %iota3A, %shift_right_arithmetic3A_510 : vector<16xi32>
        %eq3A = arith.constant 0 : i32
        %eq3A_512 = vector.broadcast %eq3A : i32 to vector<16xi32>
        %eq3A_513 = arith.cmpi eq, %shift_right_arithmetic3A_511, %eq3A_512 : vector<16xi32>
        %eq3A_514 = arith.constant 1 : i32
        %eq3A_515 = vector.broadcast %eq3A_514 : i32 to vector<16xi32>
        %eq3A_516 = arith.cmpi eq, %shift_right_arithmetic3A_511, %eq3A_515 : vector<16xi32>
        %eq3A_517 = arith.constant 2 : i32
        %eq3A_518 = vector.broadcast %eq3A_517 : i32 to vector<16xi32>
        %eq3A_519 = arith.cmpi eq, %shift_right_arithmetic3A_511, %eq3A_518 : vector<16xi32>
        %select_n3A = arith.select %eq3A_519, %gather3A_481, %gather3A_509 : vector<16xi1>, vector<16xf32>
        %select_n3A_520 = arith.select %eq3A_516, %gather3A_453, %select_n3A : vector<16xi1>, vector<16xf32>
        %select_n3A_521 = arith.select %eq3A_513, %gather3A_425, %select_n3A_520 : vector<16xi1>, vector<16xf32>
        %mul3A_522 = arith.constant 16 : i32
        %mul3A_523 = arith.muli %add3A_259, %mul3A_522 : i32
        %mul3A_524 = arith.constant 400 : i32
        %mul3A_525 = arith.muli %add3A_95, %mul3A_524 : i32
        %mul3A_526 = arith.constant 16 : i32
        %mul3A_527 = arith.muli %add3A_259, %mul3A_526 : i32
        %add3A_528 = arith.addi %mul3A_525, %mul3A_527 : i32
        %get3A_529 = arith.index_cast %mul3A_523 : i32 to index
        %get3A_530 = tpu.vector_load %arg78[%get3A_529] {strides = array<i32>} : memref<400xf32, #tpu.memory_space<vmem>>, vector<16xf32>,
        %get3A_531 = vector.shape_cast %get3A_530 : vector<16xf32> to vector<16xf32>
        %ge3A = arith.constant 2.000000e+00 : f32
        %ge3A_532 = vector.broadcast %ge3A : f32 to vector<16xf32>
        %ge3A_533 = arith.cmpf oge, %get3A_531, %ge3A_532 : vector<16xf32>
        %jit3A = arith.constant 1.000000e+00 : f32
        %jit3A_534 = arith.constant 0.000000e+00 : f32
        %broadcast_in_dim3A_535 = vector.broadcast %jit3A : f32 to vector<16xf32>
        %broadcast_in_dim3A_536 = vector.broadcast %jit3A_534 : f32 to vector<16xf32>
        %select_n3A_537 = arith.select %ge3A_533, %broadcast_in_dim3A_535, %broadcast_in_dim3A_536 : vector<16xi1>, vector<16xf32>
        %get3A_538 = arith.index_cast %add3A_528 : i32 to index
        %get3A_539 = tpu.vector_load %arg39[%get3A_538] {strides = array<i32>} : memref<3200xf32, #tpu.memory_space<vmem>>, vector<16xf32>,
        %get3A_540 = vector.shape_cast %get3A_539 : vector<16xf32> to vector<16xf32>
        %get3A_541 = arith.index_cast %add3A_528 : i32 to index
        %get3A_542 = tpu.vector_load %arg41[%get3A_541] {strides = array<i32>} : memref<3200xf32, #tpu.memory_space<vmem>>, vector<16xf32>,
        %get3A_543 = vector.shape_cast %get3A_542 : vector<16xf32> to vector<16xf32>
        %get3A_544 = arith.index_cast %add3A_528 : i32 to index
        %get3A_545 = tpu.vector_load %arg43[%get3A_544] {strides = array<i32>} : memref<3200xf32, #tpu.memory_space<vmem>>, vector<16xf32>,
        %get3A_546 = vector.shape_cast %get3A_545 : vector<16xf32> to vector<16xf32>
        %get3A_547 = arith.index_cast %add3A_528 : i32 to index
        %get3A_548 = tpu.vector_load %arg45[%get3A_547] {strides = array<i32>} : memref<3200xf32, #tpu.memory_space<vmem>>, vector<16xf32>,
        %get3A_549 = vector.shape_cast %get3A_548 : vector<16xf32> to vector<16xf32>
        %get3A_550 = arith.index_cast %mul3A_523 : i32 to index
        %get3A_551 = tpu.vector_load %arg46[%get3A_550] {strides = array<i32>} : memref<400xf32, #tpu.memory_space<vmem>>, vector<16xf32>,
        %get3A_552 = vector.shape_cast %get3A_551 : vector<16xf32> to vector<16xf32>
        %get3A_553 = arith.index_cast %mul3A_523 : i32 to index
        %get3A_554 = tpu.vector_load %arg47[%get3A_553] {strides = array<i32>} : memref<400xf32, #tpu.memory_space<vmem>>, vector<16xf32>,
        %get3A_555 = vector.shape_cast %get3A_554 : vector<16xf32> to vector<16xf32>
        %get3A_556 = arith.index_cast %mul3A_523 : i32 to index
        %get3A_557 = tpu.vector_load %arg50[%get3A_556] {strides = array<i32>} : memref<400xf32, #tpu.memory_space<vmem>>, vector<16xf32>,
        %get3A_558 = vector.shape_cast %get3A_557 : vector<16xf32> to vector<16xf32>
        %mul3A_559 = arith.mulf %select_n3A_537, %get3A_558 : vector<16xf32>
        %add3A_560 = arith.addf %get3A_543, %mul3A_559 : vector<16xf32>
        %sub3A = arith.constant 1.000000e+00 : f32
        %sub3A_561 = vector.broadcast %sub3A : f32 to vector<16xf32>
        %sub3A_562 = arith.subf %add3A_560, %sub3A_561 : vector<16xf32>
        %max3A = arith.constant 0.000000e+00 : f32
        %max3A_563 = vector.broadcast %max3A : f32 to vector<16xf32>
        %max3A_564 = arith.maximumf %sub3A_562, %max3A_563 : vector<16xf32>
        %get3A_565 = arith.index_cast %mul3A_523 : i32 to index
        %get3A_566 = tpu.vector_load %arg51[%get3A_565] {strides = array<i32>} : memref<400xf32, #tpu.memory_space<vmem>>, vector<16xf32>,
        %get3A_567 = vector.shape_cast %get3A_566 : vector<16xf32> to vector<16xf32>
        %mul3A_568 = arith.mulf %get3A_567, %get3A_546 : vector<16xf32>
        %get3A_569 = arith.index_cast %mul3A_523 : i32 to index
        %get3A_570 = tpu.vector_load %arg53[%get3A_569] {strides = array<i32>} : memref<400xf32, #tpu.memory_space<vmem>>, vector<16xf32>,
        %get3A_571 = vector.shape_cast %get3A_570 : vector<16xf32> to vector<16xf32>
        %mul3A_572 = arith.mulf %select_n3A_537, %get3A_571 : vector<16xf32>
        %add3A_573 = arith.addf %mul3A_568, %mul3A_572 : vector<16xf32>
        %get3A_574 = arith.index_cast %mul3A_523 : i32 to index
        %get3A_575 = tpu.vector_load %arg52[%get3A_574] {strides = array<i32>} : memref<400xf32, #tpu.memory_space<vmem>>, vector<16xf32>,
        %get3A_576 = vector.shape_cast %get3A_575 : vector<16xf32> to vector<16xf32>
        %mul3A_577 = arith.mulf %get3A_576, %get3A_549 : vector<16xf32>
        %get3A_578 = arith.index_cast %mul3A_523 : i32 to index
        %get3A_579 = tpu.vector_load %arg54[%get3A_578] {strides = array<i32>} : memref<400xf32, #tpu.memory_space<vmem>>, vector<16xf32>,
        %get3A_580 = vector.shape_cast %get3A_579 : vector<16xf32> to vector<16xf32>
        %mul3A_581 = arith.mulf %select_n3A_537, %get3A_580 : vector<16xf32>
        %add3A_582 = arith.addf %mul3A_577, %mul3A_581 : vector<16xf32>
        %add3A_583 = arith.addf %select_n3A_521, %add3A_573 : vector<16xf32>
        %add3A_584 = arith.addf %add3A_583, %add3A_582 : vector<16xf32>
        %get3A_585 = arith.index_cast %mul3A_523 : i32 to index
        %get3A_586 = tpu.vector_load %arg49[%get3A_585] {strides = array<i32>} : memref<400xf32, #tpu.memory_space<vmem>>, vector<16xf32>,
        %get3A_587 = vector.shape_cast %get3A_586 : vector<16xf32> to vector<16xf32>
        %mul3A_588 = arith.mulf %get3A_587, %get3A_555 : vector<16xf32>
        %add3A_589 = arith.addf %add3A_584, %mul3A_588 : vector<16xf32>
        %get3A_590 = arith.index_cast %mul3A_523 : i32 to index
        %get3A_591 = tpu.vector_load %arg55[%get3A_590] {strides = array<i32>} : memref<400xf32, #tpu.memory_space<vmem>>, vector<16xf32>,
        %get3A_592 = vector.shape_cast %get3A_591 : vector<16xf32> to vector<16xf32>
        %mul3A_593 = arith.mulf %get3A_592, %get3A_540 : vector<16xf32>
        %get3A_594 = arith.index_cast %mul3A_523 : i32 to index
        %get3A_595 = tpu.vector_load %arg56[%get3A_594] {strides = array<i32>} : memref<400xf32, #tpu.memory_space<vmem>>, vector<16xf32>,
        %get3A_596 = vector.shape_cast %get3A_595 : vector<16xf32> to vector<16xf32>
        %mul3A_597 = arith.mulf %get3A_596, %add3A_589 : vector<16xf32>
        %add3A_598 = arith.addf %mul3A_593, %mul3A_597 : vector<16xf32>
        %get3A_599 = arith.index_cast %mul3A_523 : i32 to index
        %get3A_600 = tpu.vector_load %arg48[%get3A_599] {strides = array<i32>} : memref<400xf32, #tpu.memory_space<vmem>>, vector<16xf32>,
        %get3A_601 = vector.shape_cast %get3A_600 : vector<16xf32> to vector<16xf32>
        %sub3A_602 = arith.subf %get3A_601, %get3A_552 : vector<16xf32>
        %mul3A_603 = arith.mulf %select_n3A_537, %sub3A_602 : vector<16xf32>
        %add3A_604 = arith.addf %add3A_598, %mul3A_603 : vector<16xf32>
        %sub3A_605 = arith.subf %add3A_604, %get3A_552 : vector<16xf32>
        %sub3A_606 = arith.subf %get3A_552, %get3A_555 : vector<16xf32>
        %div3A = arith.divf %sub3A_605, %sub3A_606 : vector<16xf32>
        %gt3A = arith.constant 0.000000e+00 : f32
        %gt3A_607 = vector.broadcast %gt3A : f32 to vector<16xf32>
        %gt3A_608 = arith.cmpf ogt, %div3A, %gt3A_607 : vector<16xf32>
        %jit3A_609 = arith.constant 1.000000e+00 : f32
        %jit3A_610 = arith.constant 0.000000e+00 : f32
        %broadcast_in_dim3A_611 = vector.broadcast %jit3A_609 : f32 to vector<16xf32>
        %broadcast_in_dim3A_612 = vector.broadcast %jit3A_610 : f32 to vector<16xf32>
        %select_n3A_613 = arith.select %gt3A_608, %broadcast_in_dim3A_611, %broadcast_in_dim3A_612 : vector<16xi1>, vector<16xf32>
        %gt3A_614 = arith.constant 0.000000e+00 : f32
        %gt3A_615 = vector.broadcast %gt3A_614 : f32 to vector<16xf32>
        %gt3A_616 = arith.cmpf ogt, %max3A_564, %gt3A_615 : vector<16xf32>
        %jit3A_617 = arith.constant 0.000000e+00 : f32
        %broadcast_in_dim3A_618 = vector.broadcast %jit3A_617 : f32 to vector<16xf32>
        %select_n3A_619 = arith.select %gt3A_616, %broadcast_in_dim3A_618, %select_n3A_613 : vector<16xi1>, vector<16xf32>
        %swap3A_620 = arith.index_cast %add3A_528 : i32 to index
        %swap3A_621 = tpu.vector_load %arg39[%swap3A_620] {strides = array<i32>} : memref<3200xf32, #tpu.memory_space<vmem>>, vector<16xf32>,
        %swap3A_622 = vector.shape_cast %swap3A_621 : vector<16xf32> to vector<16xf32>
        %swap3A_623 = vector.shape_cast %add3A_604 : vector<16xf32> to vector<16xf32>
        tpu.vector_store %arg39[%swap3A_620], %swap3A_623 {strides = array<i32>} : memref<3200xf32, #tpu.memory_space<vmem>>, vector<16xf32>,
        %swap3A_624 = arith.index_cast %add3A_528 : i32 to index
        %swap3A_625 = tpu.vector_load %arg41[%swap3A_624] {strides = array<i32>} : memref<3200xf32, #tpu.memory_space<vmem>>, vector<16xf32>,
        %swap3A_626 = vector.shape_cast %swap3A_625 : vector<16xf32> to vector<16xf32>
        %swap3A_627 = vector.shape_cast %max3A_564 : vector<16xf32> to vector<16xf32>
        tpu.vector_store %arg41[%swap3A_624], %swap3A_627 {strides = array<i32>} : memref<3200xf32, #tpu.memory_space<vmem>>, vector<16xf32>,
        %swap3A_628 = arith.index_cast %add3A_528 : i32 to index
        %swap3A_629 = tpu.vector_load %arg43[%swap3A_628] {strides = array<i32>} : memref<3200xf32, #tpu.memory_space<vmem>>, vector<16xf32>,
        %swap3A_630 = vector.shape_cast %swap3A_629 : vector<16xf32> to vector<16xf32>
        %swap3A_631 = vector.shape_cast %add3A_573 : vector<16xf32> to vector<16xf32>
        tpu.vector_store %arg43[%swap3A_628], %swap3A_631 {strides = array<i32>} : memref<3200xf32, #tpu.memory_space<vmem>>, vector<16xf32>,
        %swap3A_632 = arith.index_cast %add3A_528 : i32 to index
        %swap3A_633 = tpu.vector_load %arg45[%swap3A_632] {strides = array<i32>} : memref<3200xf32, #tpu.memory_space<vmem>>, vector<16xf32>,
        %swap3A_634 = vector.shape_cast %swap3A_633 : vector<16xf32> to vector<16xf32>
        %swap3A_635 = vector.shape_cast %add3A_582 : vector<16xf32> to vector<16xf32>
        tpu.vector_store %arg45[%swap3A_632], %swap3A_635 {strides = array<i32>} : memref<3200xf32, #tpu.memory_space<vmem>>, vector<16xf32>,
        %swap3A_636 = arith.index_cast %mul3A_523 : i32 to index
        %swap3A_637 = tpu.vector_load %arg80[%swap3A_636] {strides = array<i32>} : memref<400xf32, #tpu.memory_space<vmem>>, vector<16xf32>,
        %swap3A_638 = vector.shape_cast %swap3A_637 : vector<16xf32> to vector<16xf32>
        %swap3A_639 = vector.shape_cast %select_n3A_619 : vector<16xf32> to vector<16xf32>
        tpu.vector_store %arg80[%swap3A_636], %swap3A_639 {strides = array<i32>} : memref<400xf32, #tpu.memory_space<vmem>>, vector<16xf32>,
      }
      %scan3A_205 = arith.constant 25 : i32
      %mul3A_206 = arith.constant 2 : i32
      %mul3A_207 = arith.muli %arg0, %mul3A_206 : i32
      %add3A_208 = arith.constant 0 : i32
      %add3A_209 = arith.addi %mul3A_207, %add3A_208 : i32
      %mul3A_210 = arith.constant 204800 : i32
      %mul3A_211 = arith.muli %add3A_209, %mul3A_210 : i32
      %mul3A_212 = arith.constant 4 : i32
      %mul3A_213 = arith.muli %mul3A_212, %add3A_100 : i32
      %add3A_214 = arith.addi %mul3A_211, %mul3A_213 : i32
      "tpu.region"() ({
        %run_scoped3A = tpu.sem_alloc : memref<!tpu.dma_semaphore, #tpu.memory_space<semaphore_mem>>
        %dma_start3A_255 = tpu.memref_slice %arg31[%add3A_214] : memref<819200xf32, #tpu.memory_space<hbm>> -> memref<1600xf32, #tpu.memory_space<hbm>>
        %dma_start3A_256 = tpu.memref_slice %arg31[%add3A_214] : memref<819200xf32, #tpu.memory_space<hbm>> -> memref<1600xf32, #tpu.memory_space<hbm>>
        tpu.enqueue_dma source(%arg71 : memref<1600xf32, #tpu.memory_space<vmem>>) target(%dma_start3A_256 : memref<1600xf32, #tpu.memory_space<hbm>>) target_semaphore(%run_scoped3A : memref<!tpu.dma_semaphore, #tpu.memory_space<semaphore_mem>>)
        %dma_wait3A_257 = tpu.memref_slice %arg31[%add3A_214] : memref<819200xf32, #tpu.memory_space<hbm>> -> memref<1600xf32, #tpu.memory_space<hbm>>
        %dma_wait3A_258 = tpu.memref_slice %arg31[%add3A_214] : memref<819200xf32, #tpu.memory_space<hbm>> -> memref<1600xf32, #tpu.memory_space<hbm>>
        tpu.wait_dma2 semaphore(%run_scoped3A : memref<!tpu.dma_semaphore, #tpu.memory_space<semaphore_mem>>) src(%arg71 : memref<1600xf32, #tpu.memory_space<vmem>>) dst(%dma_wait3A_258 : memref<1600xf32, #tpu.memory_space<hbm>>)
        tpu.yield
      }) : () -> ()
      "tpu.region"() ({
        %run_scoped3A = tpu.sem_alloc : memref<!tpu.dma_semaphore, #tpu.memory_space<semaphore_mem>>
        %dma_start3A_255 = tpu.memref_slice %arg32[%add3A_214] : memref<819200xf32, #tpu.memory_space<hbm>> -> memref<1600xf32, #tpu.memory_space<hbm>>
        %dma_start3A_256 = tpu.memref_slice %arg32[%add3A_214] : memref<819200xf32, #tpu.memory_space<hbm>> -> memref<1600xf32, #tpu.memory_space<hbm>>
        tpu.enqueue_dma source(%arg73 : memref<1600xf32, #tpu.memory_space<vmem>>) target(%dma_start3A_256 : memref<1600xf32, #tpu.memory_space<hbm>>) target_semaphore(%run_scoped3A : memref<!tpu.dma_semaphore, #tpu.memory_space<semaphore_mem>>)
        %dma_wait3A_257 = tpu.memref_slice %arg32[%add3A_214] : memref<819200xf32, #tpu.memory_space<hbm>> -> memref<1600xf32, #tpu.memory_space<hbm>>
        %dma_wait3A_258 = tpu.memref_slice %arg32[%add3A_214] : memref<819200xf32, #tpu.memory_space<hbm>> -> memref<1600xf32, #tpu.memory_space<hbm>>
        tpu.wait_dma2 semaphore(%run_scoped3A : memref<!tpu.dma_semaphore, #tpu.memory_space<semaphore_mem>>) src(%arg73 : memref<1600xf32, #tpu.memory_space<vmem>>) dst(%dma_wait3A_258 : memref<1600xf32, #tpu.memory_space<hbm>>)
        tpu.yield
      }) : () -> ()
      %mul3A_215 = arith.constant 2 : i32
      %mul3A_216 = arith.muli %arg0, %mul3A_215 : i32
      %add3A_217 = arith.constant 0 : i32
      %add3A_218 = arith.addi %mul3A_216, %add3A_217 : i32
      %mul3A_219 = arith.constant 2 : i32
      %mul3A_220 = arith.muli %add3A_218, %mul3A_219 : i32
      %add3A_221 = arith.constant 0 : i32
      %add3A_222 = arith.addi %mul3A_220, %add3A_221 : i32
      %mul3A_223 = arith.constant 51200 : i32
      %mul3A_224 = arith.muli %add3A_222, %mul3A_223 : i32
      %add3A_225 = arith.addi %mul3A_224, %add3A_100 : i32
      "tpu.region"() ({
        %run_scoped3A = tpu.sem_alloc : memref<!tpu.dma_semaphore, #tpu.memory_space<semaphore_mem>>
        %dma_start3A_255 = tpu.memref_slice %arg30[%add3A_225] : memref<409600xf32, #tpu.memory_space<hbm>> -> memref<400xf32, #tpu.memory_space<hbm>>
        %dma_start3A_256 = tpu.memref_slice %arg30[%add3A_225] : memref<409600xf32, #tpu.memory_space<hbm>> -> memref<400xf32, #tpu.memory_space<hbm>>
        tpu.enqueue_dma source(%arg79 : memref<400xf32, #tpu.memory_space<vmem>>) target(%dma_start3A_256 : memref<400xf32, #tpu.memory_space<hbm>>) target_semaphore(%run_scoped3A : memref<!tpu.dma_semaphore, #tpu.memory_space<semaphore_mem>>)
        %dma_wait3A_257 = tpu.memref_slice %arg30[%add3A_225] : memref<409600xf32, #tpu.memory_space<hbm>> -> memref<400xf32, #tpu.memory_space<hbm>>
        %dma_wait3A_258 = tpu.memref_slice %arg30[%add3A_225] : memref<409600xf32, #tpu.memory_space<hbm>> -> memref<400xf32, #tpu.memory_space<hbm>>
        tpu.wait_dma2 semaphore(%run_scoped3A : memref<!tpu.dma_semaphore, #tpu.memory_space<semaphore_mem>>) src(%arg79 : memref<400xf32, #tpu.memory_space<vmem>>) dst(%dma_wait3A_258 : memref<400xf32, #tpu.memory_space<hbm>>)
        tpu.yield
      }) : () -> ()
      %convert_element_type3A_226 = arith.extui %lt3A_103 : i1 to i32
      %cond3A_227 = arith.constant 0 : i32
      %cond3A_228 = arith.cmpi ne, %convert_element_type3A_226, %cond3A_227 : i32
      scf.if %cond3A_228 {
        %scan3A_255 = arith.constant 0 : i32
        %scan3A_256 = arith.constant 4 : i32
        %scan3A_257 = arith.addi %scan3A_255, %scan3A_256 : i32
        %scan3A_258 = arith.constant 1 : i32
        scf.for %scan3A_260 = %scan3A_255 to %scan3A_257 step %scan3A_258  : i32 {
          %mul3A_261 = arith.constant 1 : i32
          %mul3A_262 = arith.muli %scan3A_260, %mul3A_261 : i32
          %add3A_263 = arith.constant 0 : i32
          %add3A_264 = arith.addi %add3A_263, %mul3A_262 : i32
          %mul3A_265 = arith.constant 4 : i32
          %mul3A_266 = arith.muli %mul3A_265, %add3A_100 : i32
          %mul3A_267 = arith.constant 400 : i32
          %mul3A_268 = arith.muli %add3A_264, %mul3A_267 : i32
          %add3A_269 = arith.addi %mul3A_266, %mul3A_268 : i32
          "tpu.region"() ({
            %run_scoped3A = tpu.sem_alloc : memref<!tpu.dma_semaphore, #tpu.memory_space<semaphore_mem>>
            %dma_start3A_270 = tpu.memref_slice %arg34[%add3A_269] : memref<200000xf32, #tpu.memory_space<vmem_shared>> -> memref<400xf32, #tpu.memory_space<vmem_shared>>
            %dma_start3A_271 = tpu.memref_slice %arg34[%add3A_269] : memref<200000xf32, #tpu.memory_space<vmem_shared>> -> memref<400xf32, #tpu.memory_space<vmem_shared>>
            tpu.enqueue_dma source(%arg82 : memref<400xf32, #tpu.memory_space<vmem>>) target(%dma_start3A_271 : memref<400xf32, #tpu.memory_space<vmem_shared>>) target_semaphore(%run_scoped3A : memref<!tpu.dma_semaphore, #tpu.memory_space<semaphore_mem>>)
            %dma_wait3A_272 = tpu.memref_slice %arg34[%add3A_269] : memref<200000xf32, #tpu.memory_space<vmem_shared>> -> memref<400xf32, #tpu.memory_space<vmem_shared>>
            %dma_wait3A_273 = tpu.memref_slice %arg34[%add3A_269] : memref<200000xf32, #tpu.memory_space<vmem_shared>> -> memref<400xf32, #tpu.memory_space<vmem_shared>>
            tpu.wait_dma2 semaphore(%run_scoped3A : memref<!tpu.dma_semaphore, #tpu.memory_space<semaphore_mem>>) src(%arg82 : memref<400xf32, #tpu.memory_space<vmem>>) dst(%dma_wait3A_273 : memref<400xf32, #tpu.memory_space<vmem_shared>>)
            tpu.yield
          }) : () -> ()
        }
        %scan3A_259 = arith.constant 4 : i32
      } else {
      }
      %mul3A_229 = arith.constant 2 : i32
      %mul3A_230 = arith.muli %arg0, %mul3A_229 : i32
      %add3A_231 = arith.constant 1 : i32
      %add3A_232 = arith.addi %mul3A_230, %add3A_231 : i32
      %mul3A_233 = arith.constant 204800 : i32
      %mul3A_234 = arith.muli %add3A_232, %mul3A_233 : i32
      %mul3A_235 = arith.constant 4 : i32
      %mul3A_236 = arith.muli %mul3A_235, %add3A_100 : i32
      %add3A_237 = arith.addi %mul3A_234, %mul3A_236 : i32
      "tpu.region"() ({
        %run_scoped3A = tpu.sem_alloc : memref<!tpu.dma_semaphore, #tpu.memory_space<semaphore_mem>>
        %dma_start3A_255 = tpu.memref_slice %arg31[%add3A_237] : memref<819200xf32, #tpu.memory_space<hbm>> -> memref<1600xf32, #tpu.memory_space<hbm>>
        %dma_start3A_256 = tpu.memref_slice %arg31[%add3A_237] : memref<819200xf32, #tpu.memory_space<hbm>> -> memref<1600xf32, #tpu.memory_space<hbm>>
        tpu.enqueue_dma source(%arg72 : memref<1600xf32, #tpu.memory_space<vmem>>) target(%dma_start3A_256 : memref<1600xf32, #tpu.memory_space<hbm>>) target_semaphore(%run_scoped3A : memref<!tpu.dma_semaphore, #tpu.memory_space<semaphore_mem>>)
        %dma_wait3A_257 = tpu.memref_slice %arg31[%add3A_237] : memref<819200xf32, #tpu.memory_space<hbm>> -> memref<1600xf32, #tpu.memory_space<hbm>>
        %dma_wait3A_258 = tpu.memref_slice %arg31[%add3A_237] : memref<819200xf32, #tpu.memory_space<hbm>> -> memref<1600xf32, #tpu.memory_space<hbm>>
        tpu.wait_dma2 semaphore(%run_scoped3A : memref<!tpu.dma_semaphore, #tpu.memory_space<semaphore_mem>>) src(%arg72 : memref<1600xf32, #tpu.memory_space<vmem>>) dst(%dma_wait3A_258 : memref<1600xf32, #tpu.memory_space<hbm>>)
        tpu.yield
      }) : () -> ()
      "tpu.region"() ({
        %run_scoped3A = tpu.sem_alloc : memref<!tpu.dma_semaphore, #tpu.memory_space<semaphore_mem>>
        %dma_start3A_255 = tpu.memref_slice %arg32[%add3A_237] : memref<819200xf32, #tpu.memory_space<hbm>> -> memref<1600xf32, #tpu.memory_space<hbm>>
        %dma_start3A_256 = tpu.memref_slice %arg32[%add3A_237] : memref<819200xf32, #tpu.memory_space<hbm>> -> memref<1600xf32, #tpu.memory_space<hbm>>
        tpu.enqueue_dma source(%arg74 : memref<1600xf32, #tpu.memory_space<vmem>>) target(%dma_start3A_256 : memref<1600xf32, #tpu.memory_space<hbm>>) target_semaphore(%run_scoped3A : memref<!tpu.dma_semaphore, #tpu.memory_space<semaphore_mem>>)
        %dma_wait3A_257 = tpu.memref_slice %arg32[%add3A_237] : memref<819200xf32, #tpu.memory_space<hbm>> -> memref<1600xf32, #tpu.memory_space<hbm>>
        %dma_wait3A_258 = tpu.memref_slice %arg32[%add3A_237] : memref<819200xf32, #tpu.memory_space<hbm>> -> memref<1600xf32, #tpu.memory_space<hbm>>
        tpu.wait_dma2 semaphore(%run_scoped3A : memref<!tpu.dma_semaphore, #tpu.memory_space<semaphore_mem>>) src(%arg74 : memref<1600xf32, #tpu.memory_space<vmem>>) dst(%dma_wait3A_258 : memref<1600xf32, #tpu.memory_space<hbm>>)
        tpu.yield
      }) : () -> ()
      %mul3A_238 = arith.constant 2 : i32
      %mul3A_239 = arith.muli %arg0, %mul3A_238 : i32
      %add3A_240 = arith.constant 0 : i32
      %add3A_241 = arith.addi %mul3A_239, %add3A_240 : i32
      %mul3A_242 = arith.constant 2 : i32
      %mul3A_243 = arith.muli %add3A_241, %mul3A_242 : i32
      %add3A_244 = arith.constant 1 : i32
      %add3A_245 = arith.addi %mul3A_243, %add3A_244 : i32
      %mul3A_246 = arith.constant 51200 : i32
      %mul3A_247 = arith.muli %add3A_245, %mul3A_246 : i32
      %add3A_248 = arith.addi %mul3A_247, %add3A_100 : i32
      "tpu.region"() ({
        %run_scoped3A = tpu.sem_alloc : memref<!tpu.dma_semaphore, #tpu.memory_space<semaphore_mem>>
        %dma_start3A_255 = tpu.memref_slice %arg30[%add3A_248] : memref<409600xf32, #tpu.memory_space<hbm>> -> memref<400xf32, #tpu.memory_space<hbm>>
        %dma_start3A_256 = tpu.memref_slice %arg30[%add3A_248] : memref<409600xf32, #tpu.memory_space<hbm>> -> memref<400xf32, #tpu.memory_space<hbm>>
        tpu.enqueue_dma source(%arg80 : memref<400xf32, #tpu.memory_space<vmem>>) target(%dma_start3A_256 : memref<400xf32, #tpu.memory_space<hbm>>) target_semaphore(%run_scoped3A : memref<!tpu.dma_semaphore, #tpu.memory_space<semaphore_mem>>)
        %dma_wait3A_257 = tpu.memref_slice %arg30[%add3A_248] : memref<409600xf32, #tpu.memory_space<hbm>> -> memref<400xf32, #tpu.memory_space<hbm>>
        %dma_wait3A_258 = tpu.memref_slice %arg30[%add3A_248] : memref<409600xf32, #tpu.memory_space<hbm>> -> memref<400xf32, #tpu.memory_space<hbm>>
        tpu.wait_dma2 semaphore(%run_scoped3A : memref<!tpu.dma_semaphore, #tpu.memory_space<semaphore_mem>>) src(%arg80 : memref<400xf32, #tpu.memory_space<vmem>>) dst(%dma_wait3A_258 : memref<400xf32, #tpu.memory_space<hbm>>)
        tpu.yield
      }) : () -> ()
      %convert_element_type3A_249 = arith.extui %lt3A_103 : i1 to i32
      %cond3A_250 = arith.constant 0 : i32
      %cond3A_251 = arith.cmpi ne, %convert_element_type3A_249, %cond3A_250 : i32
      scf.if %cond3A_251 {
        %scan3A_255 = arith.constant 0 : i32
        %scan3A_256 = arith.constant 4 : i32
        %scan3A_257 = arith.addi %scan3A_255, %scan3A_256 : i32
        %scan3A_258 = arith.constant 1 : i32
        scf.for %scan3A_260 = %scan3A_255 to %scan3A_257 step %scan3A_258  : i32 {
          %mul3A_261 = arith.constant 1 : i32
          %mul3A_262 = arith.muli %scan3A_260, %mul3A_261 : i32
          %add3A_263 = arith.constant 0 : i32
          %add3A_264 = arith.addi %add3A_263, %mul3A_262 : i32
          %mul3A_265 = arith.constant 4 : i32
          %mul3A_266 = arith.muli %mul3A_265, %add3A_100 : i32
          %mul3A_267 = arith.constant 400 : i32
          %mul3A_268 = arith.muli %add3A_264, %mul3A_267 : i32
          %add3A_269 = arith.addi %mul3A_266, %mul3A_268 : i32
          "tpu.region"() ({
            %run_scoped3A = tpu.sem_alloc : memref<!tpu.dma_semaphore, #tpu.memory_space<semaphore_mem>>
            %dma_start3A_270 = tpu.memref_slice %arg35[%add3A_269] : memref<200000xf32, #tpu.memory_space<vmem_shared>> -> memref<400xf32, #tpu.memory_space<vmem_shared>>
            %dma_start3A_271 = tpu.memref_slice %arg35[%add3A_269] : memref<200000xf32, #tpu.memory_space<vmem_shared>> -> memref<400xf32, #tpu.memory_space<vmem_shared>>
            tpu.enqueue_dma source(%arg82 : memref<400xf32, #tpu.memory_space<vmem>>) target(%dma_start3A_271 : memref<400xf32, #tpu.memory_space<vmem_shared>>) target_semaphore(%run_scoped3A : memref<!tpu.dma_semaphore, #tpu.memory_space<semaphore_mem>>)
            %dma_wait3A_272 = tpu.memref_slice %arg35[%add3A_269] : memref<200000xf32, #tpu.memory_space<vmem_shared>> -> memref<400xf32, #tpu.memory_space<vmem_shared>>
            %dma_wait3A_273 = tpu.memref_slice %arg35[%add3A_269] : memref<200000xf32, #tpu.memory_space<vmem_shared>> -> memref<400xf32, #tpu.memory_space<vmem_shared>>
            tpu.wait_dma2 semaphore(%run_scoped3A : memref<!tpu.dma_semaphore, #tpu.memory_space<semaphore_mem>>) src(%arg82 : memref<400xf32, #tpu.memory_space<vmem>>) dst(%dma_wait3A_273 : memref<400xf32, #tpu.memory_space<vmem_shared>>)
            tpu.yield
          }) : () -> ()
        }
        %scan3A_259 = arith.constant 4 : i32
      } else {
      }
      %convert_element_type3A_252 = arith.extui %lt3A_103 : i1 to i32
      %cond3A_253 = arith.constant 0 : i32
      %cond3A_254 = arith.cmpi ne, %convert_element_type3A_252, %cond3A_253 : i32
      scf.if %cond3A_254 {
        %scan3A_255 = arith.constant 0 : i32
        %scan3A_256 = arith.constant 25 : i32
        %scan3A_257 = arith.addi %scan3A_255, %scan3A_256 : i32
        %scan3A_258 = arith.constant 1 : i32
        scf.for %scan3A_262 = %scan3A_255 to %scan3A_257 step %scan3A_258  : i32 {
          %mul3A_263 = arith.constant 1 : i32
          %mul3A_264 = arith.muli %scan3A_262, %mul3A_263 : i32
          %add3A_265 = arith.constant 0 : i32
          %add3A_266 = arith.addi %add3A_265, %mul3A_264 : i32
          %mul3A_267 = arith.constant 16 : i32
          %mul3A_268 = arith.muli %add3A_266, %mul3A_267 : i32
          %get3A = arith.index_cast %mul3A_268 : i32 to index
          %get3A_269 = tpu.vector_load %arg79[%get3A] {strides = array<i32>} : memref<400xf32, #tpu.memory_space<vmem>>, vector<16xf32>,
          %get3A_270 = vector.shape_cast %get3A_269 : vector<16xf32> to vector<16xf32>
          %get3A_271 = arith.index_cast %mul3A_268 : i32 to index
          %get3A_272 = tpu.vector_load %arg80[%get3A_271] {strides = array<i32>} : memref<400xf32, #tpu.memory_space<vmem>>, vector<16xf32>,
          %get3A_273 = vector.shape_cast %get3A_272 : vector<16xf32> to vector<16xf32>
          %mul3A_274 = arith.constant 2.000000e+00 : f32
          %mul3A_275 = vector.broadcast %mul3A_274 : f32 to vector<16xf32>
          %mul3A_276 = arith.mulf %mul3A_275, %get3A_273 : vector<16xf32>
          %add3A_277 = arith.addf %get3A_270, %mul3A_276 : vector<16xf32>
          %swap3A = arith.index_cast %mul3A_268 : i32 to index
          %swap3A_278 = tpu.vector_load %arg81[%swap3A] {strides = array<i32>} : memref<400xf32, #tpu.memory_space<vmem>>, vector<16xf32>,
          %swap3A_279 = vector.shape_cast %swap3A_278 : vector<16xf32> to vector<16xf32>
          %swap3A_280 = vector.shape_cast %add3A_277 : vector<16xf32> to vector<16xf32>
          tpu.vector_store %arg81[%swap3A], %swap3A_280 {strides = array<i32>} : memref<400xf32, #tpu.memory_space<vmem>>, vector<16xf32>,
        }
        %scan3A_259 = arith.constant 25 : i32
        %add3A_260 = arith.constant 250000 : i32
        %add3A_261 = arith.addi %add3A_260, %add3A_100 : i32
        "tpu.region"() ({
          %run_scoped3A = tpu.sem_alloc : memref<!tpu.dma_semaphore, #tpu.memory_space<semaphore_mem>>
          %dma_start3A_262 = tpu.memref_slice %arg33[%add3A_261] : memref<300000xf32, #tpu.memory_space<vmem_shared>> -> memref<400xf32, #tpu.memory_space<vmem_shared>>
          %dma_start3A_263 = tpu.memref_slice %arg33[%add3A_261] : memref<300000xf32, #tpu.memory_space<vmem_shared>> -> memref<400xf32, #tpu.memory_space<vmem_shared>>
          tpu.enqueue_dma source(%arg81 : memref<400xf32, #tpu.memory_space<vmem>>) target(%dma_start3A_263 : memref<400xf32, #tpu.memory_space<vmem_shared>>) target_semaphore(%run_scoped3A : memref<!tpu.dma_semaphore, #tpu.memory_space<semaphore_mem>>)
          %dma_wait3A_264 = tpu.memref_slice %arg33[%add3A_261] : memref<300000xf32, #tpu.memory_space<vmem_shared>> -> memref<400xf32, #tpu.memory_space<vmem_shared>>
          %dma_wait3A_265 = tpu.memref_slice %arg33[%add3A_261] : memref<300000xf32, #tpu.memory_space<vmem_shared>> -> memref<400xf32, #tpu.memory_space<vmem_shared>>
          tpu.wait_dma2 semaphore(%run_scoped3A : memref<!tpu.dma_semaphore, #tpu.memory_space<semaphore_mem>>) src(%arg81 : memref<400xf32, #tpu.memory_space<vmem>>) dst(%dma_wait3A_265 : memref<400xf32, #tpu.memory_space<vmem_shared>>)
          tpu.yield
        }) : () -> ()
      } else {
      }
    }
    %scan3A_72 = arith.constant 8 : i32
    %barrier3A_73 = arith.constant 0 : index
    tpu.barrier barrier_id(%barrier3A_73)
    %scan3A_74 = arith.constant 0 : i32
    %scan3A_75 = arith.constant 62 : i32
    %scan3A_76 = arith.addi %scan3A_74, %scan3A_75 : i32
    %scan3A_77 = arith.constant 1 : i32
    scf.for %scan3A_91 = %scan3A_74 to %scan3A_76 step %scan3A_77  : i32 {
      %mul3A_92 = arith.constant 1 : i32
      %mul3A_93 = arith.muli %scan3A_91, %mul3A_92 : i32
      %add3A_94 = arith.constant 0 : i32
      %add3A_95 = arith.addi %add3A_94, %mul3A_93 : i32
      %mul3A_96 = arith.constant 2 : i32
      %mul3A_97 = arith.muli %mul3A_96, %add3A_95 : i32
      %mul3A_98 = arith.constant 63488 : i32
      %mul3A_99 = arith.muli %arg1, %mul3A_98 : i32
      %mul3A_100 = arith.constant 512 : i32
      %mul3A_101 = arith.muli %mul3A_97, %mul3A_100 : i32
      %add3A_102 = arith.addi %mul3A_99, %mul3A_101 : i32
      %dma_start3A = tpu.memref_slice %arg7[%add3A_102] : memref<1015808xi32, #tpu.memory_space<hbm>> -> memref<512xi32, #tpu.memory_space<hbm>>
      %dma_start3A_103 = tpu.memref_slice %arg7[%add3A_102] : memref<1015808xi32, #tpu.memory_space<hbm>> -> memref<512xi32, #tpu.memory_space<hbm>>
      tpu.enqueue_dma source(%dma_start3A_103 : memref<512xi32, #tpu.memory_space<hbm>>) target(%arg57 : memref<512xi32, #tpu.memory_space<vmem>>) target_semaphore(%arg83 : memref<!tpu.dma_semaphore, #tpu.memory_space<semaphore_mem>>)
      %dma_start3A_104 = tpu.memref_slice %arg8[%add3A_102] : memref<1015808xi32, #tpu.memory_space<hbm>> -> memref<512xi32, #tpu.memory_space<hbm>>
      %dma_start3A_105 = tpu.memref_slice %arg8[%add3A_102] : memref<1015808xi32, #tpu.memory_space<hbm>> -> memref<512xi32, #tpu.memory_space<hbm>>
      tpu.enqueue_dma source(%dma_start3A_105 : memref<512xi32, #tpu.memory_space<hbm>>) target(%arg58 : memref<512xi32, #tpu.memory_space<vmem>>) target_semaphore(%arg83 : memref<!tpu.dma_semaphore, #tpu.memory_space<semaphore_mem>>)
      %dma_start3A_106 = tpu.memref_slice %arg9[%add3A_102] : memref<1015808xf32, #tpu.memory_space<hbm>> -> memref<512xf32, #tpu.memory_space<hbm>>
      %dma_start3A_107 = tpu.memref_slice %arg9[%add3A_102] : memref<1015808xf32, #tpu.memory_space<hbm>> -> memref<512xf32, #tpu.memory_space<hbm>>
      tpu.enqueue_dma source(%dma_start3A_107 : memref<512xf32, #tpu.memory_space<hbm>>) target(%arg59 : memref<512xf32, #tpu.memory_space<vmem>>) target_semaphore(%arg83 : memref<!tpu.dma_semaphore, #tpu.memory_space<semaphore_mem>>)
      %mul3A_108 = arith.constant 2 : i32
      %mul3A_109 = arith.muli %mul3A_108, %add3A_95 : i32
      %add3A_110 = arith.constant 1 : i32
      %add3A_111 = arith.addi %mul3A_109, %add3A_110 : i32
      %mul3A_112 = arith.constant 63488 : i32
      %mul3A_113 = arith.muli %arg1, %mul3A_112 : i32
      %mul3A_114 = arith.constant 512 : i32
      %mul3A_115 = arith.muli %add3A_111, %mul3A_114 : i32
      %add3A_116 = arith.addi %mul3A_113, %mul3A_115 : i32
      %dma_start3A_117 = tpu.memref_slice %arg7[%add3A_116] : memref<1015808xi32, #tpu.memory_space<hbm>> -> memref<512xi32, #tpu.memory_space<hbm>>
      %dma_start3A_118 = tpu.memref_slice %arg7[%add3A_116] : memref<1015808xi32, #tpu.memory_space<hbm>> -> memref<512xi32, #tpu.memory_space<hbm>>
      tpu.enqueue_dma source(%dma_start3A_118 : memref<512xi32, #tpu.memory_space<hbm>>) target(%arg63 : memref<512xi32, #tpu.memory_space<vmem>>) target_semaphore(%arg84 : memref<!tpu.dma_semaphore, #tpu.memory_space<semaphore_mem>>)
      %dma_start3A_119 = tpu.memref_slice %arg8[%add3A_116] : memref<1015808xi32, #tpu.memory_space<hbm>> -> memref<512xi32, #tpu.memory_space<hbm>>
      %dma_start3A_120 = tpu.memref_slice %arg8[%add3A_116] : memref<1015808xi32, #tpu.memory_space<hbm>> -> memref<512xi32, #tpu.memory_space<hbm>>
      tpu.enqueue_dma source(%dma_start3A_120 : memref<512xi32, #tpu.memory_space<hbm>>) target(%arg64 : memref<512xi32, #tpu.memory_space<vmem>>) target_semaphore(%arg84 : memref<!tpu.dma_semaphore, #tpu.memory_space<semaphore_mem>>)
      %dma_start3A_121 = tpu.memref_slice %arg9[%add3A_116] : memref<1015808xf32, #tpu.memory_space<hbm>> -> memref<512xf32, #tpu.memory_space<hbm>>
      %dma_start3A_122 = tpu.memref_slice %arg9[%add3A_116] : memref<1015808xf32, #tpu.memory_space<hbm>> -> memref<512xf32, #tpu.memory_space<hbm>>
      tpu.enqueue_dma source(%dma_start3A_122 : memref<512xf32, #tpu.memory_space<hbm>>) target(%arg65 : memref<512xf32, #tpu.memory_space<vmem>>) target_semaphore(%arg84 : memref<!tpu.dma_semaphore, #tpu.memory_space<semaphore_mem>>)
      %dma_wait3A = tpu.memref_slice %arg7[%add3A_102] : memref<1015808xi32, #tpu.memory_space<hbm>> -> memref<512xi32, #tpu.memory_space<hbm>>
      %dma_wait3A_123 = tpu.memref_slice %arg7[%add3A_102] : memref<1015808xi32, #tpu.memory_space<hbm>> -> memref<512xi32, #tpu.memory_space<hbm>>
      tpu.wait_dma2 semaphore(%arg83 : memref<!tpu.dma_semaphore, #tpu.memory_space<semaphore_mem>>) src(%dma_wait3A_123 : memref<512xi32, #tpu.memory_space<hbm>>) dst(%arg57 : memref<512xi32, #tpu.memory_space<vmem>>)
      %dma_wait3A_124 = tpu.memref_slice %arg8[%add3A_102] : memref<1015808xi32, #tpu.memory_space<hbm>> -> memref<512xi32, #tpu.memory_space<hbm>>
      %dma_wait3A_125 = tpu.memref_slice %arg8[%add3A_102] : memref<1015808xi32, #tpu.memory_space<hbm>> -> memref<512xi32, #tpu.memory_space<hbm>>
      tpu.wait_dma2 semaphore(%arg83 : memref<!tpu.dma_semaphore, #tpu.memory_space<semaphore_mem>>) src(%dma_wait3A_125 : memref<512xi32, #tpu.memory_space<hbm>>) dst(%arg58 : memref<512xi32, #tpu.memory_space<vmem>>)
      %dma_wait3A_126 = tpu.memref_slice %arg9[%add3A_102] : memref<1015808xf32, #tpu.memory_space<hbm>> -> memref<512xf32, #tpu.memory_space<hbm>>
      %dma_wait3A_127 = tpu.memref_slice %arg9[%add3A_102] : memref<1015808xf32, #tpu.memory_space<hbm>> -> memref<512xf32, #tpu.memory_space<hbm>>
      tpu.wait_dma2 semaphore(%arg83 : memref<!tpu.dma_semaphore, #tpu.memory_space<semaphore_mem>>) src(%dma_wait3A_127 : memref<512xf32, #tpu.memory_space<hbm>>) dst(%arg59 : memref<512xf32, #tpu.memory_space<vmem>>)
      %dma_start3A_128 = arith.constant 0 : i32
      %dma_start3A_129 = tpu.memref_slice %arg37[%dma_start3A_128] : memref<10240xf32, #tpu.memory_space<vmem_shared>> -> memref<10240xf32, #tpu.memory_space<vmem_shared>>
      tpu.enqueue_indirect_dma source(%dma_start3A_129 : memref<10240xf32, #tpu.memory_space<vmem_shared>>) target(%arg60 : memref<512xf32, #tpu.memory_space<vmem>>) offsets(%arg57 : memref<512xi32, #tpu.memory_space<vmem>>) semaphore(%arg85 : memref<!tpu.dma_semaphore, #tpu.memory_space<semaphore_mem>>)
      %dma_wait3A_130 = tpu.memref_slice %arg7[%add3A_116] : memref<1015808xi32, #tpu.memory_space<hbm>> -> memref<512xi32, #tpu.memory_space<hbm>>
      %dma_wait3A_131 = tpu.memref_slice %arg7[%add3A_116] : memref<1015808xi32, #tpu.memory_space<hbm>> -> memref<512xi32, #tpu.memory_space<hbm>>
      tpu.wait_dma2 semaphore(%arg84 : memref<!tpu.dma_semaphore, #tpu.memory_space<semaphore_mem>>) src(%dma_wait3A_131 : memref<512xi32, #tpu.memory_space<hbm>>) dst(%arg63 : memref<512xi32, #tpu.memory_space<vmem>>)
      %dma_wait3A_132 = tpu.memref_slice %arg8[%add3A_116] : memref<1015808xi32, #tpu.memory_space<hbm>> -> memref<512xi32, #tpu.memory_space<hbm>>
      %dma_wait3A_133 = tpu.memref_slice %arg8[%add3A_116] : memref<1015808xi32, #tpu.memory_space<hbm>> -> memref<512xi32, #tpu.memory_space<hbm>>
      tpu.wait_dma2 semaphore(%arg84 : memref<!tpu.dma_semaphore, #tpu.memory_space<semaphore_mem>>) src(%dma_wait3A_133 : memref<512xi32, #tpu.memory_space<hbm>>) dst(%arg64 : memref<512xi32, #tpu.memory_space<vmem>>)
      %dma_wait3A_134 = tpu.memref_slice %arg9[%add3A_116] : memref<1015808xf32, #tpu.memory_space<hbm>> -> memref<512xf32, #tpu.memory_space<hbm>>
      %dma_wait3A_135 = tpu.memref_slice %arg9[%add3A_116] : memref<1015808xf32, #tpu.memory_space<hbm>> -> memref<512xf32, #tpu.memory_space<hbm>>
      tpu.wait_dma2 semaphore(%arg84 : memref<!tpu.dma_semaphore, #tpu.memory_space<semaphore_mem>>) src(%dma_wait3A_135 : memref<512xf32, #tpu.memory_space<hbm>>) dst(%arg65 : memref<512xf32, #tpu.memory_space<vmem>>)
      %dma_wait3A_136 = arith.constant 0 : i32
      %dma_wait3A_137 = tpu.memref_slice %arg37[%dma_wait3A_136] : memref<10240xf32, #tpu.memory_space<vmem_shared>> -> memref<10240xf32, #tpu.memory_space<vmem_shared>>
      tpu.wait_indirect_dma semaphore(%arg85 : memref<!tpu.dma_semaphore, #tpu.memory_space<semaphore_mem>>) src(%dma_wait3A_137 : memref<10240xf32, #tpu.memory_space<vmem_shared>>) dst(%arg60 : memref<512xf32, #tpu.memory_space<vmem>>)
      %dma_start3A_138 = arith.constant 0 : i32
      %dma_start3A_139 = tpu.memref_slice %arg37[%dma_start3A_138] : memref<10240xf32, #tpu.memory_space<vmem_shared>> -> memref<10240xf32, #tpu.memory_space<vmem_shared>>
      tpu.enqueue_indirect_dma source(%dma_start3A_139 : memref<10240xf32, #tpu.memory_space<vmem_shared>>) target(%arg66 : memref<512xf32, #tpu.memory_space<vmem>>) offsets(%arg63 : memref<512xi32, #tpu.memory_space<vmem>>) semaphore(%arg86 : memref<!tpu.dma_semaphore, #tpu.memory_space<semaphore_mem>>)
      %scan3A_140 = arith.constant 0 : i32
      %scan3A_141 = arith.constant 32 : i32
      %scan3A_142 = arith.addi %scan3A_140, %scan3A_141 : i32
      %scan3A_143 = arith.constant 1 : i32
      scf.for %scan3A_168 = %scan3A_140 to %scan3A_142 step %scan3A_143  : i32 {
        %mul3A_169 = arith.constant 1 : i32
        %mul3A_170 = arith.muli %scan3A_168, %mul3A_169 : i32
        %add3A_171 = arith.constant 0 : i32
        %add3A_172 = arith.addi %add3A_171, %mul3A_170 : i32
        %mul3A_173 = arith.constant 16 : i32
        %mul3A_174 = arith.muli %add3A_172, %mul3A_173 : i32
        %get3A = arith.index_cast %mul3A_174 : i32 to index
        %get3A_175 = tpu.vector_load %arg60[%get3A] {strides = array<i32>} : memref<512xf32, #tpu.memory_space<vmem>>, vector<16xf32>,
        %get3A_176 = vector.shape_cast %get3A_175 : vector<16xf32> to vector<16xf32>
        %get3A_177 = arith.index_cast %mul3A_174 : i32 to index
        %get3A_178 = tpu.vector_load %arg59[%get3A_177] {strides = array<i32>} : memref<512xf32, #tpu.memory_space<vmem>>, vector<16xf32>,
        %get3A_179 = vector.shape_cast %get3A_178 : vector<16xf32> to vector<16xf32>
        %ge3A = arith.constant 2.000000e+00 : f32
        %ge3A_180 = vector.broadcast %ge3A : f32 to vector<16xf32>
        %ge3A_181 = arith.cmpf oge, %get3A_176, %ge3A_180 : vector<16xf32>
        %jit3A = arith.constant 1.000000e+00 : f32
        %jit3A_182 = arith.constant 0.000000e+00 : f32
        %broadcast_in_dim3A = vector.broadcast %jit3A : f32 to vector<16xf32>
        %broadcast_in_dim3A_183 = vector.broadcast %jit3A_182 : f32 to vector<16xf32>
        %select_n3A = arith.select %ge3A_181, %broadcast_in_dim3A, %broadcast_in_dim3A_183 : vector<16xi1>, vector<16xf32>
        %mul3A_184 = arith.constant 2.000000e+00 : f32
        %mul3A_185 = vector.broadcast %mul3A_184 : f32 to vector<16xf32>
        %mul3A_186 = arith.mulf %mul3A_185, %select_n3A : vector<16xf32>
        %sub3A = arith.subf %get3A_176, %mul3A_186 : vector<16xf32>
        %mul3A_187 = arith.mulf %sub3A, %get3A_179 : vector<16xf32>
        %swap3A = arith.index_cast %mul3A_174 : i32 to index
        %swap3A_188 = tpu.vector_load %arg61[%swap3A] {strides = array<i32>} : memref<512xf32, #tpu.memory_space<vmem>>, vector<16xf32>,
        %swap3A_189 = vector.shape_cast %swap3A_188 : vector<16xf32> to vector<16xf32>
        %swap3A_190 = vector.shape_cast %mul3A_187 : vector<16xf32> to vector<16xf32>
        tpu.vector_store %arg61[%swap3A], %swap3A_190 {strides = array<i32>} : memref<512xf32, #tpu.memory_space<vmem>>, vector<16xf32>,
        %mul3A_191 = arith.mulf %select_n3A, %get3A_179 : vector<16xf32>
        %swap3A_192 = arith.index_cast %mul3A_174 : i32 to index
        %swap3A_193 = tpu.vector_load %arg62[%swap3A_192] {strides = array<i32>} : memref<512xf32, #tpu.memory_space<vmem>>, vector<16xf32>,
        %swap3A_194 = vector.shape_cast %swap3A_193 : vector<16xf32> to vector<16xf32>
        %swap3A_195 = vector.shape_cast %mul3A_191 : vector<16xf32> to vector<16xf32>
        tpu.vector_store %arg62[%swap3A_192], %swap3A_195 {strides = array<i32>} : memref<512xf32, #tpu.memory_space<vmem>>, vector<16xf32>,
      }
      %scan3A_144 = arith.constant 32 : i32
      %dma_start3A_145 = arith.constant 0 : i32
      %dma_start3A_146 = tpu.memref_slice %arg34[%dma_start3A_145] : memref<200000xf32, #tpu.memory_space<vmem_shared>> -> memref<200000xf32, #tpu.memory_space<vmem_shared>>
      tpu.enqueue_indirect_dma source(%arg61 : memref<512xf32, #tpu.memory_space<vmem>>) target(%dma_start3A_146 : memref<200000xf32, #tpu.memory_space<vmem_shared>>) offsets(%arg58 : memref<512xi32, #tpu.memory_space<vmem>>) semaphore(%arg87 : memref<!tpu.dma_semaphore, #tpu.memory_space<semaphore_mem>>) {add = true}
      %dma_start3A_147 = arith.constant 0 : i32
      %dma_start3A_148 = tpu.memref_slice %arg35[%dma_start3A_147] : memref<200000xf32, #tpu.memory_space<vmem_shared>> -> memref<200000xf32, #tpu.memory_space<vmem_shared>>
      tpu.enqueue_indirect_dma source(%arg62 : memref<512xf32, #tpu.memory_space<vmem>>) target(%dma_start3A_148 : memref<200000xf32, #tpu.memory_space<vmem_shared>>) offsets(%arg58 : memref<512xi32, #tpu.memory_space<vmem>>) semaphore(%arg87 : memref<!tpu.dma_semaphore, #tpu.memory_space<semaphore_mem>>) {add = true}
      %dma_wait3A_149 = arith.constant 0 : i32
      %dma_wait3A_150 = tpu.memref_slice %arg37[%dma_wait3A_149] : memref<10240xf32, #tpu.memory_space<vmem_shared>> -> memref<10240xf32, #tpu.memory_space<vmem_shared>>
      tpu.wait_indirect_dma semaphore(%arg86 : memref<!tpu.dma_semaphore, #tpu.memory_space<semaphore_mem>>) src(%dma_wait3A_150 : memref<10240xf32, #tpu.memory_space<vmem_shared>>) dst(%arg66 : memref<512xf32, #tpu.memory_space<vmem>>)
      %scan3A_151 = arith.constant 0 : i32
      %scan3A_152 = arith.constant 32 : i32
      %scan3A_153 = arith.addi %scan3A_151, %scan3A_152 : i32
      %scan3A_154 = arith.constant 1 : i32
      scf.for %scan3A_168 = %scan3A_151 to %scan3A_153 step %scan3A_154  : i32 {
        %mul3A_169 = arith.constant 1 : i32
        %mul3A_170 = arith.muli %scan3A_168, %mul3A_169 : i32
        %add3A_171 = arith.constant 0 : i32
        %add3A_172 = arith.addi %add3A_171, %mul3A_170 : i32
        %mul3A_173 = arith.constant 16 : i32
        %mul3A_174 = arith.muli %add3A_172, %mul3A_173 : i32
        %get3A = arith.index_cast %mul3A_174 : i32 to index
        %get3A_175 = tpu.vector_load %arg66[%get3A] {strides = array<i32>} : memref<512xf32, #tpu.memory_space<vmem>>, vector<16xf32>,
        %get3A_176 = vector.shape_cast %get3A_175 : vector<16xf32> to vector<16xf32>
        %get3A_177 = arith.index_cast %mul3A_174 : i32 to index
        %get3A_178 = tpu.vector_load %arg65[%get3A_177] {strides = array<i32>} : memref<512xf32, #tpu.memory_space<vmem>>, vector<16xf32>,
        %get3A_179 = vector.shape_cast %get3A_178 : vector<16xf32> to vector<16xf32>
        %ge3A = arith.constant 2.000000e+00 : f32
        %ge3A_180 = vector.broadcast %ge3A : f32 to vector<16xf32>
        %ge3A_181 = arith.cmpf oge, %get3A_176, %ge3A_180 : vector<16xf32>
        %jit3A = arith.constant 1.000000e+00 : f32
        %jit3A_182 = arith.constant 0.000000e+00 : f32
        %broadcast_in_dim3A = vector.broadcast %jit3A : f32 to vector<16xf32>
        %broadcast_in_dim3A_183 = vector.broadcast %jit3A_182 : f32 to vector<16xf32>
        %select_n3A = arith.select %ge3A_181, %broadcast_in_dim3A, %broadcast_in_dim3A_183 : vector<16xi1>, vector<16xf32>
        %mul3A_184 = arith.constant 2.000000e+00 : f32
        %mul3A_185 = vector.broadcast %mul3A_184 : f32 to vector<16xf32>
        %mul3A_186 = arith.mulf %mul3A_185, %select_n3A : vector<16xf32>
        %sub3A = arith.subf %get3A_176, %mul3A_186 : vector<16xf32>
        %mul3A_187 = arith.mulf %sub3A, %get3A_179 : vector<16xf32>
        %swap3A = arith.index_cast %mul3A_174 : i32 to index
        %swap3A_188 = tpu.vector_load %arg67[%swap3A] {strides = array<i32>} : memref<512xf32, #tpu.memory_space<vmem>>, vector<16xf32>,
        %swap3A_189 = vector.shape_cast %swap3A_188 : vector<16xf32> to vector<16xf32>
        %swap3A_190 = vector.shape_cast %mul3A_187 : vector<16xf32> to vector<16xf32>
        tpu.vector_store %arg67[%swap3A], %swap3A_190 {strides = array<i32>} : memref<512xf32, #tpu.memory_space<vmem>>, vector<16xf32>,
        %mul3A_191 = arith.mulf %select_n3A, %get3A_179 : vector<16xf32>
        %swap3A_192 = arith.index_cast %mul3A_174 : i32 to index
        %swap3A_193 = tpu.vector_load %arg68[%swap3A_192] {strides = array<i32>} : memref<512xf32, #tpu.memory_space<vmem>>, vector<16xf32>,
        %swap3A_194 = vector.shape_cast %swap3A_193 : vector<16xf32> to vector<16xf32>
        %swap3A_195 = vector.shape_cast %mul3A_191 : vector<16xf32> to vector<16xf32>
        tpu.vector_store %arg68[%swap3A_192], %swap3A_195 {strides = array<i32>} : memref<512xf32, #tpu.memory_space<vmem>>, vector<16xf32>,
      }
      %scan3A_155 = arith.constant 32 : i32
      %dma_wait3A_156 = arith.constant 0 : i32
      %dma_wait3A_157 = tpu.memref_slice %arg34[%dma_wait3A_156] : memref<200000xf32, #tpu.memory_space<vmem_shared>> -> memref<200000xf32, #tpu.memory_space<vmem_shared>>
      tpu.wait_indirect_dma semaphore(%arg87 : memref<!tpu.dma_semaphore, #tpu.memory_space<semaphore_mem>>) src(%arg61 : memref<512xf32, #tpu.memory_space<vmem>>) dst(%dma_wait3A_157 : memref<200000xf32, #tpu.memory_space<vmem_shared>>)
      %dma_wait3A_158 = arith.constant 0 : i32
      %dma_wait3A_159 = tpu.memref_slice %arg35[%dma_wait3A_158] : memref<200000xf32, #tpu.memory_space<vmem_shared>> -> memref<200000xf32, #tpu.memory_space<vmem_shared>>
      tpu.wait_indirect_dma semaphore(%arg87 : memref<!tpu.dma_semaphore, #tpu.memory_space<semaphore_mem>>) src(%arg62 : memref<512xf32, #tpu.memory_space<vmem>>) dst(%dma_wait3A_159 : memref<200000xf32, #tpu.memory_space<vmem_shared>>)
      %dma_start3A_160 = arith.constant 0 : i32
      %dma_start3A_161 = tpu.memref_slice %arg34[%dma_start3A_160] : memref<200000xf32, #tpu.memory_space<vmem_shared>> -> memref<200000xf32, #tpu.memory_space<vmem_shared>>
      tpu.enqueue_indirect_dma source(%arg67 : memref<512xf32, #tpu.memory_space<vmem>>) target(%dma_start3A_161 : memref<200000xf32, #tpu.memory_space<vmem_shared>>) offsets(%arg64 : memref<512xi32, #tpu.memory_space<vmem>>) semaphore(%arg88 : memref<!tpu.dma_semaphore, #tpu.memory_space<semaphore_mem>>) {add = true}
      %dma_start3A_162 = arith.constant 0 : i32
      %dma_start3A_163 = tpu.memref_slice %arg35[%dma_start3A_162] : memref<200000xf32, #tpu.memory_space<vmem_shared>> -> memref<200000xf32, #tpu.memory_space<vmem_shared>>
      tpu.enqueue_indirect_dma source(%arg68 : memref<512xf32, #tpu.memory_space<vmem>>) target(%dma_start3A_163 : memref<200000xf32, #tpu.memory_space<vmem_shared>>) offsets(%arg64 : memref<512xi32, #tpu.memory_space<vmem>>) semaphore(%arg88 : memref<!tpu.dma_semaphore, #tpu.memory_space<semaphore_mem>>) {add = true}
      %dma_wait3A_164 = arith.constant 0 : i32
      %dma_wait3A_165 = tpu.memref_slice %arg34[%dma_wait3A_164] : memref<200000xf32, #tpu.memory_space<vmem_shared>> -> memref<200000xf32, #tpu.memory_space<vmem_shared>>
      tpu.wait_indirect_dma semaphore(%arg88 : memref<!tpu.dma_semaphore, #tpu.memory_space<semaphore_mem>>) src(%arg67 : memref<512xf32, #tpu.memory_space<vmem>>) dst(%dma_wait3A_165 : memref<200000xf32, #tpu.memory_space<vmem_shared>>)
      %dma_wait3A_166 = arith.constant 0 : i32
      %dma_wait3A_167 = tpu.memref_slice %arg35[%dma_wait3A_166] : memref<200000xf32, #tpu.memory_space<vmem_shared>> -> memref<200000xf32, #tpu.memory_space<vmem_shared>>
      tpu.wait_indirect_dma semaphore(%arg88 : memref<!tpu.dma_semaphore, #tpu.memory_space<semaphore_mem>>) src(%arg68 : memref<512xf32, #tpu.memory_space<vmem>>) dst(%dma_wait3A_167 : memref<200000xf32, #tpu.memory_space<vmem_shared>>)
    }
    %scan3A_78 = arith.constant 62 : i32
    %scan3A_79 = arith.constant 0 : i32
    %scan3A_80 = arith.constant 98 : i32
    %scan3A_81 = arith.addi %scan3A_79, %scan3A_80 : i32
    %scan3A_82 = arith.constant 1 : i32
    scf.for %scan3A_91 = %scan3A_79 to %scan3A_81 step %scan3A_82  : i32 {
      %mul3A_92 = arith.constant 1 : i32
      %mul3A_93 = arith.muli %scan3A_91, %mul3A_92 : i32
      %add3A_94 = arith.constant 0 : i32
      %add3A_95 = arith.addi %add3A_94, %mul3A_93 : i32
      %mul3A_96 = arith.constant 2 : i32
      %mul3A_97 = arith.muli %mul3A_96, %add3A_95 : i32
      %mul3A_98 = arith.constant 100352 : i32
      %mul3A_99 = arith.muli %arg1, %mul3A_98 : i32
      %mul3A_100 = arith.constant 512 : i32
      %mul3A_101 = arith.muli %mul3A_97, %mul3A_100 : i32
      %add3A_102 = arith.addi %mul3A_99, %mul3A_101 : i32
      %dma_start3A = tpu.memref_slice %arg4[%add3A_102] : memref<1605632xi32, #tpu.memory_space<hbm>> -> memref<512xi32, #tpu.memory_space<hbm>>
      %dma_start3A_103 = tpu.memref_slice %arg4[%add3A_102] : memref<1605632xi32, #tpu.memory_space<hbm>> -> memref<512xi32, #tpu.memory_space<hbm>>
      tpu.enqueue_dma source(%dma_start3A_103 : memref<512xi32, #tpu.memory_space<hbm>>) target(%arg57 : memref<512xi32, #tpu.memory_space<vmem>>) target_semaphore(%arg83 : memref<!tpu.dma_semaphore, #tpu.memory_space<semaphore_mem>>)
      %dma_start3A_104 = tpu.memref_slice %arg5[%add3A_102] : memref<1605632xi32, #tpu.memory_space<hbm>> -> memref<512xi32, #tpu.memory_space<hbm>>
      %dma_start3A_105 = tpu.memref_slice %arg5[%add3A_102] : memref<1605632xi32, #tpu.memory_space<hbm>> -> memref<512xi32, #tpu.memory_space<hbm>>
      tpu.enqueue_dma source(%dma_start3A_105 : memref<512xi32, #tpu.memory_space<hbm>>) target(%arg58 : memref<512xi32, #tpu.memory_space<vmem>>) target_semaphore(%arg83 : memref<!tpu.dma_semaphore, #tpu.memory_space<semaphore_mem>>)
      %dma_start3A_106 = tpu.memref_slice %arg6[%add3A_102] : memref<1605632xf32, #tpu.memory_space<hbm>> -> memref<512xf32, #tpu.memory_space<hbm>>
      %dma_start3A_107 = tpu.memref_slice %arg6[%add3A_102] : memref<1605632xf32, #tpu.memory_space<hbm>> -> memref<512xf32, #tpu.memory_space<hbm>>
      tpu.enqueue_dma source(%dma_start3A_107 : memref<512xf32, #tpu.memory_space<hbm>>) target(%arg59 : memref<512xf32, #tpu.memory_space<vmem>>) target_semaphore(%arg83 : memref<!tpu.dma_semaphore, #tpu.memory_space<semaphore_mem>>)
      %mul3A_108 = arith.constant 2 : i32
      %mul3A_109 = arith.muli %mul3A_108, %add3A_95 : i32
      %add3A_110 = arith.constant 1 : i32
      %add3A_111 = arith.addi %mul3A_109, %add3A_110 : i32
      %mul3A_112 = arith.constant 100352 : i32
      %mul3A_113 = arith.muli %arg1, %mul3A_112 : i32
      %mul3A_114 = arith.constant 512 : i32
      %mul3A_115 = arith.muli %add3A_111, %mul3A_114 : i32
      %add3A_116 = arith.addi %mul3A_113, %mul3A_115 : i32
      %dma_start3A_117 = tpu.memref_slice %arg4[%add3A_116] : memref<1605632xi32, #tpu.memory_space<hbm>> -> memref<512xi32, #tpu.memory_space<hbm>>
      %dma_start3A_118 = tpu.memref_slice %arg4[%add3A_116] : memref<1605632xi32, #tpu.memory_space<hbm>> -> memref<512xi32, #tpu.memory_space<hbm>>
      tpu.enqueue_dma source(%dma_start3A_118 : memref<512xi32, #tpu.memory_space<hbm>>) target(%arg63 : memref<512xi32, #tpu.memory_space<vmem>>) target_semaphore(%arg84 : memref<!tpu.dma_semaphore, #tpu.memory_space<semaphore_mem>>)
      %dma_start3A_119 = tpu.memref_slice %arg5[%add3A_116] : memref<1605632xi32, #tpu.memory_space<hbm>> -> memref<512xi32, #tpu.memory_space<hbm>>
      %dma_start3A_120 = tpu.memref_slice %arg5[%add3A_116] : memref<1605632xi32, #tpu.memory_space<hbm>> -> memref<512xi32, #tpu.memory_space<hbm>>
      tpu.enqueue_dma source(%dma_start3A_120 : memref<512xi32, #tpu.memory_space<hbm>>) target(%arg64 : memref<512xi32, #tpu.memory_space<vmem>>) target_semaphore(%arg84 : memref<!tpu.dma_semaphore, #tpu.memory_space<semaphore_mem>>)
      %dma_start3A_121 = tpu.memref_slice %arg6[%add3A_116] : memref<1605632xf32, #tpu.memory_space<hbm>> -> memref<512xf32, #tpu.memory_space<hbm>>
      %dma_start3A_122 = tpu.memref_slice %arg6[%add3A_116] : memref<1605632xf32, #tpu.memory_space<hbm>> -> memref<512xf32, #tpu.memory_space<hbm>>
      tpu.enqueue_dma source(%dma_start3A_122 : memref<512xf32, #tpu.memory_space<hbm>>) target(%arg65 : memref<512xf32, #tpu.memory_space<vmem>>) target_semaphore(%arg84 : memref<!tpu.dma_semaphore, #tpu.memory_space<semaphore_mem>>)
      %dma_wait3A = tpu.memref_slice %arg4[%add3A_102] : memref<1605632xi32, #tpu.memory_space<hbm>> -> memref<512xi32, #tpu.memory_space<hbm>>
      %dma_wait3A_123 = tpu.memref_slice %arg4[%add3A_102] : memref<1605632xi32, #tpu.memory_space<hbm>> -> memref<512xi32, #tpu.memory_space<hbm>>
      tpu.wait_dma2 semaphore(%arg83 : memref<!tpu.dma_semaphore, #tpu.memory_space<semaphore_mem>>) src(%dma_wait3A_123 : memref<512xi32, #tpu.memory_space<hbm>>) dst(%arg57 : memref<512xi32, #tpu.memory_space<vmem>>)
      %dma_wait3A_124 = tpu.memref_slice %arg5[%add3A_102] : memref<1605632xi32, #tpu.memory_space<hbm>> -> memref<512xi32, #tpu.memory_space<hbm>>
      %dma_wait3A_125 = tpu.memref_slice %arg5[%add3A_102] : memref<1605632xi32, #tpu.memory_space<hbm>> -> memref<512xi32, #tpu.memory_space<hbm>>
      tpu.wait_dma2 semaphore(%arg83 : memref<!tpu.dma_semaphore, #tpu.memory_space<semaphore_mem>>) src(%dma_wait3A_125 : memref<512xi32, #tpu.memory_space<hbm>>) dst(%arg58 : memref<512xi32, #tpu.memory_space<vmem>>)
      %dma_wait3A_126 = tpu.memref_slice %arg6[%add3A_102] : memref<1605632xf32, #tpu.memory_space<hbm>> -> memref<512xf32, #tpu.memory_space<hbm>>
      %dma_wait3A_127 = tpu.memref_slice %arg6[%add3A_102] : memref<1605632xf32, #tpu.memory_space<hbm>> -> memref<512xf32, #tpu.memory_space<hbm>>
      tpu.wait_dma2 semaphore(%arg83 : memref<!tpu.dma_semaphore, #tpu.memory_space<semaphore_mem>>) src(%dma_wait3A_127 : memref<512xf32, #tpu.memory_space<hbm>>) dst(%arg59 : memref<512xf32, #tpu.memory_space<vmem>>)
      %scan3A_128 = arith.constant 0 : i32
      %scan3A_129 = arith.constant 32 : i32
      %scan3A_130 = arith.addi %scan3A_128, %scan3A_129 : i32
      %scan3A_131 = arith.constant 1 : i32
      scf.for %scan3A_178 = %scan3A_128 to %scan3A_130 step %scan3A_131  : i32 {
        %mul3A_179 = arith.constant 1 : i32
        %mul3A_180 = arith.muli %scan3A_178, %mul3A_179 : i32
        %add3A_181 = arith.constant 0 : i32
        %add3A_182 = arith.addi %add3A_181, %mul3A_180 : i32
        %mul3A_183 = arith.constant 16 : i32
        %mul3A_184 = arith.muli %add3A_182, %mul3A_183 : i32
        %get3A = arith.index_cast %mul3A_184 : i32 to index
        %get3A_185 = tpu.vector_load %arg57[%get3A] {strides = array<i32>} : memref<512xi32, #tpu.memory_space<vmem>>, vector<16xi32>,
        %get3A_186 = vector.shape_cast %get3A_185 : vector<16xi32> to vector<16xi32>
        %lt3A = arith.constant 50000 : i32
        %lt3A_187 = vector.broadcast %lt3A : i32 to vector<16xi32>
        %lt3A_188 = arith.cmpi slt, %get3A_186, %lt3A_187 : vector<16xi32>
        %add3A_189 = arith.constant 250000 : i32
        %add3A_190 = vector.broadcast %add3A_189 : i32 to vector<16xi32>
        %add3A_191 = arith.addi %get3A_186, %add3A_190 : vector<16xi32>
        %sub3A = arith.constant 50000 : i32
        %sub3A_192 = vector.broadcast %sub3A : i32 to vector<16xi32>
        %sub3A_193 = arith.subi %get3A_186, %sub3A_192 : vector<16xi32>
        %select_n3A = arith.select %lt3A_188, %add3A_191, %sub3A_193 : vector<16xi1>, vector<16xi32>
        %swap3A = arith.index_cast %mul3A_184 : i32 to index
        %swap3A_194 = tpu.vector_load %arg57[%swap3A] {strides = array<i32>} : memref<512xi32, #tpu.memory_space<vmem>>, vector<16xi32>,
        %swap3A_195 = vector.shape_cast %swap3A_194 : vector<16xi32> to vector<16xi32>
        %swap3A_196 = vector.shape_cast %select_n3A : vector<16xi32> to vector<16xi32>
        tpu.vector_store %arg57[%swap3A], %swap3A_196 {strides = array<i32>} : memref<512xi32, #tpu.memory_space<vmem>>, vector<16xi32>,
      }
      %scan3A_132 = arith.constant 32 : i32
      %dma_start3A_133 = arith.constant 0 : i32
      %dma_start3A_134 = tpu.memref_slice %arg33[%dma_start3A_133] : memref<300000xf32, #tpu.memory_space<vmem_shared>> -> memref<300000xf32, #tpu.memory_space<vmem_shared>>
      tpu.enqueue_indirect_dma source(%dma_start3A_134 : memref<300000xf32, #tpu.memory_space<vmem_shared>>) target(%arg60 : memref<512xf32, #tpu.memory_space<vmem>>) offsets(%arg57 : memref<512xi32, #tpu.memory_space<vmem>>) semaphore(%arg85 : memref<!tpu.dma_semaphore, #tpu.memory_space<semaphore_mem>>)
      %dma_wait3A_135 = tpu.memref_slice %arg4[%add3A_116] : memref<1605632xi32, #tpu.memory_space<hbm>> -> memref<512xi32, #tpu.memory_space<hbm>>
      %dma_wait3A_136 = tpu.memref_slice %arg4[%add3A_116] : memref<1605632xi32, #tpu.memory_space<hbm>> -> memref<512xi32, #tpu.memory_space<hbm>>
      tpu.wait_dma2 semaphore(%arg84 : memref<!tpu.dma_semaphore, #tpu.memory_space<semaphore_mem>>) src(%dma_wait3A_136 : memref<512xi32, #tpu.memory_space<hbm>>) dst(%arg63 : memref<512xi32, #tpu.memory_space<vmem>>)
      %dma_wait3A_137 = tpu.memref_slice %arg5[%add3A_116] : memref<1605632xi32, #tpu.memory_space<hbm>> -> memref<512xi32, #tpu.memory_space<hbm>>
      %dma_wait3A_138 = tpu.memref_slice %arg5[%add3A_116] : memref<1605632xi32, #tpu.memory_space<hbm>> -> memref<512xi32, #tpu.memory_space<hbm>>
      tpu.wait_dma2 semaphore(%arg84 : memref<!tpu.dma_semaphore, #tpu.memory_space<semaphore_mem>>) src(%dma_wait3A_138 : memref<512xi32, #tpu.memory_space<hbm>>) dst(%arg64 : memref<512xi32, #tpu.memory_space<vmem>>)
      %dma_wait3A_139 = tpu.memref_slice %arg6[%add3A_116] : memref<1605632xf32, #tpu.memory_space<hbm>> -> memref<512xf32, #tpu.memory_space<hbm>>
      %dma_wait3A_140 = tpu.memref_slice %arg6[%add3A_116] : memref<1605632xf32, #tpu.memory_space<hbm>> -> memref<512xf32, #tpu.memory_space<hbm>>
      tpu.wait_dma2 semaphore(%arg84 : memref<!tpu.dma_semaphore, #tpu.memory_space<semaphore_mem>>) src(%dma_wait3A_140 : memref<512xf32, #tpu.memory_space<hbm>>) dst(%arg65 : memref<512xf32, #tpu.memory_space<vmem>>)
      %scan3A_141 = arith.constant 0 : i32
      %scan3A_142 = arith.constant 32 : i32
      %scan3A_143 = arith.addi %scan3A_141, %scan3A_142 : i32
      %scan3A_144 = arith.constant 1 : i32
      scf.for %scan3A_178 = %scan3A_141 to %scan3A_143 step %scan3A_144  : i32 {
        %mul3A_179 = arith.constant 1 : i32
        %mul3A_180 = arith.muli %scan3A_178, %mul3A_179 : i32
        %add3A_181 = arith.constant 0 : i32
        %add3A_182 = arith.addi %add3A_181, %mul3A_180 : i32
        %mul3A_183 = arith.constant 16 : i32
        %mul3A_184 = arith.muli %add3A_182, %mul3A_183 : i32
        %get3A = arith.index_cast %mul3A_184 : i32 to index
        %get3A_185 = tpu.vector_load %arg63[%get3A] {strides = array<i32>} : memref<512xi32, #tpu.memory_space<vmem>>, vector<16xi32>,
        %get3A_186 = vector.shape_cast %get3A_185 : vector<16xi32> to vector<16xi32>
        %lt3A = arith.constant 50000 : i32
        %lt3A_187 = vector.broadcast %lt3A : i32 to vector<16xi32>
        %lt3A_188 = arith.cmpi slt, %get3A_186, %lt3A_187 : vector<16xi32>
        %add3A_189 = arith.constant 250000 : i32
        %add3A_190 = vector.broadcast %add3A_189 : i32 to vector<16xi32>
        %add3A_191 = arith.addi %get3A_186, %add3A_190 : vector<16xi32>
        %sub3A = arith.constant 50000 : i32
        %sub3A_192 = vector.broadcast %sub3A : i32 to vector<16xi32>
        %sub3A_193 = arith.subi %get3A_186, %sub3A_192 : vector<16xi32>
        %select_n3A = arith.select %lt3A_188, %add3A_191, %sub3A_193 : vector<16xi1>, vector<16xi32>
        %swap3A = arith.index_cast %mul3A_184 : i32 to index
        %swap3A_194 = tpu.vector_load %arg63[%swap3A] {strides = array<i32>} : memref<512xi32, #tpu.memory_space<vmem>>, vector<16xi32>,
        %swap3A_195 = vector.shape_cast %swap3A_194 : vector<16xi32> to vector<16xi32>
        %swap3A_196 = vector.shape_cast %select_n3A : vector<16xi32> to vector<16xi32>
        tpu.vector_store %arg63[%swap3A], %swap3A_196 {strides = array<i32>} : memref<512xi32, #tpu.memory_space<vmem>>, vector<16xi32>,
      }
      %scan3A_145 = arith.constant 32 : i32
      %dma_wait3A_146 = arith.constant 0 : i32
      %dma_wait3A_147 = tpu.memref_slice %arg33[%dma_wait3A_146] : memref<300000xf32, #tpu.memory_space<vmem_shared>> -> memref<300000xf32, #tpu.memory_space<vmem_shared>>
      tpu.wait_indirect_dma semaphore(%arg85 : memref<!tpu.dma_semaphore, #tpu.memory_space<semaphore_mem>>) src(%dma_wait3A_147 : memref<300000xf32, #tpu.memory_space<vmem_shared>>) dst(%arg60 : memref<512xf32, #tpu.memory_space<vmem>>)
      %dma_start3A_148 = arith.constant 0 : i32
      %dma_start3A_149 = tpu.memref_slice %arg33[%dma_start3A_148] : memref<300000xf32, #tpu.memory_space<vmem_shared>> -> memref<300000xf32, #tpu.memory_space<vmem_shared>>
      tpu.enqueue_indirect_dma source(%dma_start3A_149 : memref<300000xf32, #tpu.memory_space<vmem_shared>>) target(%arg66 : memref<512xf32, #tpu.memory_space<vmem>>) offsets(%arg63 : memref<512xi32, #tpu.memory_space<vmem>>) semaphore(%arg86 : memref<!tpu.dma_semaphore, #tpu.memory_space<semaphore_mem>>)
      %scan3A_150 = arith.constant 0 : i32
      %scan3A_151 = arith.constant 32 : i32
      %scan3A_152 = arith.addi %scan3A_150, %scan3A_151 : i32
      %scan3A_153 = arith.constant 1 : i32
      scf.for %scan3A_178 = %scan3A_150 to %scan3A_152 step %scan3A_153  : i32 {
        %mul3A_179 = arith.constant 1 : i32
        %mul3A_180 = arith.muli %scan3A_178, %mul3A_179 : i32
        %add3A_181 = arith.constant 0 : i32
        %add3A_182 = arith.addi %add3A_181, %mul3A_180 : i32
        %mul3A_183 = arith.constant 16 : i32
        %mul3A_184 = arith.muli %add3A_182, %mul3A_183 : i32
        %get3A = arith.index_cast %mul3A_184 : i32 to index
        %get3A_185 = tpu.vector_load %arg60[%get3A] {strides = array<i32>} : memref<512xf32, #tpu.memory_space<vmem>>, vector<16xf32>,
        %get3A_186 = vector.shape_cast %get3A_185 : vector<16xf32> to vector<16xf32>
        %get3A_187 = arith.index_cast %mul3A_184 : i32 to index
        %get3A_188 = tpu.vector_load %arg59[%get3A_187] {strides = array<i32>} : memref<512xf32, #tpu.memory_space<vmem>>, vector<16xf32>,
        %get3A_189 = vector.shape_cast %get3A_188 : vector<16xf32> to vector<16xf32>
        %ge3A = arith.constant 2.000000e+00 : f32
        %ge3A_190 = vector.broadcast %ge3A : f32 to vector<16xf32>
        %ge3A_191 = arith.cmpf oge, %get3A_186, %ge3A_190 : vector<16xf32>
        %jit3A = arith.constant 1.000000e+00 : f32
        %jit3A_192 = arith.constant 0.000000e+00 : f32
        %broadcast_in_dim3A = vector.broadcast %jit3A : f32 to vector<16xf32>
        %broadcast_in_dim3A_193 = vector.broadcast %jit3A_192 : f32 to vector<16xf32>
        %select_n3A = arith.select %ge3A_191, %broadcast_in_dim3A, %broadcast_in_dim3A_193 : vector<16xi1>, vector<16xf32>
        %mul3A_194 = arith.constant 2.000000e+00 : f32
        %mul3A_195 = vector.broadcast %mul3A_194 : f32 to vector<16xf32>
        %mul3A_196 = arith.mulf %mul3A_195, %select_n3A : vector<16xf32>
        %sub3A = arith.subf %get3A_186, %mul3A_196 : vector<16xf32>
        %mul3A_197 = arith.mulf %sub3A, %get3A_189 : vector<16xf32>
        %swap3A = arith.index_cast %mul3A_184 : i32 to index
        %swap3A_198 = tpu.vector_load %arg61[%swap3A] {strides = array<i32>} : memref<512xf32, #tpu.memory_space<vmem>>, vector<16xf32>,
        %swap3A_199 = vector.shape_cast %swap3A_198 : vector<16xf32> to vector<16xf32>
        %swap3A_200 = vector.shape_cast %mul3A_197 : vector<16xf32> to vector<16xf32>
        tpu.vector_store %arg61[%swap3A], %swap3A_200 {strides = array<i32>} : memref<512xf32, #tpu.memory_space<vmem>>, vector<16xf32>,
        %mul3A_201 = arith.mulf %select_n3A, %get3A_189 : vector<16xf32>
        %swap3A_202 = arith.index_cast %mul3A_184 : i32 to index
        %swap3A_203 = tpu.vector_load %arg62[%swap3A_202] {strides = array<i32>} : memref<512xf32, #tpu.memory_space<vmem>>, vector<16xf32>,
        %swap3A_204 = vector.shape_cast %swap3A_203 : vector<16xf32> to vector<16xf32>
        %swap3A_205 = vector.shape_cast %mul3A_201 : vector<16xf32> to vector<16xf32>
        tpu.vector_store %arg62[%swap3A_202], %swap3A_205 {strides = array<i32>} : memref<512xf32, #tpu.memory_space<vmem>>, vector<16xf32>,
      }
      %scan3A_154 = arith.constant 32 : i32
      %dma_start3A_155 = arith.constant 0 : i32
      %dma_start3A_156 = tpu.memref_slice %arg34[%dma_start3A_155] : memref<200000xf32, #tpu.memory_space<vmem_shared>> -> memref<200000xf32, #tpu.memory_space<vmem_shared>>
      tpu.enqueue_indirect_dma source(%arg61 : memref<512xf32, #tpu.memory_space<vmem>>) target(%dma_start3A_156 : memref<200000xf32, #tpu.memory_space<vmem_shared>>) offsets(%arg58 : memref<512xi32, #tpu.memory_space<vmem>>) semaphore(%arg87 : memref<!tpu.dma_semaphore, #tpu.memory_space<semaphore_mem>>) {add = true}
      %dma_start3A_157 = arith.constant 0 : i32
      %dma_start3A_158 = tpu.memref_slice %arg35[%dma_start3A_157] : memref<200000xf32, #tpu.memory_space<vmem_shared>> -> memref<200000xf32, #tpu.memory_space<vmem_shared>>
      tpu.enqueue_indirect_dma source(%arg62 : memref<512xf32, #tpu.memory_space<vmem>>) target(%dma_start3A_158 : memref<200000xf32, #tpu.memory_space<vmem_shared>>) offsets(%arg58 : memref<512xi32, #tpu.memory_space<vmem>>) semaphore(%arg87 : memref<!tpu.dma_semaphore, #tpu.memory_space<semaphore_mem>>) {add = true}
      %dma_wait3A_159 = arith.constant 0 : i32
      %dma_wait3A_160 = tpu.memref_slice %arg33[%dma_wait3A_159] : memref<300000xf32, #tpu.memory_space<vmem_shared>> -> memref<300000xf32, #tpu.memory_space<vmem_shared>>
      tpu.wait_indirect_dma semaphore(%arg86 : memref<!tpu.dma_semaphore, #tpu.memory_space<semaphore_mem>>) src(%dma_wait3A_160 : memref<300000xf32, #tpu.memory_space<vmem_shared>>) dst(%arg66 : memref<512xf32, #tpu.memory_space<vmem>>)
      %scan3A_161 = arith.constant 0 : i32
      %scan3A_162 = arith.constant 32 : i32
      %scan3A_163 = arith.addi %scan3A_161, %scan3A_162 : i32
      %scan3A_164 = arith.constant 1 : i32
      scf.for %scan3A_178 = %scan3A_161 to %scan3A_163 step %scan3A_164  : i32 {
        %mul3A_179 = arith.constant 1 : i32
        %mul3A_180 = arith.muli %scan3A_178, %mul3A_179 : i32
        %add3A_181 = arith.constant 0 : i32
        %add3A_182 = arith.addi %add3A_181, %mul3A_180 : i32
        %mul3A_183 = arith.constant 16 : i32
        %mul3A_184 = arith.muli %add3A_182, %mul3A_183 : i32
        %get3A = arith.index_cast %mul3A_184 : i32 to index
        %get3A_185 = tpu.vector_load %arg66[%get3A] {strides = array<i32>} : memref<512xf32, #tpu.memory_space<vmem>>, vector<16xf32>,
        %get3A_186 = vector.shape_cast %get3A_185 : vector<16xf32> to vector<16xf32>
        %get3A_187 = arith.index_cast %mul3A_184 : i32 to index
        %get3A_188 = tpu.vector_load %arg65[%get3A_187] {strides = array<i32>} : memref<512xf32, #tpu.memory_space<vmem>>, vector<16xf32>,
        %get3A_189 = vector.shape_cast %get3A_188 : vector<16xf32> to vector<16xf32>
        %ge3A = arith.constant 2.000000e+00 : f32
        %ge3A_190 = vector.broadcast %ge3A : f32 to vector<16xf32>
        %ge3A_191 = arith.cmpf oge, %get3A_186, %ge3A_190 : vector<16xf32>
        %jit3A = arith.constant 1.000000e+00 : f32
        %jit3A_192 = arith.constant 0.000000e+00 : f32
        %broadcast_in_dim3A = vector.broadcast %jit3A : f32 to vector<16xf32>
        %broadcast_in_dim3A_193 = vector.broadcast %jit3A_192 : f32 to vector<16xf32>
        %select_n3A = arith.select %ge3A_191, %broadcast_in_dim3A, %broadcast_in_dim3A_193 : vector<16xi1>, vector<16xf32>
        %mul3A_194 = arith.constant 2.000000e+00 : f32
        %mul3A_195 = vector.broadcast %mul3A_194 : f32 to vector<16xf32>
        %mul3A_196 = arith.mulf %mul3A_195, %select_n3A : vector<16xf32>
        %sub3A = arith.subf %get3A_186, %mul3A_196 : vector<16xf32>
        %mul3A_197 = arith.mulf %sub3A, %get3A_189 : vector<16xf32>
        %swap3A = arith.index_cast %mul3A_184 : i32 to index
        %swap3A_198 = tpu.vector_load %arg67[%swap3A] {strides = array<i32>} : memref<512xf32, #tpu.memory_space<vmem>>, vector<16xf32>,
        %swap3A_199 = vector.shape_cast %swap3A_198 : vector<16xf32> to vector<16xf32>
        %swap3A_200 = vector.shape_cast %mul3A_197 : vector<16xf32> to vector<16xf32>
        tpu.vector_store %arg67[%swap3A], %swap3A_200 {strides = array<i32>} : memref<512xf32, #tpu.memory_space<vmem>>, vector<16xf32>,
        %mul3A_201 = arith.mulf %select_n3A, %get3A_189 : vector<16xf32>
        %swap3A_202 = arith.index_cast %mul3A_184 : i32 to index
        %swap3A_203 = tpu.vector_load %arg68[%swap3A_202] {strides = array<i32>} : memref<512xf32, #tpu.memory_space<vmem>>, vector<16xf32>,
        %swap3A_204 = vector.shape_cast %swap3A_203 : vector<16xf32> to vector<16xf32>
        %swap3A_205 = vector.shape_cast %mul3A_201 : vector<16xf32> to vector<16xf32>
        tpu.vector_store %arg68[%swap3A_202], %swap3A_205 {strides = array<i32>} : memref<512xf32, #tpu.memory_space<vmem>>, vector<16xf32>,
      }
      %scan3A_165 = arith.constant 32 : i32
      %dma_wait3A_166 = arith.constant 0 : i32
      %dma_wait3A_167 = tpu.memref_slice %arg34[%dma_wait3A_166] : memref<200000xf32, #tpu.memory_space<vmem_shared>> -> memref<200000xf32, #tpu.memory_space<vmem_shared>>
      tpu.wait_indirect_dma semaphore(%arg87 : memref<!tpu.dma_semaphore, #tpu.memory_space<semaphore_mem>>) src(%arg61 : memref<512xf32, #tpu.memory_space<vmem>>) dst(%dma_wait3A_167 : memref<200000xf32, #tpu.memory_space<vmem_shared>>)
      %dma_wait3A_168 = arith.constant 0 : i32
      %dma_wait3A_169 = tpu.memref_slice %arg35[%dma_wait3A_168] : memref<200000xf32, #tpu.memory_space<vmem_shared>> -> memref<200000xf32, #tpu.memory_space<vmem_shared>>
      tpu.wait_indirect_dma semaphore(%arg87 : memref<!tpu.dma_semaphore, #tpu.memory_space<semaphore_mem>>) src(%arg62 : memref<512xf32, #tpu.memory_space<vmem>>) dst(%dma_wait3A_169 : memref<200000xf32, #tpu.memory_space<vmem_shared>>)
      %dma_start3A_170 = arith.constant 0 : i32
      %dma_start3A_171 = tpu.memref_slice %arg34[%dma_start3A_170] : memref<200000xf32, #tpu.memory_space<vmem_shared>> -> memref<200000xf32, #tpu.memory_space<vmem_shared>>
      tpu.enqueue_indirect_dma source(%arg67 : memref<512xf32, #tpu.memory_space<vmem>>) target(%dma_start3A_171 : memref<200000xf32, #tpu.memory_space<vmem_shared>>) offsets(%arg64 : memref<512xi32, #tpu.memory_space<vmem>>) semaphore(%arg88 : memref<!tpu.dma_semaphore, #tpu.memory_space<semaphore_mem>>) {add = true}
      %dma_start3A_172 = arith.constant 0 : i32
      %dma_start3A_173 = tpu.memref_slice %arg35[%dma_start3A_172] : memref<200000xf32, #tpu.memory_space<vmem_shared>> -> memref<200000xf32, #tpu.memory_space<vmem_shared>>
      tpu.enqueue_indirect_dma source(%arg68 : memref<512xf32, #tpu.memory_space<vmem>>) target(%dma_start3A_173 : memref<200000xf32, #tpu.memory_space<vmem_shared>>) offsets(%arg64 : memref<512xi32, #tpu.memory_space<vmem>>) semaphore(%arg88 : memref<!tpu.dma_semaphore, #tpu.memory_space<semaphore_mem>>) {add = true}
      %dma_wait3A_174 = arith.constant 0 : i32
      %dma_wait3A_175 = tpu.memref_slice %arg34[%dma_wait3A_174] : memref<200000xf32, #tpu.memory_space<vmem_shared>> -> memref<200000xf32, #tpu.memory_space<vmem_shared>>
      tpu.wait_indirect_dma semaphore(%arg88 : memref<!tpu.dma_semaphore, #tpu.memory_space<semaphore_mem>>) src(%arg67 : memref<512xf32, #tpu.memory_space<vmem>>) dst(%dma_wait3A_175 : memref<200000xf32, #tpu.memory_space<vmem_shared>>)
      %dma_wait3A_176 = arith.constant 0 : i32
      %dma_wait3A_177 = tpu.memref_slice %arg35[%dma_wait3A_176] : memref<200000xf32, #tpu.memory_space<vmem_shared>> -> memref<200000xf32, #tpu.memory_space<vmem_shared>>
      tpu.wait_indirect_dma semaphore(%arg88 : memref<!tpu.dma_semaphore, #tpu.memory_space<semaphore_mem>>) src(%arg68 : memref<512xf32, #tpu.memory_space<vmem>>) dst(%dma_wait3A_177 : memref<200000xf32, #tpu.memory_space<vmem_shared>>)
    }
    %scan3A_83 = arith.constant 98 : i32
    %barrier3A_84 = arith.constant 0 : index
    tpu.barrier barrier_id(%barrier3A_84)
    %scan3A_85 = arith.constant 0 : i32
    %scan3A_86 = arith.constant 8 : i32
    %scan3A_87 = arith.addi %scan3A_85, %scan3A_86 : i32
    %scan3A_88 = arith.constant 1 : i32
    scf.for %scan3A_91 = %scan3A_85 to %scan3A_87 step %scan3A_88  : i32 {
      %mul3A_92 = arith.constant 1 : i32
      %mul3A_93 = arith.muli %scan3A_91, %mul3A_92 : i32
      %add3A_94 = arith.constant 0 : i32
      %add3A_95 = arith.addi %add3A_94, %mul3A_93 : i32
      %mul3A_96 = arith.constant 3200 : i32
      %mul3A_97 = arith.muli %arg1, %mul3A_96 : i32
      %mul3A_98 = arith.constant 400 : i32
      %mul3A_99 = arith.muli %add3A_95, %mul3A_98 : i32
      %add3A_100 = arith.addi %mul3A_97, %mul3A_99 : i32
      %mul3A_101 = arith.constant 4 : i32
      %mul3A_102 = arith.muli %mul3A_101, %add3A_100 : i32
      %lt3A = arith.constant 50000 : i32
      %lt3A_103 = arith.cmpi slt, %add3A_100, %lt3A : i32
      %dma_start3A = tpu.memref_slice %arg27[%mul3A_102] : memref<204800xf32, #tpu.memory_space<hbm>> -> memref<1600xf32, #tpu.memory_space<hbm>>
      %dma_start3A_104 = tpu.memref_slice %arg27[%mul3A_102] : memref<204800xf32, #tpu.memory_space<hbm>> -> memref<1600xf32, #tpu.memory_space<hbm>>
      tpu.enqueue_dma source(%dma_start3A_104 : memref<1600xf32, #tpu.memory_space<hbm>>) target(%arg75 : memref<1600xf32, #tpu.memory_space<vmem>>) target_semaphore(%arg89 : memref<!tpu.dma_semaphore, #tpu.memory_space<semaphore_mem>>)
      %dma_start3A_105 = tpu.memref_slice %arg28[%mul3A_102] : memref<204800xf32, #tpu.memory_space<hbm>> -> memref<1600xf32, #tpu.memory_space<hbm>>
      %dma_start3A_106 = tpu.memref_slice %arg28[%mul3A_102] : memref<204800xf32, #tpu.memory_space<hbm>> -> memref<1600xf32, #tpu.memory_space<hbm>>
      tpu.enqueue_dma source(%dma_start3A_106 : memref<1600xf32, #tpu.memory_space<hbm>>) target(%arg76 : memref<1600xf32, #tpu.memory_space<vmem>>) target_semaphore(%arg89 : memref<!tpu.dma_semaphore, #tpu.memory_space<semaphore_mem>>)
      %dma_start3A_107 = tpu.memref_slice %arg29[%mul3A_102] : memref<204800xf32, #tpu.memory_space<hbm>> -> memref<1600xf32, #tpu.memory_space<hbm>>
      %dma_start3A_108 = tpu.memref_slice %arg29[%mul3A_102] : memref<204800xf32, #tpu.memory_space<hbm>> -> memref<1600xf32, #tpu.memory_space<hbm>>
      tpu.enqueue_dma source(%dma_start3A_108 : memref<1600xf32, #tpu.memory_space<hbm>>) target(%arg77 : memref<1600xf32, #tpu.memory_space<vmem>>) target_semaphore(%arg89 : memref<!tpu.dma_semaphore, #tpu.memory_space<semaphore_mem>>)
      %dma_start3A_109 = tpu.memref_slice %arg16[%add3A_100] : memref<51200xf32, #tpu.memory_space<hbm>> -> memref<400xf32, #tpu.memory_space<hbm>>
      %dma_start3A_110 = tpu.memref_slice %arg16[%add3A_100] : memref<51200xf32, #tpu.memory_space<hbm>> -> memref<400xf32, #tpu.memory_space<hbm>>
      tpu.enqueue_dma source(%dma_start3A_110 : memref<400xf32, #tpu.memory_space<hbm>>) target(%arg46 : memref<400xf32, #tpu.memory_space<vmem>>) target_semaphore(%arg89 : memref<!tpu.dma_semaphore, #tpu.memory_space<semaphore_mem>>)
      %dma_start3A_111 = tpu.memref_slice %arg17[%add3A_100] : memref<51200xf32, #tpu.memory_space<hbm>> -> memref<400xf32, #tpu.memory_space<hbm>>
      %dma_start3A_112 = tpu.memref_slice %arg17[%add3A_100] : memref<51200xf32, #tpu.memory_space<hbm>> -> memref<400xf32, #tpu.memory_space<hbm>>
      tpu.enqueue_dma source(%dma_start3A_112 : memref<400xf32, #tpu.memory_space<hbm>>) target(%arg47 : memref<400xf32, #tpu.memory_space<vmem>>) target_semaphore(%arg89 : memref<!tpu.dma_semaphore, #tpu.memory_space<semaphore_mem>>)
      %dma_start3A_113 = tpu.memref_slice %arg18[%add3A_100] : memref<51200xf32, #tpu.memory_space<hbm>> -> memref<400xf32, #tpu.memory_space<hbm>>
      %dma_start3A_114 = tpu.memref_slice %arg18[%add3A_100] : memref<51200xf32, #tpu.memory_space<hbm>> -> memref<400xf32, #tpu.memory_space<hbm>>
      tpu.enqueue_dma source(%dma_start3A_114 : memref<400xf32, #tpu.memory_space<hbm>>) target(%arg48 : memref<400xf32, #tpu.memory_space<vmem>>) target_semaphore(%arg89 : memref<!tpu.dma_semaphore, #tpu.memory_space<semaphore_mem>>)
      %dma_start3A_115 = tpu.memref_slice %arg19[%add3A_100] : memref<51200xf32, #tpu.memory_space<hbm>> -> memref<400xf32, #tpu.memory_space<hbm>>
      %dma_start3A_116 = tpu.memref_slice %arg19[%add3A_100] : memref<51200xf32, #tpu.memory_space<hbm>> -> memref<400xf32, #tpu.memory_space<hbm>>
      tpu.enqueue_dma source(%dma_start3A_116 : memref<400xf32, #tpu.memory_space<hbm>>) target(%arg49 : memref<400xf32, #tpu.memory_space<vmem>>) target_semaphore(%arg89 : memref<!tpu.dma_semaphore, #tpu.memory_space<semaphore_mem>>)
      %dma_start3A_117 = tpu.memref_slice %arg20[%add3A_100] : memref<51200xf32, #tpu.memory_space<hbm>> -> memref<400xf32, #tpu.memory_space<hbm>>
      %dma_start3A_118 = tpu.memref_slice %arg20[%add3A_100] : memref<51200xf32, #tpu.memory_space<hbm>> -> memref<400xf32, #tpu.memory_space<hbm>>
      tpu.enqueue_dma source(%dma_start3A_118 : memref<400xf32, #tpu.memory_space<hbm>>) target(%arg50 : memref<400xf32, #tpu.memory_space<vmem>>) target_semaphore(%arg89 : memref<!tpu.dma_semaphore, #tpu.memory_space<semaphore_mem>>)
      %dma_start3A_119 = tpu.memref_slice %arg21[%add3A_100] : memref<51200xf32, #tpu.memory_space<hbm>> -> memref<400xf32, #tpu.memory_space<hbm>>
      %dma_start3A_120 = tpu.memref_slice %arg21[%add3A_100] : memref<51200xf32, #tpu.memory_space<hbm>> -> memref<400xf32, #tpu.memory_space<hbm>>
      tpu.enqueue_dma source(%dma_start3A_120 : memref<400xf32, #tpu.memory_space<hbm>>) target(%arg51 : memref<400xf32, #tpu.memory_space<vmem>>) target_semaphore(%arg89 : memref<!tpu.dma_semaphore, #tpu.memory_space<semaphore_mem>>)
      %dma_start3A_121 = tpu.memref_slice %arg22[%add3A_100] : memref<51200xf32, #tpu.memory_space<hbm>> -> memref<400xf32, #tpu.memory_space<hbm>>
      %dma_start3A_122 = tpu.memref_slice %arg22[%add3A_100] : memref<51200xf32, #tpu.memory_space<hbm>> -> memref<400xf32, #tpu.memory_space<hbm>>
      tpu.enqueue_dma source(%dma_start3A_122 : memref<400xf32, #tpu.memory_space<hbm>>) target(%arg52 : memref<400xf32, #tpu.memory_space<vmem>>) target_semaphore(%arg89 : memref<!tpu.dma_semaphore, #tpu.memory_space<semaphore_mem>>)
      %dma_start3A_123 = tpu.memref_slice %arg23[%add3A_100] : memref<51200xf32, #tpu.memory_space<hbm>> -> memref<400xf32, #tpu.memory_space<hbm>>
      %dma_start3A_124 = tpu.memref_slice %arg23[%add3A_100] : memref<51200xf32, #tpu.memory_space<hbm>> -> memref<400xf32, #tpu.memory_space<hbm>>
      tpu.enqueue_dma source(%dma_start3A_124 : memref<400xf32, #tpu.memory_space<hbm>>) target(%arg53 : memref<400xf32, #tpu.memory_space<vmem>>) target_semaphore(%arg89 : memref<!tpu.dma_semaphore, #tpu.memory_space<semaphore_mem>>)
      %dma_start3A_125 = tpu.memref_slice %arg24[%add3A_100] : memref<51200xf32, #tpu.memory_space<hbm>> -> memref<400xf32, #tpu.memory_space<hbm>>
      %dma_start3A_126 = tpu.memref_slice %arg24[%add3A_100] : memref<51200xf32, #tpu.memory_space<hbm>> -> memref<400xf32, #tpu.memory_space<hbm>>
      tpu.enqueue_dma source(%dma_start3A_126 : memref<400xf32, #tpu.memory_space<hbm>>) target(%arg54 : memref<400xf32, #tpu.memory_space<vmem>>) target_semaphore(%arg89 : memref<!tpu.dma_semaphore, #tpu.memory_space<semaphore_mem>>)
      %dma_start3A_127 = tpu.memref_slice %arg25[%add3A_100] : memref<51200xf32, #tpu.memory_space<hbm>> -> memref<400xf32, #tpu.memory_space<hbm>>
      %dma_start3A_128 = tpu.memref_slice %arg25[%add3A_100] : memref<51200xf32, #tpu.memory_space<hbm>> -> memref<400xf32, #tpu.memory_space<hbm>>
      tpu.enqueue_dma source(%dma_start3A_128 : memref<400xf32, #tpu.memory_space<hbm>>) target(%arg55 : memref<400xf32, #tpu.memory_space<vmem>>) target_semaphore(%arg89 : memref<!tpu.dma_semaphore, #tpu.memory_space<semaphore_mem>>)
      %dma_start3A_129 = tpu.memref_slice %arg26[%add3A_100] : memref<51200xf32, #tpu.memory_space<hbm>> -> memref<400xf32, #tpu.memory_space<hbm>>
      %dma_start3A_130 = tpu.memref_slice %arg26[%add3A_100] : memref<51200xf32, #tpu.memory_space<hbm>> -> memref<400xf32, #tpu.memory_space<hbm>>
      tpu.enqueue_dma source(%dma_start3A_130 : memref<400xf32, #tpu.memory_space<hbm>>) target(%arg56 : memref<400xf32, #tpu.memory_space<vmem>>) target_semaphore(%arg89 : memref<!tpu.dma_semaphore, #tpu.memory_space<semaphore_mem>>)
      %mul3A_131 = arith.constant 2 : i32
      %mul3A_132 = arith.muli %arg0, %mul3A_131 : i32
      %add3A_133 = arith.constant 0 : i32
      %add3A_134 = arith.addi %mul3A_132, %add3A_133 : i32
      %mul3A_135 = arith.constant 204800 : i32
      %mul3A_136 = arith.muli %add3A_134, %mul3A_135 : i32
      %mul3A_137 = arith.constant 4 : i32
      %mul3A_138 = arith.muli %mul3A_137, %add3A_100 : i32
      %add3A_139 = arith.addi %mul3A_136, %mul3A_138 : i32
      %dma_start3A_140 = tpu.memref_slice %arg31[%add3A_139] : memref<819200xf32, #tpu.memory_space<hbm>> -> memref<1600xf32, #tpu.memory_space<hbm>>
      %dma_start3A_141 = tpu.memref_slice %arg31[%add3A_139] : memref<819200xf32, #tpu.memory_space<hbm>> -> memref<1600xf32, #tpu.memory_space<hbm>>
      tpu.enqueue_dma source(%dma_start3A_141 : memref<1600xf32, #tpu.memory_space<hbm>>) target(%arg71 : memref<1600xf32, #tpu.memory_space<vmem>>) target_semaphore(%arg89 : memref<!tpu.dma_semaphore, #tpu.memory_space<semaphore_mem>>)
      %dma_start3A_142 = tpu.memref_slice %arg32[%add3A_139] : memref<819200xf32, #tpu.memory_space<hbm>> -> memref<1600xf32, #tpu.memory_space<hbm>>
      %dma_start3A_143 = tpu.memref_slice %arg32[%add3A_139] : memref<819200xf32, #tpu.memory_space<hbm>> -> memref<1600xf32, #tpu.memory_space<hbm>>
      tpu.enqueue_dma source(%dma_start3A_143 : memref<1600xf32, #tpu.memory_space<hbm>>) target(%arg73 : memref<1600xf32, #tpu.memory_space<vmem>>) target_semaphore(%arg89 : memref<!tpu.dma_semaphore, #tpu.memory_space<semaphore_mem>>)
      %mul3A_144 = arith.constant 2 : i32
      %mul3A_145 = arith.muli %arg0, %mul3A_144 : i32
      %add3A_146 = arith.constant 1 : i32
      %add3A_147 = arith.addi %mul3A_145, %add3A_146 : i32
      %mul3A_148 = arith.constant 204800 : i32
      %mul3A_149 = arith.muli %add3A_147, %mul3A_148 : i32
      %mul3A_150 = arith.constant 4 : i32
      %mul3A_151 = arith.muli %mul3A_150, %add3A_100 : i32
      %add3A_152 = arith.addi %mul3A_149, %mul3A_151 : i32
      %dma_start3A_153 = tpu.memref_slice %arg31[%add3A_152] : memref<819200xf32, #tpu.memory_space<hbm>> -> memref<1600xf32, #tpu.memory_space<hbm>>
      %dma_start3A_154 = tpu.memref_slice %arg31[%add3A_152] : memref<819200xf32, #tpu.memory_space<hbm>> -> memref<1600xf32, #tpu.memory_space<hbm>>
      tpu.enqueue_dma source(%dma_start3A_154 : memref<1600xf32, #tpu.memory_space<hbm>>) target(%arg72 : memref<1600xf32, #tpu.memory_space<vmem>>) target_semaphore(%arg89 : memref<!tpu.dma_semaphore, #tpu.memory_space<semaphore_mem>>)
      %dma_start3A_155 = tpu.memref_slice %arg32[%add3A_152] : memref<819200xf32, #tpu.memory_space<hbm>> -> memref<1600xf32, #tpu.memory_space<hbm>>
      %dma_start3A_156 = tpu.memref_slice %arg32[%add3A_152] : memref<819200xf32, #tpu.memory_space<hbm>> -> memref<1600xf32, #tpu.memory_space<hbm>>
      tpu.enqueue_dma source(%dma_start3A_156 : memref<1600xf32, #tpu.memory_space<hbm>>) target(%arg74 : memref<1600xf32, #tpu.memory_space<vmem>>) target_semaphore(%arg89 : memref<!tpu.dma_semaphore, #tpu.memory_space<semaphore_mem>>)
      %convert_element_type3A = arith.extui %lt3A_103 : i1 to i32
      %cond3A = arith.constant 0 : i32
      %cond3A_157 = arith.cmpi ne, %convert_element_type3A, %cond3A : i32
      scf.if %cond3A_157 {
        %add3A_249 = arith.constant 250000 : i32
        %add3A_250 = arith.addi %add3A_249, %add3A_100 : i32
        "tpu.region"() ({
          %run_scoped3A = tpu.sem_alloc : memref<!tpu.dma_semaphore, #tpu.memory_space<semaphore_mem>>
          %dma_start3A_251 = tpu.memref_slice %arg33[%add3A_250] : memref<300000xf32, #tpu.memory_space<vmem_shared>> -> memref<400xf32, #tpu.memory_space<vmem_shared>>
          %dma_start3A_252 = tpu.memref_slice %arg33[%add3A_250] : memref<300000xf32, #tpu.memory_space<vmem_shared>> -> memref<400xf32, #tpu.memory_space<vmem_shared>>
          tpu.enqueue_dma source(%dma_start3A_252 : memref<400xf32, #tpu.memory_space<vmem_shared>>) target(%arg78 : memref<400xf32, #tpu.memory_space<vmem>>) target_semaphore(%run_scoped3A : memref<!tpu.dma_semaphore, #tpu.memory_space<semaphore_mem>>)
          %dma_wait3A_253 = tpu.memref_slice %arg33[%add3A_250] : memref<300000xf32, #tpu.memory_space<vmem_shared>> -> memref<400xf32, #tpu.memory_space<vmem_shared>>
          %dma_wait3A_254 = tpu.memref_slice %arg33[%add3A_250] : memref<300000xf32, #tpu.memory_space<vmem_shared>> -> memref<400xf32, #tpu.memory_space<vmem_shared>>
          tpu.wait_dma2 semaphore(%run_scoped3A : memref<!tpu.dma_semaphore, #tpu.memory_space<semaphore_mem>>) src(%dma_wait3A_254 : memref<400xf32, #tpu.memory_space<vmem_shared>>) dst(%arg78 : memref<400xf32, #tpu.memory_space<vmem>>)
          tpu.yield
        }) : () -> ()
      } else {
      }
      %convert_element_type3A_158 = arith.extui %lt3A_103 : i1 to i32
      %cond3A_159 = arith.constant 0 : i32
      %cond3A_160 = arith.cmpi ne, %convert_element_type3A_158, %cond3A_159 : i32
      scf.if %cond3A_160 {
        "tpu.region"() ({
          %run_scoped3A = tpu.sem_alloc : memref<!tpu.dma_semaphore, #tpu.memory_space<semaphore_mem>>
          %dma_start3A_249 = tpu.memref_slice %arg34[%mul3A_102] : memref<200000xf32, #tpu.memory_space<vmem_shared>> -> memref<1600xf32, #tpu.memory_space<vmem_shared>>
          %dma_start3A_250 = tpu.memref_slice %arg34[%mul3A_102] : memref<200000xf32, #tpu.memory_space<vmem_shared>> -> memref<1600xf32, #tpu.memory_space<vmem_shared>>
          tpu.enqueue_dma source(%dma_start3A_250 : memref<1600xf32, #tpu.memory_space<vmem_shared>>) target(%arg69 : memref<1600xf32, #tpu.memory_space<vmem>>) target_semaphore(%run_scoped3A : memref<!tpu.dma_semaphore, #tpu.memory_space<semaphore_mem>>)
          %dma_wait3A_251 = tpu.memref_slice %arg34[%mul3A_102] : memref<200000xf32, #tpu.memory_space<vmem_shared>> -> memref<1600xf32, #tpu.memory_space<vmem_shared>>
          %dma_wait3A_252 = tpu.memref_slice %arg34[%mul3A_102] : memref<200000xf32, #tpu.memory_space<vmem_shared>> -> memref<1600xf32, #tpu.memory_space<vmem_shared>>
          tpu.wait_dma2 semaphore(%run_scoped3A : memref<!tpu.dma_semaphore, #tpu.memory_space<semaphore_mem>>) src(%dma_wait3A_252 : memref<1600xf32, #tpu.memory_space<vmem_shared>>) dst(%arg69 : memref<1600xf32, #tpu.memory_space<vmem>>)
          tpu.yield
        }) : () -> ()
      } else {
      }
      %convert_element_type3A_161 = arith.extui %lt3A_103 : i1 to i32
      %cond3A_162 = arith.constant 0 : i32
      %cond3A_163 = arith.cmpi ne, %convert_element_type3A_161, %cond3A_162 : i32
      scf.if %cond3A_163 {
        "tpu.region"() ({
          %run_scoped3A = tpu.sem_alloc : memref<!tpu.dma_semaphore, #tpu.memory_space<semaphore_mem>>
          %dma_start3A_249 = tpu.memref_slice %arg35[%mul3A_102] : memref<200000xf32, #tpu.memory_space<vmem_shared>> -> memref<1600xf32, #tpu.memory_space<vmem_shared>>
          %dma_start3A_250 = tpu.memref_slice %arg35[%mul3A_102] : memref<200000xf32, #tpu.memory_space<vmem_shared>> -> memref<1600xf32, #tpu.memory_space<vmem_shared>>
          tpu.enqueue_dma source(%dma_start3A_250 : memref<1600xf32, #tpu.memory_space<vmem_shared>>) target(%arg70 : memref<1600xf32, #tpu.memory_space<vmem>>) target_semaphore(%run_scoped3A : memref<!tpu.dma_semaphore, #tpu.memory_space<semaphore_mem>>)
          %dma_wait3A_251 = tpu.memref_slice %arg35[%mul3A_102] : memref<200000xf32, #tpu.memory_space<vmem_shared>> -> memref<1600xf32, #tpu.memory_space<vmem_shared>>
          %dma_wait3A_252 = tpu.memref_slice %arg35[%mul3A_102] : memref<200000xf32, #tpu.memory_space<vmem_shared>> -> memref<1600xf32, #tpu.memory_space<vmem_shared>>
          tpu.wait_dma2 semaphore(%run_scoped3A : memref<!tpu.dma_semaphore, #tpu.memory_space<semaphore_mem>>) src(%dma_wait3A_252 : memref<1600xf32, #tpu.memory_space<vmem_shared>>) dst(%arg70 : memref<1600xf32, #tpu.memory_space<vmem>>)
          tpu.yield
        }) : () -> ()
      } else {
      }
      %dma_wait3A = tpu.memref_slice %arg27[%mul3A_102] : memref<204800xf32, #tpu.memory_space<hbm>> -> memref<1600xf32, #tpu.memory_space<hbm>>
      %dma_wait3A_164 = tpu.memref_slice %arg27[%mul3A_102] : memref<204800xf32, #tpu.memory_space<hbm>> -> memref<1600xf32, #tpu.memory_space<hbm>>
      tpu.wait_dma2 semaphore(%arg89 : memref<!tpu.dma_semaphore, #tpu.memory_space<semaphore_mem>>) src(%dma_wait3A_164 : memref<1600xf32, #tpu.memory_space<hbm>>) dst(%arg75 : memref<1600xf32, #tpu.memory_space<vmem>>)
      %dma_wait3A_165 = tpu.memref_slice %arg28[%mul3A_102] : memref<204800xf32, #tpu.memory_space<hbm>> -> memref<1600xf32, #tpu.memory_space<hbm>>
      %dma_wait3A_166 = tpu.memref_slice %arg28[%mul3A_102] : memref<204800xf32, #tpu.memory_space<hbm>> -> memref<1600xf32, #tpu.memory_space<hbm>>
      tpu.wait_dma2 semaphore(%arg89 : memref<!tpu.dma_semaphore, #tpu.memory_space<semaphore_mem>>) src(%dma_wait3A_166 : memref<1600xf32, #tpu.memory_space<hbm>>) dst(%arg76 : memref<1600xf32, #tpu.memory_space<vmem>>)
      %dma_wait3A_167 = tpu.memref_slice %arg29[%mul3A_102] : memref<204800xf32, #tpu.memory_space<hbm>> -> memref<1600xf32, #tpu.memory_space<hbm>>
      %dma_wait3A_168 = tpu.memref_slice %arg29[%mul3A_102] : memref<204800xf32, #tpu.memory_space<hbm>> -> memref<1600xf32, #tpu.memory_space<hbm>>
      tpu.wait_dma2 semaphore(%arg89 : memref<!tpu.dma_semaphore, #tpu.memory_space<semaphore_mem>>) src(%dma_wait3A_168 : memref<1600xf32, #tpu.memory_space<hbm>>) dst(%arg77 : memref<1600xf32, #tpu.memory_space<vmem>>)
      %dma_wait3A_169 = tpu.memref_slice %arg16[%add3A_100] : memref<51200xf32, #tpu.memory_space<hbm>> -> memref<400xf32, #tpu.memory_space<hbm>>
      %dma_wait3A_170 = tpu.memref_slice %arg16[%add3A_100] : memref<51200xf32, #tpu.memory_space<hbm>> -> memref<400xf32, #tpu.memory_space<hbm>>
      tpu.wait_dma2 semaphore(%arg89 : memref<!tpu.dma_semaphore, #tpu.memory_space<semaphore_mem>>) src(%dma_wait3A_170 : memref<400xf32, #tpu.memory_space<hbm>>) dst(%arg46 : memref<400xf32, #tpu.memory_space<vmem>>)
      %dma_wait3A_171 = tpu.memref_slice %arg17[%add3A_100] : memref<51200xf32, #tpu.memory_space<hbm>> -> memref<400xf32, #tpu.memory_space<hbm>>
      %dma_wait3A_172 = tpu.memref_slice %arg17[%add3A_100] : memref<51200xf32, #tpu.memory_space<hbm>> -> memref<400xf32, #tpu.memory_space<hbm>>
      tpu.wait_dma2 semaphore(%arg89 : memref<!tpu.dma_semaphore, #tpu.memory_space<semaphore_mem>>) src(%dma_wait3A_172 : memref<400xf32, #tpu.memory_space<hbm>>) dst(%arg47 : memref<400xf32, #tpu.memory_space<vmem>>)
      %dma_wait3A_173 = tpu.memref_slice %arg18[%add3A_100] : memref<51200xf32, #tpu.memory_space<hbm>> -> memref<400xf32, #tpu.memory_space<hbm>>
      %dma_wait3A_174 = tpu.memref_slice %arg18[%add3A_100] : memref<51200xf32, #tpu.memory_space<hbm>> -> memref<400xf32, #tpu.memory_space<hbm>>
      tpu.wait_dma2 semaphore(%arg89 : memref<!tpu.dma_semaphore, #tpu.memory_space<semaphore_mem>>) src(%dma_wait3A_174 : memref<400xf32, #tpu.memory_space<hbm>>) dst(%arg48 : memref<400xf32, #tpu.memory_space<vmem>>)
      %dma_wait3A_175 = tpu.memref_slice %arg19[%add3A_100] : memref<51200xf32, #tpu.memory_space<hbm>> -> memref<400xf32, #tpu.memory_space<hbm>>
      %dma_wait3A_176 = tpu.memref_slice %arg19[%add3A_100] : memref<51200xf32, #tpu.memory_space<hbm>> -> memref<400xf32, #tpu.memory_space<hbm>>
      tpu.wait_dma2 semaphore(%arg89 : memref<!tpu.dma_semaphore, #tpu.memory_space<semaphore_mem>>) src(%dma_wait3A_176 : memref<400xf32, #tpu.memory_space<hbm>>) dst(%arg49 : memref<400xf32, #tpu.memory_space<vmem>>)
      %dma_wait3A_177 = tpu.memref_slice %arg20[%add3A_100] : memref<51200xf32, #tpu.memory_space<hbm>> -> memref<400xf32, #tpu.memory_space<hbm>>
      %dma_wait3A_178 = tpu.memref_slice %arg20[%add3A_100] : memref<51200xf32, #tpu.memory_space<hbm>> -> memref<400xf32, #tpu.memory_space<hbm>>
      tpu.wait_dma2 semaphore(%arg89 : memref<!tpu.dma_semaphore, #tpu.memory_space<semaphore_mem>>) src(%dma_wait3A_178 : memref<400xf32, #tpu.memory_space<hbm>>) dst(%arg50 : memref<400xf32, #tpu.memory_space<vmem>>)
      %dma_wait3A_179 = tpu.memref_slice %arg21[%add3A_100] : memref<51200xf32, #tpu.memory_space<hbm>> -> memref<400xf32, #tpu.memory_space<hbm>>
      %dma_wait3A_180 = tpu.memref_slice %arg21[%add3A_100] : memref<51200xf32, #tpu.memory_space<hbm>> -> memref<400xf32, #tpu.memory_space<hbm>>
      tpu.wait_dma2 semaphore(%arg89 : memref<!tpu.dma_semaphore, #tpu.memory_space<semaphore_mem>>) src(%dma_wait3A_180 : memref<400xf32, #tpu.memory_space<hbm>>) dst(%arg51 : memref<400xf32, #tpu.memory_space<vmem>>)
      %dma_wait3A_181 = tpu.memref_slice %arg22[%add3A_100] : memref<51200xf32, #tpu.memory_space<hbm>> -> memref<400xf32, #tpu.memory_space<hbm>>
      %dma_wait3A_182 = tpu.memref_slice %arg22[%add3A_100] : memref<51200xf32, #tpu.memory_space<hbm>> -> memref<400xf32, #tpu.memory_space<hbm>>
      tpu.wait_dma2 semaphore(%arg89 : memref<!tpu.dma_semaphore, #tpu.memory_space<semaphore_mem>>) src(%dma_wait3A_182 : memref<400xf32, #tpu.memory_space<hbm>>) dst(%arg52 : memref<400xf32, #tpu.memory_space<vmem>>)
      %dma_wait3A_183 = tpu.memref_slice %arg23[%add3A_100] : memref<51200xf32, #tpu.memory_space<hbm>> -> memref<400xf32, #tpu.memory_space<hbm>>
      %dma_wait3A_184 = tpu.memref_slice %arg23[%add3A_100] : memref<51200xf32, #tpu.memory_space<hbm>> -> memref<400xf32, #tpu.memory_space<hbm>>
      tpu.wait_dma2 semaphore(%arg89 : memref<!tpu.dma_semaphore, #tpu.memory_space<semaphore_mem>>) src(%dma_wait3A_184 : memref<400xf32, #tpu.memory_space<hbm>>) dst(%arg53 : memref<400xf32, #tpu.memory_space<vmem>>)
      %dma_wait3A_185 = tpu.memref_slice %arg24[%add3A_100] : memref<51200xf32, #tpu.memory_space<hbm>> -> memref<400xf32, #tpu.memory_space<hbm>>
      %dma_wait3A_186 = tpu.memref_slice %arg24[%add3A_100] : memref<51200xf32, #tpu.memory_space<hbm>> -> memref<400xf32, #tpu.memory_space<hbm>>
      tpu.wait_dma2 semaphore(%arg89 : memref<!tpu.dma_semaphore, #tpu.memory_space<semaphore_mem>>) src(%dma_wait3A_186 : memref<400xf32, #tpu.memory_space<hbm>>) dst(%arg54 : memref<400xf32, #tpu.memory_space<vmem>>)
      %dma_wait3A_187 = tpu.memref_slice %arg25[%add3A_100] : memref<51200xf32, #tpu.memory_space<hbm>> -> memref<400xf32, #tpu.memory_space<hbm>>
      %dma_wait3A_188 = tpu.memref_slice %arg25[%add3A_100] : memref<51200xf32, #tpu.memory_space<hbm>> -> memref<400xf32, #tpu.memory_space<hbm>>
      tpu.wait_dma2 semaphore(%arg89 : memref<!tpu.dma_semaphore, #tpu.memory_space<semaphore_mem>>) src(%dma_wait3A_188 : memref<400xf32, #tpu.memory_space<hbm>>) dst(%arg55 : memref<400xf32, #tpu.memory_space<vmem>>)
      %dma_wait3A_189 = tpu.memref_slice %arg26[%add3A_100] : memref<51200xf32, #tpu.memory_space<hbm>> -> memref<400xf32, #tpu.memory_space<hbm>>
      %dma_wait3A_190 = tpu.memref_slice %arg26[%add3A_100] : memref<51200xf32, #tpu.memory_space<hbm>> -> memref<400xf32, #tpu.memory_space<hbm>>
      tpu.wait_dma2 semaphore(%arg89 : memref<!tpu.dma_semaphore, #tpu.memory_space<semaphore_mem>>) src(%dma_wait3A_190 : memref<400xf32, #tpu.memory_space<hbm>>) dst(%arg56 : memref<400xf32, #tpu.memory_space<vmem>>)
      %dma_wait3A_191 = tpu.memref_slice %arg31[%add3A_139] : memref<819200xf32, #tpu.memory_space<hbm>> -> memref<1600xf32, #tpu.memory_space<hbm>>
      %dma_wait3A_192 = tpu.memref_slice %arg31[%add3A_139] : memref<819200xf32, #tpu.memory_space<hbm>> -> memref<1600xf32, #tpu.memory_space<hbm>>
      tpu.wait_dma2 semaphore(%arg89 : memref<!tpu.dma_semaphore, #tpu.memory_space<semaphore_mem>>) src(%dma_wait3A_192 : memref<1600xf32, #tpu.memory_space<hbm>>) dst(%arg71 : memref<1600xf32, #tpu.memory_space<vmem>>)
      %dma_wait3A_193 = tpu.memref_slice %arg32[%add3A_139] : memref<819200xf32, #tpu.memory_space<hbm>> -> memref<1600xf32, #tpu.memory_space<hbm>>
      %dma_wait3A_194 = tpu.memref_slice %arg32[%add3A_139] : memref<819200xf32, #tpu.memory_space<hbm>> -> memref<1600xf32, #tpu.memory_space<hbm>>
      tpu.wait_dma2 semaphore(%arg89 : memref<!tpu.dma_semaphore, #tpu.memory_space<semaphore_mem>>) src(%dma_wait3A_194 : memref<1600xf32, #tpu.memory_space<hbm>>) dst(%arg73 : memref<1600xf32, #tpu.memory_space<vmem>>)
      %dma_wait3A_195 = tpu.memref_slice %arg31[%add3A_152] : memref<819200xf32, #tpu.memory_space<hbm>> -> memref<1600xf32, #tpu.memory_space<hbm>>
      %dma_wait3A_196 = tpu.memref_slice %arg31[%add3A_152] : memref<819200xf32, #tpu.memory_space<hbm>> -> memref<1600xf32, #tpu.memory_space<hbm>>
      tpu.wait_dma2 semaphore(%arg89 : memref<!tpu.dma_semaphore, #tpu.memory_space<semaphore_mem>>) src(%dma_wait3A_196 : memref<1600xf32, #tpu.memory_space<hbm>>) dst(%arg72 : memref<1600xf32, #tpu.memory_space<vmem>>)
      %dma_wait3A_197 = tpu.memref_slice %arg32[%add3A_152] : memref<819200xf32, #tpu.memory_space<hbm>> -> memref<1600xf32, #tpu.memory_space<hbm>>
      %dma_wait3A_198 = tpu.memref_slice %arg32[%add3A_152] : memref<819200xf32, #tpu.memory_space<hbm>> -> memref<1600xf32, #tpu.memory_space<hbm>>
      tpu.wait_dma2 semaphore(%arg89 : memref<!tpu.dma_semaphore, #tpu.memory_space<semaphore_mem>>) src(%dma_wait3A_198 : memref<1600xf32, #tpu.memory_space<hbm>>) dst(%arg74 : memref<1600xf32, #tpu.memory_space<vmem>>)
      %scan3A_199 = arith.constant 0 : i32
      %scan3A_200 = arith.constant 25 : i32
      %scan3A_201 = arith.addi %scan3A_199, %scan3A_200 : i32
      %scan3A_202 = arith.constant 1 : i32
      scf.for %scan3A_249 = %scan3A_199 to %scan3A_201 step %scan3A_202  : i32 {
        %mul3A_250 = arith.constant 1 : i32
        %mul3A_251 = arith.muli %scan3A_249, %mul3A_250 : i32
        %add3A_252 = arith.constant 0 : i32
        %add3A_253 = arith.addi %add3A_252, %mul3A_251 : i32
        %mul3A_254 = arith.constant 4 : i32
        %mul3A_255 = arith.muli %add3A_253, %mul3A_254 : i32
        %mul3A_256 = arith.constant 16 : i32
        %mul3A_257 = arith.muli %mul3A_255, %mul3A_256 : i32
        %add3A_258 = arith.constant 0 : i32
        %add3A_259 = arith.addi %mul3A_257, %add3A_258 : i32
        %get3A = arith.index_cast %add3A_259 : i32 to index
        %get3A_260 = tpu.vector_load %arg71[%get3A] {strides = array<i32>} : memref<1600xf32, #tpu.memory_space<vmem>>, vector<16xf32>,
        %get3A_261 = vector.shape_cast %get3A_260 : vector<16xf32> to vector<16xf32>
        %get3A_262 = arith.index_cast %add3A_259 : i32 to index
        %get3A_263 = tpu.vector_load %arg73[%get3A_262] {strides = array<i32>} : memref<1600xf32, #tpu.memory_space<vmem>>, vector<16xf32>,
        %get3A_264 = vector.shape_cast %get3A_263 : vector<16xf32> to vector<16xf32>
        %get3A_265 = arith.index_cast %add3A_259 : i32 to index
        %get3A_266 = tpu.vector_load %arg76[%get3A_265] {strides = array<i32>} : memref<1600xf32, #tpu.memory_space<vmem>>, vector<16xf32>,
        %get3A_267 = vector.shape_cast %get3A_266 : vector<16xf32> to vector<16xf32>
        %get3A_268 = arith.index_cast %add3A_259 : i32 to index
        %get3A_269 = tpu.vector_load %arg69[%get3A_268] {strides = array<i32>} : memref<1600xf32, #tpu.memory_space<vmem>>, vector<16xf32>,
        %get3A_270 = vector.shape_cast %get3A_269 : vector<16xf32> to vector<16xf32>
        %get3A_271 = arith.index_cast %add3A_259 : i32 to index
        %get3A_272 = tpu.vector_load %arg75[%get3A_271] {strides = array<i32>} : memref<1600xf32, #tpu.memory_space<vmem>>, vector<16xf32>,
        %get3A_273 = vector.shape_cast %get3A_272 : vector<16xf32> to vector<16xf32>
        %add3A_274 = arith.addf %get3A_270, %get3A_273 : vector<16xf32>
        %mul3A_275 = arith.mulf %get3A_267, %get3A_261 : vector<16xf32>
        %get3A_276 = arith.index_cast %add3A_259 : i32 to index
        %get3A_277 = tpu.vector_load %arg77[%get3A_276] {strides = array<i32>} : memref<1600xf32, #tpu.memory_space<vmem>>, vector<16xf32>,
        %get3A_278 = vector.shape_cast %get3A_277 : vector<16xf32> to vector<16xf32>
        %mul3A_279 = arith.mulf %add3A_274, %get3A_278 : vector<16xf32>
        %add3A_280 = arith.addf %mul3A_275, %mul3A_279 : vector<16xf32>
        %swap3A = arith.index_cast %add3A_259 : i32 to index
        %swap3A_281 = tpu.vector_load %arg71[%swap3A] {strides = array<i32>} : memref<1600xf32, #tpu.memory_space<vmem>>, vector<16xf32>,
        %swap3A_282 = vector.shape_cast %swap3A_281 : vector<16xf32> to vector<16xf32>
        %swap3A_283 = vector.shape_cast %add3A_280 : vector<16xf32> to vector<16xf32>
        tpu.vector_store %arg71[%swap3A], %swap3A_283 {strides = array<i32>} : memref<1600xf32, #tpu.memory_space<vmem>>, vector<16xf32>,
        %mul3A_284 = arith.mulf %get3A_264, %get3A_267 : vector<16xf32>
        %mul3A_285 = arith.mulf %get3A_267, %get3A_261 : vector<16xf32>
        %add3A_286 = arith.addf %mul3A_284, %mul3A_285 : vector<16xf32>
        %swap3A_287 = arith.index_cast %add3A_259 : i32 to index
        %swap3A_288 = tpu.vector_load %arg73[%swap3A_287] {strides = array<i32>} : memref<1600xf32, #tpu.memory_space<vmem>>, vector<16xf32>,
        %swap3A_289 = vector.shape_cast %swap3A_288 : vector<16xf32> to vector<16xf32>
        %swap3A_290 = vector.shape_cast %add3A_286 : vector<16xf32> to vector<16xf32>
        tpu.vector_store %arg73[%swap3A_287], %swap3A_290 {strides = array<i32>} : memref<1600xf32, #tpu.memory_space<vmem>>, vector<16xf32>,
        %add3A_291 = arith.constant 16 : i32
        %add3A_292 = arith.addi %mul3A_257, %add3A_291 : i32
        %get3A_293 = arith.index_cast %add3A_292 : i32 to index
        %get3A_294 = tpu.vector_load %arg71[%get3A_293] {strides = array<i32>} : memref<1600xf32, #tpu.memory_space<vmem>>, vector<16xf32>,
        %get3A_295 = vector.shape_cast %get3A_294 : vector<16xf32> to vector<16xf32>
        %get3A_296 = arith.index_cast %add3A_292 : i32 to index
        %get3A_297 = tpu.vector_load %arg73[%get3A_296] {strides = array<i32>} : memref<1600xf32, #tpu.memory_space<vmem>>, vector<16xf32>,
        %get3A_298 = vector.shape_cast %get3A_297 : vector<16xf32> to vector<16xf32>
        %get3A_299 = arith.index_cast %add3A_292 : i32 to index
        %get3A_300 = tpu.vector_load %arg76[%get3A_299] {strides = array<i32>} : memref<1600xf32, #tpu.memory_space<vmem>>, vector<16xf32>,
        %get3A_301 = vector.shape_cast %get3A_300 : vector<16xf32> to vector<16xf32>
        %get3A_302 = arith.index_cast %add3A_292 : i32 to index
        %get3A_303 = tpu.vector_load %arg69[%get3A_302] {strides = array<i32>} : memref<1600xf32, #tpu.memory_space<vmem>>, vector<16xf32>,
        %get3A_304 = vector.shape_cast %get3A_303 : vector<16xf32> to vector<16xf32>
        %get3A_305 = arith.index_cast %add3A_292 : i32 to index
        %get3A_306 = tpu.vector_load %arg75[%get3A_305] {strides = array<i32>} : memref<1600xf32, #tpu.memory_space<vmem>>, vector<16xf32>,
        %get3A_307 = vector.shape_cast %get3A_306 : vector<16xf32> to vector<16xf32>
        %add3A_308 = arith.addf %get3A_304, %get3A_307 : vector<16xf32>
        %mul3A_309 = arith.mulf %get3A_301, %get3A_295 : vector<16xf32>
        %get3A_310 = arith.index_cast %add3A_292 : i32 to index
        %get3A_311 = tpu.vector_load %arg77[%get3A_310] {strides = array<i32>} : memref<1600xf32, #tpu.memory_space<vmem>>, vector<16xf32>,
        %get3A_312 = vector.shape_cast %get3A_311 : vector<16xf32> to vector<16xf32>
        %mul3A_313 = arith.mulf %add3A_308, %get3A_312 : vector<16xf32>
        %add3A_314 = arith.addf %mul3A_309, %mul3A_313 : vector<16xf32>
        %swap3A_315 = arith.index_cast %add3A_292 : i32 to index
        %swap3A_316 = tpu.vector_load %arg71[%swap3A_315] {strides = array<i32>} : memref<1600xf32, #tpu.memory_space<vmem>>, vector<16xf32>,
        %swap3A_317 = vector.shape_cast %swap3A_316 : vector<16xf32> to vector<16xf32>
        %swap3A_318 = vector.shape_cast %add3A_314 : vector<16xf32> to vector<16xf32>
        tpu.vector_store %arg71[%swap3A_315], %swap3A_318 {strides = array<i32>} : memref<1600xf32, #tpu.memory_space<vmem>>, vector<16xf32>,
        %mul3A_319 = arith.mulf %get3A_298, %get3A_301 : vector<16xf32>
        %mul3A_320 = arith.mulf %get3A_301, %get3A_295 : vector<16xf32>
        %add3A_321 = arith.addf %mul3A_319, %mul3A_320 : vector<16xf32>
        %swap3A_322 = arith.index_cast %add3A_292 : i32 to index
        %swap3A_323 = tpu.vector_load %arg73[%swap3A_322] {strides = array<i32>} : memref<1600xf32, #tpu.memory_space<vmem>>, vector<16xf32>,
        %swap3A_324 = vector.shape_cast %swap3A_323 : vector<16xf32> to vector<16xf32>
        %swap3A_325 = vector.shape_cast %add3A_321 : vector<16xf32> to vector<16xf32>
        tpu.vector_store %arg73[%swap3A_322], %swap3A_325 {strides = array<i32>} : memref<1600xf32, #tpu.memory_space<vmem>>, vector<16xf32>,
        %add3A_326 = arith.constant 32 : i32
        %add3A_327 = arith.addi %mul3A_257, %add3A_326 : i32
        %get3A_328 = arith.index_cast %add3A_327 : i32 to index
        %get3A_329 = tpu.vector_load %arg71[%get3A_328] {strides = array<i32>} : memref<1600xf32, #tpu.memory_space<vmem>>, vector<16xf32>,
        %get3A_330 = vector.shape_cast %get3A_329 : vector<16xf32> to vector<16xf32>
        %get3A_331 = arith.index_cast %add3A_327 : i32 to index
        %get3A_332 = tpu.vector_load %arg73[%get3A_331] {strides = array<i32>} : memref<1600xf32, #tpu.memory_space<vmem>>, vector<16xf32>,
        %get3A_333 = vector.shape_cast %get3A_332 : vector<16xf32> to vector<16xf32>
        %get3A_334 = arith.index_cast %add3A_327 : i32 to index
        %get3A_335 = tpu.vector_load %arg76[%get3A_334] {strides = array<i32>} : memref<1600xf32, #tpu.memory_space<vmem>>, vector<16xf32>,
        %get3A_336 = vector.shape_cast %get3A_335 : vector<16xf32> to vector<16xf32>
        %get3A_337 = arith.index_cast %add3A_327 : i32 to index
        %get3A_338 = tpu.vector_load %arg69[%get3A_337] {strides = array<i32>} : memref<1600xf32, #tpu.memory_space<vmem>>, vector<16xf32>,
        %get3A_339 = vector.shape_cast %get3A_338 : vector<16xf32> to vector<16xf32>
        %get3A_340 = arith.index_cast %add3A_327 : i32 to index
        %get3A_341 = tpu.vector_load %arg75[%get3A_340] {strides = array<i32>} : memref<1600xf32, #tpu.memory_space<vmem>>, vector<16xf32>,
        %get3A_342 = vector.shape_cast %get3A_341 : vector<16xf32> to vector<16xf32>
        %add3A_343 = arith.addf %get3A_339, %get3A_342 : vector<16xf32>
        %mul3A_344 = arith.mulf %get3A_336, %get3A_330 : vector<16xf32>
        %get3A_345 = arith.index_cast %add3A_327 : i32 to index
        %get3A_346 = tpu.vector_load %arg77[%get3A_345] {strides = array<i32>} : memref<1600xf32, #tpu.memory_space<vmem>>, vector<16xf32>,
        %get3A_347 = vector.shape_cast %get3A_346 : vector<16xf32> to vector<16xf32>
        %mul3A_348 = arith.mulf %add3A_343, %get3A_347 : vector<16xf32>
        %add3A_349 = arith.addf %mul3A_344, %mul3A_348 : vector<16xf32>
        %swap3A_350 = arith.index_cast %add3A_327 : i32 to index
        %swap3A_351 = tpu.vector_load %arg71[%swap3A_350] {strides = array<i32>} : memref<1600xf32, #tpu.memory_space<vmem>>, vector<16xf32>,
        %swap3A_352 = vector.shape_cast %swap3A_351 : vector<16xf32> to vector<16xf32>
        %swap3A_353 = vector.shape_cast %add3A_349 : vector<16xf32> to vector<16xf32>
        tpu.vector_store %arg71[%swap3A_350], %swap3A_353 {strides = array<i32>} : memref<1600xf32, #tpu.memory_space<vmem>>, vector<16xf32>,
        %mul3A_354 = arith.mulf %get3A_333, %get3A_336 : vector<16xf32>
        %mul3A_355 = arith.mulf %get3A_336, %get3A_330 : vector<16xf32>
        %add3A_356 = arith.addf %mul3A_354, %mul3A_355 : vector<16xf32>
        %swap3A_357 = arith.index_cast %add3A_327 : i32 to index
        %swap3A_358 = tpu.vector_load %arg73[%swap3A_357] {strides = array<i32>} : memref<1600xf32, #tpu.memory_space<vmem>>, vector<16xf32>,
        %swap3A_359 = vector.shape_cast %swap3A_358 : vector<16xf32> to vector<16xf32>
        %swap3A_360 = vector.shape_cast %add3A_356 : vector<16xf32> to vector<16xf32>
        tpu.vector_store %arg73[%swap3A_357], %swap3A_360 {strides = array<i32>} : memref<1600xf32, #tpu.memory_space<vmem>>, vector<16xf32>,
        %add3A_361 = arith.constant 48 : i32
        %add3A_362 = arith.addi %mul3A_257, %add3A_361 : i32
        %get3A_363 = arith.index_cast %add3A_362 : i32 to index
        %get3A_364 = tpu.vector_load %arg71[%get3A_363] {strides = array<i32>} : memref<1600xf32, #tpu.memory_space<vmem>>, vector<16xf32>,
        %get3A_365 = vector.shape_cast %get3A_364 : vector<16xf32> to vector<16xf32>
        %get3A_366 = arith.index_cast %add3A_362 : i32 to index
        %get3A_367 = tpu.vector_load %arg73[%get3A_366] {strides = array<i32>} : memref<1600xf32, #tpu.memory_space<vmem>>, vector<16xf32>,
        %get3A_368 = vector.shape_cast %get3A_367 : vector<16xf32> to vector<16xf32>
        %get3A_369 = arith.index_cast %add3A_362 : i32 to index
        %get3A_370 = tpu.vector_load %arg76[%get3A_369] {strides = array<i32>} : memref<1600xf32, #tpu.memory_space<vmem>>, vector<16xf32>,
        %get3A_371 = vector.shape_cast %get3A_370 : vector<16xf32> to vector<16xf32>
        %get3A_372 = arith.index_cast %add3A_362 : i32 to index
        %get3A_373 = tpu.vector_load %arg69[%get3A_372] {strides = array<i32>} : memref<1600xf32, #tpu.memory_space<vmem>>, vector<16xf32>,
        %get3A_374 = vector.shape_cast %get3A_373 : vector<16xf32> to vector<16xf32>
        %get3A_375 = arith.index_cast %add3A_362 : i32 to index
        %get3A_376 = tpu.vector_load %arg75[%get3A_375] {strides = array<i32>} : memref<1600xf32, #tpu.memory_space<vmem>>, vector<16xf32>,
        %get3A_377 = vector.shape_cast %get3A_376 : vector<16xf32> to vector<16xf32>
        %add3A_378 = arith.addf %get3A_374, %get3A_377 : vector<16xf32>
        %mul3A_379 = arith.mulf %get3A_371, %get3A_365 : vector<16xf32>
        %get3A_380 = arith.index_cast %add3A_362 : i32 to index
        %get3A_381 = tpu.vector_load %arg77[%get3A_380] {strides = array<i32>} : memref<1600xf32, #tpu.memory_space<vmem>>, vector<16xf32>,
        %get3A_382 = vector.shape_cast %get3A_381 : vector<16xf32> to vector<16xf32>
        %mul3A_383 = arith.mulf %add3A_378, %get3A_382 : vector<16xf32>
        %add3A_384 = arith.addf %mul3A_379, %mul3A_383 : vector<16xf32>
        %swap3A_385 = arith.index_cast %add3A_362 : i32 to index
        %swap3A_386 = tpu.vector_load %arg71[%swap3A_385] {strides = array<i32>} : memref<1600xf32, #tpu.memory_space<vmem>>, vector<16xf32>,
        %swap3A_387 = vector.shape_cast %swap3A_386 : vector<16xf32> to vector<16xf32>
        %swap3A_388 = vector.shape_cast %add3A_384 : vector<16xf32> to vector<16xf32>
        tpu.vector_store %arg71[%swap3A_385], %swap3A_388 {strides = array<i32>} : memref<1600xf32, #tpu.memory_space<vmem>>, vector<16xf32>,
        %mul3A_389 = arith.mulf %get3A_368, %get3A_371 : vector<16xf32>
        %mul3A_390 = arith.mulf %get3A_371, %get3A_365 : vector<16xf32>
        %add3A_391 = arith.addf %mul3A_389, %mul3A_390 : vector<16xf32>
        %swap3A_392 = arith.index_cast %add3A_362 : i32 to index
        %swap3A_393 = tpu.vector_load %arg73[%swap3A_392] {strides = array<i32>} : memref<1600xf32, #tpu.memory_space<vmem>>, vector<16xf32>,
        %swap3A_394 = vector.shape_cast %swap3A_393 : vector<16xf32> to vector<16xf32>
        %swap3A_395 = vector.shape_cast %add3A_391 : vector<16xf32> to vector<16xf32>
        tpu.vector_store %arg73[%swap3A_392], %swap3A_395 {strides = array<i32>} : memref<1600xf32, #tpu.memory_space<vmem>>, vector<16xf32>,
        %add3A_396 = arith.constant 0 : i32
        %add3A_397 = arith.addi %mul3A_257, %add3A_396 : i32
        %get3A_398 = arith.index_cast %add3A_397 : i32 to index
        %get3A_399 = tpu.vector_load %arg73[%get3A_398] {strides = array<i32>} : memref<1600xf32, #tpu.memory_space<vmem>>, vector<16xf32>,
        %get3A_400 = vector.shape_cast %get3A_399 : vector<16xf32> to vector<16xf32>
        %xor3A = arith.constant 1 : i32
        %xor3A_401 = vector.broadcast %xor3A : i32 to vector<16xi32>
        %xor3A_402 = arith.xori %iota3A, %xor3A_401 : vector<16xi32>
        %broadcast_in_dim3A = vector.shape_cast %xor3A_402 : vector<16xi32> to vector<16x1xi32>
        %gather3A = vector.shape_cast %broadcast_in_dim3A : vector<16x1xi32> to vector<16xi32>
        %gather3A_403 = tpu.dynamic_gather %get3A_400[%gather3A] in [0] : vector<16xf32>, vector<16xi32> -> vector<16xf32>
        %add3A_404 = arith.addf %get3A_400, %gather3A_403 : vector<16xf32>
        %xor3A_405 = arith.constant 2 : i32
        %xor3A_406 = vector.broadcast %xor3A_405 : i32 to vector<16xi32>
        %xor3A_407 = arith.xori %iota3A, %xor3A_406 : vector<16xi32>
        %broadcast_in_dim3A_408 = vector.shape_cast %xor3A_407 : vector<16xi32> to vector<16x1xi32>
        %gather3A_409 = vector.shape_cast %broadcast_in_dim3A_408 : vector<16x1xi32> to vector<16xi32>
        %gather3A_410 = tpu.dynamic_gather %add3A_404[%gather3A_409] in [0] : vector<16xf32>, vector<16xi32> -> vector<16xf32>
        %add3A_411 = arith.addf %add3A_404, %gather3A_410 : vector<16xf32>
        %and3A = arith.constant 3 : i32
        %and3A_412 = vector.broadcast %and3A : i32 to vector<16xi32>
        %and3A_413 = arith.andi %iota3A, %and3A_412 : vector<16xi32>
        %mul3A_414 = arith.constant 4 : i32
        %mul3A_415 = vector.broadcast %mul3A_414 : i32 to vector<16xi32>
        %mul3A_416 = arith.muli %and3A_413, %mul3A_415 : vector<16xi32>
        %broadcast_in_dim3A_417 = vector.shape_cast %mul3A_416 : vector<16xi32> to vector<16x1xi32>
        %gather3A_418 = vector.shape_cast %broadcast_in_dim3A_417 : vector<16x1xi32> to vector<16xi32>
        %gather3A_419 = tpu.dynamic_gather %add3A_411[%gather3A_418] in [0] : vector<16xf32>, vector<16xi32> -> vector<16xf32>
        %add3A_420 = arith.constant 16 : i32
        %add3A_421 = arith.addi %mul3A_257, %add3A_420 : i32
        %get3A_422 = arith.index_cast %add3A_421 : i32 to index
        %get3A_423 = tpu.vector_load %arg73[%get3A_422] {strides = array<i32>} : memref<1600xf32, #tpu.memory_space<vmem>>, vector<16xf32>,
        %get3A_424 = vector.shape_cast %get3A_423 : vector<16xf32> to vector<16xf32>
        %xor3A_425 = arith.constant 1 : i32
        %xor3A_426 = vector.broadcast %xor3A_425 : i32 to vector<16xi32>
        %xor3A_427 = arith.xori %iota3A, %xor3A_426 : vector<16xi32>
        %broadcast_in_dim3A_428 = vector.shape_cast %xor3A_427 : vector<16xi32> to vector<16x1xi32>
        %gather3A_429 = vector.shape_cast %broadcast_in_dim3A_428 : vector<16x1xi32> to vector<16xi32>
        %gather3A_430 = tpu.dynamic_gather %get3A_424[%gather3A_429] in [0] : vector<16xf32>, vector<16xi32> -> vector<16xf32>
        %add3A_431 = arith.addf %get3A_424, %gather3A_430 : vector<16xf32>
        %xor3A_432 = arith.constant 2 : i32
        %xor3A_433 = vector.broadcast %xor3A_432 : i32 to vector<16xi32>
        %xor3A_434 = arith.xori %iota3A, %xor3A_433 : vector<16xi32>
        %broadcast_in_dim3A_435 = vector.shape_cast %xor3A_434 : vector<16xi32> to vector<16x1xi32>
        %gather3A_436 = vector.shape_cast %broadcast_in_dim3A_435 : vector<16x1xi32> to vector<16xi32>
        %gather3A_437 = tpu.dynamic_gather %add3A_431[%gather3A_436] in [0] : vector<16xf32>, vector<16xi32> -> vector<16xf32>
        %add3A_438 = arith.addf %add3A_431, %gather3A_437 : vector<16xf32>
        %and3A_439 = arith.constant 3 : i32
        %and3A_440 = vector.broadcast %and3A_439 : i32 to vector<16xi32>
        %and3A_441 = arith.andi %iota3A, %and3A_440 : vector<16xi32>
        %mul3A_442 = arith.constant 4 : i32
        %mul3A_443 = vector.broadcast %mul3A_442 : i32 to vector<16xi32>
        %mul3A_444 = arith.muli %and3A_441, %mul3A_443 : vector<16xi32>
        %broadcast_in_dim3A_445 = vector.shape_cast %mul3A_444 : vector<16xi32> to vector<16x1xi32>
        %gather3A_446 = vector.shape_cast %broadcast_in_dim3A_445 : vector<16x1xi32> to vector<16xi32>
        %gather3A_447 = tpu.dynamic_gather %add3A_438[%gather3A_446] in [0] : vector<16xf32>, vector<16xi32> -> vector<16xf32>
        %add3A_448 = arith.constant 32 : i32
        %add3A_449 = arith.addi %mul3A_257, %add3A_448 : i32
        %get3A_450 = arith.index_cast %add3A_449 : i32 to index
        %get3A_451 = tpu.vector_load %arg73[%get3A_450] {strides = array<i32>} : memref<1600xf32, #tpu.memory_space<vmem>>, vector<16xf32>,
        %get3A_452 = vector.shape_cast %get3A_451 : vector<16xf32> to vector<16xf32>
        %xor3A_453 = arith.constant 1 : i32
        %xor3A_454 = vector.broadcast %xor3A_453 : i32 to vector<16xi32>
        %xor3A_455 = arith.xori %iota3A, %xor3A_454 : vector<16xi32>
        %broadcast_in_dim3A_456 = vector.shape_cast %xor3A_455 : vector<16xi32> to vector<16x1xi32>
        %gather3A_457 = vector.shape_cast %broadcast_in_dim3A_456 : vector<16x1xi32> to vector<16xi32>
        %gather3A_458 = tpu.dynamic_gather %get3A_452[%gather3A_457] in [0] : vector<16xf32>, vector<16xi32> -> vector<16xf32>
        %add3A_459 = arith.addf %get3A_452, %gather3A_458 : vector<16xf32>
        %xor3A_460 = arith.constant 2 : i32
        %xor3A_461 = vector.broadcast %xor3A_460 : i32 to vector<16xi32>
        %xor3A_462 = arith.xori %iota3A, %xor3A_461 : vector<16xi32>
        %broadcast_in_dim3A_463 = vector.shape_cast %xor3A_462 : vector<16xi32> to vector<16x1xi32>
        %gather3A_464 = vector.shape_cast %broadcast_in_dim3A_463 : vector<16x1xi32> to vector<16xi32>
        %gather3A_465 = tpu.dynamic_gather %add3A_459[%gather3A_464] in [0] : vector<16xf32>, vector<16xi32> -> vector<16xf32>
        %add3A_466 = arith.addf %add3A_459, %gather3A_465 : vector<16xf32>
        %and3A_467 = arith.constant 3 : i32
        %and3A_468 = vector.broadcast %and3A_467 : i32 to vector<16xi32>
        %and3A_469 = arith.andi %iota3A, %and3A_468 : vector<16xi32>
        %mul3A_470 = arith.constant 4 : i32
        %mul3A_471 = vector.broadcast %mul3A_470 : i32 to vector<16xi32>
        %mul3A_472 = arith.muli %and3A_469, %mul3A_471 : vector<16xi32>
        %broadcast_in_dim3A_473 = vector.shape_cast %mul3A_472 : vector<16xi32> to vector<16x1xi32>
        %gather3A_474 = vector.shape_cast %broadcast_in_dim3A_473 : vector<16x1xi32> to vector<16xi32>
        %gather3A_475 = tpu.dynamic_gather %add3A_466[%gather3A_474] in [0] : vector<16xf32>, vector<16xi32> -> vector<16xf32>
        %add3A_476 = arith.constant 48 : i32
        %add3A_477 = arith.addi %mul3A_257, %add3A_476 : i32
        %get3A_478 = arith.index_cast %add3A_477 : i32 to index
        %get3A_479 = tpu.vector_load %arg73[%get3A_478] {strides = array<i32>} : memref<1600xf32, #tpu.memory_space<vmem>>, vector<16xf32>,
        %get3A_480 = vector.shape_cast %get3A_479 : vector<16xf32> to vector<16xf32>
        %xor3A_481 = arith.constant 1 : i32
        %xor3A_482 = vector.broadcast %xor3A_481 : i32 to vector<16xi32>
        %xor3A_483 = arith.xori %iota3A, %xor3A_482 : vector<16xi32>
        %broadcast_in_dim3A_484 = vector.shape_cast %xor3A_483 : vector<16xi32> to vector<16x1xi32>
        %gather3A_485 = vector.shape_cast %broadcast_in_dim3A_484 : vector<16x1xi32> to vector<16xi32>
        %gather3A_486 = tpu.dynamic_gather %get3A_480[%gather3A_485] in [0] : vector<16xf32>, vector<16xi32> -> vector<16xf32>
        %add3A_487 = arith.addf %get3A_480, %gather3A_486 : vector<16xf32>
        %xor3A_488 = arith.constant 2 : i32
        %xor3A_489 = vector.broadcast %xor3A_488 : i32 to vector<16xi32>
        %xor3A_490 = arith.xori %iota3A, %xor3A_489 : vector<16xi32>
        %broadcast_in_dim3A_491 = vector.shape_cast %xor3A_490 : vector<16xi32> to vector<16x1xi32>
        %gather3A_492 = vector.shape_cast %broadcast_in_dim3A_491 : vector<16x1xi32> to vector<16xi32>
        %gather3A_493 = tpu.dynamic_gather %add3A_487[%gather3A_492] in [0] : vector<16xf32>, vector<16xi32> -> vector<16xf32>
        %add3A_494 = arith.addf %add3A_487, %gather3A_493 : vector<16xf32>
        %and3A_495 = arith.constant 3 : i32
        %and3A_496 = vector.broadcast %and3A_495 : i32 to vector<16xi32>
        %and3A_497 = arith.andi %iota3A, %and3A_496 : vector<16xi32>
        %mul3A_498 = arith.constant 4 : i32
        %mul3A_499 = vector.broadcast %mul3A_498 : i32 to vector<16xi32>
        %mul3A_500 = arith.muli %and3A_497, %mul3A_499 : vector<16xi32>
        %broadcast_in_dim3A_501 = vector.shape_cast %mul3A_500 : vector<16xi32> to vector<16x1xi32>
        %gather3A_502 = vector.shape_cast %broadcast_in_dim3A_501 : vector<16x1xi32> to vector<16xi32>
        %gather3A_503 = tpu.dynamic_gather %add3A_494[%gather3A_502] in [0] : vector<16xf32>, vector<16xi32> -> vector<16xf32>
        %shift_right_arithmetic3A = arith.constant 2 : i32
        %shift_right_arithmetic3A_504 = vector.broadcast %shift_right_arithmetic3A : i32 to vector<16xi32>
        %shift_right_arithmetic3A_505 = arith.shrsi %iota3A, %shift_right_arithmetic3A_504 : vector<16xi32>
        %eq3A = arith.constant 0 : i32
        %eq3A_506 = vector.broadcast %eq3A : i32 to vector<16xi32>
        %eq3A_507 = arith.cmpi eq, %shift_right_arithmetic3A_505, %eq3A_506 : vector<16xi32>
        %eq3A_508 = arith.constant 1 : i32
        %eq3A_509 = vector.broadcast %eq3A_508 : i32 to vector<16xi32>
        %eq3A_510 = arith.cmpi eq, %shift_right_arithmetic3A_505, %eq3A_509 : vector<16xi32>
        %eq3A_511 = arith.constant 2 : i32
        %eq3A_512 = vector.broadcast %eq3A_511 : i32 to vector<16xi32>
        %eq3A_513 = arith.cmpi eq, %shift_right_arithmetic3A_505, %eq3A_512 : vector<16xi32>
        %select_n3A = arith.select %eq3A_513, %gather3A_475, %gather3A_503 : vector<16xi1>, vector<16xf32>
        %select_n3A_514 = arith.select %eq3A_510, %gather3A_447, %select_n3A : vector<16xi1>, vector<16xf32>
        %select_n3A_515 = arith.select %eq3A_507, %gather3A_419, %select_n3A_514 : vector<16xi1>, vector<16xf32>
        %mul3A_516 = arith.constant 16 : i32
        %mul3A_517 = arith.muli %add3A_253, %mul3A_516 : i32
        %mul3A_518 = arith.constant 400 : i32
        %mul3A_519 = arith.muli %add3A_95, %mul3A_518 : i32
        %mul3A_520 = arith.constant 16 : i32
        %mul3A_521 = arith.muli %add3A_253, %mul3A_520 : i32
        %add3A_522 = arith.addi %mul3A_519, %mul3A_521 : i32
        %get3A_523 = arith.index_cast %mul3A_517 : i32 to index
        %get3A_524 = tpu.vector_load %arg78[%get3A_523] {strides = array<i32>} : memref<400xf32, #tpu.memory_space<vmem>>, vector<16xf32>,
        %get3A_525 = vector.shape_cast %get3A_524 : vector<16xf32> to vector<16xf32>
        %ge3A = arith.constant 2.000000e+00 : f32
        %ge3A_526 = vector.broadcast %ge3A : f32 to vector<16xf32>
        %ge3A_527 = arith.cmpf oge, %get3A_525, %ge3A_526 : vector<16xf32>
        %jit3A = arith.constant 1.000000e+00 : f32
        %jit3A_528 = arith.constant 0.000000e+00 : f32
        %broadcast_in_dim3A_529 = vector.broadcast %jit3A : f32 to vector<16xf32>
        %broadcast_in_dim3A_530 = vector.broadcast %jit3A_528 : f32 to vector<16xf32>
        %select_n3A_531 = arith.select %ge3A_527, %broadcast_in_dim3A_529, %broadcast_in_dim3A_530 : vector<16xi1>, vector<16xf32>
        %mul3A_532 = arith.constant 2.000000e+00 : f32
        %mul3A_533 = vector.broadcast %mul3A_532 : f32 to vector<16xf32>
        %mul3A_534 = arith.mulf %mul3A_533, %select_n3A_531 : vector<16xf32>
        %sub3A = arith.subf %get3A_525, %mul3A_534 : vector<16xf32>
        %get3A_535 = arith.index_cast %add3A_522 : i32 to index
        %get3A_536 = tpu.vector_load %arg38[%get3A_535] {strides = array<i32>} : memref<3200xf32, #tpu.memory_space<vmem>>, vector<16xf32>,
        %get3A_537 = vector.shape_cast %get3A_536 : vector<16xf32> to vector<16xf32>
        %get3A_538 = arith.index_cast %add3A_522 : i32 to index
        %get3A_539 = tpu.vector_load %arg40[%get3A_538] {strides = array<i32>} : memref<3200xf32, #tpu.memory_space<vmem>>, vector<16xf32>,
        %get3A_540 = vector.shape_cast %get3A_539 : vector<16xf32> to vector<16xf32>
        %get3A_541 = arith.index_cast %add3A_522 : i32 to index
        %get3A_542 = tpu.vector_load %arg42[%get3A_541] {strides = array<i32>} : memref<3200xf32, #tpu.memory_space<vmem>>, vector<16xf32>,
        %get3A_543 = vector.shape_cast %get3A_542 : vector<16xf32> to vector<16xf32>
        %get3A_544 = arith.index_cast %add3A_522 : i32 to index
        %get3A_545 = tpu.vector_load %arg44[%get3A_544] {strides = array<i32>} : memref<3200xf32, #tpu.memory_space<vmem>>, vector<16xf32>,
        %get3A_546 = vector.shape_cast %get3A_545 : vector<16xf32> to vector<16xf32>
        %get3A_547 = arith.index_cast %mul3A_517 : i32 to index
        %get3A_548 = tpu.vector_load %arg46[%get3A_547] {strides = array<i32>} : memref<400xf32, #tpu.memory_space<vmem>>, vector<16xf32>,
        %get3A_549 = vector.shape_cast %get3A_548 : vector<16xf32> to vector<16xf32>
        %get3A_550 = arith.index_cast %mul3A_517 : i32 to index
        %get3A_551 = tpu.vector_load %arg47[%get3A_550] {strides = array<i32>} : memref<400xf32, #tpu.memory_space<vmem>>, vector<16xf32>,
        %get3A_552 = vector.shape_cast %get3A_551 : vector<16xf32> to vector<16xf32>
        %get3A_553 = arith.index_cast %mul3A_517 : i32 to index
        %get3A_554 = tpu.vector_load %arg50[%get3A_553] {strides = array<i32>} : memref<400xf32, #tpu.memory_space<vmem>>, vector<16xf32>,
        %get3A_555 = vector.shape_cast %get3A_554 : vector<16xf32> to vector<16xf32>
        %mul3A_556 = arith.mulf %sub3A, %get3A_555 : vector<16xf32>
        %add3A_557 = arith.addf %get3A_540, %mul3A_556 : vector<16xf32>
        %sub3A_558 = arith.constant 1.000000e+00 : f32
        %sub3A_559 = vector.broadcast %sub3A_558 : f32 to vector<16xf32>
        %sub3A_560 = arith.subf %add3A_557, %sub3A_559 : vector<16xf32>
        %max3A = arith.constant 0.000000e+00 : f32
        %max3A_561 = vector.broadcast %max3A : f32 to vector<16xf32>
        %max3A_562 = arith.maximumf %sub3A_560, %max3A_561 : vector<16xf32>
        %get3A_563 = arith.index_cast %mul3A_517 : i32 to index
        %get3A_564 = tpu.vector_load %arg51[%get3A_563] {strides = array<i32>} : memref<400xf32, #tpu.memory_space<vmem>>, vector<16xf32>,
        %get3A_565 = vector.shape_cast %get3A_564 : vector<16xf32> to vector<16xf32>
        %mul3A_566 = arith.mulf %get3A_565, %get3A_543 : vector<16xf32>
        %get3A_567 = arith.index_cast %mul3A_517 : i32 to index
        %get3A_568 = tpu.vector_load %arg53[%get3A_567] {strides = array<i32>} : memref<400xf32, #tpu.memory_space<vmem>>, vector<16xf32>,
        %get3A_569 = vector.shape_cast %get3A_568 : vector<16xf32> to vector<16xf32>
        %mul3A_570 = arith.mulf %sub3A, %get3A_569 : vector<16xf32>
        %add3A_571 = arith.addf %mul3A_566, %mul3A_570 : vector<16xf32>
        %get3A_572 = arith.index_cast %mul3A_517 : i32 to index
        %get3A_573 = tpu.vector_load %arg52[%get3A_572] {strides = array<i32>} : memref<400xf32, #tpu.memory_space<vmem>>, vector<16xf32>,
        %get3A_574 = vector.shape_cast %get3A_573 : vector<16xf32> to vector<16xf32>
        %mul3A_575 = arith.mulf %get3A_574, %get3A_546 : vector<16xf32>
        %get3A_576 = arith.index_cast %mul3A_517 : i32 to index
        %get3A_577 = tpu.vector_load %arg54[%get3A_576] {strides = array<i32>} : memref<400xf32, #tpu.memory_space<vmem>>, vector<16xf32>,
        %get3A_578 = vector.shape_cast %get3A_577 : vector<16xf32> to vector<16xf32>
        %mul3A_579 = arith.mulf %sub3A, %get3A_578 : vector<16xf32>
        %add3A_580 = arith.addf %mul3A_575, %mul3A_579 : vector<16xf32>
        %add3A_581 = arith.addf %select_n3A_515, %add3A_571 : vector<16xf32>
        %add3A_582 = arith.addf %add3A_581, %add3A_580 : vector<16xf32>
        %get3A_583 = arith.index_cast %mul3A_517 : i32 to index
        %get3A_584 = tpu.vector_load %arg49[%get3A_583] {strides = array<i32>} : memref<400xf32, #tpu.memory_space<vmem>>, vector<16xf32>,
        %get3A_585 = vector.shape_cast %get3A_584 : vector<16xf32> to vector<16xf32>
        %mul3A_586 = arith.mulf %get3A_585, %get3A_552 : vector<16xf32>
        %add3A_587 = arith.addf %add3A_582, %mul3A_586 : vector<16xf32>
        %get3A_588 = arith.index_cast %mul3A_517 : i32 to index
        %get3A_589 = tpu.vector_load %arg55[%get3A_588] {strides = array<i32>} : memref<400xf32, #tpu.memory_space<vmem>>, vector<16xf32>,
        %get3A_590 = vector.shape_cast %get3A_589 : vector<16xf32> to vector<16xf32>
        %mul3A_591 = arith.mulf %get3A_590, %get3A_537 : vector<16xf32>
        %get3A_592 = arith.index_cast %mul3A_517 : i32 to index
        %get3A_593 = tpu.vector_load %arg56[%get3A_592] {strides = array<i32>} : memref<400xf32, #tpu.memory_space<vmem>>, vector<16xf32>,
        %get3A_594 = vector.shape_cast %get3A_593 : vector<16xf32> to vector<16xf32>
        %mul3A_595 = arith.mulf %get3A_594, %add3A_587 : vector<16xf32>
        %add3A_596 = arith.addf %mul3A_591, %mul3A_595 : vector<16xf32>
        %get3A_597 = arith.index_cast %mul3A_517 : i32 to index
        %get3A_598 = tpu.vector_load %arg48[%get3A_597] {strides = array<i32>} : memref<400xf32, #tpu.memory_space<vmem>>, vector<16xf32>,
        %get3A_599 = vector.shape_cast %get3A_598 : vector<16xf32> to vector<16xf32>
        %sub3A_600 = arith.subf %get3A_599, %get3A_549 : vector<16xf32>
        %mul3A_601 = arith.mulf %sub3A, %sub3A_600 : vector<16xf32>
        %add3A_602 = arith.addf %add3A_596, %mul3A_601 : vector<16xf32>
        %sub3A_603 = arith.subf %add3A_602, %get3A_549 : vector<16xf32>
        %sub3A_604 = arith.subf %get3A_549, %get3A_552 : vector<16xf32>
        %div3A = arith.divf %sub3A_603, %sub3A_604 : vector<16xf32>
        %gt3A = arith.constant 0.000000e+00 : f32
        %gt3A_605 = vector.broadcast %gt3A : f32 to vector<16xf32>
        %gt3A_606 = arith.cmpf ogt, %div3A, %gt3A_605 : vector<16xf32>
        %jit3A_607 = arith.constant 1.000000e+00 : f32
        %jit3A_608 = arith.constant 0.000000e+00 : f32
        %broadcast_in_dim3A_609 = vector.broadcast %jit3A_607 : f32 to vector<16xf32>
        %broadcast_in_dim3A_610 = vector.broadcast %jit3A_608 : f32 to vector<16xf32>
        %select_n3A_611 = arith.select %gt3A_606, %broadcast_in_dim3A_609, %broadcast_in_dim3A_610 : vector<16xi1>, vector<16xf32>
        %gt3A_612 = arith.constant 0.000000e+00 : f32
        %gt3A_613 = vector.broadcast %gt3A_612 : f32 to vector<16xf32>
        %gt3A_614 = arith.cmpf ogt, %max3A_562, %gt3A_613 : vector<16xf32>
        %jit3A_615 = arith.constant 0.000000e+00 : f32
        %broadcast_in_dim3A_616 = vector.broadcast %jit3A_615 : f32 to vector<16xf32>
        %select_n3A_617 = arith.select %gt3A_614, %broadcast_in_dim3A_616, %select_n3A_611 : vector<16xi1>, vector<16xf32>
        %swap3A_618 = arith.index_cast %add3A_522 : i32 to index
        %swap3A_619 = tpu.vector_load %arg38[%swap3A_618] {strides = array<i32>} : memref<3200xf32, #tpu.memory_space<vmem>>, vector<16xf32>,
        %swap3A_620 = vector.shape_cast %swap3A_619 : vector<16xf32> to vector<16xf32>
        %swap3A_621 = vector.shape_cast %add3A_602 : vector<16xf32> to vector<16xf32>
        tpu.vector_store %arg38[%swap3A_618], %swap3A_621 {strides = array<i32>} : memref<3200xf32, #tpu.memory_space<vmem>>, vector<16xf32>,
        %swap3A_622 = arith.index_cast %add3A_522 : i32 to index
        %swap3A_623 = tpu.vector_load %arg40[%swap3A_622] {strides = array<i32>} : memref<3200xf32, #tpu.memory_space<vmem>>, vector<16xf32>,
        %swap3A_624 = vector.shape_cast %swap3A_623 : vector<16xf32> to vector<16xf32>
        %swap3A_625 = vector.shape_cast %max3A_562 : vector<16xf32> to vector<16xf32>
        tpu.vector_store %arg40[%swap3A_622], %swap3A_625 {strides = array<i32>} : memref<3200xf32, #tpu.memory_space<vmem>>, vector<16xf32>,
        %swap3A_626 = arith.index_cast %add3A_522 : i32 to index
        %swap3A_627 = tpu.vector_load %arg42[%swap3A_626] {strides = array<i32>} : memref<3200xf32, #tpu.memory_space<vmem>>, vector<16xf32>,
        %swap3A_628 = vector.shape_cast %swap3A_627 : vector<16xf32> to vector<16xf32>
        %swap3A_629 = vector.shape_cast %add3A_571 : vector<16xf32> to vector<16xf32>
        tpu.vector_store %arg42[%swap3A_626], %swap3A_629 {strides = array<i32>} : memref<3200xf32, #tpu.memory_space<vmem>>, vector<16xf32>,
        %swap3A_630 = arith.index_cast %add3A_522 : i32 to index
        %swap3A_631 = tpu.vector_load %arg44[%swap3A_630] {strides = array<i32>} : memref<3200xf32, #tpu.memory_space<vmem>>, vector<16xf32>,
        %swap3A_632 = vector.shape_cast %swap3A_631 : vector<16xf32> to vector<16xf32>
        %swap3A_633 = vector.shape_cast %add3A_580 : vector<16xf32> to vector<16xf32>
        tpu.vector_store %arg44[%swap3A_630], %swap3A_633 {strides = array<i32>} : memref<3200xf32, #tpu.memory_space<vmem>>, vector<16xf32>,
        %swap3A_634 = arith.index_cast %mul3A_517 : i32 to index
        %swap3A_635 = tpu.vector_load %arg79[%swap3A_634] {strides = array<i32>} : memref<400xf32, #tpu.memory_space<vmem>>, vector<16xf32>,
        %swap3A_636 = vector.shape_cast %swap3A_635 : vector<16xf32> to vector<16xf32>
        %swap3A_637 = vector.shape_cast %select_n3A_617 : vector<16xf32> to vector<16xf32>
        tpu.vector_store %arg79[%swap3A_634], %swap3A_637 {strides = array<i32>} : memref<400xf32, #tpu.memory_space<vmem>>, vector<16xf32>,
      }
      %scan3A_203 = arith.constant 25 : i32
      %scan3A_204 = arith.constant 0 : i32
      %scan3A_205 = arith.constant 25 : i32
      %scan3A_206 = arith.addi %scan3A_204, %scan3A_205 : i32
      %scan3A_207 = arith.constant 1 : i32
      scf.for %scan3A_249 = %scan3A_204 to %scan3A_206 step %scan3A_207  : i32 {
        %mul3A_250 = arith.constant 1 : i32
        %mul3A_251 = arith.muli %scan3A_249, %mul3A_250 : i32
        %add3A_252 = arith.constant 0 : i32
        %add3A_253 = arith.addi %add3A_252, %mul3A_251 : i32
        %mul3A_254 = arith.constant 4 : i32
        %mul3A_255 = arith.muli %add3A_253, %mul3A_254 : i32
        %mul3A_256 = arith.constant 16 : i32
        %mul3A_257 = arith.muli %mul3A_255, %mul3A_256 : i32
        %add3A_258 = arith.constant 0 : i32
        %add3A_259 = arith.addi %mul3A_257, %add3A_258 : i32
        %get3A = arith.index_cast %add3A_259 : i32 to index
        %get3A_260 = tpu.vector_load %arg72[%get3A] {strides = array<i32>} : memref<1600xf32, #tpu.memory_space<vmem>>, vector<16xf32>,
        %get3A_261 = vector.shape_cast %get3A_260 : vector<16xf32> to vector<16xf32>
        %get3A_262 = arith.index_cast %add3A_259 : i32 to index
        %get3A_263 = tpu.vector_load %arg74[%get3A_262] {strides = array<i32>} : memref<1600xf32, #tpu.memory_space<vmem>>, vector<16xf32>,
        %get3A_264 = vector.shape_cast %get3A_263 : vector<16xf32> to vector<16xf32>
        %get3A_265 = arith.index_cast %add3A_259 : i32 to index
        %get3A_266 = tpu.vector_load %arg76[%get3A_265] {strides = array<i32>} : memref<1600xf32, #tpu.memory_space<vmem>>, vector<16xf32>,
        %get3A_267 = vector.shape_cast %get3A_266 : vector<16xf32> to vector<16xf32>
        %get3A_268 = arith.index_cast %add3A_259 : i32 to index
        %get3A_269 = tpu.vector_load %arg70[%get3A_268] {strides = array<i32>} : memref<1600xf32, #tpu.memory_space<vmem>>, vector<16xf32>,
        %get3A_270 = vector.shape_cast %get3A_269 : vector<16xf32> to vector<16xf32>
        %get3A_271 = arith.index_cast %add3A_259 : i32 to index
        %get3A_272 = tpu.vector_load %arg75[%get3A_271] {strides = array<i32>} : memref<1600xf32, #tpu.memory_space<vmem>>, vector<16xf32>,
        %get3A_273 = vector.shape_cast %get3A_272 : vector<16xf32> to vector<16xf32>
        %add3A_274 = arith.addf %get3A_270, %get3A_273 : vector<16xf32>
        %mul3A_275 = arith.mulf %get3A_267, %get3A_261 : vector<16xf32>
        %get3A_276 = arith.index_cast %add3A_259 : i32 to index
        %get3A_277 = tpu.vector_load %arg77[%get3A_276] {strides = array<i32>} : memref<1600xf32, #tpu.memory_space<vmem>>, vector<16xf32>,
        %get3A_278 = vector.shape_cast %get3A_277 : vector<16xf32> to vector<16xf32>
        %mul3A_279 = arith.mulf %add3A_274, %get3A_278 : vector<16xf32>
        %add3A_280 = arith.addf %mul3A_275, %mul3A_279 : vector<16xf32>
        %swap3A = arith.index_cast %add3A_259 : i32 to index
        %swap3A_281 = tpu.vector_load %arg72[%swap3A] {strides = array<i32>} : memref<1600xf32, #tpu.memory_space<vmem>>, vector<16xf32>,
        %swap3A_282 = vector.shape_cast %swap3A_281 : vector<16xf32> to vector<16xf32>
        %swap3A_283 = vector.shape_cast %add3A_280 : vector<16xf32> to vector<16xf32>
        tpu.vector_store %arg72[%swap3A], %swap3A_283 {strides = array<i32>} : memref<1600xf32, #tpu.memory_space<vmem>>, vector<16xf32>,
        %mul3A_284 = arith.mulf %get3A_264, %get3A_267 : vector<16xf32>
        %mul3A_285 = arith.mulf %get3A_267, %get3A_261 : vector<16xf32>
        %add3A_286 = arith.addf %mul3A_284, %mul3A_285 : vector<16xf32>
        %swap3A_287 = arith.index_cast %add3A_259 : i32 to index
        %swap3A_288 = tpu.vector_load %arg74[%swap3A_287] {strides = array<i32>} : memref<1600xf32, #tpu.memory_space<vmem>>, vector<16xf32>,
        %swap3A_289 = vector.shape_cast %swap3A_288 : vector<16xf32> to vector<16xf32>
        %swap3A_290 = vector.shape_cast %add3A_286 : vector<16xf32> to vector<16xf32>
        tpu.vector_store %arg74[%swap3A_287], %swap3A_290 {strides = array<i32>} : memref<1600xf32, #tpu.memory_space<vmem>>, vector<16xf32>,
        %add3A_291 = arith.constant 16 : i32
        %add3A_292 = arith.addi %mul3A_257, %add3A_291 : i32
        %get3A_293 = arith.index_cast %add3A_292 : i32 to index
        %get3A_294 = tpu.vector_load %arg72[%get3A_293] {strides = array<i32>} : memref<1600xf32, #tpu.memory_space<vmem>>, vector<16xf32>,
        %get3A_295 = vector.shape_cast %get3A_294 : vector<16xf32> to vector<16xf32>
        %get3A_296 = arith.index_cast %add3A_292 : i32 to index
        %get3A_297 = tpu.vector_load %arg74[%get3A_296] {strides = array<i32>} : memref<1600xf32, #tpu.memory_space<vmem>>, vector<16xf32>,
        %get3A_298 = vector.shape_cast %get3A_297 : vector<16xf32> to vector<16xf32>
        %get3A_299 = arith.index_cast %add3A_292 : i32 to index
        %get3A_300 = tpu.vector_load %arg76[%get3A_299] {strides = array<i32>} : memref<1600xf32, #tpu.memory_space<vmem>>, vector<16xf32>,
        %get3A_301 = vector.shape_cast %get3A_300 : vector<16xf32> to vector<16xf32>
        %get3A_302 = arith.index_cast %add3A_292 : i32 to index
        %get3A_303 = tpu.vector_load %arg70[%get3A_302] {strides = array<i32>} : memref<1600xf32, #tpu.memory_space<vmem>>, vector<16xf32>,
        %get3A_304 = vector.shape_cast %get3A_303 : vector<16xf32> to vector<16xf32>
        %get3A_305 = arith.index_cast %add3A_292 : i32 to index
        %get3A_306 = tpu.vector_load %arg75[%get3A_305] {strides = array<i32>} : memref<1600xf32, #tpu.memory_space<vmem>>, vector<16xf32>,
        %get3A_307 = vector.shape_cast %get3A_306 : vector<16xf32> to vector<16xf32>
        %add3A_308 = arith.addf %get3A_304, %get3A_307 : vector<16xf32>
        %mul3A_309 = arith.mulf %get3A_301, %get3A_295 : vector<16xf32>
        %get3A_310 = arith.index_cast %add3A_292 : i32 to index
        %get3A_311 = tpu.vector_load %arg77[%get3A_310] {strides = array<i32>} : memref<1600xf32, #tpu.memory_space<vmem>>, vector<16xf32>,
        %get3A_312 = vector.shape_cast %get3A_311 : vector<16xf32> to vector<16xf32>
        %mul3A_313 = arith.mulf %add3A_308, %get3A_312 : vector<16xf32>
        %add3A_314 = arith.addf %mul3A_309, %mul3A_313 : vector<16xf32>
        %swap3A_315 = arith.index_cast %add3A_292 : i32 to index
        %swap3A_316 = tpu.vector_load %arg72[%swap3A_315] {strides = array<i32>} : memref<1600xf32, #tpu.memory_space<vmem>>, vector<16xf32>,
        %swap3A_317 = vector.shape_cast %swap3A_316 : vector<16xf32> to vector<16xf32>
        %swap3A_318 = vector.shape_cast %add3A_314 : vector<16xf32> to vector<16xf32>
        tpu.vector_store %arg72[%swap3A_315], %swap3A_318 {strides = array<i32>} : memref<1600xf32, #tpu.memory_space<vmem>>, vector<16xf32>,
        %mul3A_319 = arith.mulf %get3A_298, %get3A_301 : vector<16xf32>
        %mul3A_320 = arith.mulf %get3A_301, %get3A_295 : vector<16xf32>
        %add3A_321 = arith.addf %mul3A_319, %mul3A_320 : vector<16xf32>
        %swap3A_322 = arith.index_cast %add3A_292 : i32 to index
        %swap3A_323 = tpu.vector_load %arg74[%swap3A_322] {strides = array<i32>} : memref<1600xf32, #tpu.memory_space<vmem>>, vector<16xf32>,
        %swap3A_324 = vector.shape_cast %swap3A_323 : vector<16xf32> to vector<16xf32>
        %swap3A_325 = vector.shape_cast %add3A_321 : vector<16xf32> to vector<16xf32>
        tpu.vector_store %arg74[%swap3A_322], %swap3A_325 {strides = array<i32>} : memref<1600xf32, #tpu.memory_space<vmem>>, vector<16xf32>,
        %add3A_326 = arith.constant 32 : i32
        %add3A_327 = arith.addi %mul3A_257, %add3A_326 : i32
        %get3A_328 = arith.index_cast %add3A_327 : i32 to index
        %get3A_329 = tpu.vector_load %arg72[%get3A_328] {strides = array<i32>} : memref<1600xf32, #tpu.memory_space<vmem>>, vector<16xf32>,
        %get3A_330 = vector.shape_cast %get3A_329 : vector<16xf32> to vector<16xf32>
        %get3A_331 = arith.index_cast %add3A_327 : i32 to index
        %get3A_332 = tpu.vector_load %arg74[%get3A_331] {strides = array<i32>} : memref<1600xf32, #tpu.memory_space<vmem>>, vector<16xf32>,
        %get3A_333 = vector.shape_cast %get3A_332 : vector<16xf32> to vector<16xf32>
        %get3A_334 = arith.index_cast %add3A_327 : i32 to index
        %get3A_335 = tpu.vector_load %arg76[%get3A_334] {strides = array<i32>} : memref<1600xf32, #tpu.memory_space<vmem>>, vector<16xf32>,
        %get3A_336 = vector.shape_cast %get3A_335 : vector<16xf32> to vector<16xf32>
        %get3A_337 = arith.index_cast %add3A_327 : i32 to index
        %get3A_338 = tpu.vector_load %arg70[%get3A_337] {strides = array<i32>} : memref<1600xf32, #tpu.memory_space<vmem>>, vector<16xf32>,
        %get3A_339 = vector.shape_cast %get3A_338 : vector<16xf32> to vector<16xf32>
        %get3A_340 = arith.index_cast %add3A_327 : i32 to index
        %get3A_341 = tpu.vector_load %arg75[%get3A_340] {strides = array<i32>} : memref<1600xf32, #tpu.memory_space<vmem>>, vector<16xf32>,
        %get3A_342 = vector.shape_cast %get3A_341 : vector<16xf32> to vector<16xf32>
        %add3A_343 = arith.addf %get3A_339, %get3A_342 : vector<16xf32>
        %mul3A_344 = arith.mulf %get3A_336, %get3A_330 : vector<16xf32>
        %get3A_345 = arith.index_cast %add3A_327 : i32 to index
        %get3A_346 = tpu.vector_load %arg77[%get3A_345] {strides = array<i32>} : memref<1600xf32, #tpu.memory_space<vmem>>, vector<16xf32>,
        %get3A_347 = vector.shape_cast %get3A_346 : vector<16xf32> to vector<16xf32>
        %mul3A_348 = arith.mulf %add3A_343, %get3A_347 : vector<16xf32>
        %add3A_349 = arith.addf %mul3A_344, %mul3A_348 : vector<16xf32>
        %swap3A_350 = arith.index_cast %add3A_327 : i32 to index
        %swap3A_351 = tpu.vector_load %arg72[%swap3A_350] {strides = array<i32>} : memref<1600xf32, #tpu.memory_space<vmem>>, vector<16xf32>,
        %swap3A_352 = vector.shape_cast %swap3A_351 : vector<16xf32> to vector<16xf32>
        %swap3A_353 = vector.shape_cast %add3A_349 : vector<16xf32> to vector<16xf32>
        tpu.vector_store %arg72[%swap3A_350], %swap3A_353 {strides = array<i32>} : memref<1600xf32, #tpu.memory_space<vmem>>, vector<16xf32>,
        %mul3A_354 = arith.mulf %get3A_333, %get3A_336 : vector<16xf32>
        %mul3A_355 = arith.mulf %get3A_336, %get3A_330 : vector<16xf32>
        %add3A_356 = arith.addf %mul3A_354, %mul3A_355 : vector<16xf32>
        %swap3A_357 = arith.index_cast %add3A_327 : i32 to index
        %swap3A_358 = tpu.vector_load %arg74[%swap3A_357] {strides = array<i32>} : memref<1600xf32, #tpu.memory_space<vmem>>, vector<16xf32>,
        %swap3A_359 = vector.shape_cast %swap3A_358 : vector<16xf32> to vector<16xf32>
        %swap3A_360 = vector.shape_cast %add3A_356 : vector<16xf32> to vector<16xf32>
        tpu.vector_store %arg74[%swap3A_357], %swap3A_360 {strides = array<i32>} : memref<1600xf32, #tpu.memory_space<vmem>>, vector<16xf32>,
        %add3A_361 = arith.constant 48 : i32
        %add3A_362 = arith.addi %mul3A_257, %add3A_361 : i32
        %get3A_363 = arith.index_cast %add3A_362 : i32 to index
        %get3A_364 = tpu.vector_load %arg72[%get3A_363] {strides = array<i32>} : memref<1600xf32, #tpu.memory_space<vmem>>, vector<16xf32>,
        %get3A_365 = vector.shape_cast %get3A_364 : vector<16xf32> to vector<16xf32>
        %get3A_366 = arith.index_cast %add3A_362 : i32 to index
        %get3A_367 = tpu.vector_load %arg74[%get3A_366] {strides = array<i32>} : memref<1600xf32, #tpu.memory_space<vmem>>, vector<16xf32>,
        %get3A_368 = vector.shape_cast %get3A_367 : vector<16xf32> to vector<16xf32>
        %get3A_369 = arith.index_cast %add3A_362 : i32 to index
        %get3A_370 = tpu.vector_load %arg76[%get3A_369] {strides = array<i32>} : memref<1600xf32, #tpu.memory_space<vmem>>, vector<16xf32>,
        %get3A_371 = vector.shape_cast %get3A_370 : vector<16xf32> to vector<16xf32>
        %get3A_372 = arith.index_cast %add3A_362 : i32 to index
        %get3A_373 = tpu.vector_load %arg70[%get3A_372] {strides = array<i32>} : memref<1600xf32, #tpu.memory_space<vmem>>, vector<16xf32>,
        %get3A_374 = vector.shape_cast %get3A_373 : vector<16xf32> to vector<16xf32>
        %get3A_375 = arith.index_cast %add3A_362 : i32 to index
        %get3A_376 = tpu.vector_load %arg75[%get3A_375] {strides = array<i32>} : memref<1600xf32, #tpu.memory_space<vmem>>, vector<16xf32>,
        %get3A_377 = vector.shape_cast %get3A_376 : vector<16xf32> to vector<16xf32>
        %add3A_378 = arith.addf %get3A_374, %get3A_377 : vector<16xf32>
        %mul3A_379 = arith.mulf %get3A_371, %get3A_365 : vector<16xf32>
        %get3A_380 = arith.index_cast %add3A_362 : i32 to index
        %get3A_381 = tpu.vector_load %arg77[%get3A_380] {strides = array<i32>} : memref<1600xf32, #tpu.memory_space<vmem>>, vector<16xf32>,
        %get3A_382 = vector.shape_cast %get3A_381 : vector<16xf32> to vector<16xf32>
        %mul3A_383 = arith.mulf %add3A_378, %get3A_382 : vector<16xf32>
        %add3A_384 = arith.addf %mul3A_379, %mul3A_383 : vector<16xf32>
        %swap3A_385 = arith.index_cast %add3A_362 : i32 to index
        %swap3A_386 = tpu.vector_load %arg72[%swap3A_385] {strides = array<i32>} : memref<1600xf32, #tpu.memory_space<vmem>>, vector<16xf32>,
        %swap3A_387 = vector.shape_cast %swap3A_386 : vector<16xf32> to vector<16xf32>
        %swap3A_388 = vector.shape_cast %add3A_384 : vector<16xf32> to vector<16xf32>
        tpu.vector_store %arg72[%swap3A_385], %swap3A_388 {strides = array<i32>} : memref<1600xf32, #tpu.memory_space<vmem>>, vector<16xf32>,
        %mul3A_389 = arith.mulf %get3A_368, %get3A_371 : vector<16xf32>
        %mul3A_390 = arith.mulf %get3A_371, %get3A_365 : vector<16xf32>
        %add3A_391 = arith.addf %mul3A_389, %mul3A_390 : vector<16xf32>
        %swap3A_392 = arith.index_cast %add3A_362 : i32 to index
        %swap3A_393 = tpu.vector_load %arg74[%swap3A_392] {strides = array<i32>} : memref<1600xf32, #tpu.memory_space<vmem>>, vector<16xf32>,
        %swap3A_394 = vector.shape_cast %swap3A_393 : vector<16xf32> to vector<16xf32>
        %swap3A_395 = vector.shape_cast %add3A_391 : vector<16xf32> to vector<16xf32>
        tpu.vector_store %arg74[%swap3A_392], %swap3A_395 {strides = array<i32>} : memref<1600xf32, #tpu.memory_space<vmem>>, vector<16xf32>,
        %add3A_396 = arith.constant 0 : i32
        %add3A_397 = arith.addi %mul3A_257, %add3A_396 : i32
        %get3A_398 = arith.index_cast %add3A_397 : i32 to index
        %get3A_399 = tpu.vector_load %arg74[%get3A_398] {strides = array<i32>} : memref<1600xf32, #tpu.memory_space<vmem>>, vector<16xf32>,
        %get3A_400 = vector.shape_cast %get3A_399 : vector<16xf32> to vector<16xf32>
        %xor3A = arith.constant 1 : i32
        %xor3A_401 = vector.broadcast %xor3A : i32 to vector<16xi32>
        %xor3A_402 = arith.xori %iota3A, %xor3A_401 : vector<16xi32>
        %broadcast_in_dim3A = vector.shape_cast %xor3A_402 : vector<16xi32> to vector<16x1xi32>
        %gather3A = vector.shape_cast %broadcast_in_dim3A : vector<16x1xi32> to vector<16xi32>
        %gather3A_403 = tpu.dynamic_gather %get3A_400[%gather3A] in [0] : vector<16xf32>, vector<16xi32> -> vector<16xf32>
        %add3A_404 = arith.addf %get3A_400, %gather3A_403 : vector<16xf32>
        %xor3A_405 = arith.constant 2 : i32
        %xor3A_406 = vector.broadcast %xor3A_405 : i32 to vector<16xi32>
        %xor3A_407 = arith.xori %iota3A, %xor3A_406 : vector<16xi32>
        %broadcast_in_dim3A_408 = vector.shape_cast %xor3A_407 : vector<16xi32> to vector<16x1xi32>
        %gather3A_409 = vector.shape_cast %broadcast_in_dim3A_408 : vector<16x1xi32> to vector<16xi32>
        %gather3A_410 = tpu.dynamic_gather %add3A_404[%gather3A_409] in [0] : vector<16xf32>, vector<16xi32> -> vector<16xf32>
        %add3A_411 = arith.addf %add3A_404, %gather3A_410 : vector<16xf32>
        %and3A = arith.constant 3 : i32
        %and3A_412 = vector.broadcast %and3A : i32 to vector<16xi32>
        %and3A_413 = arith.andi %iota3A, %and3A_412 : vector<16xi32>
        %mul3A_414 = arith.constant 4 : i32
        %mul3A_415 = vector.broadcast %mul3A_414 : i32 to vector<16xi32>
        %mul3A_416 = arith.muli %and3A_413, %mul3A_415 : vector<16xi32>
        %broadcast_in_dim3A_417 = vector.shape_cast %mul3A_416 : vector<16xi32> to vector<16x1xi32>
        %gather3A_418 = vector.shape_cast %broadcast_in_dim3A_417 : vector<16x1xi32> to vector<16xi32>
        %gather3A_419 = tpu.dynamic_gather %add3A_411[%gather3A_418] in [0] : vector<16xf32>, vector<16xi32> -> vector<16xf32>
        %add3A_420 = arith.constant 16 : i32
        %add3A_421 = arith.addi %mul3A_257, %add3A_420 : i32
        %get3A_422 = arith.index_cast %add3A_421 : i32 to index
        %get3A_423 = tpu.vector_load %arg74[%get3A_422] {strides = array<i32>} : memref<1600xf32, #tpu.memory_space<vmem>>, vector<16xf32>,
        %get3A_424 = vector.shape_cast %get3A_423 : vector<16xf32> to vector<16xf32>
        %xor3A_425 = arith.constant 1 : i32
        %xor3A_426 = vector.broadcast %xor3A_425 : i32 to vector<16xi32>
        %xor3A_427 = arith.xori %iota3A, %xor3A_426 : vector<16xi32>
        %broadcast_in_dim3A_428 = vector.shape_cast %xor3A_427 : vector<16xi32> to vector<16x1xi32>
        %gather3A_429 = vector.shape_cast %broadcast_in_dim3A_428 : vector<16x1xi32> to vector<16xi32>
        %gather3A_430 = tpu.dynamic_gather %get3A_424[%gather3A_429] in [0] : vector<16xf32>, vector<16xi32> -> vector<16xf32>
        %add3A_431 = arith.addf %get3A_424, %gather3A_430 : vector<16xf32>
        %xor3A_432 = arith.constant 2 : i32
        %xor3A_433 = vector.broadcast %xor3A_432 : i32 to vector<16xi32>
        %xor3A_434 = arith.xori %iota3A, %xor3A_433 : vector<16xi32>
        %broadcast_in_dim3A_435 = vector.shape_cast %xor3A_434 : vector<16xi32> to vector<16x1xi32>
        %gather3A_436 = vector.shape_cast %broadcast_in_dim3A_435 : vector<16x1xi32> to vector<16xi32>
        %gather3A_437 = tpu.dynamic_gather %add3A_431[%gather3A_436] in [0] : vector<16xf32>, vector<16xi32> -> vector<16xf32>
        %add3A_438 = arith.addf %add3A_431, %gather3A_437 : vector<16xf32>
        %and3A_439 = arith.constant 3 : i32
        %and3A_440 = vector.broadcast %and3A_439 : i32 to vector<16xi32>
        %and3A_441 = arith.andi %iota3A, %and3A_440 : vector<16xi32>
        %mul3A_442 = arith.constant 4 : i32
        %mul3A_443 = vector.broadcast %mul3A_442 : i32 to vector<16xi32>
        %mul3A_444 = arith.muli %and3A_441, %mul3A_443 : vector<16xi32>
        %broadcast_in_dim3A_445 = vector.shape_cast %mul3A_444 : vector<16xi32> to vector<16x1xi32>
        %gather3A_446 = vector.shape_cast %broadcast_in_dim3A_445 : vector<16x1xi32> to vector<16xi32>
        %gather3A_447 = tpu.dynamic_gather %add3A_438[%gather3A_446] in [0] : vector<16xf32>, vector<16xi32> -> vector<16xf32>
        %add3A_448 = arith.constant 32 : i32
        %add3A_449 = arith.addi %mul3A_257, %add3A_448 : i32
        %get3A_450 = arith.index_cast %add3A_449 : i32 to index
        %get3A_451 = tpu.vector_load %arg74[%get3A_450] {strides = array<i32>} : memref<1600xf32, #tpu.memory_space<vmem>>, vector<16xf32>,
        %get3A_452 = vector.shape_cast %get3A_451 : vector<16xf32> to vector<16xf32>
        %xor3A_453 = arith.constant 1 : i32
        %xor3A_454 = vector.broadcast %xor3A_453 : i32 to vector<16xi32>
        %xor3A_455 = arith.xori %iota3A, %xor3A_454 : vector<16xi32>
        %broadcast_in_dim3A_456 = vector.shape_cast %xor3A_455 : vector<16xi32> to vector<16x1xi32>
        %gather3A_457 = vector.shape_cast %broadcast_in_dim3A_456 : vector<16x1xi32> to vector<16xi32>
        %gather3A_458 = tpu.dynamic_gather %get3A_452[%gather3A_457] in [0] : vector<16xf32>, vector<16xi32> -> vector<16xf32>
        %add3A_459 = arith.addf %get3A_452, %gather3A_458 : vector<16xf32>
        %xor3A_460 = arith.constant 2 : i32
        %xor3A_461 = vector.broadcast %xor3A_460 : i32 to vector<16xi32>
        %xor3A_462 = arith.xori %iota3A, %xor3A_461 : vector<16xi32>
        %broadcast_in_dim3A_463 = vector.shape_cast %xor3A_462 : vector<16xi32> to vector<16x1xi32>
        %gather3A_464 = vector.shape_cast %broadcast_in_dim3A_463 : vector<16x1xi32> to vector<16xi32>
        %gather3A_465 = tpu.dynamic_gather %add3A_459[%gather3A_464] in [0] : vector<16xf32>, vector<16xi32> -> vector<16xf32>
        %add3A_466 = arith.addf %add3A_459, %gather3A_465 : vector<16xf32>
        %and3A_467 = arith.constant 3 : i32
        %and3A_468 = vector.broadcast %and3A_467 : i32 to vector<16xi32>
        %and3A_469 = arith.andi %iota3A, %and3A_468 : vector<16xi32>
        %mul3A_470 = arith.constant 4 : i32
        %mul3A_471 = vector.broadcast %mul3A_470 : i32 to vector<16xi32>
        %mul3A_472 = arith.muli %and3A_469, %mul3A_471 : vector<16xi32>
        %broadcast_in_dim3A_473 = vector.shape_cast %mul3A_472 : vector<16xi32> to vector<16x1xi32>
        %gather3A_474 = vector.shape_cast %broadcast_in_dim3A_473 : vector<16x1xi32> to vector<16xi32>
        %gather3A_475 = tpu.dynamic_gather %add3A_466[%gather3A_474] in [0] : vector<16xf32>, vector<16xi32> -> vector<16xf32>
        %add3A_476 = arith.constant 48 : i32
        %add3A_477 = arith.addi %mul3A_257, %add3A_476 : i32
        %get3A_478 = arith.index_cast %add3A_477 : i32 to index
        %get3A_479 = tpu.vector_load %arg74[%get3A_478] {strides = array<i32>} : memref<1600xf32, #tpu.memory_space<vmem>>, vector<16xf32>,
        %get3A_480 = vector.shape_cast %get3A_479 : vector<16xf32> to vector<16xf32>
        %xor3A_481 = arith.constant 1 : i32
        %xor3A_482 = vector.broadcast %xor3A_481 : i32 to vector<16xi32>
        %xor3A_483 = arith.xori %iota3A, %xor3A_482 : vector<16xi32>
        %broadcast_in_dim3A_484 = vector.shape_cast %xor3A_483 : vector<16xi32> to vector<16x1xi32>
        %gather3A_485 = vector.shape_cast %broadcast_in_dim3A_484 : vector<16x1xi32> to vector<16xi32>
        %gather3A_486 = tpu.dynamic_gather %get3A_480[%gather3A_485] in [0] : vector<16xf32>, vector<16xi32> -> vector<16xf32>
        %add3A_487 = arith.addf %get3A_480, %gather3A_486 : vector<16xf32>
        %xor3A_488 = arith.constant 2 : i32
        %xor3A_489 = vector.broadcast %xor3A_488 : i32 to vector<16xi32>
        %xor3A_490 = arith.xori %iota3A, %xor3A_489 : vector<16xi32>
        %broadcast_in_dim3A_491 = vector.shape_cast %xor3A_490 : vector<16xi32> to vector<16x1xi32>
        %gather3A_492 = vector.shape_cast %broadcast_in_dim3A_491 : vector<16x1xi32> to vector<16xi32>
        %gather3A_493 = tpu.dynamic_gather %add3A_487[%gather3A_492] in [0] : vector<16xf32>, vector<16xi32> -> vector<16xf32>
        %add3A_494 = arith.addf %add3A_487, %gather3A_493 : vector<16xf32>
        %and3A_495 = arith.constant 3 : i32
        %and3A_496 = vector.broadcast %and3A_495 : i32 to vector<16xi32>
        %and3A_497 = arith.andi %iota3A, %and3A_496 : vector<16xi32>
        %mul3A_498 = arith.constant 4 : i32
        %mul3A_499 = vector.broadcast %mul3A_498 : i32 to vector<16xi32>
        %mul3A_500 = arith.muli %and3A_497, %mul3A_499 : vector<16xi32>
        %broadcast_in_dim3A_501 = vector.shape_cast %mul3A_500 : vector<16xi32> to vector<16x1xi32>
        %gather3A_502 = vector.shape_cast %broadcast_in_dim3A_501 : vector<16x1xi32> to vector<16xi32>
        %gather3A_503 = tpu.dynamic_gather %add3A_494[%gather3A_502] in [0] : vector<16xf32>, vector<16xi32> -> vector<16xf32>
        %shift_right_arithmetic3A = arith.constant 2 : i32
        %shift_right_arithmetic3A_504 = vector.broadcast %shift_right_arithmetic3A : i32 to vector<16xi32>
        %shift_right_arithmetic3A_505 = arith.shrsi %iota3A, %shift_right_arithmetic3A_504 : vector<16xi32>
        %eq3A = arith.constant 0 : i32
        %eq3A_506 = vector.broadcast %eq3A : i32 to vector<16xi32>
        %eq3A_507 = arith.cmpi eq, %shift_right_arithmetic3A_505, %eq3A_506 : vector<16xi32>
        %eq3A_508 = arith.constant 1 : i32
        %eq3A_509 = vector.broadcast %eq3A_508 : i32 to vector<16xi32>
        %eq3A_510 = arith.cmpi eq, %shift_right_arithmetic3A_505, %eq3A_509 : vector<16xi32>
        %eq3A_511 = arith.constant 2 : i32
        %eq3A_512 = vector.broadcast %eq3A_511 : i32 to vector<16xi32>
        %eq3A_513 = arith.cmpi eq, %shift_right_arithmetic3A_505, %eq3A_512 : vector<16xi32>
        %select_n3A = arith.select %eq3A_513, %gather3A_475, %gather3A_503 : vector<16xi1>, vector<16xf32>
        %select_n3A_514 = arith.select %eq3A_510, %gather3A_447, %select_n3A : vector<16xi1>, vector<16xf32>
        %select_n3A_515 = arith.select %eq3A_507, %gather3A_419, %select_n3A_514 : vector<16xi1>, vector<16xf32>
        %mul3A_516 = arith.constant 16 : i32
        %mul3A_517 = arith.muli %add3A_253, %mul3A_516 : i32
        %mul3A_518 = arith.constant 400 : i32
        %mul3A_519 = arith.muli %add3A_95, %mul3A_518 : i32
        %mul3A_520 = arith.constant 16 : i32
        %mul3A_521 = arith.muli %add3A_253, %mul3A_520 : i32
        %add3A_522 = arith.addi %mul3A_519, %mul3A_521 : i32
        %get3A_523 = arith.index_cast %mul3A_517 : i32 to index
        %get3A_524 = tpu.vector_load %arg78[%get3A_523] {strides = array<i32>} : memref<400xf32, #tpu.memory_space<vmem>>, vector<16xf32>,
        %get3A_525 = vector.shape_cast %get3A_524 : vector<16xf32> to vector<16xf32>
        %ge3A = arith.constant 2.000000e+00 : f32
        %ge3A_526 = vector.broadcast %ge3A : f32 to vector<16xf32>
        %ge3A_527 = arith.cmpf oge, %get3A_525, %ge3A_526 : vector<16xf32>
        %jit3A = arith.constant 1.000000e+00 : f32
        %jit3A_528 = arith.constant 0.000000e+00 : f32
        %broadcast_in_dim3A_529 = vector.broadcast %jit3A : f32 to vector<16xf32>
        %broadcast_in_dim3A_530 = vector.broadcast %jit3A_528 : f32 to vector<16xf32>
        %select_n3A_531 = arith.select %ge3A_527, %broadcast_in_dim3A_529, %broadcast_in_dim3A_530 : vector<16xi1>, vector<16xf32>
        %get3A_532 = arith.index_cast %add3A_522 : i32 to index
        %get3A_533 = tpu.vector_load %arg39[%get3A_532] {strides = array<i32>} : memref<3200xf32, #tpu.memory_space<vmem>>, vector<16xf32>,
        %get3A_534 = vector.shape_cast %get3A_533 : vector<16xf32> to vector<16xf32>
        %get3A_535 = arith.index_cast %add3A_522 : i32 to index
        %get3A_536 = tpu.vector_load %arg41[%get3A_535] {strides = array<i32>} : memref<3200xf32, #tpu.memory_space<vmem>>, vector<16xf32>,
        %get3A_537 = vector.shape_cast %get3A_536 : vector<16xf32> to vector<16xf32>
        %get3A_538 = arith.index_cast %add3A_522 : i32 to index
        %get3A_539 = tpu.vector_load %arg43[%get3A_538] {strides = array<i32>} : memref<3200xf32, #tpu.memory_space<vmem>>, vector<16xf32>,
        %get3A_540 = vector.shape_cast %get3A_539 : vector<16xf32> to vector<16xf32>
        %get3A_541 = arith.index_cast %add3A_522 : i32 to index
        %get3A_542 = tpu.vector_load %arg45[%get3A_541] {strides = array<i32>} : memref<3200xf32, #tpu.memory_space<vmem>>, vector<16xf32>,
        %get3A_543 = vector.shape_cast %get3A_542 : vector<16xf32> to vector<16xf32>
        %get3A_544 = arith.index_cast %mul3A_517 : i32 to index
        %get3A_545 = tpu.vector_load %arg46[%get3A_544] {strides = array<i32>} : memref<400xf32, #tpu.memory_space<vmem>>, vector<16xf32>,
        %get3A_546 = vector.shape_cast %get3A_545 : vector<16xf32> to vector<16xf32>
        %get3A_547 = arith.index_cast %mul3A_517 : i32 to index
        %get3A_548 = tpu.vector_load %arg47[%get3A_547] {strides = array<i32>} : memref<400xf32, #tpu.memory_space<vmem>>, vector<16xf32>,
        %get3A_549 = vector.shape_cast %get3A_548 : vector<16xf32> to vector<16xf32>
        %get3A_550 = arith.index_cast %mul3A_517 : i32 to index
        %get3A_551 = tpu.vector_load %arg50[%get3A_550] {strides = array<i32>} : memref<400xf32, #tpu.memory_space<vmem>>, vector<16xf32>,
        %get3A_552 = vector.shape_cast %get3A_551 : vector<16xf32> to vector<16xf32>
        %mul3A_553 = arith.mulf %select_n3A_531, %get3A_552 : vector<16xf32>
        %add3A_554 = arith.addf %get3A_537, %mul3A_553 : vector<16xf32>
        %sub3A = arith.constant 1.000000e+00 : f32
        %sub3A_555 = vector.broadcast %sub3A : f32 to vector<16xf32>
        %sub3A_556 = arith.subf %add3A_554, %sub3A_555 : vector<16xf32>
        %max3A = arith.constant 0.000000e+00 : f32
        %max3A_557 = vector.broadcast %max3A : f32 to vector<16xf32>
        %max3A_558 = arith.maximumf %sub3A_556, %max3A_557 : vector<16xf32>
        %get3A_559 = arith.index_cast %mul3A_517 : i32 to index
        %get3A_560 = tpu.vector_load %arg51[%get3A_559] {strides = array<i32>} : memref<400xf32, #tpu.memory_space<vmem>>, vector<16xf32>,
        %get3A_561 = vector.shape_cast %get3A_560 : vector<16xf32> to vector<16xf32>
        %mul3A_562 = arith.mulf %get3A_561, %get3A_540 : vector<16xf32>
        %get3A_563 = arith.index_cast %mul3A_517 : i32 to index
        %get3A_564 = tpu.vector_load %arg53[%get3A_563] {strides = array<i32>} : memref<400xf32, #tpu.memory_space<vmem>>, vector<16xf32>,
        %get3A_565 = vector.shape_cast %get3A_564 : vector<16xf32> to vector<16xf32>
        %mul3A_566 = arith.mulf %select_n3A_531, %get3A_565 : vector<16xf32>
        %add3A_567 = arith.addf %mul3A_562, %mul3A_566 : vector<16xf32>
        %get3A_568 = arith.index_cast %mul3A_517 : i32 to index
        %get3A_569 = tpu.vector_load %arg52[%get3A_568] {strides = array<i32>} : memref<400xf32, #tpu.memory_space<vmem>>, vector<16xf32>,
        %get3A_570 = vector.shape_cast %get3A_569 : vector<16xf32> to vector<16xf32>
        %mul3A_571 = arith.mulf %get3A_570, %get3A_543 : vector<16xf32>
        %get3A_572 = arith.index_cast %mul3A_517 : i32 to index
        %get3A_573 = tpu.vector_load %arg54[%get3A_572] {strides = array<i32>} : memref<400xf32, #tpu.memory_space<vmem>>, vector<16xf32>,
        %get3A_574 = vector.shape_cast %get3A_573 : vector<16xf32> to vector<16xf32>
        %mul3A_575 = arith.mulf %select_n3A_531, %get3A_574 : vector<16xf32>
        %add3A_576 = arith.addf %mul3A_571, %mul3A_575 : vector<16xf32>
        %add3A_577 = arith.addf %select_n3A_515, %add3A_567 : vector<16xf32>
        %add3A_578 = arith.addf %add3A_577, %add3A_576 : vector<16xf32>
        %get3A_579 = arith.index_cast %mul3A_517 : i32 to index
        %get3A_580 = tpu.vector_load %arg49[%get3A_579] {strides = array<i32>} : memref<400xf32, #tpu.memory_space<vmem>>, vector<16xf32>,
        %get3A_581 = vector.shape_cast %get3A_580 : vector<16xf32> to vector<16xf32>
        %mul3A_582 = arith.mulf %get3A_581, %get3A_549 : vector<16xf32>
        %add3A_583 = arith.addf %add3A_578, %mul3A_582 : vector<16xf32>
        %get3A_584 = arith.index_cast %mul3A_517 : i32 to index
        %get3A_585 = tpu.vector_load %arg55[%get3A_584] {strides = array<i32>} : memref<400xf32, #tpu.memory_space<vmem>>, vector<16xf32>,
        %get3A_586 = vector.shape_cast %get3A_585 : vector<16xf32> to vector<16xf32>
        %mul3A_587 = arith.mulf %get3A_586, %get3A_534 : vector<16xf32>
        %get3A_588 = arith.index_cast %mul3A_517 : i32 to index
        %get3A_589 = tpu.vector_load %arg56[%get3A_588] {strides = array<i32>} : memref<400xf32, #tpu.memory_space<vmem>>, vector<16xf32>,
        %get3A_590 = vector.shape_cast %get3A_589 : vector<16xf32> to vector<16xf32>
        %mul3A_591 = arith.mulf %get3A_590, %add3A_583 : vector<16xf32>
        %add3A_592 = arith.addf %mul3A_587, %mul3A_591 : vector<16xf32>
        %get3A_593 = arith.index_cast %mul3A_517 : i32 to index
        %get3A_594 = tpu.vector_load %arg48[%get3A_593] {strides = array<i32>} : memref<400xf32, #tpu.memory_space<vmem>>, vector<16xf32>,
        %get3A_595 = vector.shape_cast %get3A_594 : vector<16xf32> to vector<16xf32>
        %sub3A_596 = arith.subf %get3A_595, %get3A_546 : vector<16xf32>
        %mul3A_597 = arith.mulf %select_n3A_531, %sub3A_596 : vector<16xf32>
        %add3A_598 = arith.addf %add3A_592, %mul3A_597 : vector<16xf32>
        %sub3A_599 = arith.subf %add3A_598, %get3A_546 : vector<16xf32>
        %sub3A_600 = arith.subf %get3A_546, %get3A_549 : vector<16xf32>
        %div3A = arith.divf %sub3A_599, %sub3A_600 : vector<16xf32>
        %gt3A = arith.constant 0.000000e+00 : f32
        %gt3A_601 = vector.broadcast %gt3A : f32 to vector<16xf32>
        %gt3A_602 = arith.cmpf ogt, %div3A, %gt3A_601 : vector<16xf32>
        %jit3A_603 = arith.constant 1.000000e+00 : f32
        %jit3A_604 = arith.constant 0.000000e+00 : f32
        %broadcast_in_dim3A_605 = vector.broadcast %jit3A_603 : f32 to vector<16xf32>
        %broadcast_in_dim3A_606 = vector.broadcast %jit3A_604 : f32 to vector<16xf32>
        %select_n3A_607 = arith.select %gt3A_602, %broadcast_in_dim3A_605, %broadcast_in_dim3A_606 : vector<16xi1>, vector<16xf32>
        %gt3A_608 = arith.constant 0.000000e+00 : f32
        %gt3A_609 = vector.broadcast %gt3A_608 : f32 to vector<16xf32>
        %gt3A_610 = arith.cmpf ogt, %max3A_558, %gt3A_609 : vector<16xf32>
        %jit3A_611 = arith.constant 0.000000e+00 : f32
        %broadcast_in_dim3A_612 = vector.broadcast %jit3A_611 : f32 to vector<16xf32>
        %select_n3A_613 = arith.select %gt3A_610, %broadcast_in_dim3A_612, %select_n3A_607 : vector<16xi1>, vector<16xf32>
        %swap3A_614 = arith.index_cast %add3A_522 : i32 to index
        %swap3A_615 = tpu.vector_load %arg39[%swap3A_614] {strides = array<i32>} : memref<3200xf32, #tpu.memory_space<vmem>>, vector<16xf32>,
        %swap3A_616 = vector.shape_cast %swap3A_615 : vector<16xf32> to vector<16xf32>
        %swap3A_617 = vector.shape_cast %add3A_598 : vector<16xf32> to vector<16xf32>
        tpu.vector_store %arg39[%swap3A_614], %swap3A_617 {strides = array<i32>} : memref<3200xf32, #tpu.memory_space<vmem>>, vector<16xf32>,
        %swap3A_618 = arith.index_cast %add3A_522 : i32 to index
        %swap3A_619 = tpu.vector_load %arg41[%swap3A_618] {strides = array<i32>} : memref<3200xf32, #tpu.memory_space<vmem>>, vector<16xf32>,
        %swap3A_620 = vector.shape_cast %swap3A_619 : vector<16xf32> to vector<16xf32>
        %swap3A_621 = vector.shape_cast %max3A_558 : vector<16xf32> to vector<16xf32>
        tpu.vector_store %arg41[%swap3A_618], %swap3A_621 {strides = array<i32>} : memref<3200xf32, #tpu.memory_space<vmem>>, vector<16xf32>,
        %swap3A_622 = arith.index_cast %add3A_522 : i32 to index
        %swap3A_623 = tpu.vector_load %arg43[%swap3A_622] {strides = array<i32>} : memref<3200xf32, #tpu.memory_space<vmem>>, vector<16xf32>,
        %swap3A_624 = vector.shape_cast %swap3A_623 : vector<16xf32> to vector<16xf32>
        %swap3A_625 = vector.shape_cast %add3A_567 : vector<16xf32> to vector<16xf32>
        tpu.vector_store %arg43[%swap3A_622], %swap3A_625 {strides = array<i32>} : memref<3200xf32, #tpu.memory_space<vmem>>, vector<16xf32>,
        %swap3A_626 = arith.index_cast %add3A_522 : i32 to index
        %swap3A_627 = tpu.vector_load %arg45[%swap3A_626] {strides = array<i32>} : memref<3200xf32, #tpu.memory_space<vmem>>, vector<16xf32>,
        %swap3A_628 = vector.shape_cast %swap3A_627 : vector<16xf32> to vector<16xf32>
        %swap3A_629 = vector.shape_cast %add3A_576 : vector<16xf32> to vector<16xf32>
        tpu.vector_store %arg45[%swap3A_626], %swap3A_629 {strides = array<i32>} : memref<3200xf32, #tpu.memory_space<vmem>>, vector<16xf32>,
        %swap3A_630 = arith.index_cast %mul3A_517 : i32 to index
        %swap3A_631 = tpu.vector_load %arg80[%swap3A_630] {strides = array<i32>} : memref<400xf32, #tpu.memory_space<vmem>>, vector<16xf32>,
        %swap3A_632 = vector.shape_cast %swap3A_631 : vector<16xf32> to vector<16xf32>
        %swap3A_633 = vector.shape_cast %select_n3A_613 : vector<16xf32> to vector<16xf32>
        tpu.vector_store %arg80[%swap3A_630], %swap3A_633 {strides = array<i32>} : memref<400xf32, #tpu.memory_space<vmem>>, vector<16xf32>,
      }
      %scan3A_208 = arith.constant 25 : i32
      %mul3A_209 = arith.constant 2 : i32
      %mul3A_210 = arith.muli %arg0, %mul3A_209 : i32
      %add3A_211 = arith.constant 0 : i32
      %add3A_212 = arith.addi %mul3A_210, %add3A_211 : i32
      %mul3A_213 = arith.constant 204800 : i32
      %mul3A_214 = arith.muli %add3A_212, %mul3A_213 : i32
      %mul3A_215 = arith.constant 4 : i32
      %mul3A_216 = arith.muli %mul3A_215, %add3A_100 : i32
      %add3A_217 = arith.addi %mul3A_214, %mul3A_216 : i32
      "tpu.region"() ({
        %run_scoped3A = tpu.sem_alloc : memref<!tpu.dma_semaphore, #tpu.memory_space<semaphore_mem>>
        %dma_start3A_249 = tpu.memref_slice %arg31[%add3A_217] : memref<819200xf32, #tpu.memory_space<hbm>> -> memref<1600xf32, #tpu.memory_space<hbm>>
        %dma_start3A_250 = tpu.memref_slice %arg31[%add3A_217] : memref<819200xf32, #tpu.memory_space<hbm>> -> memref<1600xf32, #tpu.memory_space<hbm>>
        tpu.enqueue_dma source(%arg71 : memref<1600xf32, #tpu.memory_space<vmem>>) target(%dma_start3A_250 : memref<1600xf32, #tpu.memory_space<hbm>>) target_semaphore(%run_scoped3A : memref<!tpu.dma_semaphore, #tpu.memory_space<semaphore_mem>>)
        %dma_wait3A_251 = tpu.memref_slice %arg31[%add3A_217] : memref<819200xf32, #tpu.memory_space<hbm>> -> memref<1600xf32, #tpu.memory_space<hbm>>
        %dma_wait3A_252 = tpu.memref_slice %arg31[%add3A_217] : memref<819200xf32, #tpu.memory_space<hbm>> -> memref<1600xf32, #tpu.memory_space<hbm>>
        tpu.wait_dma2 semaphore(%run_scoped3A : memref<!tpu.dma_semaphore, #tpu.memory_space<semaphore_mem>>) src(%arg71 : memref<1600xf32, #tpu.memory_space<vmem>>) dst(%dma_wait3A_252 : memref<1600xf32, #tpu.memory_space<hbm>>)
        tpu.yield
      }) : () -> ()
      "tpu.region"() ({
        %run_scoped3A = tpu.sem_alloc : memref<!tpu.dma_semaphore, #tpu.memory_space<semaphore_mem>>
        %dma_start3A_249 = tpu.memref_slice %arg32[%add3A_217] : memref<819200xf32, #tpu.memory_space<hbm>> -> memref<1600xf32, #tpu.memory_space<hbm>>
        %dma_start3A_250 = tpu.memref_slice %arg32[%add3A_217] : memref<819200xf32, #tpu.memory_space<hbm>> -> memref<1600xf32, #tpu.memory_space<hbm>>
        tpu.enqueue_dma source(%arg73 : memref<1600xf32, #tpu.memory_space<vmem>>) target(%dma_start3A_250 : memref<1600xf32, #tpu.memory_space<hbm>>) target_semaphore(%run_scoped3A : memref<!tpu.dma_semaphore, #tpu.memory_space<semaphore_mem>>)
        %dma_wait3A_251 = tpu.memref_slice %arg32[%add3A_217] : memref<819200xf32, #tpu.memory_space<hbm>> -> memref<1600xf32, #tpu.memory_space<hbm>>
        %dma_wait3A_252 = tpu.memref_slice %arg32[%add3A_217] : memref<819200xf32, #tpu.memory_space<hbm>> -> memref<1600xf32, #tpu.memory_space<hbm>>
        tpu.wait_dma2 semaphore(%run_scoped3A : memref<!tpu.dma_semaphore, #tpu.memory_space<semaphore_mem>>) src(%arg73 : memref<1600xf32, #tpu.memory_space<vmem>>) dst(%dma_wait3A_252 : memref<1600xf32, #tpu.memory_space<hbm>>)
        tpu.yield
      }) : () -> ()
      %mul3A_218 = arith.constant 2 : i32
      %mul3A_219 = arith.muli %arg0, %mul3A_218 : i32
      %add3A_220 = arith.constant 1 : i32
      %add3A_221 = arith.addi %mul3A_219, %add3A_220 : i32
      %mul3A_222 = arith.constant 2 : i32
      %mul3A_223 = arith.muli %add3A_221, %mul3A_222 : i32
      %add3A_224 = arith.constant 0 : i32
      %add3A_225 = arith.addi %mul3A_223, %add3A_224 : i32
      %mul3A_226 = arith.constant 51200 : i32
      %mul3A_227 = arith.muli %add3A_225, %mul3A_226 : i32
      %add3A_228 = arith.addi %mul3A_227, %add3A_100 : i32
      "tpu.region"() ({
        %run_scoped3A = tpu.sem_alloc : memref<!tpu.dma_semaphore, #tpu.memory_space<semaphore_mem>>
        %dma_start3A_249 = tpu.memref_slice %arg30[%add3A_228] : memref<409600xf32, #tpu.memory_space<hbm>> -> memref<400xf32, #tpu.memory_space<hbm>>
        %dma_start3A_250 = tpu.memref_slice %arg30[%add3A_228] : memref<409600xf32, #tpu.memory_space<hbm>> -> memref<400xf32, #tpu.memory_space<hbm>>
        tpu.enqueue_dma source(%arg79 : memref<400xf32, #tpu.memory_space<vmem>>) target(%dma_start3A_250 : memref<400xf32, #tpu.memory_space<hbm>>) target_semaphore(%run_scoped3A : memref<!tpu.dma_semaphore, #tpu.memory_space<semaphore_mem>>)
        %dma_wait3A_251 = tpu.memref_slice %arg30[%add3A_228] : memref<409600xf32, #tpu.memory_space<hbm>> -> memref<400xf32, #tpu.memory_space<hbm>>
        %dma_wait3A_252 = tpu.memref_slice %arg30[%add3A_228] : memref<409600xf32, #tpu.memory_space<hbm>> -> memref<400xf32, #tpu.memory_space<hbm>>
        tpu.wait_dma2 semaphore(%run_scoped3A : memref<!tpu.dma_semaphore, #tpu.memory_space<semaphore_mem>>) src(%arg79 : memref<400xf32, #tpu.memory_space<vmem>>) dst(%dma_wait3A_252 : memref<400xf32, #tpu.memory_space<hbm>>)
        tpu.yield
      }) : () -> ()
      %mul3A_229 = arith.constant 2 : i32
      %mul3A_230 = arith.muli %arg0, %mul3A_229 : i32
      %add3A_231 = arith.constant 1 : i32
      %add3A_232 = arith.addi %mul3A_230, %add3A_231 : i32
      %mul3A_233 = arith.constant 204800 : i32
      %mul3A_234 = arith.muli %add3A_232, %mul3A_233 : i32
      %mul3A_235 = arith.constant 4 : i32
      %mul3A_236 = arith.muli %mul3A_235, %add3A_100 : i32
      %add3A_237 = arith.addi %mul3A_234, %mul3A_236 : i32
      "tpu.region"() ({
        %run_scoped3A = tpu.sem_alloc : memref<!tpu.dma_semaphore, #tpu.memory_space<semaphore_mem>>
        %dma_start3A_249 = tpu.memref_slice %arg31[%add3A_237] : memref<819200xf32, #tpu.memory_space<hbm>> -> memref<1600xf32, #tpu.memory_space<hbm>>
        %dma_start3A_250 = tpu.memref_slice %arg31[%add3A_237] : memref<819200xf32, #tpu.memory_space<hbm>> -> memref<1600xf32, #tpu.memory_space<hbm>>
        tpu.enqueue_dma source(%arg72 : memref<1600xf32, #tpu.memory_space<vmem>>) target(%dma_start3A_250 : memref<1600xf32, #tpu.memory_space<hbm>>) target_semaphore(%run_scoped3A : memref<!tpu.dma_semaphore, #tpu.memory_space<semaphore_mem>>)
        %dma_wait3A_251 = tpu.memref_slice %arg31[%add3A_237] : memref<819200xf32, #tpu.memory_space<hbm>> -> memref<1600xf32, #tpu.memory_space<hbm>>
        %dma_wait3A_252 = tpu.memref_slice %arg31[%add3A_237] : memref<819200xf32, #tpu.memory_space<hbm>> -> memref<1600xf32, #tpu.memory_space<hbm>>
        tpu.wait_dma2 semaphore(%run_scoped3A : memref<!tpu.dma_semaphore, #tpu.memory_space<semaphore_mem>>) src(%arg72 : memref<1600xf32, #tpu.memory_space<vmem>>) dst(%dma_wait3A_252 : memref<1600xf32, #tpu.memory_space<hbm>>)
        tpu.yield
      }) : () -> ()
      "tpu.region"() ({
        %run_scoped3A = tpu.sem_alloc : memref<!tpu.dma_semaphore, #tpu.memory_space<semaphore_mem>>
        %dma_start3A_249 = tpu.memref_slice %arg32[%add3A_237] : memref<819200xf32, #tpu.memory_space<hbm>> -> memref<1600xf32, #tpu.memory_space<hbm>>
        %dma_start3A_250 = tpu.memref_slice %arg32[%add3A_237] : memref<819200xf32, #tpu.memory_space<hbm>> -> memref<1600xf32, #tpu.memory_space<hbm>>
        tpu.enqueue_dma source(%arg74 : memref<1600xf32, #tpu.memory_space<vmem>>) target(%dma_start3A_250 : memref<1600xf32, #tpu.memory_space<hbm>>) target_semaphore(%run_scoped3A : memref<!tpu.dma_semaphore, #tpu.memory_space<semaphore_mem>>)
        %dma_wait3A_251 = tpu.memref_slice %arg32[%add3A_237] : memref<819200xf32, #tpu.memory_space<hbm>> -> memref<1600xf32, #tpu.memory_space<hbm>>
        %dma_wait3A_252 = tpu.memref_slice %arg32[%add3A_237] : memref<819200xf32, #tpu.memory_space<hbm>> -> memref<1600xf32, #tpu.memory_space<hbm>>
        tpu.wait_dma2 semaphore(%run_scoped3A : memref<!tpu.dma_semaphore, #tpu.memory_space<semaphore_mem>>) src(%arg74 : memref<1600xf32, #tpu.memory_space<vmem>>) dst(%dma_wait3A_252 : memref<1600xf32, #tpu.memory_space<hbm>>)
        tpu.yield
      }) : () -> ()
      %mul3A_238 = arith.constant 2 : i32
      %mul3A_239 = arith.muli %arg0, %mul3A_238 : i32
      %add3A_240 = arith.constant 1 : i32
      %add3A_241 = arith.addi %mul3A_239, %add3A_240 : i32
      %mul3A_242 = arith.constant 2 : i32
      %mul3A_243 = arith.muli %add3A_241, %mul3A_242 : i32
      %add3A_244 = arith.constant 1 : i32
      %add3A_245 = arith.addi %mul3A_243, %add3A_244 : i32
      %mul3A_246 = arith.constant 51200 : i32
      %mul3A_247 = arith.muli %add3A_245, %mul3A_246 : i32
      %add3A_248 = arith.addi %mul3A_247, %add3A_100 : i32
      "tpu.region"() ({
        %run_scoped3A = tpu.sem_alloc : memref<!tpu.dma_semaphore, #tpu.memory_space<semaphore_mem>>
        %dma_start3A_249 = tpu.memref_slice %arg30[%add3A_248] : memref<409600xf32, #tpu.memory_space<hbm>> -> memref<400xf32, #tpu.memory_space<hbm>>
        %dma_start3A_250 = tpu.memref_slice %arg30[%add3A_248] : memref<409600xf32, #tpu.memory_space<hbm>> -> memref<400xf32, #tpu.memory_space<hbm>>
        tpu.enqueue_dma source(%arg80 : memref<400xf32, #tpu.memory_space<vmem>>) target(%dma_start3A_250 : memref<400xf32, #tpu.memory_space<hbm>>) target_semaphore(%run_scoped3A : memref<!tpu.dma_semaphore, #tpu.memory_space<semaphore_mem>>)
        %dma_wait3A_251 = tpu.memref_slice %arg30[%add3A_248] : memref<409600xf32, #tpu.memory_space<hbm>> -> memref<400xf32, #tpu.memory_space<hbm>>
        %dma_wait3A_252 = tpu.memref_slice %arg30[%add3A_248] : memref<409600xf32, #tpu.memory_space<hbm>> -> memref<400xf32, #tpu.memory_space<hbm>>
        tpu.wait_dma2 semaphore(%run_scoped3A : memref<!tpu.dma_semaphore, #tpu.memory_space<semaphore_mem>>) src(%arg80 : memref<400xf32, #tpu.memory_space<vmem>>) dst(%dma_wait3A_252 : memref<400xf32, #tpu.memory_space<hbm>>)
        tpu.yield
      }) : () -> ()
    }
    %scan3A_89 = arith.constant 8 : i32
    %barrier3A_90 = arith.constant 0 : index
    tpu.barrier barrier_id(%barrier3A_90)
    return
  }
}

</mosaic_0001>

<sc_bundles>
// kernel: kernel.3.cloned.1.call-start
scs
__scs_entry_jumppad:
0x0: {  	(pc) =	sbr.rel $0x88, $3  }
0x1: {  	(tag) =	ssettag $0x0;
	lr =	simm.s32 $0x1  }
0x2: {  	[smem:$0x3F87] =	sst lr;
	_ =	strace $0xD0000000  }
0x3: {  	_ = 	snop  }
0x4: {  	_ = 	snop  }
0x5: {  	_ = 	snop  }
0x6: {  	_ = 	snop  }
0x7: {  	_ = 	snop  }
__scs_overlays_trampoline_lowered:
0x8: {  	[smem:$0x3F96] =	sst s0  }
0x9: {  	[smem:$0x3F97] =	sst s1  }
0xa: {  	[smem:$0x3F98] =	sst s2  }
0xb: {  	[smem:$0x3F99] =	sst s3  }
0xc: {  	[smem:$0x3F9A] =	sst s4  }
0xd: {  	[smem:$0x3F9B] =	sst s5  }
0xe: {  	[smem:$0x3F9C] =	sst s6  }
0xf: {  	[smem:$0x3F9D] =	sst s7  }
0x10: {  	[smem:$0x3F9E] =	sst s8  }
0x11: {  	[smem:$0x3F9F] =	sst s9;
	s0 =	simm.s32 @!p0 $0x0  }
0x12: {  	s1 =	sld [smem:$0x3F85];
	s0 =	simm.s32 @p0 $0x1  }
0x13: {  	[smem:$0x3FA0] =	sst s0;
	s0 =	simm.s32 @!p1 $0x0  }
0x14: {  	s2 =	sld [smem:$0x3F84];
	s0 =	simm.s32 @p1 $0x1  }
0x15: {  	[smem:$0x3FA1] =	sst s0;
	s0 =	simm.s32 @!p2 $0x0  }
0x16: {  	s3 =	sld [smem:$0x3FDB];
	s0 =	simm.s32 @p2 $0x1  }
0x17: {  	s4 =	simm.s32 $0x1BF5;
	[smem:$0x3FA3] =	sst s0  }
0x18: {  	s0 =	sld [smem:$0x3F86];
	_ =	swait.ge [sflag:s4], $0x0  }
0x19: {  	s7 =	sld [smem:$0x3F87]  }
0x1a: {  	s8 =	sadd.s32 $0xFFFFE003, lr  }
0x1b: {  	s9 =	sadd.s32 $0xFFFFFEF7, lr;
	s5 =	simm.s32 $0xFFFFFFFF;
	p2 =	slt.u32 s8, $0xFFFFF086  }
0x1c: {  	p1 =	slt.u32 s9, $0xF7A;
	s5 =	simm.s32 @!p2 $0x0  }
0x1d: {  	s5 =	simm.s32 @p1 $0x1;
	p0 =	seq.s32 s7, s2  }
0x1e: {  	s7 =	smul.u32 @!p0 $0xF7A, s2;
	p2 =	seq.s32 @!p0 s5, $0x0  }
0x1f: {  	s9 =	smul.u32 $0xF7A, s1;
	s8 =	simm.s32 @!p0 $0x1BF5;
	p2 =	por !p2, p0  }
0x20: {  	[sflag:s8] =	ssyncset.s32 @!p0 $0xFFFFF086;
	s6 =	sadd.s32 @!p0 s3, s7;
	s7 =	simm.s32 @!p0 $0x108  }
0x21: {  	s3 =	sadd.s32 s3, s9;
	s6 =	sadd.s32 @!p0 $0x88, s6;
	s7 =	simm.s32 @p2 $0x1082  }
0x22: {  	[simem:s7], [sflag:s8] =	dma.local @!p0 [hbm:s6], $0xF7A  }
0x23: {  	s9 =	sor.u32 $0xD0000000, s2;
	s6 =	simm.s32 $0x108;
	_ =	swait.ge @!p0 [sflag:s8], $0x0  }
0x24: {  	s3 =	sadd.s32 $0x88, s3;
	s6 =	simm.s32 @!p1 $0x1082;
	[sflag:s4] =	ssyncset.s32 $0xFFFFF086  }
0x25: {  	[simem:s6], [sflag:s4] =	dma.local [hbm:s3], $0xF7A  }
0x26: {  	[smem:$0x3F87] =	sst s1;
	(tag) =	ssettag s2;
	_ =	strace s9  }
0x27: {  	s1 =	sld [smem:$0x3F97]  }
0x28: {  	s2 =	sld [smem:$0x3F98]  }
0x29: {  	s4 =	sld [smem:$0x3F9A]  }
0x2a: {  	p0 =	seq.s32 s5, $0x0;
	s5 =	sld [smem:$0x3F9B]  }
0x2b: {  	s6 =	sld [smem:$0x3F9C]  }
0x2c: {  	s7 =	sld [smem:$0x3F9D]  }
0x2d: {  	s3 =	simm.s32 $0x108;
	s8 =	sld [smem:$0x3F9E]  }
0x2e: {  	s3 =	simm.s32 @!p0 $0x1082;
	s9 =	sld [smem:$0x3F9F]  }
0x2f: {  	lr =	sadd.s32 s0, s3;
	s0 =	sld [smem:$0x3F96]  }
0x30: {  	s3 =	sld [smem:$0x3F99]  }
0x31: {  	[smem:$0x3FA2] =	sst s10  }
0x32: {  	s10 =	sld [smem:$0x3FA0];
	_ =	sdelay $0x3  }
0x33: {  	p0 =	seq.s32 s10, $0x1;
	s10 =	sld [smem:$0x3FA2];
	_ =	sdelay $0x3  }
0x34: {  	[smem:$0x3FA2] =	sst s10  }
0x35: {  	s10 =	sld [smem:$0x3FA1];
	_ =	sdelay $0x3  }
0x36: {  	p1 =	seq.s32 s10, $0x1;
	s10 =	sld [smem:$0x3FA2];
	_ =	sdelay $0x3  }
0x37: {  	[smem:$0x3FA2] =	sst s10  }
0x38: {  	s10 =	sld [smem:$0x3FA3]  }
0x39: {  	_ = 	snop;
	(pc) =	sbr.ind lr, $3  }
0x3a: {  	_ = 	snop  }
0x3b: {  	_ = 	snop  }
0x3c: {  	p2 =	seq.s32 s10, $0x1;
	s10 =	sld [smem:$0x3FA2]  }
0x3d: {  	_ =	shalt  }
0x3e: {  	_ =	shalt  }
0x3f: {  	_ =	shalt  }
0x40: {  	_ =	shalt  }
0x41: {  	_ =	shalt  }
0x42: {  	_ =	shalt  }
0x43: {  	_ =	shalt  }
0x44: {  	_ =	shalt  }
0x45: {  	_ =	shalt  }
0x46: {  	_ =	shalt  }
0x47: {  	_ =	shalt  }
0x48: {  	_ =	shalt  }
0x49: {  	_ =	shalt  }
0x4a: {  	_ =	shalt  }
0x4b: {  	_ =	shalt  }
0x4c: {  	_ =	shalt  }
0x4d: {  	_ =	shalt  }
0x4e: {  	_ =	shalt  }
0x4f: {  	_ =	shalt  }
0x50: {  	_ =	shalt  }
0x51: {  	_ =	shalt  }
0x52: {  	_ =	shalt  }
0x53: {  	_ =	shalt  }
0x54: {  	_ =	shalt  }
0x55: {  	_ =	shalt  }
0x56: {  	_ =	shalt  }
0x57: {  	_ =	shalt  }
0x58: {  	_ =	shalt  }
0x59: {  	_ =	shalt  }
0x5a: {  	_ =	shalt  }
0x5b: {  	_ =	shalt  }
0x5c: {  	_ =	shalt  }
0x5d: {  	_ =	shalt  }
0x5e: {  	_ =	shalt  }
0x5f: {  	_ =	shalt  }
0x60: {  	_ =	shalt  }
0x61: {  	_ =	shalt  }
0x62: {  	_ =	shalt  }
0x63: {  	_ =	shalt  }
0x64: {  	_ =	shalt  }
0x65: {  	_ =	shalt  }
0x66: {  	_ =	shalt  }
0x67: {  	_ =	shalt  }
0x68: {  	_ =	shalt  }
0x69: {  	_ =	shalt  }
0x6a: {  	_ =	shalt  }
0x6b: {  	_ =	shalt  }
0x6c: {  	_ =	shalt  }
0x6d: {  	_ =	shalt  }
0x6e: {  	_ =	shalt  }
0x6f: {  	_ =	shalt  }
0x70: {  	_ =	shalt  }
0x71: {  	_ =	shalt  }
0x72: {  	_ =	shalt  }
0x73: {  	_ =	shalt  }
0x74: {  	_ =	shalt  }
0x75: {  	_ =	shalt  }
0x76: {  	_ =	shalt  }
0x77: {  	_ =	shalt  }
0x78: {  	_ =	shalt  }
0x79: {  	_ =	shalt  }
0x7a: {  	_ =	shalt  }
0x7b: {  	_ =	shalt  }
0x7c: {  	_ =	shalt  }
0x7d: {  	_ =	shalt  }
0x7e: {  	_ =	shalt  }
0x7f: {  	_ =	shalt  }
0x80: {  	_ =	shalt  }
0x81: {  	_ =	shalt  }
0x82: {  	_ =	shalt  }
0x83: {  	_ =	shalt  }
0x84: {  	_ =	shalt  }
0x85: {  	_ =	shalt  }
0x86: {  	_ =	shalt  }
0x87: {  	_ =	shalt  }
.Lfunc_end0:
.L_simem_size_0:
called_computation_lowered:
.L_overlay_start_0:
0x88: {  	s2 =	sld [smem:$0x3FD9]  }
0x89: {  	s3 =	sld [smem:$0x3FFE];
	_ =	sdelay $0x1  }
0x8a: {  	s1 =	srdreg.scid  }
0x8b: {  	s0 =	sand.u32 $0x1, s1  }
0x8c: {  	s17 =	sshll.u32 s0, $0xA;
	s2 =	sadd.s32 s3, s2  }
0x8d: {  	s2 =	sadd.s32 s2, s17  }
0x8e: {  	[smem:$0x3FAE] =	sst s2  }
0x8f: {  	_ = 	snop  }
0x90: {  	s2 =	sld [smem:$0x3FD0];
	(tm) =	ssettm $0x1  }
0x91: {  	s18 =	sld [smem:$0x3FFB];
	_ =	sdelay $0x3  }
0x92: {  	_ =	strace s18  }
0x93: {  	s3 =	sld [smem:$0x3FFC];
	_ =	sdelay $0x3  }
0x94: {  	_ =	strace s3  }
0x95: {  	s3 =	sld [smem:$0x3FFD];
	_ =	sdelay $0x3  }
0x96: {  	_ =	strace s3  }
0x97: {  	_ =	strace $0x8FFFFFFF  }
0x98: {  	s19 =	sld [smem:$0x3FDB];
	_ =	sdelay $0x1  }
0x99: {  	s4 =	simm.s32 $_scs_section_size  }
0x9a: {  	s5 =	simm.s32 $_size__tile_overlayer_lowered;
	s6 =	simm.s32 $_tile_overlayer_lowered  }
0x9b: {  	s22 =	simm.s32 $0x1BFF;
	s21 =	sshll.u32 s6, $0x1;
	s3 =	sadd.s32 s4, s19  }
0x9c: {  	s7 =	simm.s32 $0x0;
	s20 =	sshll.u32 s5, $0x1;
	s5 =	sadd.s32 s21, s3  }
0x9d: {  	[timem:s7], [sflag:s22] =	dma.local [hbm:s5], s20  }
0x9e: {  	_ =	swait.ge [sflag:s22], s20  }
0x9f: {  	s4 =	ssub.s32 $0x0, s20;
	[sflag:s22] =	ssyncset.done $0x0  }
0xa0: {  	[sflag:s22] =	ssyncadd.s32 s4;
	_ =	sdelay $0x1  }
0xa1: {  	s23 =	simm.s32 $0x1B8B  }
0xa2: {  	_ =	swait.ge [sflag:s23], $0x1  }
0xa3: {  	[sflag:s23] =	ssyncset.done $0x0  }
0xa4: {  	s25 =	simm.s32 $0x1B8E;
	s24 =	sld [smem:$0x3FFE];
	[sflag:s23] =	ssyncadd.s32 $0xFFFFFFFF  }
0xa5: {  	s26 =	simm.s32 $execute0_lowered;
	[smem:$0x3FD2] =	sst s25  }
0xa6: {  	s5 =	sshll.u32 s26, $0x1;
	_ =	strace $0x80000046;
	[dreg:$0x1] =	wrdreg $0xFFFFFFFF  }
0xa7: {  	s28 =	simm.s32 $_size_execute0_lowered;
	s3 =	sadd.s32 s3, s5;
	[dreg:$0x0] =	wrdreg $0x0  }
0xa8: {  	s5 =	sshll.u32 s28, $0x1;
	[dreg:$0x2] =	wrdreg s3  }
0xa9: {  	[dreg:$0x3] =	wrdreg s5  }
0xaa: {  	[dreg:$0x4] =	wrdreg $0xC0  }
0xab: {  	_ =	task [dreg:s7], $0x5FFFF  }
0xac: {  	[dreg:$0x1] =	wrdreg $0xFFFFFFFF  }
0xad: {  	[dreg:$0x0] =	wrdreg $0x60  }
0xae: {  	[dreg:$0x2] =	wrdreg s24  }
0xaf: {  	[dreg:$0x3] =	wrdreg s2  }
0xb0: {  	[dreg:$0x4] =	wrdreg $0x49400  }
0xb1: {  	[dreg:$0x5] =	wrdreg $0x7A180  }
0xb2: {  	[dreg:$0x6] =	wrdreg $0x0  }
0xb3: {  	[dreg:$0x7] =	wrdreg $0xAAF00  }
0xb4: {  	[dreg:$0x8] =	wrdreg $0xAD700  }
0xb5: {  	[dreg:$0x9] =	wrdreg $0x9  }
0xb6: {  	_ =	task.clear_ibuf [dreg:s7], $0xAFFFF;
	_ =	strace $0x90000046  }
0xb7: {  	s29 =	simm.s32 $0x9;
	_ =	strace $0x80000048  }
0xb8: {  	_ =	swait.ge [sflag:s29], $0x1  }
0xb9: {  	[sflag:s29] =	ssyncadd.s32 $0xFFFFFFFF  }
0xba: {  	_ =	strace $0x90000048  }
0xbb: {  	_ =	sfence  }
0xbc: {  	s30 =	sld [smem:$0x0];
	_ =	sdelay $0x2  }
0xbd: {  	s31 =	sshll.u32 s1, $0xD;
	s1 =	sshrl.u32 s1, $0x2  }
0xbe: {  	s3 =	sand.u32 $0x4000, s31;
	s1 =	sadd.s32 s1, s30  }
0xbf: {  	s0 =	sor.u32 s3, s0;
	s1 =	sshll.u32 s1, $0x11  }
0xc0: {  	s0 =	sor.u32 s1, s0  }
0xc1: {  	s0 =	sadd.s32 $0x8F2B, s0  }
0xc2: {  	[sflag:s0] =	ssyncadd.remote.s32 $0x1  }
0xc3: {  	_ =	sfence.sel $0xFFFF  }
0xc4: {  	[dreg:$0x0] =	wrdreg $0xFFFFFFFF;
	(pc) =	sbr.abs _section_cstart, $3  }
0xc5: {  	[dreg:$0x1] =	wrdreg $0xFFFFFFFF  }
0xc6: {  	_ =	task.clear_ibuf [dreg:s7], $0x2FFFF;
	_ =	strace $0x9FFFFFFF  }
0xc7: {  	(tm) =	ssettm $0x7FFFFFFF  }
tec
execute0_lowered:
.L_overlay_start_1:
0x0: {  	(tag) =	ssettag $0x1  }
0x1: {  	s0 =	rddreg [dreg:$0x0]  }
0x2: {  	s4 =	rddreg [dreg:$0x1]  }
0x3: {  	s17 =	rddreg [dreg:$0x2]  }
0x4: {  	s22 =	rddreg [dreg:$0x3]  }
0x5: {  	s30 =	rddreg [dreg:$0x4]  }
0x6: {  	s18 =	rddreg [dreg:$0x5]  }
0x7: {  	s16 =	rddreg [dreg:$0x6]  }
0x8: {  	s1 =	srdreg.scid;
	s19 =	stileid.u32  }
0x9: {  	s7 =	simm.s32 $0x0;
	s6 =	sand.u32 $0x1, s1;
	s1 =	smul.u32 $0x280, s19  }
0xa: {  	[smem:$0x7FF] =	sst s7;
	s20 =	smul.u32 $0xC80, s19  }
0xb: {  	s5 =	sadd.s32 $0x161000, s0;
	s8 =	sadd.s32 $0x148000, s0;
	s9 =	smul.u32 $0x5000, s6  }
0xc: {  	s10 =	sadd.s32 $0x14E400, s0;
	s2 =	sshllo.u32 s6, $0x1;
	s26 =	smul.u32 $0x19000, s6  }
0xd: {  	_ =	strace $0x80000047;
	s3 =	ssub.s32 $0x2, s6;
	s11 =	smul.u32 $0x2800, s2  }
0xe: {  	s13 =	sshrl.u32 s3, $0x1;
	s15 =	smul.u32 $0xC800, s2;
	s9 =	sadd.s32 s1, s9  }
0xf: {  	s3 =	ssub.s32 s3, s13;
	s13 =	sadd.s32 s20, s26;
	s9 =	sshrl.u32 s9, $0x3  }
0x10: {  	[dreg:$0x8] =	wrdreg s20;
	s13 =	sshrl.u32 s13, $0x3;
	s9 =	sadd.s32 s5, s9  }
0x11: {  	s11 =	sadd.s32 s1, s11;
	s21 =	sadd.s32 s4, s13;
	[dreg:$0x9] =	wrdreg s9  }
0x12: {  	s24 =	sadd.s32 s20, s15;
	s23 =	sadd.s32 s8, s13;
	[dreg:$0xb] =	wrdreg s21  }
0x13: {  	s15 =	smul.u32 $0x64000, s6;
	s25 =	sadd.s32 s10, s13;
	[dreg:$0xc] =	wrdreg s23  }
0x14: {  	s11 =	sshrl.u32 s11, $0x3;
	[dreg:$0xd] =	wrdreg s25  }
0x15: {  	s26 =	sshrl.u32 s24, $0x3;
	s5 =	sadd.s32 s5, s11;
	[dreg:$0x13] =	wrdreg s15  }
0x16: {  	s4 =	sadd.s32 s4, s26;
	[dreg:$0xa] =	wrdreg s5  }
0x17: {  	s9 =	sadd.s32 s8, s26;
	[dreg:$0xf] =	wrdreg s4  }
0x18: {  	s11 =	sadd.s32 s10, s26;
	[dreg:$0x10] =	wrdreg s9  }
0x19: {  	s12 =	sadd.s32 $0x154800, s0;
	s15 =	sadd.s32 $0x89000, s0;
	[dreg:$0x11] =	wrdreg s11  }
0x1a: {  	s14 =	smul.u32 $0x3E000, s6;
	s5 =	sadd.s32 s12, s13;
	[dreg:$0x18] =	wrdreg s15  }
0x1b: {  	s25 =	sor.u32 $0x30, s19;
	s13 =	sadd.s32 s12, s26;
	[dreg:$0xe] =	wrdreg s5  }
0x1c: {  	s4 =	sshll.u32 s19, $0xC;
	s26 =	sadd.s32 $0x26000, s0;
	[dreg:$0x12] =	wrdreg s13  }
0x1d: {  	p0 =	sgt.u32 s25, $0x3D;
	s12 =	sadd.s32 $0x162400, s0;
	[dreg:$0x1d] =	wrdreg s26  }
0x1e: {  	s10 =	sshll.u32 s25, $0xC;
	s25 =	sadd.s32 $0x129000, s0;
	[smem:$0x79E] =	sst s12  }
0x1f: {  	s11 =	smul.u32 $0x32000, s6;
	s26 =	sadd.s32 $0x16C000, s0;
	[dreg:$0x1c] =	wrdreg s25  }
0x20: {  	s20 =	sadd.s32 s14, s4;
	s6 =	sor.u32 $0x10000, s4;
	[dreg:$0x1f] =	wrdreg s26  }
0x21: {  	s9 =	sor.u32 $0x20000, s4;
	s13 =	sadd.s32 $0x58000, s0;
	[dreg:$0x14] =	wrdreg s11  }
0x22: {  	s4 =	sadd.s32 s4, s30;
	s26 =	sadd.s32 $0x165800, s0;
	[dreg:$0x17] =	wrdreg s13  }
0x23: {  	s12 =	smul.u32 $0x19000, s2;
	s4 =	sshrl.u32 s4, $0x3;
	[smem:$0x7A0] =	sst s26  }
0x24: {  	s8 =	sadd.s32 $0x16800, s0;
	[smem:$0x7B1] =	sst s4  }
0x25: {  	s5 =	sshrl.u32 s20, $0x3;
	s20 =	sadd.s32 $0xBA000, s0;
	[smem:$0x7B8] =	sst s12  }
0x26: {  	s21 =	sadd.s32 s14, s6;
	s5 =	sadd.s32 s8, s5;
	[dreg:$0x19] =	wrdreg s20  }
0x27: {  	s23 =	sshrl.u32 s21, $0x3;
	s21 =	sadd.s32 $0x3F000, s0;
	[dreg:$0x15] =	wrdreg s5  }
0x28: {  	s26 =	sadd.s32 $0x5200, s0;
	[dreg:$0x1e] =	wrdreg s21  }
0x29: {  	s5 =	sadd.s32 s8, s23;
	[smem:$0x7A3] =	sst s26  }
0x2a: {  	s21 =	sadd.s32 $0x163E00, s0;
	[dreg:$0x16] =	wrdreg s5  }
0x2b: {  	s26 =	sadd.s32 $0x16A600, s0;
	[smem:$0x79F] =	sst s21  }
0x2c: {  	s23 =	sadd.s32 $0xEB000, s0;
	[smem:$0x7A6] =	sst s26  }
0x2d: {  	s21 =	sadd.s32 $0x3800, s0;
	[dreg:$0x1a] =	wrdreg s23  }
0x2e: {  	s24 =	sadd.s32 s14, s9;
	s26 =	sadd.s32 $0xA000, s0;
	[smem:$0x7A2] =	sst s21  }
0x2f: {  	s5 =	sshrl.u32 s24, $0x3;
	s24 =	sadd.s32 $0x10A000, s0;
	[smem:$0x7A9] =	sst s26  }
0x30: {  	s5 =	sadd.s32 s8, s5;
	[dreg:$0x1b] =	wrdreg s24  }
0x31: {  	s21 =	sadd.s32 $0x168C00, s0;
	[smem:$0x79D] =	sst s5  }
0x32: {  	s26 =	sadd.s32 $0x10400, s0;
	[smem:$0x7A5] =	sst s21  }
0x33: {  	s5 =	sadd.s32 s14, s10;
	s14 =	sadd.s32 $0x167200, s0;
	[smem:$0x7AD] =	sst s26  }
0x34: {  	s21 =	sadd.s32 $0x15AC00, s0;
	[smem:$0x7A1] =	sst s14  }
0x35: {  	s14 =	sadd.s32 $0x6C00, s0;
	[smem:$0x7A8] =	sst s21  }
0x36: {  	s21 =	sadd.s32 $0x16DA00, s0;
	[smem:$0x7A4] =	sst s14  }
0x37: {  	s5 =	sshrl.u32 s5, $0x3;
	s14 =	sadd.s32 $0x8600, s0;
	[smem:$0x7AC] =	sst s21  }
0x38: {  	s5 =	sadd.s32 s8, s5;
	[smem:$0x7A7] =	sst s14  }
0x39: {  	s8 =	smax.u32 s3, $0x1;
	[smem:$0x7AA] =	sst s5  }
0x3a: {  	s26 =	sadd.s32 s9, s30;
	s14 =	sadd.s32 $0x19FA00, s0;
	[smem:$0x7B0] =	sst s8  }
0x3b: {  	s21 =	sadd.s32 s6, s30;
	s0 =	sadd.s32 $0x186A00, s0;
	[smem:$0x7AB] =	sst s14  }
0x3c: {  	s5 =	smul.u32 $0x32000, s2;
	s8 =	sadd.s32 s10, s30;
	[smem:$0x7AE] =	sst s0  }
0x3d: {  	s0 =	sadd.s32 s1, s18;
	s1 =	sadd.s32 s1, s16;
	s16 =	sor.u32 $0x70, s19  }
0x3e: {  	s4 =	sshrl.u32 @!p0 s8, $0x3;
	[smem:$0x7AF] =	sst s5;
	p1 =	sgt.u32 s16, $0x7C  }
0x3f: {  	s3 =	smul.u32 $0x1900, s16;
	s16 =	sshrl.u32 s21, $0x3;
	[smem:$0x7B4] =	sst s4  }
0x40: {  	s21 =	sshrl.u32 s26, $0x3;
	[smem:$0x7B2] =	sst s16  }
0x41: {  	s0 =	sshrl.u32 s0, $0x3;
	[smem:$0x7B3] =	sst s21  }
0x42: {  	s26 =	sshrl.u32 s1, $0x3;
	[smem:$0x7B5] =	sst s0  }
0x43: {  	s14 =	smul.u32 $0x1900, s19;
	s1 =	sadd.s32 $0xC800, s11;
	[smem:$0x7B6] =	sst s26  }
0x44: {  	s8 =	smul.u32 $0x18800, s19;
	s4 =	sadd.s32 $0xC800, s12;
	[smem:$0x7B7] =	sst s1  }
0x45: {  	[smem:$0x7B9] =	sst s4  }
0x46: {  	s2 =	sshrl.u32 s14, $0x2;
	s26 =	sor.u32 $0x200, s8;
	[smem:$0x7FB] =	sst s8  }
0x47: {  	s9 =	sadd.s32 s2, s17;
	[smem:$0x7FD] =	sst s26  }
0x48: {  	s14 =	smul.u32 $0xF800, s19;
	s2 =	sadd.s32 s2, s22;
	[smem:$0x7D4] =	sst s9  }
0x49: {  	[smem:$0x7F4] =	sst s2  }
0x4a: {  	s5 =	sadd.s32 $0x190, s9;
	[smem:$0x7FA] =	sst s14  }
0x4b: {  	s6 =	sadd.s32 $0x320, s9;
	[smem:$0x7BA] =	sst s5  }
0x4c: {  	s11 =	sadd.s32 $0x4B0, s9;
	[smem:$0x7BB] =	sst s6  }
0x4d: {  	s12 =	sadd.s32 $0x6400, s9;
	[smem:$0x7BC] =	sst s11  }
0x4e: {  	s16 =	sadd.s32 $0x6590, s9;
	[smem:$0x7BD] =	sst s12  }
0x4f: {  	s21 =	sadd.s32 $0x6720, s9;
	[smem:$0x7BE] =	sst s16  }
0x50: {  	s1 =	sadd.s32 $0x68B0, s9;
	[smem:$0x7BF] =	sst s21  }
0x51: {  	s3 =	sshrl.u32 s3, $0x2;
	s4 =	sadd.s32 $0xC800, s9;
	[smem:$0x7C0] =	sst s1  }
0x52: {  	s10 =	sadd.s32 s3, s17;
	[smem:$0x7C1] =	sst s4  }
0x53: {  	s3 =	sadd.s32 s3, s22;
	[smem:$0x7D8] =	sst s10  }
0x54: {  	s19 =	sor.u32 $0x200, s14;
	[smem:$0x7F8] =	sst s3  }
0x55: {  	s5 =	sadd.s32 $0xC990, s9;
	[smem:$0x7FC] =	sst s19  }
0x56: {  	s6 =	sadd.s32 $0xCB20, s9;
	[smem:$0x7C2] =	sst s5  }
0x57: {  	s11 =	sadd.s32 $0xCCB0, s9;
	[smem:$0x7C3] =	sst s6  }
0x58: {  	s12 =	sadd.s32 $0x12C00, s9;
	[smem:$0x7C4] =	sst s11  }
0x59: {  	s16 =	sadd.s32 $0x12D90, s9;
	[smem:$0x7C5] =	sst s12  }
0x5a: {  	s21 =	sadd.s32 $0x12F20, s9;
	[smem:$0x7C6] =	sst s16  }
0x5b: {  	s1 =	sadd.s32 $0x130B0, s9;
	[smem:$0x7C7] =	sst s21  }
0x5c: {  	s4 =	sadd.s32 $0x19000, s9;
	[smem:$0x7C8] =	sst s1  }
0x5d: {  	[smem:$0x7C9] =	sst s4;
	s5 =	sadd.s32 $0x19190, s9  }
0x5e: {  	s6 =	sadd.s32 $0x19320, s9;
	[smem:$0x7CA] =	sst s5  }
0x5f: {  	s11 =	sadd.s32 $0x194B0, s9;
	[smem:$0x7CB] =	sst s6  }
0x60: {  	s12 =	sadd.s32 $0x1F400, s9;
	[smem:$0x7CC] =	sst s11  }
0x61: {  	s16 =	sadd.s32 $0x1F590, s9;
	[smem:$0x7CD] =	sst s12  }
0x62: {  	s21 =	sadd.s32 $0x1F720, s9;
	[smem:$0x7CE] =	sst s16  }
0x63: {  	s1 =	sadd.s32 $0x1F8B0, s9;
	[smem:$0x7CF] =	sst s21  }
0x64: {  	s4 =	sadd.s32 $0x25800, s9;
	[smem:$0x7D0] =	sst s1  }
0x65: {  	[smem:$0x7D1] =	sst s4;
	s5 =	sadd.s32 $0x25990, s9  }
0x66: {  	s6 =	sadd.s32 $0x25B20, s9;
	[smem:$0x7D2] =	sst s5  }
0x67: {  	s11 =	sadd.s32 $0x25CB0, s9;
	[smem:$0x7D3] =	sst s6  }
0x68: {  	s12 =	sadd.s32 $0x190, s10;
	[smem:$0x7D5] =	sst s11  }
0x69: {  	s16 =	sadd.s32 $0x320, s10;
	[smem:$0x7D6] =	sst s12  }
0x6a: {  	s21 =	sadd.s32 $0x4B0, s10;
	[smem:$0x7D7] =	sst s16  }
0x6b: {  	s1 =	sadd.s32 $0x190, s2;
	[smem:$0x7D9] =	sst s21  }
0x6c: {  	s4 =	sadd.s32 $0x320, s2;
	[smem:$0x7DA] =	sst s1  }
0x6d: {  	s9 =	sadd.s32 $0x6590, s2;
	[smem:$0x7DB] =	sst s4  }
0x6e: {  	s10 =	sadd.s32 $0x6720, s2;
	[smem:$0x7DE] =	sst s9  }
0x6f: {  	s5 =	sadd.s32 $0x4B0, s2;
	[smem:$0x7DF] =	sst s10  }
0x70: {  	s6 =	sadd.s32 $0x6400, s2;
	[smem:$0x7DC] =	sst s5  }
0x71: {  	s11 =	sadd.s32 $0x68B0, s2;
	[smem:$0x7DD] =	sst s6  }
0x72: {  	s12 =	sadd.s32 $0xC800, s2;
	[smem:$0x7E0] =	sst s11  }
0x73: {  	s16 =	sadd.s32 $0xC990, s2;
	[smem:$0x7E1] =	sst s12  }
0x74: {  	s21 =	sadd.s32 $0xCB20, s2;
	[smem:$0x7E2] =	sst s16  }
0x75: {  	s1 =	sadd.s32 $0xCCB0, s2;
	[smem:$0x7E3] =	sst s21  }
0x76: {  	s4 =	sadd.s32 $0x12C00, s2;
	[smem:$0x7E4] =	sst s1  }
0x77: {  	s9 =	sadd.s32 $0x130B0, s2;
	[smem:$0x7E5] =	sst s4  }
0x78: {  	s10 =	sadd.s32 $0x19000, s2;
	[smem:$0x7E8] =	sst s9  }
0x79: {  	s5 =	sadd.s32 $0x12D90, s2;
	[smem:$0x7E9] =	sst s10  }
0x7a: {  	s6 =	sadd.s32 $0x12F20, s2;
	[smem:$0x7E6] =	sst s5  }
0x7b: {  	s11 =	sadd.s32 $0x19190, s2;
	[smem:$0x7E7] =	sst s6  }
0x7c: {  	s12 =	sadd.s32 $0x19320, s2;
	[smem:$0x7EA] =	sst s11  }
0x7d: {  	s16 =	sadd.s32 $0x194B0, s2;
	[smem:$0x7EB] =	sst s12  }
0x7e: {  	s21 =	sadd.s32 $0x1F400, s2;
	[smem:$0x7EC] =	sst s16  }
0x7f: {  	s1 =	sadd.s32 $0x1F590, s2;
	[smem:$0x7ED] =	sst s21  }
0x80: {  	s4 =	sadd.s32 $0x1F720, s2;
	[smem:$0x7EE] =	sst s1  }
0x81: {  	s28 =	simm.s32 $0x12DF0;
	s9 =	sadd.s32 $0x25990, s2;
	[smem:$0x7EF] =	sst s4  }
0x82: {  	v0 =	vimm.s32 $0xEFCDAB89;
	v1 =	vimm.s32 $0x67452301;
	s10 =	sadd.s32 $0x25B20, s2;
	[smem:$0x7F2] =	sst s9  }
0x83: {  	v2 =	vimm.s32 $0xDCFE98BA;
	v3 =	vimm.s32 $0x54761032;
	v0 =	vunpack.c.l.s4.s8 v0;
	s5 =	sadd.s32 $0x1F8B0, s2;
	[smem:$0x7F3] =	sst s10  }
0x84: {  	s29 =	simm.s32 $0x135F0;
	v1 =	vunpack.c.l.s4.s8 v1;
	v2 =	vunpack.c.l.s4.s8 v2;
	v3 =	vunpack.c.l.s4.s8 v3;
	s6 =	sadd.s32 $0x25800, s2;
	[smem:$0x7F0] =	sst s5  }
0x85: {  	s31 =	simm.s32 $0x137F0;
	vm0 =	vcmask $0x3F30;
	v0 =	vunpack.c.0.s8.s32 v0;
	s11 =	sadd.s32 $0x25CB0, s2;
	[smem:$0x7F1] =	sst s6  }
0x86: {  	v1 =	vunpack.c.0.s8.s32 v1;
	v2 =	vunpack.c.0.s8.s32 v2;
	v3 =	vunpack.c.0.s8.s32 v3;
	s0 =	simm.s32 $0x9;
	s12 =	sadd.s32 $0x190, s3;
	[smem:$0x7F5] =	sst s11  }
0x87: {  	vm1 =	vcmask $0x3F20;
	vm2 =	vmmov $0xf;
	v4 =	vimm.f32 $1.000000000e+00;
	s16 =	sadd.s32 $0x320, s3;
	s21 =	sadd.s32 $0x4B0, s3;
	[smem:$0x7F6] =	sst s12  }
0x88: {  	v1 =	vcombine.low v1, v0;
	v2 =	vcombine.low v3, v2;
	v3 =	vlaneseq.u32;
	s9 =	simm.s32 $0x8;
	s10 =	simm.s32 $0x129F0;
	[smem:$0x7F7] =	sst s16  }
0x89: {  	v5 =	vimm.s32 $0xFFFF3CB0;
	v0 =	vimm.f32 $0.0e+00;
	v3 =	vand.u32 $0x3, v3;
	s2 =	simm.s32 $0x0;
	[smem:$0x7F9] =	sst s21;
	s11 =	simm.s32 $0x12BF0  }
0x8a: {  	v1 =	vand.u32 $0xF, v1;
	v2 =	vand.u32 $0xF, v2;
	v3 =	vmul.u32 $0x4, v3;
	s16 =	simm.s32 $0x1;
	s21 =	simm.s32 $0x2;
	s12 =	simm.s32 $0x7  }
.LBB2_1:
0x8b: {  	[tilespmem:$0x18470] =	vst v0  }
0x8c: {  	[tilespmem:$0x18480] =	vst v0  }
0x8d: {  	[tilespmem:$0x18490] =	vst v0  }
0x8e: {  	[tilespmem:$0x184A0] =	vst v0  }
0x8f: {  	[tilespmem:$0x184B0] =	vst v0  }
0x90: {  	[tilespmem:$0x184C0] =	vst v0  }
0x91: {  	[tilespmem:$0x184D0] =	vst v0  }
0x92: {  	[tilespmem:$0x184E0] =	vst v0  }
0x93: {  	[tilespmem:$0x184F0] =	vst v0  }
0x94: {  	[tilespmem:$0x18500] =	vst v0  }
0x95: {  	[tilespmem:$0x18510] =	vst v0  }
0x96: {  	[tilespmem:$0x18520] =	vst v0  }
0x97: {  	[tilespmem:$0x18530] =	vst v0  }
0x98: {  	[tilespmem:$0x18540] =	vst v0  }
0x99: {  	[tilespmem:$0x18550] =	vst v0  }
0x9a: {  	[tilespmem:$0x18560] =	vst v0  }
0x9b: {  	[tilespmem:$0x18570] =	vst v0  }
0x9c: {  	[tilespmem:$0x18580] =	vst v0  }
0x9d: {  	[tilespmem:$0x18590] =	vst v0  }
0x9e: {  	[tilespmem:$0x185A0] =	vst v0  }
0x9f: {  	[tilespmem:$0x185B0] =	vst v0  }
0xa0: {  	[tilespmem:$0x185C0] =	vst v0  }
0xa1: {  	[tilespmem:$0x185D0] =	vst v0;
	s1 =	sld [smem:$0x7D4]  }
0xa2: {  	[tilespmem:$0x185E0] =	vst v0  }
0xa3: {  	[smem:$0x79C] =	sst s2;
	[tilespmem:$0x185F0] =	vst v0;
	s4 =	simm.s32 $0x18470  }
0xa4: {  	[spmem:s1] =	stream.linear.scatter [tilespmem:s4], [sflag:$0x8], $0x190, $0x38;
	[tilespmem:$0x18670] =	vst v63  }
0xa5: {  	_ =	swait.ge [sflag:s9], $0x190  }
0xa6: {  	s6 =	sld [smem:$0x7BA]  }
0xa7: {  	[sflag:s9] =	ssyncset.done $0x0  }
0xa8: {  	[sflag:s9] =	ssyncadd.s32 $0xFFFFFE70  }
0xa9: {  	[spmem:s6] =	stream.linear.scatter [tilespmem:s4], [sflag:$0x8], $0x190, $0x38;
	[tilespmem:$0x18670] =	vst v63  }
0xaa: {  	_ =	swait.ge [sflag:s9], $0x190  }
0xab: {  	s2 =	sld [smem:$0x7BB]  }
0xac: {  	[sflag:s9] =	ssyncset.done $0x0  }
0xad: {  	[sflag:s9] =	ssyncadd.s32 $0xFFFFFE70  }
0xae: {  	[spmem:s2] =	stream.linear.scatter [tilespmem:s4], [sflag:$0x8], $0x190, $0x38;
	[tilespmem:$0x18670] =	vst v63  }
0xaf: {  	_ =	swait.ge [sflag:s9], $0x190  }
0xb0: {  	s3 =	sld [smem:$0x7BC]  }
0xb1: {  	[sflag:s9] =	ssyncset.done $0x0  }
0xb2: {  	[sflag:s9] =	ssyncadd.s32 $0xFFFFFE70  }
0xb3: {  	[spmem:s3] =	stream.linear.scatter [tilespmem:s4], [sflag:$0x8], $0x190, $0x38;
	[tilespmem:$0x18670] =	vst v63  }
0xb4: {  	_ =	swait.ge [sflag:s9], $0x190  }
0xb5: {  	s5 =	sld [smem:$0x7BD]  }
0xb6: {  	[sflag:s9] =	ssyncset.done $0x0  }
0xb7: {  	[sflag:s9] =	ssyncadd.s32 $0xFFFFFE70  }
0xb8: {  	[spmem:s5] =	stream.linear.scatter [tilespmem:s4], [sflag:$0x8], $0x190, $0x38;
	[tilespmem:$0x18670] =	vst v63  }
0xb9: {  	_ =	swait.ge [sflag:s9], $0x190  }
0xba: {  	s6 =	sld [smem:$0x7BE]  }
0xbb: {  	[sflag:s9] =	ssyncset.done $0x0  }
0xbc: {  	[sflag:s9] =	ssyncadd.s32 $0xFFFFFE70  }
0xbd: {  	[spmem:s6] =	stream.linear.scatter [tilespmem:s4], [sflag:$0x8], $0x190, $0x38;
	[tilespmem:$0x18670] =	vst v63  }
0xbe: {  	_ =	swait.ge [sflag:s9], $0x190  }
0xbf: {  	s2 =	sld [smem:$0x7BF]  }
0xc0: {  	[sflag:s9] =	ssyncset.done $0x0  }
0xc1: {  	[sflag:s9] =	ssyncadd.s32 $0xFFFFFE70  }
0xc2: {  	[spmem:s2] =	stream.linear.scatter [tilespmem:s4], [sflag:$0x8], $0x190, $0x38;
	[tilespmem:$0x18670] =	vst v63  }
0xc3: {  	_ =	swait.ge [sflag:s9], $0x190  }
0xc4: {  	s3 =	sld [smem:$0x7C0]  }
0xc5: {  	[sflag:s9] =	ssyncset.done $0x0  }
0xc6: {  	[sflag:s9] =	ssyncadd.s32 $0xFFFFFE70  }
0xc7: {  	[spmem:s3] =	stream.linear.scatter [tilespmem:s4], [sflag:$0x8], $0x190, $0x38;
	[tilespmem:$0x18670] =	vst v63  }
0xc8: {  	_ =	swait.ge [sflag:s9], $0x190  }
0xc9: {  	s5 =	sld [smem:$0x7C1]  }
0xca: {  	[sflag:s9] =	ssyncset.done $0x0  }
0xcb: {  	[sflag:s9] =	ssyncadd.s32 $0xFFFFFE70  }
0xcc: {  	[spmem:s5] =	stream.linear.scatter [tilespmem:s4], [sflag:$0x8], $0x190, $0x38;
	[tilespmem:$0x18670] =	vst v63  }
0xcd: {  	_ =	swait.ge [sflag:s9], $0x190  }
0xce: {  	s6 =	sld [smem:$0x7C2]  }
0xcf: {  	[sflag:s9] =	ssyncset.done $0x0  }
0xd0: {  	[sflag:s9] =	ssyncadd.s32 $0xFFFFFE70  }
0xd1: {  	[spmem:s6] =	stream.linear.scatter [tilespmem:s4], [sflag:$0x8], $0x190, $0x38;
	[tilespmem:$0x18670] =	vst v63  }
0xd2: {  	_ =	swait.ge [sflag:s9], $0x190  }
0xd3: {  	s2 =	sld [smem:$0x7C3]  }
0xd4: {  	[sflag:s9] =	ssyncset.done $0x0  }
0xd5: {  	[sflag:s9] =	ssyncadd.s32 $0xFFFFFE70  }
0xd6: {  	[spmem:s2] =	stream.linear.scatter [tilespmem:s4], [sflag:$0x8], $0x190, $0x38;
	[tilespmem:$0x18670] =	vst v63  }
0xd7: {  	_ =	swait.ge [sflag:s9], $0x190  }
0xd8: {  	s3 =	sld [smem:$0x7C4]  }
0xd9: {  	[sflag:s9] =	ssyncset.done $0x0  }
0xda: {  	[sflag:s9] =	ssyncadd.s32 $0xFFFFFE70  }
0xdb: {  	[spmem:s3] =	stream.linear.scatter [tilespmem:s4], [sflag:$0x8], $0x190, $0x38;
	[tilespmem:$0x18670] =	vst v63  }
0xdc: {  	_ =	swait.ge [sflag:s9], $0x190  }
0xdd: {  	s5 =	sld [smem:$0x7C5]  }
0xde: {  	[sflag:s9] =	ssyncset.done $0x0  }
0xdf: {  	[sflag:s9] =	ssyncadd.s32 $0xFFFFFE70  }
0xe0: {  	[spmem:s5] =	stream.linear.scatter [tilespmem:s4], [sflag:$0x8], $0x190, $0x38;
	[tilespmem:$0x18670] =	vst v63  }
0xe1: {  	_ =	swait.ge [sflag:s9], $0x190  }
0xe2: {  	s6 =	sld [smem:$0x7C6]  }
0xe3: {  	[sflag:s9] =	ssyncset.done $0x0  }
0xe4: {  	[sflag:s9] =	ssyncadd.s32 $0xFFFFFE70  }
0xe5: {  	[spmem:s6] =	stream.linear.scatter [tilespmem:s4], [sflag:$0x8], $0x190, $0x38;
	[tilespmem:$0x18670] =	vst v63  }
0xe6: {  	_ =	swait.ge [sflag:s9], $0x190  }
0xe7: {  	s2 =	sld [smem:$0x7C7]  }
0xe8: {  	[sflag:s9] =	ssyncset.done $0x0  }
0xe9: {  	[sflag:s9] =	ssyncadd.s32 $0xFFFFFE70  }
0xea: {  	[spmem:s2] =	stream.linear.scatter [tilespmem:s4], [sflag:$0x8], $0x190, $0x38;
	[tilespmem:$0x18670] =	vst v63  }
0xeb: {  	_ =	swait.ge [sflag:s9], $0x190  }
0xec: {  	s3 =	sld [smem:$0x7C8]  }
0xed: {  	[sflag:s9] =	ssyncset.done $0x0  }
0xee: {  	[sflag:s9] =	ssyncadd.s32 $0xFFFFFE70  }
0xef: {  	[spmem:s3] =	stream.linear.scatter [tilespmem:s4], [sflag:$0x8], $0x190, $0x38;
	[tilespmem:$0x18670] =	vst v63  }
0xf0: {  	_ =	swait.ge [sflag:s9], $0x190  }
0xf1: {  	s5 =	sld [smem:$0x7C9]  }
0xf2: {  	[sflag:s9] =	ssyncset.done $0x0  }
0xf3: {  	[sflag:s9] =	ssyncadd.s32 $0xFFFFFE70  }
0xf4: {  	[spmem:s5] =	stream.linear.scatter [tilespmem:s4], [sflag:$0x8], $0x190, $0x38;
	[tilespmem:$0x18670] =	vst v63  }
0xf5: {  	_ =	swait.ge [sflag:s9], $0x190  }
0xf6: {  	s6 =	sld [smem:$0x7CA]  }
0xf7: {  	[sflag:s9] =	ssyncset.done $0x0  }
0xf8: {  	[sflag:s9] =	ssyncadd.s32 $0xFFFFFE70  }
0xf9: {  	[spmem:s6] =	stream.linear.scatter [tilespmem:s4], [sflag:$0x8], $0x190, $0x38;
	[tilespmem:$0x18670] =	vst v63  }
0xfa: {  	_ =	swait.ge [sflag:s9], $0x190  }
0xfb: {  	s2 =	sld [smem:$0x7CB]  }
0xfc: {  	[sflag:s9] =	ssyncset.done $0x0  }
0xfd: {  	[sflag:s9] =	ssyncadd.s32 $0xFFFFFE70  }
0xfe: {  	[spmem:s2] =	stream.linear.scatter [tilespmem:s4], [sflag:$0x8], $0x190, $0x38;
	[tilespmem:$0x18670] =	vst v63  }
0xff: {  	_ =	swait.ge [sflag:s9], $0x190  }
0x100: {  	s3 =	sld [smem:$0x7CC]  }
0x101: {  	[sflag:s9] =	ssyncset.done $0x0  }
0x102: {  	[sflag:s9] =	ssyncadd.s32 $0xFFFFFE70  }
0x103: {  	[spmem:s3] =	stream.linear.scatter [tilespmem:s4], [sflag:$0x8], $0x190, $0x38;
	[tilespmem:$0x18670] =	vst v63  }
0x104: {  	_ =	swait.ge [sflag:s9], $0x190  }
0x105: {  	s5 =	sld [smem:$0x7CD]  }
0x106: {  	[sflag:s9] =	ssyncset.done $0x0  }
0x107: {  	[sflag:s9] =	ssyncadd.s32 $0xFFFFFE70  }
0x108: {  	[spmem:s5] =	stream.linear.scatter [tilespmem:s4], [sflag:$0x8], $0x190, $0x38;
	[tilespmem:$0x18670] =	vst v63  }
0x109: {  	_ =	swait.ge [sflag:s9], $0x190  }
0x10a: {  	s6 =	sld [smem:$0x7CE]  }
0x10b: {  	[sflag:s9] =	ssyncset.done $0x0  }
0x10c: {  	[sflag:s9] =	ssyncadd.s32 $0xFFFFFE70  }
0x10d: {  	[spmem:s6] =	stream.linear.scatter [tilespmem:s4], [sflag:$0x8], $0x190, $0x38;
	[tilespmem:$0x18670] =	vst v63  }
0x10e: {  	_ =	swait.ge [sflag:s9], $0x190  }
0x10f: {  	s2 =	sld [smem:$0x7CF]  }
0x110: {  	[sflag:s9] =	ssyncset.done $0x0  }
0x111: {  	[sflag:s9] =	ssyncadd.s32 $0xFFFFFE70  }
0x112: {  	[spmem:s2] =	stream.linear.scatter [tilespmem:s4], [sflag:$0x8], $0x190, $0x38;
	[tilespmem:$0x18670] =	vst v63  }
0x113: {  	_ =	swait.ge [sflag:s9], $0x190  }
0x114: {  	s3 =	sld [smem:$0x7D0]  }
0x115: {  	[sflag:s9] =	ssyncset.done $0x0  }
0x116: {  	[sflag:s9] =	ssyncadd.s32 $0xFFFFFE70  }
0x117: {  	[spmem:s3] =	stream.linear.scatter [tilespmem:s4], [sflag:$0x8], $0x190, $0x38;
	[tilespmem:$0x18670] =	vst v63  }
0x118: {  	_ =	swait.ge [sflag:s9], $0x190  }
0x119: {  	s5 =	sld [smem:$0x7D1]  }
0x11a: {  	[sflag:s9] =	ssyncset.done $0x0  }
0x11b: {  	[sflag:s9] =	ssyncadd.s32 $0xFFFFFE70  }
0x11c: {  	[spmem:s5] =	stream.linear.scatter [tilespmem:s4], [sflag:$0x8], $0x190, $0x38;
	[tilespmem:$0x18670] =	vst v63  }
0x11d: {  	_ =	swait.ge [sflag:s9], $0x190  }
0x11e: {  	s6 =	sld [smem:$0x7D2]  }
0x11f: {  	[sflag:s9] =	ssyncset.done $0x0  }
0x120: {  	[sflag:s9] =	ssyncadd.s32 $0xFFFFFE70  }
0x121: {  	[spmem:s6] =	stream.linear.scatter [tilespmem:s4], [sflag:$0x8], $0x190, $0x38;
	[tilespmem:$0x18670] =	vst v63  }
0x122: {  	_ =	swait.ge [sflag:s9], $0x190  }
0x123: {  	s2 =	sld [smem:$0x7D3]  }
0x124: {  	[sflag:s9] =	ssyncset.done $0x0  }
0x125: {  	[sflag:s9] =	ssyncadd.s32 $0xFFFFFE70  }
0x126: {  	[spmem:s2] =	stream.linear.scatter [tilespmem:s4], [sflag:$0x8], $0x190, $0x38;
	[tilespmem:$0x18670] =	vst v63  }
0x127: {  	_ =	swait.ge [sflag:s9], $0x190  }
0x128: {  	s3 =	sld [smem:$0x7D5]  }
0x129: {  	[sflag:s9] =	ssyncset.done $0x0  }
0x12a: {  	[sflag:s9] =	ssyncadd.s32 $0xFFFFFE70  }
0x12b: {  	[spmem:s3] =	stream.linear.scatter [tilespmem:s4], [sflag:$0x8], $0x190, $0x38;
	[tilespmem:$0x18670] =	vst v63  }
0x12c: {  	_ =	swait.ge [sflag:s9], $0x190  }
0x12d: {  	s1 =	sld [smem:$0x7D8]  }
0x12e: {  	[sflag:s9] =	ssyncset.done $0x0  }
0x12f: {  	s2 =	simm.s32 @!p1 $0x18470;
	[sflag:s9] =	ssyncadd.s32 $0xFFFFFE70  }
0x130: {  	[spmem:s1] =	stream.linear.scatter @!p1 [tilespmem:s2], [sflag:$0x8], $0x190, $0x38;
	[tilespmem:$0x18670] =	vst v63  }
0x131: {  	s1 =	simm.s32 @!p1 $0x8  }
0x132: {  	_ =	swait.ge @!p1 [sflag:s1], $0x190  }
0x133: {  	s3 =	sld [smem:$0x7D6]  }
0x134: {  	[sflag:s1] =	ssyncset.done @!p1 $0x0  }
0x135: {  	[sflag:s1] =	ssyncadd.s32 @!p1 $0xFFFFFE70  }
0x136: {  	[spmem:s3] =	stream.linear.scatter @!p1 [tilespmem:s2], [sflag:$0x8], $0x190, $0x38;
	[tilespmem:$0x18670] =	vst v63  }
0x137: {  	_ =	swait.ge @!p1 [sflag:s1], $0x190  }
0x138: {  	s3 =	sld [smem:$0x7D7]  }
0x139: {  	[sflag:s1] =	ssyncset.done @!p1 $0x0  }
0x13a: {  	[sflag:s1] =	ssyncadd.s32 @!p1 $0xFFFFFE70  }
0x13b: {  	[spmem:s3] =	stream.linear.scatter @!p1 [tilespmem:s2], [sflag:$0x8], $0x190, $0x38;
	[tilespmem:$0x18670] =	vst v63  }
0x13c: {  	_ =	swait.ge @!p1 [sflag:s1], $0x190  }
0x13d: {  	s3 =	sld [smem:$0x7D9]  }
0x13e: {  	[sflag:s1] =	ssyncset.done @!p1 $0x0  }
0x13f: {  	[sflag:s1] =	ssyncadd.s32 @!p1 $0xFFFFFE70  }
0x140: {  	[spmem:s3] =	stream.linear.scatter @!p1 [tilespmem:s2], [sflag:$0x8], $0x190, $0x38;
	[tilespmem:$0x18670] =	vst v63  }
0x141: {  	_ =	swait.ge @!p1 [sflag:s1], $0x190  }
0x142: {  	s5 =	sld [smem:$0x7F4]  }
0x143: {  	[sflag:s1] =	ssyncset.done @!p1 $0x0  }
0x144: {  	[sflag:s1] =	ssyncadd.s32 @!p1 $0xFFFFFE70  }
0x145: {  	[spmem:s5] =	stream.linear.scatter [tilespmem:s4], [sflag:$0x8], $0x190, $0x38;
	[tilespmem:$0x18670] =	vst v63  }
0x146: {  	_ =	swait.ge [sflag:s9], $0x190  }
0x147: {  	s6 =	sld [smem:$0x7DA]  }
0x148: {  	[sflag:s9] =	ssyncset.done $0x0  }
0x149: {  	[sflag:s9] =	ssyncadd.s32 $0xFFFFFE70  }
0x14a: {  	[spmem:s6] =	stream.linear.scatter [tilespmem:s4], [sflag:$0x8], $0x190, $0x38;
	[tilespmem:$0x18670] =	vst v63  }
0x14b: {  	_ =	swait.ge [sflag:s9], $0x190  }
0x14c: {  	s5 =	sld [smem:$0x7DB]  }
0x14d: {  	[sflag:s9] =	ssyncset.done $0x0  }
0x14e: {  	[sflag:s9] =	ssyncadd.s32 $0xFFFFFE70  }
0x14f: {  	[spmem:s5] =	stream.linear.scatter [tilespmem:s4], [sflag:$0x8], $0x190, $0x38;
	[tilespmem:$0x18670] =	vst v63  }
0x150: {  	_ =	swait.ge [sflag:s9], $0x190  }
0x151: {  	s6 =	sld [smem:$0x7DC]  }
0x152: {  	[sflag:s9] =	ssyncset.done $0x0  }
0x153: {  	[sflag:s9] =	ssyncadd.s32 $0xFFFFFE70  }
0x154: {  	[spmem:s6] =	stream.linear.scatter [tilespmem:s4], [sflag:$0x8], $0x190, $0x38;
	[tilespmem:$0x18670] =	vst v63  }
0x155: {  	_ =	swait.ge [sflag:s9], $0x190  }
0x156: {  	s5 =	sld [smem:$0x7DD]  }
0x157: {  	[sflag:s9] =	ssyncset.done $0x0  }
0x158: {  	[sflag:s9] =	ssyncadd.s32 $0xFFFFFE70  }
0x159: {  	[spmem:s5] =	stream.linear.scatter [tilespmem:s4], [sflag:$0x8], $0x190, $0x38;
	[tilespmem:$0x18670] =	vst v63  }
0x15a: {  	_ =	swait.ge [sflag:s9], $0x190  }
0x15b: {  	s6 =	sld [smem:$0x7DE]  }
0x15c: {  	[sflag:s9] =	ssyncset.done $0x0  }
0x15d: {  	[sflag:s9] =	ssyncadd.s32 $0xFFFFFE70  }
0x15e: {  	[spmem:s6] =	stream.linear.scatter [tilespmem:s4], [sflag:$0x8], $0x190, $0x38;
	[tilespmem:$0x18670] =	vst v63  }
0x15f: {  	_ =	swait.ge [sflag:s9], $0x190  }
0x160: {  	s5 =	sld [smem:$0x7DF]  }
0x161: {  	[sflag:s9] =	ssyncset.done $0x0  }
0x162: {  	[sflag:s9] =	ssyncadd.s32 $0xFFFFFE70  }
0x163: {  	[spmem:s5] =	stream.linear.scatter [tilespmem:s4], [sflag:$0x8], $0x190, $0x38;
	[tilespmem:$0x18670] =	vst v63  }
0x164: {  	_ =	swait.ge [sflag:s9], $0x190  }
0x165: {  	s6 =	sld [smem:$0x7E0]  }
0x166: {  	[sflag:s9] =	ssyncset.done $0x0  }
0x167: {  	[sflag:s9] =	ssyncadd.s32 $0xFFFFFE70  }
0x168: {  	[spmem:s6] =	stream.linear.scatter [tilespmem:s4], [sflag:$0x8], $0x190, $0x38;
	[tilespmem:$0x18670] =	vst v63  }
0x169: {  	_ =	swait.ge [sflag:s9], $0x190  }
0x16a: {  	s5 =	sld [smem:$0x7E1]  }
0x16b: {  	[sflag:s9] =	ssyncset.done $0x0  }
0x16c: {  	[sflag:s9] =	ssyncadd.s32 $0xFFFFFE70  }
0x16d: {  	[spmem:s5] =	stream.linear.scatter [tilespmem:s4], [sflag:$0x8], $0x190, $0x38;
	[tilespmem:$0x18670] =	vst v63  }
0x16e: {  	_ =	swait.ge [sflag:s9], $0x190  }
0x16f: {  	s6 =	sld [smem:$0x7E2]  }
0x170: {  	[sflag:s9] =	ssyncset.done $0x0  }
0x171: {  	[sflag:s9] =	ssyncadd.s32 $0xFFFFFE70  }
0x172: {  	[spmem:s6] =	stream.linear.scatter [tilespmem:s4], [sflag:$0x8], $0x190, $0x38;
	[tilespmem:$0x18670] =	vst v63  }
0x173: {  	_ =	swait.ge [sflag:s9], $0x190  }
0x174: {  	s5 =	sld [smem:$0x7E3]  }
0x175: {  	[sflag:s9] =	ssyncset.done $0x0  }
0x176: {  	[sflag:s9] =	ssyncadd.s32 $0xFFFFFE70  }
0x177: {  	[spmem:s5] =	stream.linear.scatter [tilespmem:s4], [sflag:$0x8], $0x190, $0x38;
	[tilespmem:$0x18670] =	vst v63  }
0x178: {  	_ =	swait.ge [sflag:s9], $0x190  }
0x179: {  	s6 =	sld [smem:$0x7E4]  }
0x17a: {  	[sflag:s9] =	ssyncset.done $0x0  }
0x17b: {  	[sflag:s9] =	ssyncadd.s32 $0xFFFFFE70  }
0x17c: {  	[spmem:s6] =	stream.linear.scatter [tilespmem:s4], [sflag:$0x8], $0x190, $0x38;
	[tilespmem:$0x18670] =	vst v63  }
0x17d: {  	_ =	swait.ge [sflag:s9], $0x190  }
0x17e: {  	s5 =	sld [smem:$0x7E5]  }
0x17f: {  	[sflag:s9] =	ssyncset.done $0x0  }
0x180: {  	[sflag:s9] =	ssyncadd.s32 $0xFFFFFE70  }
0x181: {  	[spmem:s5] =	stream.linear.scatter [tilespmem:s4], [sflag:$0x8], $0x190, $0x38;
	[tilespmem:$0x18670] =	vst v63  }
0x182: {  	_ =	swait.ge [sflag:s9], $0x190  }
0x183: {  	s6 =	sld [smem:$0x7E6]  }
0x184: {  	[sflag:s9] =	ssyncset.done $0x0  }
0x185: {  	[sflag:s9] =	ssyncadd.s32 $0xFFFFFE70  }
0x186: {  	[spmem:s6] =	stream.linear.scatter [tilespmem:s4], [sflag:$0x8], $0x190, $0x38;
	[tilespmem:$0x18670] =	vst v63  }
0x187: {  	_ =	swait.ge [sflag:s9], $0x190  }
0x188: {  	s5 =	sld [smem:$0x7E7]  }
0x189: {  	[sflag:s9] =	ssyncset.done $0x0  }
0x18a: {  	[sflag:s9] =	ssyncadd.s32 $0xFFFFFE70  }
0x18b: {  	[spmem:s5] =	stream.linear.scatter [tilespmem:s4], [sflag:$0x8], $0x190, $0x38;
	[tilespmem:$0x18670] =	vst v63  }
0x18c: {  	_ =	swait.ge [sflag:s9], $0x190  }
0x18d: {  	s6 =	sld [smem:$0x7E8]  }
0x18e: {  	[sflag:s9] =	ssyncset.done $0x0  }
0x18f: {  	[sflag:s9] =	ssyncadd.s32 $0xFFFFFE70  }
0x190: {  	[spmem:s6] =	stream.linear.scatter [tilespmem:s4], [sflag:$0x8], $0x190, $0x38;
	[tilespmem:$0x18670] =	vst v63  }
0x191: {  	_ =	swait.ge [sflag:s9], $0x190  }
0x192: {  	s5 =	sld [smem:$0x7E9]  }
0x193: {  	[sflag:s9] =	ssyncset.done $0x0  }
0x194: {  	[sflag:s9] =	ssyncadd.s32 $0xFFFFFE70  }
0x195: {  	[spmem:s5] =	stream.linear.scatter [tilespmem:s4], [sflag:$0x8], $0x190, $0x38;
	[tilespmem:$0x18670] =	vst v63  }
0x196: {  	_ =	swait.ge [sflag:s9], $0x190  }
0x197: {  	s6 =	sld [smem:$0x7EA]  }
0x198: {  	[sflag:s9] =	ssyncset.done $0x0  }
0x199: {  	[sflag:s9] =	ssyncadd.s32 $0xFFFFFE70  }
0x19a: {  	[spmem:s6] =	stream.linear.scatter [tilespmem:s4], [sflag:$0x8], $0x190, $0x38;
	[tilespmem:$0x18670] =	vst v63  }
0x19b: {  	_ =	swait.ge [sflag:s9], $0x190  }
0x19c: {  	s5 =	sld [smem:$0x7EB]  }
0x19d: {  	[sflag:s9] =	ssyncset.done $0x0  }
0x19e: {  	[sflag:s9] =	ssyncadd.s32 $0xFFFFFE70  }
0x19f: {  	[spmem:s5] =	stream.linear.scatter [tilespmem:s4], [sflag:$0x8], $0x190, $0x38;
	[tilespmem:$0x18670] =	vst v63  }
0x1a0: {  	_ =	swait.ge [sflag:s9], $0x190  }
0x1a1: {  	s6 =	sld [smem:$0x7EC]  }
0x1a2: {  	[sflag:s9] =	ssyncset.done $0x0  }
0x1a3: {  	[sflag:s9] =	ssyncadd.s32 $0xFFFFFE70  }
0x1a4: {  	[spmem:s6] =	stream.linear.scatter [tilespmem:s4], [sflag:$0x8], $0x190, $0x38;
	[tilespmem:$0x18670] =	vst v63  }
0x1a5: {  	_ =	swait.ge [sflag:s9], $0x190  }
0x1a6: {  	s5 =	sld [smem:$0x7ED]  }
0x1a7: {  	[sflag:s9] =	ssyncset.done $0x0  }
0x1a8: {  	[sflag:s9] =	ssyncadd.s32 $0xFFFFFE70  }
0x1a9: {  	[spmem:s5] =	stream.linear.scatter [tilespmem:s4], [sflag:$0x8], $0x190, $0x38;
	[tilespmem:$0x18670] =	vst v63  }
0x1aa: {  	_ =	swait.ge [sflag:s9], $0x190  }
0x1ab: {  	s6 =	sld [smem:$0x7EE]  }
0x1ac: {  	[sflag:s9] =	ssyncset.done $0x0  }
0x1ad: {  	[sflag:s9] =	ssyncadd.s32 $0xFFFFFE70  }
0x1ae: {  	[spmem:s6] =	stream.linear.scatter [tilespmem:s4], [sflag:$0x8], $0x190, $0x38;
	[tilespmem:$0x18670] =	vst v63  }
0x1af: {  	_ =	swait.ge [sflag:s9], $0x190  }
0x1b0: {  	s5 =	sld [smem:$0x7EF]  }
0x1b1: {  	[sflag:s9] =	ssyncset.done $0x0  }
0x1b2: {  	[sflag:s9] =	ssyncadd.s32 $0xFFFFFE70  }
0x1b3: {  	[spmem:s5] =	stream.linear.scatter [tilespmem:s4], [sflag:$0x8], $0x190, $0x38;
	[tilespmem:$0x18670] =	vst v63  }
0x1b4: {  	_ =	swait.ge [sflag:s9], $0x190  }
0x1b5: {  	s6 =	sld [smem:$0x7F0]  }
0x1b6: {  	[sflag:s9] =	ssyncset.done $0x0  }
0x1b7: {  	[sflag:s9] =	ssyncadd.s32 $0xFFFFFE70  }
0x1b8: {  	[spmem:s6] =	stream.linear.scatter [tilespmem:s4], [sflag:$0x8], $0x190, $0x38;
	[tilespmem:$0x18670] =	vst v63  }
0x1b9: {  	_ =	swait.ge [sflag:s9], $0x190  }
0x1ba: {  	s5 =	sld [smem:$0x7F1]  }
0x1bb: {  	[sflag:s9] =	ssyncset.done $0x0  }
0x1bc: {  	[sflag:s9] =	ssyncadd.s32 $0xFFFFFE70  }
0x1bd: {  	[spmem:s5] =	stream.linear.scatter [tilespmem:s4], [sflag:$0x8], $0x190, $0x38;
	[tilespmem:$0x18670] =	vst v63  }
0x1be: {  	_ =	swait.ge [sflag:s9], $0x190  }
0x1bf: {  	s6 =	sld [smem:$0x7F2]  }
0x1c0: {  	[sflag:s9] =	ssyncset.done $0x0  }
0x1c1: {  	[sflag:s9] =	ssyncadd.s32 $0xFFFFFE70  }
0x1c2: {  	[spmem:s6] =	stream.linear.scatter [tilespmem:s4], [sflag:$0x8], $0x190, $0x38;
	[tilespmem:$0x18670] =	vst v63  }
0x1c3: {  	_ =	swait.ge [sflag:s9], $0x190  }
0x1c4: {  	s5 =	sld [smem:$0x7F3]  }
0x1c5: {  	[sflag:s9] =	ssyncset.done $0x0  }
0x1c6: {  	[sflag:s9] =	ssyncadd.s32 $0xFFFFFE70  }
0x1c7: {  	[spmem:s5] =	stream.linear.scatter [tilespmem:s4], [sflag:$0x8], $0x190, $0x38;
	[tilespmem:$0x18670] =	vst v63  }
0x1c8: {  	_ =	swait.ge [sflag:s9], $0x190  }
0x1c9: {  	s6 =	sld [smem:$0x7F5]  }
0x1ca: {  	[sflag:s9] =	ssyncset.done $0x0  }
0x1cb: {  	[sflag:s9] =	ssyncadd.s32 $0xFFFFFE70  }
0x1cc: {  	[spmem:s6] =	stream.linear.scatter [tilespmem:s4], [sflag:$0x8], $0x190, $0x38;
	[tilespmem:$0x18670] =	vst v63  }
0x1cd: {  	_ =	swait.ge [sflag:s9], $0x190  }
0x1ce: {  	s3 =	sld [smem:$0x7F8]  }
0x1cf: {  	[sflag:s9] =	ssyncset.done $0x0  }
0x1d0: {  	[sflag:s9] =	ssyncadd.s32 $0xFFFFFE70  }
0x1d1: {  	[spmem:s3] =	stream.linear.scatter @!p1 [tilespmem:s2], [sflag:$0x8], $0x190, $0x38;
	[tilespmem:$0x18670] =	vst v63  }
0x1d2: {  	_ =	swait.ge @!p1 [sflag:s1], $0x190  }
0x1d3: {  	s3 =	sld [smem:$0x7F6]  }
0x1d4: {  	[sflag:s1] =	ssyncset.done @!p1 $0x0  }
0x1d5: {  	[sflag:s1] =	ssyncadd.s32 @!p1 $0xFFFFFE70  }
0x1d6: {  	[spmem:s3] =	stream.linear.scatter @!p1 [tilespmem:s2], [sflag:$0x8], $0x190, $0x38;
	[tilespmem:$0x18670] =	vst v63  }
0x1d7: {  	_ =	swait.ge @!p1 [sflag:s1], $0x190  }
0x1d8: {  	s3 =	sld [smem:$0x7F7]  }
0x1d9: {  	[sflag:s1] =	ssyncset.done @!p1 $0x0  }
0x1da: {  	[sflag:s1] =	ssyncadd.s32 @!p1 $0xFFFFFE70  }
0x1db: {  	[spmem:s3] =	stream.linear.scatter @!p1 [tilespmem:s2], [sflag:$0x8], $0x190, $0x38;
	[tilespmem:$0x18670] =	vst v63  }
0x1dc: {  	_ =	swait.ge @!p1 [sflag:s1], $0x190  }
0x1dd: {  	s3 =	sld [smem:$0x7F9]  }
0x1de: {  	[sflag:s1] =	ssyncset.done @!p1 $0x0  }
0x1df: {  	[sflag:s1] =	ssyncadd.s32 @!p1 $0xFFFFFE70  }
0x1e0: {  	[spmem:s3] =	stream.linear.scatter @!p1 [tilespmem:s2], [sflag:$0x8], $0x190, $0x38;
	[tilespmem:$0x18670] =	vst v63  }
0x1e1: {  	_ =	swait.ge @!p1 [sflag:s1], $0x190  }
0x1e2: {  	s4 =	stileid.u32;
	s6 =	sld [smem:$0x7B1]  }
0x1e3: {  	s2 =	sshll.u32 s4, $0x6;
	[sflag:s1] =	ssyncset.done @!p1 $0x0  }
0x1e4: {  	s5 =	rddreg [dreg:$0x15];
	[sflag:s1] =	ssyncadd.s32 @!p1 $0xFFFFFE70;
	s1 =	sor.u32 $0x1C08, s2  }
0x1e5: {  	[spmem:s6], [sflag:s1] =	dma.local [hbm:s5], $0x200  }
0x1e6: {  	_ =	swait.ge [sflag:s9], $0x200  }
0x1e7: {  	s4 =	sld [smem:$0x7B2]  }
0x1e8: {  	[sflag:s9] =	ssyncset.done $0x0  }
0x1e9: {  	s3 =	rddreg [dreg:$0x16];
	[sflag:s9] =	ssyncadd.s32 $0xFFFFFE00  }
0x1ea: {  	[spmem:s4], [sflag:s1] =	dma.local [hbm:s3], $0x200  }
0x1eb: {  	_ =	swait.ge [sflag:s9], $0x200  }
0x1ec: {  	s5 =	sld [smem:$0x79D]  }
0x1ed: {  	s6 =	sld [smem:$0x7B3]  }
0x1ee: {  	[sflag:s9] =	ssyncset.done $0x0  }
0x1ef: {  	[sflag:s9] =	ssyncadd.s32 $0xFFFFFE00  }
0x1f0: {  	[spmem:s6], [sflag:s1] =	dma.local [hbm:s5], $0x200  }
0x1f1: {  	_ =	swait.ge [sflag:s9], $0x200  }
0x1f2: {  	s2 =	sld [smem:$0x7AA]  }
0x1f3: {  	s3 =	sld [smem:$0x7B4]  }
0x1f4: {  	[sflag:s9] =	ssyncset.done $0x0  }
0x1f5: {  	[sflag:s9] =	ssyncadd.s32 $0xFFFFFE00  }
0x1f6: {  	[spmem:s3], [sflag:s1] =	dma.local @!p0 [hbm:s2], $0x200  }
0x1f7: {  	s2 =	simm.s32 @!p0 $0x8  }
0x1f8: {  	_ =	swait.ge @!p0 [sflag:s2], $0x200  }
0x1f9: {  	s4 =	sld [smem:$0x7B5]  }
0x1fa: {  	[sflag:s2] =	ssyncset.done @!p0 $0x0  }
0x1fb: {  	s3 =	rddreg [dreg:$0x9];
	[sflag:s2] =	ssyncadd.s32 @!p0 $0xFFFFFE00  }
0x1fc: {  	[spmem:s4], [sflag:s1] =	dma.local [hbm:s3], $0x50  }
0x1fd: {  	_ =	swait.ge [sflag:s9], $0x50  }
0x1fe: {  	s6 =	sld [smem:$0x7B6]  }
0x1ff: {  	[sflag:s9] =	ssyncset.done $0x0  }
0x200: {  	s5 =	rddreg [dreg:$0xa];
	[sflag:s9] =	ssyncadd.s32 $0xFFFFFFB0  }
0x201: {  	[spmem:s6], [sflag:s1] =	dma.local [hbm:s5], $0x50  }
0x202: {  	_ =	swait.ge [sflag:s9], $0x50  }
0x203: {  	[sflag:s9] =	ssyncset.done $0x0  }
0x204: {  	s4 =	simm.s32 $0xAFF0;
	s3 =	rddreg [dreg:$0xb];
	[sflag:s9] =	ssyncadd.s32 $0xFFFFFFB0  }
0x205: {  	[tilespmem:s4], [sflag:$0x8] =	stream.linear.gather [hbm4b:s3+s7], $0xC80, $0x38;
	[tilespmem:$0x18670] =	vst v63  }
0x206: {  	_ =	swait.ge [sflag:s9], $0xC80  }
0x207: {  	[sflag:s9] =	ssyncset.done $0x0  }
0x208: {  	s6 =	simm.s32 $0xC8F0;
	s5 =	rddreg [dreg:$0xc];
	[sflag:s9] =	ssyncadd.s32 $0xFFFFF380  }
0x209: {  	[tilespmem:s6], [sflag:$0x8] =	stream.linear.gather [hbm4b:s5+s7], $0xC80, $0x38;
	[tilespmem:$0x18670] =	vst v63  }
0x20a: {  	_ =	swait.ge [sflag:s9], $0xC80  }
0x20b: {  	[sflag:s9] =	ssyncset.done $0x0  }
0x20c: {  	s4 =	simm.s32 $0xE1F0;
	s3 =	rddreg [dreg:$0xd];
	[sflag:s9] =	ssyncadd.s32 $0xFFFFF380  }
0x20d: {  	[tilespmem:s4], [sflag:$0x8] =	stream.linear.gather [hbm4b:s3+s7], $0xC80, $0x38;
	[tilespmem:$0x18670] =	vst v63  }
0x20e: {  	_ =	swait.ge [sflag:s9], $0xC80  }
0x20f: {  	[sflag:s9] =	ssyncset.done $0x0  }
0x210: {  	s6 =	simm.s32 $0xFAF0;
	s5 =	rddreg [dreg:$0xe];
	[sflag:s9] =	ssyncadd.s32 $0xFFFFF380  }
0x211: {  	[tilespmem:s6], [sflag:$0x8] =	stream.linear.gather [hbm4b:s5+s7], $0xC80, $0x38;
	[tilespmem:$0x18670] =	vst v63  }
0x212: {  	_ =	swait.ge [sflag:s9], $0xC80  }
0x213: {  	[sflag:s9] =	ssyncset.done $0x0  }
0x214: {  	s4 =	simm.s32 $0xBC70;
	s3 =	rddreg [dreg:$0xf];
	[sflag:s9] =	ssyncadd.s32 $0xFFFFF380  }
0x215: {  	[tilespmem:s4], [sflag:$0x8] =	stream.linear.gather [hbm4b:s3+s7], $0xC80, $0x38;
	[tilespmem:$0x18670] =	vst v63  }
0x216: {  	_ =	swait.ge [sflag:s9], $0xC80  }
0x217: {  	[sflag:s9] =	ssyncset.done $0x0  }
0x218: {  	s6 =	simm.s32 $0xD570;
	s5 =	rddreg [dreg:$0x10];
	[sflag:s9] =	ssyncadd.s32 $0xFFFFF380  }
0x219: {  	[tilespmem:s6], [sflag:$0x8] =	stream.linear.gather [hbm4b:s5+s7], $0xC80, $0x38;
	[tilespmem:$0x18670] =	vst v63  }
0x21a: {  	_ =	swait.ge [sflag:s9], $0xC80  }
0x21b: {  	[sflag:s9] =	ssyncset.done $0x0  }
0x21c: {  	s4 =	simm.s32 $0xEE70;
	s3 =	rddreg [dreg:$0x11];
	[sflag:s9] =	ssyncadd.s32 $0xFFFFF380  }
0x21d: {  	[tilespmem:s4], [sflag:$0x8] =	stream.linear.gather [hbm4b:s3+s7], $0xC80, $0x38;
	[tilespmem:$0x18670] =	vst v63  }
0x21e: {  	_ =	swait.ge [sflag:s9], $0xC80  }
0x21f: {  	[sflag:s9] =	ssyncset.done $0x0  }
0x220: {  	s6 =	simm.s32 $0x10770;
	s5 =	rddreg [dreg:$0x12];
	[sflag:s9] =	ssyncadd.s32 $0xFFFFF380  }
0x221: {  	[tilespmem:s6], [sflag:$0x8] =	stream.linear.gather [hbm4b:s5+s7], $0xC80, $0x38;
	[tilespmem:$0x18670] =	vst v63  }
0x222: {  	_ =	swait.ge [sflag:s9], $0xC80  }
0x223: {  	[sflag:s9] =	ssyncset.done $0x0  }
0x224: {  	[sflag:s9] =	ssyncadd.s32 $0xFFFFF380  }
0x225: {  	s2 =	simm.s32 $0x0;
	s6 =	simm.s32 $0x200;
	[bflag:$0x0] =	sbarrier.arrive $0xFFFF  }
.LBB2_2:
0x226: {  	s1 =	sshll.u32 s2, $0xA  }
0x227: {  	s3 =	sadd.s32 s14, s1  }
0x228: {  	s3 =	sshrl.u32 s3, $0x3  }
0x229: {  	s5 =	simm.s32 $0x0;
	s4 =	sadd.s32 s23, s3  }
0x22a: {  	[tilespmem:s10], [sflag:$0x1] =	stream.linear.gather [hbm4b:s4+s5], $0x200, $0x38;
	[tilespmem:$0x18670] =	vst v63  }
0x22b: {  	s1 =	sadd.s32 s1, s19;
	s4 =	sadd.s32 s24, s3  }
0x22c: {  	[tilespmem:s11], [sflag:$0x1] =	stream.linear.gather [hbm4b:s4+s5], $0x200, $0x38;
	[tilespmem:$0x18670] =	vst v63  }
0x22d: {  	s1 =	sshrl.u32 s1, $0x3;
	s3 =	sadd.s32 s25, s3  }
0x22e: {  	[tilespmem:s28], [sflag:$0x1] =	stream.linear.gather [hbm4b:s3+s5], $0x200, $0x38;
	[tilespmem:$0x18670] =	vst v63  }
0x22f: {  	s4 =	sadd.s32 s23, s1  }
0x230: {  	[tilespmem:s29], [sflag:$0x2] =	stream.linear.gather [hbm4b:s4+s5], $0x200, $0x38;
	[tilespmem:$0x18670] =	vst v63  }
0x231: {  	s4 =	sadd.s32 s24, s1  }
0x232: {  	[tilespmem:s31], [sflag:$0x2] =	stream.linear.gather [hbm4b:s4+s5], $0x200, $0x38;
	[tilespmem:$0x18670] =	vst v63  }
0x233: {  	s1 =	sadd.s32 s25, s1;
	s4 =	simm.s32 $0x139F0  }
0x234: {  	[tilespmem:s4], [sflag:$0x2] =	stream.linear.gather [hbm4b:s1+s5], $0x200, $0x38;
	[tilespmem:$0x18670] =	vst v63  }
0x235: {  	_ =	swait.ge [sflag:s16], $0x200  }
0x236: {  	[sflag:s16] =	ssyncset.done $0x0  }
0x237: {  	[sflag:s16] =	ssyncadd.s32 $0xFFFFFE00  }
0x238: {  	_ =	swait.ge [sflag:s16], $0x200  }
0x239: {  	[sflag:s16] =	ssyncset.done $0x0  }
0x23a: {  	[sflag:s16] =	ssyncadd.s32 $0xFFFFFE00  }
0x23b: {  	_ =	swait.ge [sflag:s16], $0x200  }
0x23c: {  	[sflag:s16] =	ssyncset.done $0x0  }
0x23d: {  	s3 =	simm.s32 $0x12FF0;
	[sflag:s16] =	ssyncadd.s32 $0xFFFFFE00  }
0x23e: {  	[tilespmem:s3], [sflag:$0x3] =	stream.indirect.gather [spmem:s18], $0x1, s10, s6, $0xb8;
	[tilespmem:$0x18670] =	vst v63  }
0x23f: {  	_ =	swait.ge [sflag:s21], $0x200  }
0x240: {  	[sflag:s21] =	ssyncset.done $0x0  }
0x241: {  	[sflag:s21] =	ssyncadd.s32 $0xFFFFFE00  }
0x242: {  	_ =	swait.ge [sflag:s21], $0x200  }
0x243: {  	[sflag:s21] =	ssyncset.done $0x0  }
0x244: {  	[sflag:s21] =	ssyncadd.s32 $0xFFFFFE00  }
0x245: {  	_ =	swait.ge [sflag:s21], $0x200  }
0x246: {  	[sflag:s21] =	ssyncset.done $0x0  }
0x247: {  	s4 =	simm.s32 $0x3;
	[sflag:s21] =	ssyncadd.s32 $0xFFFFFE00  }
0x248: {  	_ =	swait.ge [sflag:s4], $0x200  }
0x249: {  	[sflag:s4] =	ssyncset.done $0x0  }
0x24a: {  	s5 =	simm.s32 $0x13BF0;
	s1 =	simm.s32 $0x0;
	[sflag:s4] =	ssyncadd.s32 $0xFFFFFE00  }
0x24b: {  	[tilespmem:s5], [sflag:$0x4] =	stream.indirect.gather [spmem:s18], $0x1, s29, s6, $0xb8;
	[tilespmem:$0x18670] =	vst v63  }
0x24c: {  	v8 =	vld [tilespmem:s1+$0x12FF0];
	_ =	sdelay $0x4  }
0x24d: {  	s3 =	simm.s32 $0x10;
	v6 =	vld [tilespmem:s1+$0x12DF0];
	vm3 =	vge.f32 v8, $2.000000000e+00  }
0x24e: {  	v7 =	vld [tilespmem:s3+$0x12FF0];
	v10 =	vsel vm3, $0x3F800000, v0  }
0x24f: {  	v9 =	vadd.f32 v10, v10;
	_ =	sdelay $0x1  }
0x250: {  	v9 =	vsub.f32 v8, v9  }
0x251: {  	s4 =	simm.s32 $0x80;
	v8 =	vmul.f32 v10, v6  }
.LBB2_3:
0x252: {  	s5 =	sshra.s32 s4, $0x2;
	p2 =	sne.s32 s4, $0x7C0;
	s4 =	sadd.s32 $0x40, s4;
	vm3 =	vge.f32 v7, $2.000000000e+00;
	v9 =	vmul.f32 v9, v6;
	v6 =	vld [tilespmem:s3+$0x12DF0];
	v10 =	vmov v7  }
.Ltmp0:
0x253: {  	v7 =	vld [tilespmem:s5+$0x12FF0];
	v11 =	vsel vm3, $0x3F800000, v0;
	[tilespmem:s1+$0x133F0] =	vst v8;
	(pc) =	sbr.rel @p2 .LBB2_3-.Ltmp0, $3  }
0x254: {  	v8 =	vadd.f32 v11, v11;
	[tilespmem:s1+$0x131F0] =	vst v9;
	s1 =	smov.u32 s3;
	s3 =	smov.u32 s5;
	_ =	sdelay $0x1  }
0x255: {  	v9 =	vsub.f32 v10, v8  }
0x256: {  	v8 =	vmul.f32 v11, v6  }
0x257: {  	v10 =	vld [tilespmem:s3+$0x12DF0];
	vm3 =	vge.f32 v7, $2.000000000e+00  }
0x258: {  	v11 =	vsel vm3, $0x3F800000, v0  }
0x259: {  	v12 =	vadd.f32 v11, v11;
	_ =	sdelay $0x1  }
0x25a: {  	v6 =	vmul.f32 v9, v6;
	v7 =	vsub.f32 v7, v12  }
0x25b: {  	[tilespmem:s1+$0x133F0] =	vst v8;
	v8 =	vmul.f32 v11, v10  }
0x25c: {  	[tilespmem:s1+$0x131F0] =	vst v6;
	v6 =	vmul.f32 v7, v10  }
0x25d: {  	[tilespmem:s3+$0x133F0] =	vst v8  }
0x25e: {  	s6 =	simm.s32 $0x200;
	s4 =	simm.s32 $0x131F0;
	[tilespmem:s3+$0x131F0] =	vst v6  }
0x25f: {  	[spmem:s17] =	stream.indirect.scatter.add.f32 [tilespmem:s4], [sflag:$0x5], $0x1, s11, s6, $0xb8;
	[tilespmem:$0x18670] =	vst v63  }
0x260: {  	s5 =	simm.s32 $0x133F0  }
0x261: {  	[spmem:s22] =	stream.indirect.scatter.add.f32 [tilespmem:s5], [sflag:$0x5], $0x1, s11, s6, $0xb8;
	[tilespmem:$0x18670] =	vst v63  }
0x262: {  	s6 =	simm.s32 $0x4  }
0x263: {  	_ =	swait.ge [sflag:s6], $0x200  }
0x264: {  	[sflag:s6] =	ssyncset.done $0x0  }
0x265: {  	s1 =	simm.s32 $0x0;
	[sflag:s6] =	ssyncadd.s32 $0xFFFFFE00  }
0x266: {  	v8 =	vld [tilespmem:s1+$0x13BF0];
	_ =	sdelay $0x4  }
0x267: {  	s3 =	simm.s32 $0x10;
	v6 =	vld [tilespmem:s1+$0x139F0];
	vm3 =	vge.f32 v8, $2.000000000e+00  }
0x268: {  	v7 =	vld [tilespmem:s3+$0x13BF0];
	v10 =	vsel vm3, $0x3F800000, v0  }
0x269: {  	v9 =	vadd.f32 v10, v10;
	_ =	sdelay $0x1  }
0x26a: {  	v9 =	vsub.f32 v8, v9  }
0x26b: {  	s4 =	simm.s32 $0x80;
	v8 =	vmul.f32 v10, v6  }
.LBB2_5:
0x26c: {  	s5 =	sshra.s32 s4, $0x2;
	p2 =	sne.s32 s4, $0x7C0;
	s4 =	sadd.s32 $0x40, s4;
	vm3 =	vge.f32 v7, $2.000000000e+00;
	v9 =	vmul.f32 v9, v6;
	v6 =	vld [tilespmem:s3+$0x139F0];
	v10 =	vmov v7  }
.Ltmp1:
0x26d: {  	v7 =	vld [tilespmem:s5+$0x13BF0];
	v11 =	vsel vm3, $0x3F800000, v0;
	[tilespmem:s1+$0x13FF0] =	vst v8;
	(pc) =	sbr.rel @p2 .LBB2_5-.Ltmp1, $3  }
0x26e: {  	v8 =	vadd.f32 v11, v11;
	[tilespmem:s1+$0x13DF0] =	vst v9;
	s1 =	smov.u32 s3;
	s3 =	smov.u32 s5;
	_ =	sdelay $0x1  }
0x26f: {  	v9 =	vsub.f32 v10, v8  }
0x270: {  	v8 =	vmul.f32 v11, v6  }
0x271: {  	v10 =	vld [tilespmem:s3+$0x139F0];
	vm3 =	vge.f32 v7, $2.000000000e+00  }
0x272: {  	v11 =	vsel vm3, $0x3F800000, v0  }
0x273: {  	v12 =	vadd.f32 v11, v11;
	_ =	sdelay $0x1  }
0x274: {  	v6 =	vmul.f32 v9, v6;
	v7 =	vsub.f32 v7, v12  }
0x275: {  	[tilespmem:s1+$0x13FF0] =	vst v8;
	v63 =	vmul.f32 v11, v10  }
0x276: {  	[tilespmem:s1+$0x13DF0] =	vst v6;
	v6 =	vmul.f32 v7, v10  }
0x277: {  	[tilespmem:s3+$0x13FF0] =	vst v63  }
0x278: {  	s6 =	simm.s32 $0x5;
	[tilespmem:s3+$0x13DF0] =	vst v6  }
0x279: {  	_ =	swait.ge [sflag:s6], $0x200  }
0x27a: {  	[sflag:s6] =	ssyncset.done $0x0  }
0x27b: {  	[sflag:s6] =	ssyncadd.s32 $0xFFFFFE00  }
0x27c: {  	_ =	swait.ge [sflag:s6], $0x200  }
0x27d: {  	[sflag:s6] =	ssyncset.done $0x0  }
0x27e: {  	s3 =	simm.s32 $0x13DF0;
	[sflag:s6] =	ssyncadd.s32 $0xFFFFFE00;
	s6 =	simm.s32 $0x200  }
0x27f: {  	[spmem:s17] =	stream.indirect.scatter.add.f32 [tilespmem:s3], [sflag:$0x6], $0x1, s31, s6, $0xb8;
	[tilespmem:$0x18670] =	vst v63  }
0x280: {  	s4 =	simm.s32 $0x13FF0;
	s5 =	simm.s32 $0x6;
	s2 =	sadd.s32 $0x1, s2  }
0x281: {  	[spmem:s22] =	stream.indirect.scatter.add.f32 [tilespmem:s4], [sflag:$0x6], $0x1, s31, s6, $0xb8;
	[tilespmem:$0x18670] =	vst v63  }
0x282: {  	p2 =	sne.s32 s2, $0x3E;
	_ =	swait.ge [sflag:s5], $0x200  }
.Ltmp2:
0x283: {  	[sflag:s5] =	ssyncset.done $0x0;
	(pc) =	sbr.rel @p2 .LBB2_2-.Ltmp2, $4  }
0x284: {  	[sflag:s5] =	ssyncadd.s32 $0xFFFFFE00  }
0x285: {  	_ =	swait.ge [sflag:s5], $0x200  }
0x286: {  	[sflag:s5] =	ssyncset.done $0x0  }
0x287: {  	s1 =	simm.s32 $0x0;
	[sflag:s5] =	ssyncadd.s32 $0xFFFFFE00  }
0x288: {  	s2 =	simm.s32 $0x0  }
.LBB2_8:
0x289: {  	s3 =	sshll.u32 s2, $0xA  }
0x28a: {  	s4 =	sadd.s32 s8, s3  }
0x28b: {  	s4 =	sshrl.u32 s4, $0x3  }
0x28c: {  	s5 =	sadd.s32 s13, s4  }
0x28d: {  	[tilespmem:s10], [sflag:$0x1] =	stream.linear.gather [hbm4b:s5+s1], $0x200, $0x38;
	[tilespmem:$0x18670] =	vst v63  }
0x28e: {  	s3 =	sadd.s32 s3, s26;
	s25 =	sadd.s32 s15, s4  }
0x28f: {  	[tilespmem:s11], [sflag:$0x1] =	stream.linear.gather [hbm4b:s25+s1], $0x200, $0x38;
	[tilespmem:$0x18670] =	vst v63  }
0x290: {  	s3 =	sshrl.u32 s3, $0x3;
	s4 =	sadd.s32 s20, s4  }
0x291: {  	[tilespmem:s28], [sflag:$0x1] =	stream.linear.gather [hbm4b:s4+s1], $0x200, $0x38;
	[tilespmem:$0x18670] =	vst v63  }
0x292: {  	s14 =	sadd.s32 s13, s3  }
0x293: {  	[tilespmem:s29], [sflag:$0x2] =	stream.linear.gather [hbm4b:s14+s1], $0x200, $0x38;
	[tilespmem:$0x18670] =	vst v63  }
0x294: {  	s18 =	sadd.s32 s15, s3  }
0x295: {  	[tilespmem:s31], [sflag:$0x2] =	stream.linear.gather [hbm4b:s18+s1], $0x200, $0x38;
	[tilespmem:$0x18670] =	vst v63  }
0x296: {  	s19 =	simm.s32 $0x139F0;
	s3 =	sadd.s32 s20, s3  }
0x297: {  	[tilespmem:s19], [sflag:$0x2] =	stream.linear.gather [hbm4b:s3+s1], $0x200, $0x38;
	[tilespmem:$0x18670] =	vst v63  }
0x298: {  	_ =	swait.ge [sflag:s16], $0x200  }
0x299: {  	[sflag:s16] =	ssyncset.done $0x0  }
0x29a: {  	[sflag:s16] =	ssyncadd.s32 $0xFFFFFE00  }
0x29b: {  	_ =	swait.ge [sflag:s16], $0x200  }
0x29c: {  	[sflag:s16] =	ssyncset.done $0x0  }
0x29d: {  	[sflag:s16] =	ssyncadd.s32 $0xFFFFFE00  }
0x29e: {  	_ =	swait.ge [sflag:s16], $0x200  }
0x29f: {  	[sflag:s16] =	ssyncset.done $0x0  }
0x2a0: {  	s23 =	simm.s32 $0x12FF0;
	[sflag:s16] =	ssyncadd.s32 $0xFFFFFE00  }
0x2a1: {  	[tilespmem:s23], [sflag:$0x3] =	stream.indirect.gather [spmem:s30], $0x1, s10, s6, $0xb8;
	[tilespmem:$0x18670] =	vst v63  }
0x2a2: {  	_ =	swait.ge [sflag:s21], $0x200  }
0x2a3: {  	[sflag:s21] =	ssyncset.done $0x0  }
0x2a4: {  	[sflag:s21] =	ssyncadd.s32 $0xFFFFFE00  }
0x2a5: {  	_ =	swait.ge [sflag:s21], $0x200  }
0x2a6: {  	[sflag:s21] =	ssyncset.done $0x0  }
0x2a7: {  	[sflag:s21] =	ssyncadd.s32 $0xFFFFFE00  }
0x2a8: {  	_ =	swait.ge [sflag:s21], $0x200  }
0x2a9: {  	[sflag:s21] =	ssyncset.done $0x0  }
0x2aa: {  	s24 =	simm.s32 $0x3;
	[sflag:s21] =	ssyncadd.s32 $0xFFFFFE00  }
0x2ab: {  	_ =	swait.ge [sflag:s24], $0x200  }
0x2ac: {  	[sflag:s24] =	ssyncset.done $0x0  }
0x2ad: {  	s25 =	simm.s32 $0x13BF0;
	s3 =	simm.s32 $0x0;
	[sflag:s24] =	ssyncadd.s32 $0xFFFFFE00  }
0x2ae: {  	[tilespmem:s25], [sflag:$0x4] =	stream.indirect.gather [spmem:s30], $0x1, s29, s6, $0xb8;
	[tilespmem:$0x18670] =	vst v63  }
0x2af: {  	v8 =	vld [tilespmem:s3+$0x12FF0];
	_ =	sdelay $0x4  }
0x2b0: {  	s4 =	simm.s32 $0x10;
	v6 =	vld [tilespmem:s3+$0x12DF0];
	vm3 =	vge.f32 v8, $2.000000000e+00  }
0x2b1: {  	v7 =	vld [tilespmem:s4+$0x12FF0];
	v10 =	vsel vm3, $0x3F800000, v0  }
0x2b2: {  	v9 =	vadd.f32 v10, v10;
	_ =	sdelay $0x1  }
0x2b3: {  	v9 =	vsub.f32 v8, v9  }
0x2b4: {  	s5 =	simm.s32 $0x80;
	v8 =	vmul.f32 v10, v6  }
.LBB2_9:
0x2b5: {  	s6 =	sshra.s32 s5, $0x2;
	p2 =	sne.s32 s5, $0x7C0;
	s5 =	sadd.s32 $0x40, s5;
	vm3 =	vge.f32 v7, $2.000000000e+00;
	v9 =	vmul.f32 v9, v6;
	v6 =	vld [tilespmem:s4+$0x12DF0];
	v10 =	vmov v7  }
.Ltmp3:
0x2b6: {  	v7 =	vld [tilespmem:s6+$0x12FF0];
	v11 =	vsel vm3, $0x3F800000, v0;
	[tilespmem:s3+$0x133F0] =	vst v8;
	(pc) =	sbr.rel @p2 .LBB2_9-.Ltmp3, $3  }
0x2b7: {  	v8 =	vadd.f32 v11, v11;
	[tilespmem:s3+$0x131F0] =	vst v9;
	s3 =	smov.u32 s4;
	s4 =	smov.u32 s6;
	_ =	sdelay $0x1  }
0x2b8: {  	v9 =	vsub.f32 v10, v8  }
0x2b9: {  	v8 =	vmul.f32 v11, v6  }
0x2ba: {  	v10 =	vld [tilespmem:s4+$0x12DF0];
	vm3 =	vge.f32 v7, $2.000000000e+00  }
0x2bb: {  	v11 =	vsel vm3, $0x3F800000, v0  }
0x2bc: {  	v12 =	vadd.f32 v11, v11;
	_ =	sdelay $0x1  }
0x2bd: {  	v6 =	vmul.f32 v9, v6;
	v7 =	vsub.f32 v7, v12  }
0x2be: {  	[tilespmem:s3+$0x133F0] =	vst v8;
	v8 =	vmul.f32 v11, v10  }
0x2bf: {  	[tilespmem:s3+$0x131F0] =	vst v6;
	v6 =	vmul.f32 v7, v10  }
0x2c0: {  	[tilespmem:s4+$0x133F0] =	vst v8  }
0x2c1: {  	s19 =	simm.s32 $0x200;
	s23 =	simm.s32 $0x131F0;
	[tilespmem:s4+$0x131F0] =	vst v6  }
0x2c2: {  	[spmem:s17] =	stream.indirect.scatter.add.f32 [tilespmem:s23], [sflag:$0x5], $0x1, s11, s19, $0xb8;
	[tilespmem:$0x18670] =	vst v63  }
0x2c3: {  	s24 =	simm.s32 $0x133F0;
	s25 =	simm.s32 $0x4  }
0x2c4: {  	[spmem:s22] =	stream.indirect.scatter.add.f32 [tilespmem:s24], [sflag:$0x5], $0x1, s11, s19, $0xb8;
	[tilespmem:$0x18670] =	vst v63  }
0x2c5: {  	_ =	swait.ge [sflag:s25], $0x200  }
0x2c6: {  	[sflag:s25] =	ssyncset.done $0x0  }
0x2c7: {  	s3 =	simm.s32 $0x0;
	[sflag:s25] =	ssyncadd.s32 $0xFFFFFE00  }
0x2c8: {  	v8 =	vld [tilespmem:s3+$0x13BF0];
	_ =	sdelay $0x4  }
0x2c9: {  	s4 =	simm.s32 $0x10;
	v6 =	vld [tilespmem:s3+$0x139F0];
	vm3 =	vge.f32 v8, $2.000000000e+00  }
0x2ca: {  	v7 =	vld [tilespmem:s4+$0x13BF0];
	v10 =	vsel vm3, $0x3F800000, v0  }
0x2cb: {  	v9 =	vadd.f32 v10, v10;
	_ =	sdelay $0x1  }
0x2cc: {  	v9 =	vsub.f32 v8, v9  }
0x2cd: {  	s5 =	simm.s32 $0x80;
	v8 =	vmul.f32 v10, v6  }
.LBB2_11:
0x2ce: {  	s6 =	sshra.s32 s5, $0x2;
	p2 =	sne.s32 s5, $0x7C0;
	s5 =	sadd.s32 $0x40, s5;
	vm3 =	vge.f32 v7, $2.000000000e+00;
	v9 =	vmul.f32 v9, v6;
	v6 =	vld [tilespmem:s4+$0x139F0];
	v10 =	vmov v7  }
.Ltmp4:
0x2cf: {  	v7 =	vld [tilespmem:s6+$0x13BF0];
	v11 =	vsel vm3, $0x3F800000, v0;
	[tilespmem:s3+$0x13FF0] =	vst v8;
	(pc) =	sbr.rel @p2 .LBB2_11-.Ltmp4, $3  }
0x2d0: {  	v8 =	vadd.f32 v11, v11;
	[tilespmem:s3+$0x13DF0] =	vst v9;
	s3 =	smov.u32 s4;
	s4 =	smov.u32 s6;
	_ =	sdelay $0x1  }
0x2d1: {  	v9 =	vsub.f32 v10, v8  }
0x2d2: {  	v8 =	vmul.f32 v11, v6  }
0x2d3: {  	v10 =	vld [tilespmem:s4+$0x139F0];
	vm3 =	vge.f32 v7, $2.000000000e+00  }
0x2d4: {  	v11 =	vsel vm3, $0x3F800000, v0  }
0x2d5: {  	v12 =	vadd.f32 v11, v11;
	_ =	sdelay $0x1  }
0x2d6: {  	v6 =	vmul.f32 v9, v6;
	v7 =	vsub.f32 v7, v12  }
0x2d7: {  	[tilespmem:s3+$0x13FF0] =	vst v8;
	v63 =	vmul.f32 v11, v10  }
0x2d8: {  	[tilespmem:s3+$0x13DF0] =	vst v6;
	v6 =	vmul.f32 v7, v10  }
0x2d9: {  	[tilespmem:s4+$0x13FF0] =	vst v63  }
0x2da: {  	s19 =	simm.s32 $0x5;
	[tilespmem:s4+$0x13DF0] =	vst v6  }
0x2db: {  	_ =	swait.ge [sflag:s19], $0x200  }
0x2dc: {  	[sflag:s19] =	ssyncset.done $0x0  }
0x2dd: {  	[sflag:s19] =	ssyncadd.s32 $0xFFFFFE00  }
0x2de: {  	_ =	swait.ge [sflag:s19], $0x200  }
0x2df: {  	[sflag:s19] =	ssyncset.done $0x0  }
0x2e0: {  	s6 =	simm.s32 $0x200;
	s23 =	simm.s32 $0x13DF0;
	[sflag:s19] =	ssyncadd.s32 $0xFFFFFE00  }
0x2e1: {  	[spmem:s17] =	stream.indirect.scatter.add.f32 [tilespmem:s23], [sflag:$0x6], $0x1, s31, s6, $0xb8;
	[tilespmem:$0x18670] =	vst v63  }
0x2e2: {  	s24 =	simm.s32 $0x13FF0;
	s25 =	simm.s32 $0x6;
	s2 =	sadd.s32 $0x1, s2  }
0x2e3: {  	[spmem:s22] =	stream.indirect.scatter.add.f32 [tilespmem:s24], [sflag:$0x6], $0x1, s31, s6, $0xb8;
	[tilespmem:$0x18670] =	vst v63  }
0x2e4: {  	p2 =	sne.s32 s2, $0x62;
	_ =	swait.ge [sflag:s25], $0x200  }
.Ltmp5:
0x2e5: {  	[sflag:s25] =	ssyncset.done $0x0;
	(pc) =	sbr.rel @p2 .LBB2_8-.Ltmp5, $4  }
0x2e6: {  	[sflag:s25] =	ssyncadd.s32 $0xFFFFFE00  }
0x2e7: {  	_ =	swait.ge [sflag:s25], $0x200  }
0x2e8: {  	[sflag:s25] =	ssyncset.done $0x0  }
0x2e9: {  	[sflag:s25] =	ssyncadd.s32 $0xFFFFFE00  }
.Ltmp6:
0x2ea: {  	[bflag:$0x0] =	sbarrier.arrive $0xFFFF;
	(pc) =	sbr.rel .LBB2_14-.Ltmp6, $4  }
0x2eb: {  	s18 =	simm.s32 $0x0;
	s5 =	simm.s32 $0xAFF0;
	s8 =	simm.s32 $0xC8F0  }
0x2ec: {  	s19 =	simm.s32 $0xE1F0;
	s3 =	simm.s32 $0xFAF0;
	s23 =	simm.s32 $0xBC70  }
0x2ed: {  	s24 =	simm.s32 $0xD570;
	s25 =	simm.s32 $0xEE70;
	s26 =	simm.s32 $0x10770  }
0x2ee: {  	s15 =	simm.s32 $0x14EF0;
	s13 =	simm.s32 $0x15570;
	s14 =	simm.s32 $0x16270  }
.LBB2_22:
0x2ef: {  	s18 =	sadd.s32 $0x1, s18  }
0x2f0: {  	p2 =	sne.s32 s18, $0x8  }
.Ltmp7:
0x2f1: {  	_ = 	snop;
	(pc) =	sbr.rel @!p2 .LBB2_23-.Ltmp7, $4  }
0x2f2: {  	_ = 	snop  }
0x2f3: {  	s5 =	sadd.s32 $0x190, s5;
	s8 =	sadd.s32 $0x190, s8  }
0x2f4: {  	s19 =	sadd.s32 $0x190, s19;
	s3 =	sadd.s32 $0x190, s3;
	s23 =	sadd.s32 $0x190, s23  }
0x2f5: {  	s24 =	sadd.s32 $0x190, s24;
	s25 =	sadd.s32 $0x190, s25;
	s26 =	sadd.s32 $0x190, s26  }
.LBB2_14:
0x2f6: {  	s1 =	smul.u32 $0x190, s18;
	s2 =	rddreg [dreg:$0x8]  }
0x2f7: {  	s6 =	sld [smem:$0x7A8]  }
0x2f8: {  	s29 =	sadd.s32 s2, s1  }
0x2f9: {  	s10 =	sld [smem:$0x7A9];
	s1 =	sshrl.u32 s29, $0x1  }
0x2fa: {  	s4 =	simm.s32 $0x168F0;
	s20 =	sld [smem:$0x7AD];
	s2 =	sadd.s32 s6, s1  }
0x2fb: {  	[tilespmem:s4], [sflag:$0x7] =	stream.linear.gather [hbm4b:s2+s7], $0x640, $0x38;
	[tilespmem:$0x18670] =	vst v63  }
0x2fc: {  	s11 =	simm.s32 $0x16F70;
	s2 =	sadd.s32 s10, s1  }
0x2fd: {  	[tilespmem:s11], [sflag:$0x7] =	stream.linear.gather [hbm4b:s2+s7], $0x640, $0x38;
	[tilespmem:$0x18670] =	vst v63  }
0x2fe: {  	s6 =	rddreg [dreg:$0x1f];
	s1 =	sadd.s32 s20, s1;
	s4 =	simm.s32 $0x175F0  }
0x2ff: {  	[tilespmem:s4], [sflag:$0x7] =	stream.linear.gather [hbm4b:s1+s7], $0x640, $0x38;
	[tilespmem:$0x18670] =	vst v63  }
0x300: {  	s11 =	sld [smem:$0x79E];
	s1 =	sshrl.u32 s29, $0x3  }
0x301: {  	s10 =	simm.s32 $0x113F0;
	s2 =	sadd.s32 s6, s1;
	s6 =	sld [smem:$0x79F]  }
0x302: {  	[tilespmem:s10], [sflag:$0x7] =	stream.linear.gather [hbm4b:s2+s7], $0x190, $0x38;
	[tilespmem:$0x18670] =	vst v63  }
0x303: {  	s20 =	simm.s32 $0x115F0;
	s2 =	sadd.s32 s11, s1;
	s11 =	sld [smem:$0x7A0]  }
0x304: {  	[tilespmem:s20], [sflag:$0x7] =	stream.linear.gather [hbm4b:s2+s7], $0x190, $0x38;
	[tilespmem:$0x18670] =	vst v63  }
0x305: {  	s10 =	simm.s32 $0x117F0;
	s2 =	sadd.s32 s6, s1;
	s6 =	sld [smem:$0x7A1]  }
0x306: {  	[tilespmem:s10], [sflag:$0x7] =	stream.linear.gather [hbm4b:s2+s7], $0x190, $0x38;
	[tilespmem:$0x18670] =	vst v63  }
0x307: {  	s20 =	simm.s32 $0x119F0;
	s2 =	sadd.s32 s11, s1;
	s11 =	sld [smem:$0x7A2]  }
0x308: {  	[tilespmem:s20], [sflag:$0x7] =	stream.linear.gather [hbm4b:s2+s7], $0x190, $0x38;
	[tilespmem:$0x18670] =	vst v63  }
0x309: {  	s10 =	simm.s32 $0x11BF0;
	s2 =	sadd.s32 s6, s1;
	s6 =	sld [smem:$0x7A3]  }
0x30a: {  	[tilespmem:s10], [sflag:$0x7] =	stream.linear.gather [hbm4b:s2+s7], $0x190, $0x38;
	[tilespmem:$0x18670] =	vst v63  }
0x30b: {  	s20 =	simm.s32 $0x11DF0;
	s2 =	sadd.s32 s11, s1;
	s11 =	sld [smem:$0x7A4]  }
0x30c: {  	[tilespmem:s20], [sflag:$0x7] =	stream.linear.gather [hbm4b:s2+s7], $0x190, $0x38;
	[tilespmem:$0x18670] =	vst v63  }
0x30d: {  	s10 =	simm.s32 $0x11FF0;
	s2 =	sadd.s32 s6, s1;
	s6 =	sld [smem:$0x7A7]  }
0x30e: {  	[tilespmem:s10], [sflag:$0x7] =	stream.linear.gather [hbm4b:s2+s7], $0x190, $0x38;
	[tilespmem:$0x18670] =	vst v63  }
0x30f: {  	s20 =	simm.s32 $0x121F0;
	s2 =	sadd.s32 s11, s1;
	s11 =	sld [smem:$0x7A5]  }
0x310: {  	[tilespmem:s20], [sflag:$0x7] =	stream.linear.gather [hbm4b:s2+s7], $0x190, $0x38;
	[tilespmem:$0x18670] =	vst v63  }
0x311: {  	s4 =	sld [smem:$0x7A6];
	s10 =	simm.s32 $0x123F0;
	s2 =	sadd.s32 s6, s1  }
0x312: {  	[tilespmem:s10], [sflag:$0x7] =	stream.linear.gather [hbm4b:s2+s7], $0x190, $0x38;
	[tilespmem:$0x18670] =	vst v63  }
0x313: {  	s20 =	simm.s32 $0x125F0;
	s6 =	sshll.u32 s29, $0x2;
	s2 =	sadd.s32 s11, s1  }
0x314: {  	[tilespmem:s20], [sflag:$0x7] =	stream.linear.gather [hbm4b:s2+s7], $0x190, $0x38;
	[tilespmem:$0x18670] =	vst v63  }
0x315: {  	s1 =	sadd.s32 s4, s1;
	s10 =	simm.s32 $0x127F0;
	s11 =	rddreg [dreg:$0x13]  }
0x316: {  	[tilespmem:s10], [sflag:$0x7] =	stream.linear.gather [hbm4b:s1+s7], $0x190, $0x38;
	[tilespmem:$0x18670] =	vst v63  }
0x317: {  	s4 =	sld [smem:$0x7AF];
	s1 =	sadd.s32 s11, s6  }
0x318: {  	s2 =	rddreg [dreg:$0x1d];
	s10 =	sshrl.u32 s1, $0x3  }
0x319: {  	s1 =	sadd.s32 s2, s10  }
0x31a: {  	[tilespmem:s15], [sflag:$0x7] =	stream.linear.gather [hbm4b:s1+s7], $0x640, $0x38;
	[tilespmem:$0x18670] =	vst v63  }
0x31b: {  	s11 =	rddreg [dreg:$0x1e];
	s1 =	sadd.s32 s4, s6  }
0x31c: {  	s20 =	simm.s32 $0x15BF0;
	s15 =	sadd.s32 s11, s10;
	s4 =	sshrl.u32 s1, $0x3  }
0x31d: {  	[tilespmem:s20], [sflag:$0x7] =	stream.linear.gather [hbm4b:s15+s7], $0x640, $0x38;
	[tilespmem:$0x18670] =	vst v63  }
0x31e: {  	s1 =	sadd.s32 s2, s4  }
0x31f: {  	[tilespmem:s13], [sflag:$0x7] =	stream.linear.gather [hbm4b:s1+s7], $0x640, $0x38;
	[tilespmem:$0x18670] =	vst v63  }
0x320: {  	s15 =	sadd.s32 s29, s30;
	s13 =	sadd.s32 s11, s4  }
0x321: {  	[tilespmem:s14], [sflag:$0x7] =	stream.linear.gather [hbm4b:s13+s7], $0x640, $0x38;
	[tilespmem:$0x18670] =	vst v63  }
0x322: {  	s20 =	simm.s32 $0x17C70;
	[smem:$0x79B] =	sst s15  }
0x323: {  	[tilespmem:s20], [sflag:$0x9] =	stream.linear.gather [spmem:s15], $0x190, $0x38;
	[tilespmem:$0x18670] =	vst v63  }
0x324: {  	_ =	swait.ge [sflag:s0], $0x190  }
0x325: {  	p2 =	sgt.u32 s29, $0xC34F;
	[sflag:s0] =	ssyncset.done $0x0  }
0x326: {  	s1 =	simm.s32 @!p2 $0x141F0;
	s20 =	sadd.s32 @!p2 s6, s17;
	[sflag:s0] =	ssyncadd.s32 $0xFFFFFE70  }
0x327: {  	[tilespmem:s1], [sflag:$0x9] =	stream.linear.gather @!p2 [spmem:s20], $0x640, $0x38;
	[tilespmem:$0x18670] =	vst v63  }
0x328: {  	s1 =	simm.s32 @!p2 $0x9  }
0x329: {  	_ =	swait.ge @!p2 [sflag:s1], $0x640  }
0x32a: {  	[sflag:s1] =	ssyncset.done @!p2 $0x0  }
0x32b: {  	s2 =	sadd.s32 @!p2 s6, s22;
	s11 =	simm.s32 @!p2 $0x14870;
	[sflag:s1] =	ssyncadd.s32 @!p2 $0xFFFFF9C0  }
0x32c: {  	[tilespmem:s11], [sflag:$0x9] =	stream.linear.gather @!p2 [spmem:s2], $0x640, $0x38;
	[tilespmem:$0x18670] =	vst v63  }
0x32d: {  	_ =	swait.ge @!p2 [sflag:s1], $0x640  }
0x32e: {  	[sflag:s1] =	ssyncset.done @!p2 $0x0  }
0x32f: {  	[sflag:s1] =	ssyncadd.s32 @!p2 $0xFFFFF9C0  }
0x330: {  	_ =	swait.ge [sflag:s12], $0x640  }
0x331: {  	[sflag:s12] =	ssyncset.done $0x0  }
0x332: {  	[sflag:s12] =	ssyncadd.s32 $0xFFFFF9C0  }
0x333: {  	_ =	swait.ge [sflag:s12], $0x640  }
0x334: {  	[sflag:s12] =	ssyncset.done $0x0  }
0x335: {  	[sflag:s12] =	ssyncadd.s32 $0xFFFFF9C0  }
0x336: {  	_ =	swait.ge [sflag:s12], $0x640  }
0x337: {  	[sflag:s12] =	ssyncset.done $0x0  }
0x338: {  	[sflag:s12] =	ssyncadd.s32 $0xFFFFF9C0  }
0x339: {  	_ =	swait.ge [sflag:s12], $0x190  }
0x33a: {  	[sflag:s12] =	ssyncset.done $0x0  }
0x33b: {  	[sflag:s12] =	ssyncadd.s32 $0xFFFFFE70  }
0x33c: {  	_ =	swait.ge [sflag:s12], $0x190  }
0x33d: {  	[sflag:s12] =	ssyncset.done $0x0  }
0x33e: {  	[sflag:s12] =	ssyncadd.s32 $0xFFFFFE70  }
0x33f: {  	_ =	swait.ge [sflag:s12], $0x190  }
0x340: {  	[sflag:s12] =	ssyncset.done $0x0  }
0x341: {  	[sflag:s12] =	ssyncadd.s32 $0xFFFFFE70  }
0x342: {  	_ =	swait.ge [sflag:s12], $0x190  }
0x343: {  	[sflag:s12] =	ssyncset.done $0x0  }
0x344: {  	[sflag:s12] =	ssyncadd.s32 $0xFFFFFE70  }
0x345: {  	_ =	swait.ge [sflag:s12], $0x190  }
0x346: {  	[sflag:s12] =	ssyncset.done $0x0  }
0x347: {  	[sflag:s12] =	ssyncadd.s32 $0xFFFFFE70  }
0x348: {  	_ =	swait.ge [sflag:s12], $0x190  }
0x349: {  	[sflag:s12] =	ssyncset.done $0x0  }
0x34a: {  	[sflag:s12] =	ssyncadd.s32 $0xFFFFFE70  }
0x34b: {  	_ =	swait.ge [sflag:s12], $0x190  }
0x34c: {  	[sflag:s12] =	ssyncset.done $0x0  }
0x34d: {  	[sflag:s12] =	ssyncadd.s32 $0xFFFFFE70  }
0x34e: {  	_ =	swait.ge [sflag:s12], $0x190  }
0x34f: {  	[sflag:s12] =	ssyncset.done $0x0  }
0x350: {  	[sflag:s12] =	ssyncadd.s32 $0xFFFFFE70  }
0x351: {  	_ =	swait.ge [sflag:s12], $0x190  }
0x352: {  	[sflag:s12] =	ssyncset.done $0x0  }
0x353: {  	[sflag:s12] =	ssyncadd.s32 $0xFFFFFE70  }
0x354: {  	_ =	swait.ge [sflag:s12], $0x190  }
0x355: {  	[sflag:s12] =	ssyncset.done $0x0  }
0x356: {  	[sflag:s12] =	ssyncadd.s32 $0xFFFFFE70  }
0x357: {  	_ =	swait.ge [sflag:s12], $0x190  }
0x358: {  	[sflag:s12] =	ssyncset.done $0x0  }
0x359: {  	[sflag:s12] =	ssyncadd.s32 $0xFFFFFE70  }
0x35a: {  	_ =	swait.ge [sflag:s12], $0x640  }
0x35b: {  	[sflag:s12] =	ssyncset.done $0x0  }
0x35c: {  	[sflag:s12] =	ssyncadd.s32 $0xFFFFF9C0  }
0x35d: {  	_ =	swait.ge [sflag:s12], $0x640  }
0x35e: {  	[sflag:s12] =	ssyncset.done $0x0  }
0x35f: {  	[sflag:s12] =	ssyncadd.s32 $0xFFFFF9C0  }
0x360: {  	_ =	swait.ge [sflag:s12], $0x640  }
0x361: {  	s28 =	simm.s32 $0x16910;
	s31 =	simm.s32 $0x0;
	[sflag:s12] =	ssyncset.done $0x0  }
0x362: {  	s22 =	simm.s32 $0x14F10;
	s30 =	simm.s32 $0x16F90;
	[sflag:s12] =	ssyncadd.s32 $0xFFFFF9C0  }
0x363: {  	s13 =	simm.s32 $0x17610;
	s14 =	simm.s32 $0x15C10;
	_ =	swait.ge [sflag:s12], $0x640  }
0x364: {  	v6 =	vmov s5;
	s17 =	simm.s32 $0x17610;
	s11 =	simm.s32 $0x14210;
	[sflag:s12] =	ssyncset.done $0x0  }
0x365: {  	v7 =	vmov s8;
	v8 =	vmov s19;
	v9 =	vmov s3;
	s2 =	simm.s32 $0x16F90;
	s1 =	simm.s32 $0x16910;
	[sflag:s12] =	ssyncadd.s32 $0xFFFFF9C0  }
.LBB2_15:
0x366: {  	v10 =	vld [tilespmem:s22+$0xFFFFFFE0]  }
0x367: {  	v11 =	vld [tilespmem:s11+$0xFFFFFFE0]  }
0x368: {  	v12 =	vld [tilespmem:s28+$0xFFFFFFE0]  }
0x369: {  	v13 =	vld [tilespmem:s30+$0xFFFFFFE0]  }
0x36a: {  	v14 =	vld [tilespmem:s17+$0xFFFFFFE0]  }
0x36b: {  	v15 =	vld [tilespmem:s14+$0xFFFFFFE0];
	_ =	sdelay $0x1  }
0x36c: {  	v11 =	vadd.f32 v12, v11;
	_ =	sdelay $0x1  }
0x36d: {  	v10 =	vmul.f32 v13, v10;
	v11 =	vmul.f32 v14, v11  }
0x36e: {  	v23 =	vmul.f32 v13, v15  }
0x36f: {  	v11 =	vadd.f32 v11, v10  }
0x370: {  	v10 =	vadd.f32 v10, v23  }
0x371: {  	[tilespmem:s22+$0xFFFFFFE0] =	vst v11  }
0x372: {  	[tilespmem:s14+$0xFFFFFFE0] =	vst v10  }
0x373: {  	v10 =	vld [tilespmem:s22+$0xFFFFFFF0]  }
0x374: {  	v11 =	vld [tilespmem:s11+$0xFFFFFFF0]  }
0x375: {  	v24 =	vld [tilespmem:s28+$0xFFFFFFF0]  }
0x376: {  	v25 =	vld [tilespmem:s30+$0xFFFFFFF0]  }
0x377: {  	v26 =	vld [tilespmem:s17+$0xFFFFFFF0]  }
0x378: {  	v27 =	vld [tilespmem:s14+$0xFFFFFFF0];
	_ =	sdelay $0x1  }
0x379: {  	v11 =	vadd.f32 v24, v11;
	_ =	sdelay $0x1  }
0x37a: {  	v10 =	vmul.f32 v25, v10;
	v11 =	vmul.f32 v26, v11  }
0x37b: {  	v28 =	vmul.f32 v25, v27  }
0x37c: {  	v11 =	vadd.f32 v11, v10  }
0x37d: {  	v10 =	vadd.f32 v10, v28  }
0x37e: {  	[tilespmem:s22+$0xFFFFFFF0] =	vst v11  }
0x37f: {  	[tilespmem:s14+$0xFFFFFFF0] =	vst v10  }
0x380: {  	v10 =	vld [tilespmem:s22+$0x0]  }
0x381: {  	v11 =	vld [tilespmem:s11+$0x0]  }
0x382: {  	v29 =	vld [tilespmem:s28+$0x0]  }
0x383: {  	v30 =	vld [tilespmem:s30+$0x0]  }
0x384: {  	v31 =	vld [tilespmem:s17+$0x0]  }
0x385: {  	v32 =	vld [tilespmem:s14+$0x0];
	_ =	sdelay $0x1  }
0x386: {  	v11 =	vadd.f32 v29, v11;
	_ =	sdelay $0x1  }
0x387: {  	v10 =	vmul.f32 v30, v10;
	v11 =	vmul.f32 v31, v11  }
0x388: {  	v33 =	vmul.f32 v30, v32  }
0x389: {  	v11 =	vadd.f32 v11, v10  }
0x38a: {  	v10 =	vadd.f32 v10, v33  }
0x38b: {  	[tilespmem:s22+$0x0] =	vst v11  }
0x38c: {  	[tilespmem:s14+$0x0] =	vst v10  }
0x38d: {  	v10 =	vld [tilespmem:s22+$0x10]  }
0x38e: {  	v11 =	vld [tilespmem:s11+$0x10]  }
0x38f: {  	v34 =	vld [tilespmem:s28+$0x10]  }
0x390: {  	v35 =	vld [tilespmem:s30+$0x10]  }
0x391: {  	v36 =	vld [tilespmem:s17+$0x10];
	_ =	sdelay $0x2  }
0x392: {  	v11 =	vadd.f32 v34, v11;
	_ =	sdelay $0x1  }
0x393: {  	v37 =	vld [tilespmem:s14+$0x10];
	v10 =	vmul.f32 v35, v10;
	v11 =	vmul.f32 v36, v11;
	_ =	sdelay $0x1  }
0x394: {  	v11 =	vadd.f32 v11, v10;
	_ =	sdelay $0x1  }
0x395: {  	[tilespmem:s22+$0x10] =	vst v11  }
0x396: {  	v38 =	vmul.f32 v35, v37;
	v11 =	vld [tilespmem:s14+$0x0];
	_ =	sdelay $0x1  }
0x397: {  	v10 =	vadd.f32 v10, v38;
	v39 =	vld [tilespmem:s14+$0xFFFFFFF0]  }
0x398: {  	v40 =	vld [tilespmem:s14+$0xFFFFFFE0]  }
0x399: {  	s15 =	sshra.s32 s31, $0x2;
	v42 =	vperm.xlane v10, v1;
	[tilespmem:s14+$0x10] =	vst v10  }
0x39a: {  	v17 =	vld [tilespmem:s15+$0x17C70];
	v41 =	vperm.xlane v11, v1  }
0x39b: {  	v10 =	vadd.f32 v42, v10  }
0x39c: {  	v43 =	vld.idx.msk [tilespmem:v8+s15+$0x0 ss:$0x1], $0xffff;
	v16 =	vperm.xlane v39, v1;
	v11 =	vadd.f32 v41, v11  }
0x39d: {  	v45 =	vld.idx.msk [tilespmem:v9+s15+$0x0 ss:$0x1], $0xffff;
	v19 =	vperm.xlane v10, v2;
	v44 =	vperm.xlane v40, v1  }
0x39e: {  	v21 =	vld [tilespmem:s15+$0x121F0];
	v12 =	vadd.f32 v16, v39;
	v18 =	vperm.xlane v11, v2  }
0x39f: {  	v20 =	vld [tilespmem:s15+$0x11DF0];
	v10 =	vadd.f32 v19, v10;
	vm3 =	vge.f32 v17, $2.000000000e+00;
	v13 =	vadd.f32 v44, v40  }
0x3a0: {  	v47 =	vld [tilespmem:s15+$0x11FF0];
	v49 =	vsel vm3, $0x40000000, v0;
	v46 =	vperm.xlane v12, v2;
	v11 =	vadd.f32 v18, v11  }
0x3a1: {  	v22 =	vld [tilespmem:s15+$0x123F0];
	v15 =	vsub.f32 v17, v49;
	v48 =	vperm.xlane v13, v2  }
0x3a2: {  	v10 =	vperm.xlane v10, v3;
	v12 =	vadd.f32 v46, v12;
	v11 =	vperm.xlane v11, v3  }
0x3a3: {  	v50 =	vld [tilespmem:s15+$0x113F0];
	v52 =	vmul.f32 v21, v15;
	v13 =	vadd.f32 v48, v13  }
0x3a4: {  	v51 =	vld [tilespmem:s15+$0x115F0];
	v12 =	vperm.xlane v12, v3;
	v10 =	vsel vm0, v10, v11;
	v11 =	vmul.f32 v20, v43  }
0x3a5: {  	v53 =	vld [tilespmem:s15+$0x119F0];
	v16 =	vmul.f32 v47, v45;
	v13 =	vperm.xlane v13, v3  }
0x3a6: {  	v54 =	vld.idx.msk [tilespmem:v6+s15+$0x0 ss:$0x1], $0xffff;
	v55 =	vmul.f32 v22, v15;
	v10 =	vsel vm1, v10, v12;
	v11 =	vadd.f32 v52, v11  }
0x3a7: {  	v56 =	vld [tilespmem:s15+$0x125F0];
	v10 =	vsel vm2, v13, v10  }
0x3a8: {  	v57 =	vld [tilespmem:s15+$0x127F0];
	v16 =	vadd.f32 v55, v16;
	v10 =	vadd.f32 v11, v10  }
0x3a9: {  	v58 =	vld [tilespmem:s15+$0x117F0]  }
0x3aa: {  	v14 =	vsub.f32 v50, v51;
	v12 =	vmul.f32 v53, v51;
	v10 =	vadd.f32 v16, v10;
	_ =	sdelay $0x1  }
0x3ab: {  	(erf) = vrcp.f32 v14;
	v10 =	vadd.f32 v10, v12  }
0x3ac: {  	v59 =	vld [tilespmem:s15+$0x11BF0]  }
0x3ad: {  	v60 =	vsub.f32 v58, v50;
	v13 =	vmul.f32 v56, v54;
	v10 =	vmul.f32 v10, v57  }
0x3ae: {  	v61 =	vld.idx.msk [tilespmem:v7+s15+$0x0 ss:$0x1], $0xffff  }
0x3af: {  	v62 =	vmul.f32 v60, v15;
	v10 =	vadd.f32 v10, v13;
	_ =	sdelay $0x1  }
0x3b0: {  	v12 =	vmul.f32 v59, v15;
	v10 =	vadd.f32 v62, v10;
	_ =	sdelay $0x1  }
0x3b1: {  	v12 =	vadd.f32 v12, v61;
	v13 =	vsub.f32 v10, v50  }
0x3b2: {  	v63 =	vpop (erf)  }
0x3b3: {  	v12 =	vadd.f32 $-1.000000000e+00, v12;
	v13 =	vmul.f32 v13, v63  }
0x3b4: {  	p3 =	sne.s32 s31, $0x600  }
.Ltmp8:
0x3b5: {  	v12 =	vmax.f32 v12, $0.0e+00;
	[tilespmem:v6+s15+$0x0 ss:$0x1] =	vst.idx.msk $0xffff, v10;
	vm3 =	vgt.f32 v13, $0.0e+00;
	(pc) =	sbr.rel @p3 .LBB2_15-.Ltmp8, $4  }
0x3b6: {  	vm4 =	vgt.f32 v12, $0.0e+00;
	[tilespmem:v7+s15+$0x0 ss:$0x1] =	vst.idx.msk $0xffff, v12;
	vm3 =	vmneg vm3  }
0x3b7: {  	s31 =	sadd.s32 $0x40, s31;
	[tilespmem:v8+s15+$0x0 ss:$0x1] =	vst.idx.msk $0xffff, v11;
	vm3 =	vmor vm4, vm3  }
0x3b8: {  	s17 =	sadd.s32 $0x40, s17;
	s28 =	sadd.s32 $0x40, s28;
	s11 =	sadd.s32 $0x40, s11;
	[tilespmem:v9+s15+$0x0 ss:$0x1] =	vst.idx.msk $0xffff, v16;
	v10 =	vsel vm3, $0x0, v4  }
0x3b9: {  	s30 =	sadd.s32 $0x40, s30;
	s22 =	sadd.s32 $0x40, s22;
	s14 =	sadd.s32 $0x40, s14;
	[tilespmem:s15+$0x17E70] =	vst v10  }
0x3ba: {  	s11 =	simm.s32 $0x0;
	v6 =	vmov s23  }
0x3bb: {  	s14 =	simm.s32 $0x14890;
	s22 =	simm.s32 $0x16290;
	s30 =	simm.s32 $0x15590;
	v7 =	vmov s24;
	v8 =	vmov s25;
	v9 =	vmov s26  }
.LBB2_17:
0x3bc: {  	v10 =	vld [tilespmem:s30+$0xFFFFFFE0]  }
0x3bd: {  	v11 =	vld [tilespmem:s14+$0xFFFFFFE0]  }
0x3be: {  	v12 =	vld [tilespmem:s1+$0xFFFFFFE0]  }
0x3bf: {  	v13 =	vld [tilespmem:s2+$0xFFFFFFE0]  }
0x3c0: {  	v14 =	vld [tilespmem:s13+$0xFFFFFFE0]  }
0x3c1: {  	v15 =	vld [tilespmem:s22+$0xFFFFFFE0];
	_ =	sdelay $0x1  }
0x3c2: {  	v11 =	vadd.f32 v12, v11;
	_ =	sdelay $0x1  }
0x3c3: {  	v10 =	vmul.f32 v13, v10;
	v11 =	vmul.f32 v14, v11  }
0x3c4: {  	v24 =	vmul.f32 v13, v15  }
0x3c5: {  	v11 =	vadd.f32 v11, v10  }
0x3c6: {  	v10 =	vadd.f32 v10, v24  }
0x3c7: {  	[tilespmem:s30+$0xFFFFFFE0] =	vst v11  }
0x3c8: {  	[tilespmem:s22+$0xFFFFFFE0] =	vst v10  }
0x3c9: {  	v10 =	vld [tilespmem:s30+$0xFFFFFFF0]  }
0x3ca: {  	v11 =	vld [tilespmem:s14+$0xFFFFFFF0]  }
0x3cb: {  	v25 =	vld [tilespmem:s1+$0xFFFFFFF0]  }
0x3cc: {  	v26 =	vld [tilespmem:s2+$0xFFFFFFF0]  }
0x3cd: {  	v27 =	vld [tilespmem:s13+$0xFFFFFFF0]  }
0x3ce: {  	v28 =	vld [tilespmem:s22+$0xFFFFFFF0];
	_ =	sdelay $0x1  }
0x3cf: {  	v11 =	vadd.f32 v25, v11;
	_ =	sdelay $0x1  }
0x3d0: {  	v10 =	vmul.f32 v26, v10;
	v11 =	vmul.f32 v27, v11  }
0x3d1: {  	v29 =	vmul.f32 v26, v28  }
0x3d2: {  	v11 =	vadd.f32 v11, v10  }
0x3d3: {  	v10 =	vadd.f32 v10, v29  }
0x3d4: {  	[tilespmem:s30+$0xFFFFFFF0] =	vst v11  }
0x3d5: {  	[tilespmem:s22+$0xFFFFFFF0] =	vst v10  }
0x3d6: {  	v10 =	vld [tilespmem:s30+$0x0]  }
0x3d7: {  	v11 =	vld [tilespmem:s14+$0x0]  }
0x3d8: {  	v30 =	vld [tilespmem:s1+$0x0]  }
0x3d9: {  	v31 =	vld [tilespmem:s2+$0x0]  }
0x3da: {  	v32 =	vld [tilespmem:s13+$0x0]  }
0x3db: {  	v33 =	vld [tilespmem:s22+$0x0];
	_ =	sdelay $0x1  }
0x3dc: {  	v11 =	vadd.f32 v30, v11;
	_ =	sdelay $0x1  }
0x3dd: {  	v10 =	vmul.f32 v31, v10;
	v11 =	vmul.f32 v32, v11  }
0x3de: {  	v34 =	vmul.f32 v31, v33  }
0x3df: {  	v11 =	vadd.f32 v11, v10  }
0x3e0: {  	v10 =	vadd.f32 v10, v34  }
0x3e1: {  	[tilespmem:s30+$0x0] =	vst v11  }
0x3e2: {  	[tilespmem:s22+$0x0] =	vst v10  }
0x3e3: {  	v10 =	vld [tilespmem:s30+$0x10]  }
0x3e4: {  	v11 =	vld [tilespmem:s14+$0x10]  }
0x3e5: {  	v35 =	vld [tilespmem:s1+$0x10]  }
0x3e6: {  	v36 =	vld [tilespmem:s2+$0x10]  }
0x3e7: {  	v37 =	vld [tilespmem:s13+$0x10];
	_ =	sdelay $0x2  }
0x3e8: {  	v11 =	vadd.f32 v35, v11;
	_ =	sdelay $0x1  }
0x3e9: {  	v38 =	vld [tilespmem:s22+$0x10];
	v10 =	vmul.f32 v36, v10;
	v11 =	vmul.f32 v37, v11;
	_ =	sdelay $0x1  }
0x3ea: {  	v11 =	vadd.f32 v11, v10;
	_ =	sdelay $0x1  }
0x3eb: {  	[tilespmem:s30+$0x10] =	vst v11  }
0x3ec: {  	v39 =	vmul.f32 v36, v38;
	v11 =	vld [tilespmem:s22+$0x0];
	_ =	sdelay $0x1  }
0x3ed: {  	v10 =	vadd.f32 v10, v39;
	v40 =	vld [tilespmem:s22+$0xFFFFFFF0]  }
0x3ee: {  	v41 =	vld [tilespmem:s22+$0xFFFFFFE0]  }
0x3ef: {  	v43 =	vperm.xlane v10, v1  }
0x3f0: {  	s15 =	sshra.s32 s11, $0x2;
	[tilespmem:s22+$0x10] =	vst v10;
	v42 =	vperm.xlane v11, v1  }
0x3f1: {  	v17 =	vld [tilespmem:s15+$0x17C70];
	v10 =	vadd.f32 v43, v10  }
0x3f2: {  	v44 =	vld.idx.msk [tilespmem:v8+s15+$0x0 ss:$0x1], $0xffff;
	v16 =	vperm.xlane v40, v1;
	v11 =	vadd.f32 v42, v11  }
0x3f3: {  	v46 =	vld.idx.msk [tilespmem:v9+s15+$0x0 ss:$0x1], $0xffff;
	v19 =	vperm.xlane v10, v2;
	v45 =	vperm.xlane v41, v1  }
0x3f4: {  	v21 =	vld [tilespmem:s15+$0x121F0];
	v12 =	vadd.f32 v16, v40;
	v18 =	vperm.xlane v11, v2  }
0x3f5: {  	v20 =	vld [tilespmem:s15+$0x11DF0];
	v10 =	vadd.f32 v19, v10;
	v13 =	vadd.f32 v45, v41  }
0x3f6: {  	v48 =	vld [tilespmem:s15+$0x11FF0];
	v47 =	vperm.xlane v12, v2;
	v11 =	vadd.f32 v18, v11  }
0x3f7: {  	v50 =	vld [tilespmem:s15+$0x123F0];
	vm3 =	vge.f32 v17, $2.000000000e+00;
	v10 =	vperm.xlane v10, v3;
	v49 =	vperm.xlane v13, v2  }
0x3f8: {  	v17 =	vsel vm3, $0x3F800000, v0;
	v12 =	vadd.f32 v47, v12;
	v11 =	vperm.xlane v11, v3  }
0x3f9: {  	v51 =	vld [tilespmem:s15+$0x113F0];
	v53 =	vmul.f32 v21, v17;
	v13 =	vadd.f32 v49, v13  }
0x3fa: {  	v52 =	vld [tilespmem:s15+$0x115F0];
	v12 =	vperm.xlane v12, v3;
	v10 =	vsel vm0, v10, v11;
	v11 =	vmul.f32 v20, v44  }
0x3fb: {  	v54 =	vld [tilespmem:s15+$0x119F0];
	v16 =	vmul.f32 v48, v46;
	v13 =	vperm.xlane v13, v3  }
0x3fc: {  	v55 =	vld.idx.msk [tilespmem:v6+s15+$0x0 ss:$0x1], $0xffff;
	v15 =	vmul.f32 v50, v17;
	v10 =	vsel vm1, v10, v12;
	v11 =	vadd.f32 v53, v11  }
0x3fd: {  	v56 =	vld [tilespmem:s15+$0x125F0];
	v10 =	vsel vm2, v13, v10  }
0x3fe: {  	v57 =	vld [tilespmem:s15+$0x127F0];
	v15 =	vadd.f32 v15, v16;
	v10 =	vadd.f32 v11, v10  }
0x3ff: {  	v58 =	vld [tilespmem:s15+$0x117F0]  }
0x400: {  	v14 =	vsub.f32 v51, v52;
	v12 =	vmul.f32 v54, v52;
	v10 =	vadd.f32 v15, v10;
	_ =	sdelay $0x1  }
0x401: {  	(erf) = vrcp.f32 v14;
	v10 =	vadd.f32 v10, v12  }
0x402: {  	v59 =	vld [tilespmem:s15+$0x11BF0]  }
0x403: {  	v60 =	vsub.f32 v58, v51;
	v13 =	vmul.f32 v56, v55;
	v10 =	vmul.f32 v10, v57  }
0x404: {  	v61 =	vld.idx.msk [tilespmem:v7+s15+$0x0 ss:$0x1], $0xffff  }
0x405: {  	v62 =	vmul.f32 v60, v17;
	v10 =	vadd.f32 v10, v13;
	_ =	sdelay $0x1  }
0x406: {  	v12 =	vmul.f32 v59, v17;
	v10 =	vadd.f32 v62, v10;
	_ =	sdelay $0x1  }
0x407: {  	v12 =	vadd.f32 v12, v61;
	v13 =	vsub.f32 v10, v51  }
0x408: {  	v63 =	vpop (erf)  }
0x409: {  	v12 =	vadd.f32 $-1.000000000e+00, v12;
	v13 =	vmul.f32 v13, v63  }
0x40a: {  	p3 =	sne.s32 s11, $0x600  }
.Ltmp9:
0x40b: {  	v12 =	vmax.f32 v12, $0.0e+00;
	[tilespmem:v6+s15+$0x0 ss:$0x1] =	vst.idx.msk $0xffff, v10;
	vm3 =	vgt.f32 v13, $0.0e+00;
	(pc) =	sbr.rel @p3 .LBB2_17-.Ltmp9, $4  }
0x40c: {  	vm4 =	vgt.f32 v12, $0.0e+00;
	[tilespmem:v7+s15+$0x0 ss:$0x1] =	vst.idx.msk $0xffff, v12;
	vm3 =	vmneg vm3  }
0x40d: {  	s11 =	sadd.s32 $0x40, s11;
	[tilespmem:v8+s15+$0x0 ss:$0x1] =	vst.idx.msk $0xffff, v11;
	vm3 =	vmor vm4, vm3  }
0x40e: {  	s13 =	sadd.s32 $0x40, s13;
	s1 =	sadd.s32 $0x40, s1;
	s14 =	sadd.s32 $0x40, s14;
	[tilespmem:v9+s15+$0x0 ss:$0x1] =	vst.idx.msk $0xffff, v15;
	v10 =	vsel vm3, $0x0, v4  }
0x40f: {  	s2 =	sadd.s32 $0x40, s2;
	s30 =	sadd.s32 $0x40, s30;
	s22 =	sadd.s32 $0x40, s22;
	[tilespmem:s15+$0x18070] =	vst v10  }
0x410: {  	s13 =	sld [smem:$0x7AC];
	_ =	sdelay $0x2  }
0x411: {  	s15 =	simm.s32 $0x14EF0;
	s1 =	sadd.s32 s13, s10  }
0x412: {  	[hbm4b:s1+s7] =	stream.linear.scatter [tilespmem:s15], [sflag:$0x9], $0x640, $0x38;
	[tilespmem:$0x18670] =	vst v63  }
0x413: {  	_ =	swait.ge [sflag:s0], $0x640  }
0x414: {  	s14 =	sld [smem:$0x7AE];
	_ =	sdelay $0x1  }
0x415: {  	[sflag:s0] =	ssyncset.done $0x0  }
0x416: {  	s2 =	simm.s32 $0x15BF0;
	[sflag:s0] =	ssyncadd.s32 $0xFFFFF9C0;
	s11 =	sadd.s32 s14, s10  }
0x417: {  	[hbm4b:s11+s7] =	stream.linear.scatter [tilespmem:s2], [sflag:$0x9], $0x640, $0x38;
	[tilespmem:$0x18670] =	vst v63  }
0x418: {  	_ =	swait.ge [sflag:s0], $0x640  }
0x419: {  	s17 =	rddreg [dreg:$0x14]  }
0x41a: {  	s11 =	sld [smem:$0x7AB]  }
0x41b: {  	s1 =	sadd.s32 s17, s29  }
0x41c: {  	[sflag:s0] =	ssyncset.done $0x0;
	s1 =	sshrl.u32 s1, $0x3  }
0x41d: {  	s22 =	simm.s32 $0x17E70;
	[sflag:s0] =	ssyncadd.s32 $0xFFFFF9C0;
	s1 =	sadd.s32 s11, s1  }
0x41e: {  	[hbm4b:s1+s7] =	stream.linear.scatter [tilespmem:s22], [sflag:$0x9], $0x190, $0x38;
	[tilespmem:$0x18670] =	vst v63  }
0x41f: {  	_ =	swait.ge [sflag:s0], $0x190  }
0x420: {  	[sflag:s0] =	ssyncset.done $0x0  }
0x421: {  	s2 =	simm.s32 @!p2 $0x9;
	s1 =	simm.s32 @!p2 $0x18470;
	[sflag:s0] =	ssyncadd.s32 $0xFFFFFE70  }
0x422: {  	[spmem:s20] =	stream.linear.scatter @!p2 [tilespmem:s1], [sflag:$0x9], $0x190, $0x38;
	[tilespmem:$0x18670] =	vst v63  }
0x423: {  	_ =	swait.ge @!p2 [sflag:s2], $0x190  }
0x424: {  	[sflag:s2] =	ssyncset.done @!p2 $0x0  }
0x425: {  	s10 =	sadd.s32 @!p2 $0x190, s20;
	[sflag:s2] =	ssyncadd.s32 @!p2 $0xFFFFFE70  }
0x426: {  	[spmem:s10] =	stream.linear.scatter @!p2 [tilespmem:s1], [sflag:$0x9], $0x190, $0x38;
	[tilespmem:$0x18670] =	vst v63  }
0x427: {  	_ =	swait.ge @!p2 [sflag:s2], $0x190  }
0x428: {  	[sflag:s2] =	ssyncset.done @!p2 $0x0  }
0x429: {  	s10 =	sadd.s32 @!p2 $0x320, s20;
	[sflag:s2] =	ssyncadd.s32 @!p2 $0xFFFFFE70  }
0x42a: {  	[spmem:s10] =	stream.linear.scatter @!p2 [tilespmem:s1], [sflag:$0x9], $0x190, $0x38;
	[tilespmem:$0x18670] =	vst v63  }
0x42b: {  	_ =	swait.ge @!p2 [sflag:s2], $0x190  }
0x42c: {  	[sflag:s2] =	ssyncset.done @!p2 $0x0  }
0x42d: {  	s10 =	sadd.s32 @!p2 $0x4B0, s20;
	[sflag:s2] =	ssyncadd.s32 @!p2 $0xFFFFFE70  }
0x42e: {  	[spmem:s10] =	stream.linear.scatter @!p2 [tilespmem:s1], [sflag:$0x9], $0x190, $0x38;
	[tilespmem:$0x18670] =	vst v63  }
0x42f: {  	_ =	swait.ge @!p2 [sflag:s2], $0x190  }
0x430: {  	[sflag:s2] =	ssyncset.done @!p2 $0x0  }
0x431: {  	s10 =	sadd.s32 s13, s4;
	s13 =	simm.s32 $0x15570;
	[sflag:s2] =	ssyncadd.s32 @!p2 $0xFFFFFE70  }
0x432: {  	[hbm4b:s10+s7] =	stream.linear.scatter [tilespmem:s13], [sflag:$0x9], $0x640, $0x38;
	[tilespmem:$0x18670] =	vst v63  }
0x433: {  	_ =	swait.ge [sflag:s0], $0x640  }
0x434: {  	[sflag:s0] =	ssyncset.done $0x0  }
0x435: {  	s17 =	sadd.s32 s14, s4;
	s14 =	simm.s32 $0x16270;
	[sflag:s0] =	ssyncadd.s32 $0xFFFFF9C0  }
0x436: {  	[hbm4b:s17+s7] =	stream.linear.scatter [tilespmem:s14], [sflag:$0x9], $0x640, $0x38;
	[tilespmem:$0x18670] =	vst v63  }
0x437: {  	_ =	swait.ge [sflag:s0], $0x640  }
0x438: {  	s20 =	sld [smem:$0x7B7];
	_ =	sdelay $0x2  }
0x439: {  	s1 =	sadd.s32 s29, s20  }
0x43a: {  	[sflag:s0] =	ssyncset.done $0x0;
	s1 =	sshrl.u32 s1, $0x3  }
0x43b: {  	s22 =	simm.s32 $0x18070;
	[sflag:s0] =	ssyncadd.s32 $0xFFFFF9C0;
	s1 =	sadd.s32 s11, s1  }
0x43c: {  	[hbm4b:s1+s7] =	stream.linear.scatter [tilespmem:s22], [sflag:$0x9], $0x190, $0x38;
	[tilespmem:$0x18670] =	vst v63  }
0x43d: {  	_ =	swait.ge [sflag:s0], $0x190  }
.Ltmp10:
0x43e: {  	[sflag:s0] =	ssyncset.done $0x0;
	(pc) =	sbr.rel @p2 .LBB2_22-.Ltmp10, $4  }
0x43f: {  	[sflag:s0] =	ssyncadd.s32 $0xFFFFFE70  }
0x440: {  	s17 =	rddreg [dreg:$0x2]  }
0x441: {  	s28 =	simm.s32 $0x12BF0;
	s22 =	rddreg [dreg:$0x3]  }
0x442: {  	s31 =	simm.s32 $0x137F0;
	s29 =	simm.s32 $0x135F0;
	s30 =	rddreg [dreg:$0x4]  }
0x443: {  	s1 =	sadd.s32 s6, s22;
	s4 =	simm.s32 $0x18470  }
0x444: {  	[spmem:s1] =	stream.linear.scatter [tilespmem:s4], [sflag:$0x9], $0x190, $0x38;
	[tilespmem:$0x18670] =	vst v63  }
0x445: {  	_ =	swait.ge [sflag:s0], $0x190  }
0x446: {  	[sflag:s0] =	ssyncset.done $0x0  }
0x447: {  	s2 =	sadd.s32 $0x190, s1;
	[sflag:s0] =	ssyncadd.s32 $0xFFFFFE70  }
0x448: {  	[spmem:s2] =	stream.linear.scatter [tilespmem:s4], [sflag:$0x9], $0x190, $0x38;
	[tilespmem:$0x18670] =	vst v63  }
0x449: {  	_ =	swait.ge [sflag:s0], $0x190  }
0x44a: {  	[sflag:s0] =	ssyncset.done $0x0  }
0x44b: {  	s20 =	sadd.s32 $0x320, s1;
	[sflag:s0] =	ssyncadd.s32 $0xFFFFFE70  }
0x44c: {  	[spmem:s20] =	stream.linear.scatter [tilespmem:s4], [sflag:$0x9], $0x190, $0x38;
	[tilespmem:$0x18670] =	vst v63  }
0x44d: {  	_ =	swait.ge [sflag:s0], $0x190  }
0x44e: {  	[sflag:s0] =	ssyncset.done $0x0  }
0x44f: {  	s1 =	sadd.s32 $0x4B0, s1;
	[sflag:s0] =	ssyncadd.s32 $0xFFFFFE70  }
0x450: {  	[spmem:s1] =	stream.linear.scatter [tilespmem:s4], [sflag:$0x9], $0x190, $0x38;
	[tilespmem:$0x18670] =	vst v63  }
0x451: {  	_ =	swait.ge [sflag:s0], $0x190  }
0x452: {  	[sflag:s0] =	ssyncset.done $0x0  }
0x453: {  	s1 =	simm.s32 $0x0;
	[sflag:s0] =	ssyncadd.s32 $0xFFFFFE70  }
0x454: {  	v6 =	vld [tilespmem:s1+$0x18070];
	_ =	sdelay $0x1  }
0x455: {  	v7 =	vld [tilespmem:s1+$0x17E70]  }
0x456: {  	s2 =	simm.s32 $0x40  }
.LBB2_20:
0x457: {  	p2 =	sne.s32 s2, $0x600  }
.Ltmp11:
0x458: {  	s4 =	sshra.s32 s2, $0x2;
	s2 =	sadd.s32 $0x40, s2;
	v8 =	vadd.f32 v6, v6;
	(pc) =	sbr.rel @p2 .LBB2_20-.Ltmp11, $4  }
0x459: {  	v6 =	vld [tilespmem:s4+$0x18070]  }
0x45a: {  	v8 =	vadd.f32 v8, v7  }
0x45b: {  	v7 =	vld [tilespmem:s4+$0x17E70]  }
0x45c: {  	[tilespmem:s1+$0x18270] =	vst v8;
	s1 =	smov.u32 s4  }
0x45d: {  	_ = 	snop  }
0x45e: {  	v6 =	vadd.f32 v6, v6  }
0x45f: {  	s20 =	sld [smem:$0x79B]  }
0x460: {  	v6 =	vadd.f32 v6, v7;
	_ =	sdelay $0x1  }
.Ltmp12:
0x461: {  	s2 =	simm.s32 $0x18270;
	[tilespmem:s1+$0x18270] =	vst v6;
	s1 =	sadd.s32 $0x3D090, s20;
	(pc) =	sbr.rel .LBB2_22-.Ltmp12, $4  }
0x462: {  	[spmem:s1] =	stream.linear.scatter [tilespmem:s2], [sflag:$0x8], $0x190, $0x38;
	[tilespmem:$0x18670] =	vst v63  }
0x463: {  	_ =	swait.ge [sflag:s9], $0x190  }
0x464: {  	[sflag:s9] =	ssyncset.done $0x0  }
0x465: {  	[sflag:s9] =	ssyncadd.s32 $0xFFFFFE70  }
.LBB2_23:
0x466: {  	[bflag:$0x0] =	sbarrier.arrive $0xFFFF  }
0x467: {  	s8 =	rddreg [dreg:$0x6]  }
0x468: {  	s10 =	rddreg [dreg:$0x17]  }
0x469: {  	s11 =	rddreg [dreg:$0x18]  }
0x46a: {  	s13 =	rddreg [dreg:$0x19]  }
0x46b: {  	s14 =	rddreg [dreg:$0x1a]  }
0x46c: {  	s15 =	rddreg [dreg:$0x1b]  }
0x46d: {  	s18 =	rddreg [dreg:$0x1c]  }
0x46e: {  	s2 =	simm.s32 $0x0;
	s19 =	sld [smem:$0x7FA]  }
0x46f: {  	s3 =	simm.s32 $0x0;
	s24 =	simm.s32 $0x129F0;
	s20 =	sld [smem:$0x7FC]  }
0x470: {  	s25 =	simm.s32 $0x12DF0;
	s26 =	simm.s32 $0x200;
	s23 =	sld [smem:$0x7FD]  }
.LBB2_24:
0x471: {  	s1 =	sshll.u32 s3, $0xA  }
0x472: {  	s4 =	sadd.s32 s19, s1  }
0x473: {  	s4 =	sshrl.u32 s4, $0x3  }
0x474: {  	s5 =	sadd.s32 s14, s4  }
0x475: {  	[tilespmem:s24], [sflag:$0x1] =	stream.linear.gather [hbm4b:s5+s2], $0x200, $0x38;
	[tilespmem:$0x18670] =	vst v63  }
0x476: {  	s1 =	sadd.s32 s1, s20;
	s6 =	sadd.s32 s15, s4  }
0x477: {  	[tilespmem:s28], [sflag:$0x1] =	stream.linear.gather [hbm4b:s6+s2], $0x200, $0x38;
	[tilespmem:$0x18670] =	vst v63  }
0x478: {  	s1 =	sshrl.u32 s1, $0x3;
	s4 =	sadd.s32 s18, s4  }
0x479: {  	[tilespmem:s25], [sflag:$0x1] =	stream.linear.gather [hbm4b:s4+s2], $0x200, $0x38;
	[tilespmem:$0x18670] =	vst v63  }
0x47a: {  	s6 =	sadd.s32 s14, s1  }
0x47b: {  	[tilespmem:s29], [sflag:$0x2] =	stream.linear.gather [hbm4b:s6+s2], $0x200, $0x38;
	[tilespmem:$0x18670] =	vst v63  }
0x47c: {  	s5 =	sadd.s32 s15, s1  }
0x47d: {  	[tilespmem:s31], [sflag:$0x2] =	stream.linear.gather [hbm4b:s5+s2], $0x200, $0x38;
	[tilespmem:$0x18670] =	vst v63  }
0x47e: {  	s1 =	sadd.s32 s18, s1;
	s6 =	simm.s32 $0x139F0  }
0x47f: {  	[tilespmem:s6], [sflag:$0x2] =	stream.linear.gather [hbm4b:s1+s2], $0x200, $0x38;
	[tilespmem:$0x18670] =	vst v63  }
0x480: {  	_ =	swait.ge [sflag:s16], $0x200  }
0x481: {  	[sflag:s16] =	ssyncset.done $0x0  }
0x482: {  	[sflag:s16] =	ssyncadd.s32 $0xFFFFFE00  }
0x483: {  	_ =	swait.ge [sflag:s16], $0x200  }
0x484: {  	[sflag:s16] =	ssyncset.done $0x0  }
0x485: {  	[sflag:s16] =	ssyncadd.s32 $0xFFFFFE00  }
0x486: {  	_ =	swait.ge [sflag:s16], $0x200  }
0x487: {  	[sflag:s16] =	ssyncset.done $0x0  }
0x488: {  	s4 =	simm.s32 $0x12FF0;
	[sflag:s16] =	ssyncadd.s32 $0xFFFFFE00  }
0x489: {  	[tilespmem:s4], [sflag:$0x3] =	stream.indirect.gather [spmem:s8], $0x1, s24, s26, $0xb8;
	[tilespmem:$0x18670] =	vst v63  }
0x48a: {  	_ =	swait.ge [sflag:s21], $0x200  }
0x48b: {  	[sflag:s21] =	ssyncset.done $0x0  }
0x48c: {  	[sflag:s21] =	ssyncadd.s32 $0xFFFFFE00  }
0x48d: {  	_ =	swait.ge [sflag:s21], $0x200  }
0x48e: {  	[sflag:s21] =	ssyncset.done $0x0  }
0x48f: {  	[sflag:s21] =	ssyncadd.s32 $0xFFFFFE00  }
0x490: {  	_ =	swait.ge [sflag:s21], $0x200  }
0x491: {  	[sflag:s21] =	ssyncset.done $0x0  }
0x492: {  	s5 =	simm.s32 $0x3;
	[sflag:s21] =	ssyncadd.s32 $0xFFFFFE00  }
0x493: {  	_ =	swait.ge [sflag:s5], $0x200  }
0x494: {  	[sflag:s5] =	ssyncset.done $0x0  }
0x495: {  	s6 =	simm.s32 $0x13BF0;
	s1 =	simm.s32 $0x0;
	[sflag:s5] =	ssyncadd.s32 $0xFFFFFE00  }
0x496: {  	[tilespmem:s6], [sflag:$0x4] =	stream.indirect.gather [spmem:s8], $0x1, s29, s26, $0xb8;
	[tilespmem:$0x18670] =	vst v63  }
0x497: {  	v8 =	vld [tilespmem:s1+$0x12FF0];
	_ =	sdelay $0x4  }
0x498: {  	s4 =	simm.s32 $0x10;
	v6 =	vld [tilespmem:s1+$0x12DF0];
	vm3 =	vge.f32 v8, $2.000000000e+00  }
0x499: {  	v7 =	vld [tilespmem:s4+$0x12FF0];
	v10 =	vsel vm3, $0x3F800000, v0  }
0x49a: {  	v9 =	vadd.f32 v10, v10;
	_ =	sdelay $0x1  }
0x49b: {  	v9 =	vsub.f32 v8, v9  }
0x49c: {  	s5 =	simm.s32 $0x80;
	v8 =	vmul.f32 v10, v6  }
.LBB2_25:
0x49d: {  	s6 =	sshra.s32 s5, $0x2;
	p2 =	sne.s32 s5, $0x7C0;
	s5 =	sadd.s32 $0x40, s5;
	vm3 =	vge.f32 v7, $2.000000000e+00;
	v9 =	vmul.f32 v9, v6;
	v6 =	vld [tilespmem:s4+$0x12DF0];
	v10 =	vmov v7  }
.Ltmp13:
0x49e: {  	v7 =	vld [tilespmem:s6+$0x12FF0];
	v11 =	vsel vm3, $0x3F800000, v0;
	[tilespmem:s1+$0x133F0] =	vst v8;
	(pc) =	sbr.rel @p2 .LBB2_25-.Ltmp13, $3  }
0x49f: {  	v8 =	vadd.f32 v11, v11;
	[tilespmem:s1+$0x131F0] =	vst v9;
	s1 =	smov.u32 s4;
	s4 =	smov.u32 s6;
	_ =	sdelay $0x1  }
0x4a0: {  	v9 =	vsub.f32 v10, v8  }
0x4a1: {  	v8 =	vmul.f32 v11, v6  }
0x4a2: {  	v10 =	vld [tilespmem:s4+$0x12DF0];
	vm3 =	vge.f32 v7, $2.000000000e+00  }
0x4a3: {  	v11 =	vsel vm3, $0x3F800000, v0  }
0x4a4: {  	v12 =	vadd.f32 v11, v11;
	_ =	sdelay $0x1  }
0x4a5: {  	v6 =	vmul.f32 v9, v6;
	v7 =	vsub.f32 v7, v12  }
0x4a6: {  	[tilespmem:s1+$0x133F0] =	vst v8;
	v8 =	vmul.f32 v11, v10  }
0x4a7: {  	[tilespmem:s1+$0x131F0] =	vst v6;
	v6 =	vmul.f32 v7, v10  }
0x4a8: {  	[tilespmem:s4+$0x133F0] =	vst v8  }
0x4a9: {  	[tilespmem:s4+$0x131F0] =	vst v6;
	s4 =	simm.s32 $0x131F0  }
0x4aa: {  	[spmem:s17] =	stream.indirect.scatter.add.f32 [tilespmem:s4], [sflag:$0x5], $0x1, s28, s26, $0xb8;
	[tilespmem:$0x18670] =	vst v63  }
0x4ab: {  	s5 =	simm.s32 $0x133F0;
	s6 =	simm.s32 $0x4  }
0x4ac: {  	[spmem:s22] =	stream.indirect.scatter.add.f32 [tilespmem:s5], [sflag:$0x5], $0x1, s28, s26, $0xb8;
	[tilespmem:$0x18670] =	vst v63  }
0x4ad: {  	_ =	swait.ge [sflag:s6], $0x200  }
0x4ae: {  	[sflag:s6] =	ssyncset.done $0x0  }
0x4af: {  	s1 =	simm.s32 $0x0;
	[sflag:s6] =	ssyncadd.s32 $0xFFFFFE00  }
0x4b0: {  	v8 =	vld [tilespmem:s1+$0x13BF0];
	_ =	sdelay $0x4  }
0x4b1: {  	s4 =	simm.s32 $0x10;
	v6 =	vld [tilespmem:s1+$0x139F0];
	vm3 =	vge.f32 v8, $2.000000000e+00  }
0x4b2: {  	v7 =	vld [tilespmem:s4+$0x13BF0];
	v10 =	vsel vm3, $0x3F800000, v0  }
0x4b3: {  	v9 =	vadd.f32 v10, v10;
	_ =	sdelay $0x1  }
0x4b4: {  	v9 =	vsub.f32 v8, v9  }
0x4b5: {  	s5 =	simm.s32 $0x80;
	v8 =	vmul.f32 v10, v6  }
.LBB2_27:
0x4b6: {  	s6 =	sshra.s32 s5, $0x2;
	p2 =	sne.s32 s5, $0x7C0;
	s5 =	sadd.s32 $0x40, s5;
	vm3 =	vge.f32 v7, $2.000000000e+00;
	v9 =	vmul.f32 v9, v6;
	v6 =	vld [tilespmem:s4+$0x139F0];
	v10 =	vmov v7  }
.Ltmp14:
0x4b7: {  	v7 =	vld [tilespmem:s6+$0x13BF0];
	v11 =	vsel vm3, $0x3F800000, v0;
	[tilespmem:s1+$0x13FF0] =	vst v8;
	(pc) =	sbr.rel @p2 .LBB2_27-.Ltmp14, $3  }
0x4b8: {  	v8 =	vadd.f32 v11, v11;
	[tilespmem:s1+$0x13DF0] =	vst v9;
	s1 =	smov.u32 s4;
	s4 =	smov.u32 s6;
	_ =	sdelay $0x1  }
0x4b9: {  	v9 =	vsub.f32 v10, v8  }
0x4ba: {  	v8 =	vmul.f32 v11, v6  }
0x4bb: {  	v10 =	vld [tilespmem:s4+$0x139F0];
	vm3 =	vge.f32 v7, $2.000000000e+00  }
0x4bc: {  	v11 =	vsel vm3, $0x3F800000, v0  }
0x4bd: {  	v12 =	vadd.f32 v11, v11;
	_ =	sdelay $0x1  }
0x4be: {  	v6 =	vmul.f32 v9, v6;
	v7 =	vsub.f32 v7, v12  }
0x4bf: {  	[tilespmem:s1+$0x13FF0] =	vst v8;
	v63 =	vmul.f32 v11, v10  }
0x4c0: {  	[tilespmem:s1+$0x13DF0] =	vst v6;
	v6 =	vmul.f32 v7, v10  }
0x4c1: {  	[tilespmem:s4+$0x13FF0] =	vst v63  }
0x4c2: {  	s6 =	simm.s32 $0x5;
	[tilespmem:s4+$0x13DF0] =	vst v6  }
0x4c3: {  	_ =	swait.ge [sflag:s6], $0x200  }
0x4c4: {  	[sflag:s6] =	ssyncset.done $0x0  }
0x4c5: {  	[sflag:s6] =	ssyncadd.s32 $0xFFFFFE00  }
0x4c6: {  	_ =	swait.ge [sflag:s6], $0x200  }
0x4c7: {  	[sflag:s6] =	ssyncset.done $0x0  }
0x4c8: {  	s4 =	simm.s32 $0x13DF0;
	[sflag:s6] =	ssyncadd.s32 $0xFFFFFE00  }
0x4c9: {  	[spmem:s17] =	stream.indirect.scatter.add.f32 [tilespmem:s4], [sflag:$0x6], $0x1, s31, s26, $0xb8;
	[tilespmem:$0x18670] =	vst v63  }
0x4ca: {  	s5 =	simm.s32 $0x13FF0;
	s3 =	sadd.s32 $0x1, s3;
	s6 =	simm.s32 $0x6  }
0x4cb: {  	[spmem:s22] =	stream.indirect.scatter.add.f32 [tilespmem:s5], [sflag:$0x6], $0x1, s31, s26, $0xb8;
	[tilespmem:$0x18670] =	vst v63  }
0x4cc: {  	p2 =	sne.s32 s3, $0x3E;
	_ =	swait.ge [sflag:s6], $0x200  }
.Ltmp15:
0x4cd: {  	[sflag:s6] =	ssyncset.done $0x0;
	(pc) =	sbr.rel @p2 .LBB2_24-.Ltmp15, $4  }
0x4ce: {  	[sflag:s6] =	ssyncadd.s32 $0xFFFFFE00  }
0x4cf: {  	_ =	swait.ge [sflag:s6], $0x200  }
0x4d0: {  	[sflag:s6] =	ssyncset.done $0x0  }
0x4d1: {  	s1 =	simm.s32 $0x0;
	[sflag:s6] =	ssyncadd.s32 $0xFFFFFE00  }
0x4d2: {  	s2 =	simm.s32 $0x0  }
0x4d3: {  	s8 =	sld [smem:$0x7FB];
	s14 =	simm.s32 $0x14EF0;
	s15 =	simm.s32 $0x15BF0  }
.LBB2_30:
0x4d4: {  	_ = 	snop  }
0x4d5: {  	s3 =	sshll.u32 s2, $0xA  }
0x4d6: {  	s4 =	sadd.s32 s8, s3  }
0x4d7: {  	s4 =	sshrl.u32 s4, $0x3  }
0x4d8: {  	s5 =	sadd.s32 s10, s4  }
0x4d9: {  	[tilespmem:s24], [sflag:$0x1] =	stream.linear.gather [hbm4b:s5+s1], $0x200, $0x38;
	[tilespmem:$0x18670] =	vst v63  }
0x4da: {  	s3 =	sadd.s32 s3, s23;
	s6 =	sadd.s32 s11, s4  }
0x4db: {  	[tilespmem:s28], [sflag:$0x1] =	stream.linear.gather [hbm4b:s6+s1], $0x200, $0x38;
	[tilespmem:$0x18670] =	vst v63  }
0x4dc: {  	s3 =	sshrl.u32 s3, $0x3;
	s4 =	sadd.s32 s13, s4  }
0x4dd: {  	[tilespmem:s25], [sflag:$0x1] =	stream.linear.gather [hbm4b:s4+s1], $0x200, $0x38;
	[tilespmem:$0x18670] =	vst v63  }
0x4de: {  	s18 =	sadd.s32 s10, s3  }
0x4df: {  	[tilespmem:s29], [sflag:$0x2] =	stream.linear.gather [hbm4b:s18+s1], $0x200, $0x38;
	[tilespmem:$0x18670] =	vst v63  }
0x4e0: {  	s19 =	sadd.s32 s11, s3  }
0x4e1: {  	[tilespmem:s31], [sflag:$0x2] =	stream.linear.gather [hbm4b:s19+s1], $0x200, $0x38;
	[tilespmem:$0x18670] =	vst v63  }
0x4e2: {  	s20 =	simm.s32 $0x139F0;
	s3 =	sadd.s32 s13, s3  }
0x4e3: {  	[tilespmem:s20], [sflag:$0x2] =	stream.linear.gather [hbm4b:s3+s1], $0x200, $0x38;
	[tilespmem:$0x18670] =	vst v63  }
0x4e4: {  	_ =	swait.ge [sflag:s16], $0x200  }
0x4e5: {  	[sflag:s16] =	ssyncset.done $0x0  }
0x4e6: {  	[sflag:s16] =	ssyncadd.s32 $0xFFFFFE00  }
0x4e7: {  	_ =	swait.ge [sflag:s16], $0x200  }
0x4e8: {  	[sflag:s16] =	ssyncset.done $0x0  }
0x4e9: {  	[sflag:s16] =	ssyncadd.s32 $0xFFFFFE00  }
0x4ea: {  	_ =	swait.ge [sflag:s16], $0x200  }
0x4eb: {  	[sflag:s16] =	ssyncset.done $0x0  }
0x4ec: {  	s4 =	simm.s32 $0x40;
	s3 =	simm.s32 $0x0;
	[sflag:s16] =	ssyncadd.s32 $0xFFFFFE00  }
.LBB2_31:
0x4ed: {  	p2 =	sne.s32 s4, $0x7C0;
	v6 =	vld [tilespmem:s3+$0x129F0];
	_ =	sdelay $0x3  }
.Ltmp16:
0x4ee: {  	(pc) =	sbr.rel @p2 .LBB2_31-.Ltmp16, $4  }
0x4ef: {  	vm3 =	vlt.s32 v6, $0xC350  }
0x4f0: {  	v7 =	vsel vm3, $0x3D090, v5  }
0x4f1: {  	v6 =	vadd.s32 v6, v7  }
0x4f2: {  	[tilespmem:s3+$0x129F0] =	vst v6;
	s3 =	sshra.s32 s4, $0x2;
	s4 =	sadd.s32 $0x40, s4  }
0x4f3: {  	v6 =	vld [tilespmem:s3+$0x129F0];
	_ =	sdelay $0x4  }
0x4f4: {  	vm3 =	vlt.s32 v6, $0xC350  }
0x4f5: {  	v7 =	vsel vm3, $0x3D090, v5  }
0x4f6: {  	v6 =	vadd.s32 v6, v7  }
0x4f7: {  	s20 =	simm.s32 $0x12FF0;
	[tilespmem:s3+$0x129F0] =	vst v6  }
0x4f8: {  	[tilespmem:s20], [sflag:$0x3] =	stream.indirect.gather [spmem:s30], $0x1, s24, s26, $0xb8;
	[tilespmem:$0x18670] =	vst v63  }
0x4f9: {  	_ =	swait.ge [sflag:s21], $0x200  }
0x4fa: {  	[sflag:s21] =	ssyncset.done $0x0  }
0x4fb: {  	[sflag:s21] =	ssyncadd.s32 $0xFFFFFE00  }
0x4fc: {  	_ =	swait.ge [sflag:s21], $0x200  }
0x4fd: {  	[sflag:s21] =	ssyncset.done $0x0  }
0x4fe: {  	[sflag:s21] =	ssyncadd.s32 $0xFFFFFE00  }
0x4ff: {  	_ =	swait.ge [sflag:s21], $0x200  }
0x500: {  	[sflag:s21] =	ssyncset.done $0x0  }
0x501: {  	s4 =	simm.s32 $0x40;
	s3 =	simm.s32 $0x0;
	[sflag:s21] =	ssyncadd.s32 $0xFFFFFE00  }
.LBB2_33:
0x502: {  	p2 =	sne.s32 s4, $0x7C0;
	v6 =	vld [tilespmem:s3+$0x135F0];
	_ =	sdelay $0x3  }
.Ltmp17:
0x503: {  	(pc) =	sbr.rel @p2 .LBB2_33-.Ltmp17, $4  }
0x504: {  	vm3 =	vlt.s32 v6, $0xC350  }
0x505: {  	v7 =	vsel vm3, $0x3D090, v5  }
0x506: {  	v6 =	vadd.s32 v6, v7  }
0x507: {  	[tilespmem:s3+$0x135F0] =	vst v6;
	s3 =	sshra.s32 s4, $0x2;
	s4 =	sadd.s32 $0x40, s4  }
0x508: {  	v6 =	vld [tilespmem:s3+$0x135F0];
	_ =	sdelay $0x4  }
0x509: {  	vm3 =	vlt.s32 v6, $0xC350  }
0x50a: {  	v7 =	vsel vm3, $0x3D090, v5  }
0x50b: {  	v6 =	vadd.s32 v6, v7  }
0x50c: {  	s19 =	simm.s32 $0x3;
	[tilespmem:s3+$0x135F0] =	vst v6  }
0x50d: {  	_ =	swait.ge [sflag:s19], $0x200  }
0x50e: {  	[sflag:s19] =	ssyncset.done $0x0  }
0x50f: {  	s20 =	simm.s32 $0x13BF0;
	s3 =	simm.s32 $0x0;
	[sflag:s19] =	ssyncadd.s32 $0xFFFFFE00  }
0x510: {  	[tilespmem:s20], [sflag:$0x4] =	stream.indirect.gather [spmem:s30], $0x1, s29, s26, $0xb8;
	[tilespmem:$0x18670] =	vst v63  }
0x511: {  	v8 =	vld [tilespmem:s3+$0x12FF0];
	_ =	sdelay $0x4  }
0x512: {  	s4 =	simm.s32 $0x10;
	v6 =	vld [tilespmem:s3+$0x12DF0];
	vm3 =	vge.f32 v8, $2.000000000e+00  }
0x513: {  	v7 =	vld [tilespmem:s4+$0x12FF0];
	v10 =	vsel vm3, $0x3F800000, v0  }
0x514: {  	v9 =	vadd.f32 v10, v10;
	_ =	sdelay $0x1  }
0x515: {  	v9 =	vsub.f32 v8, v9  }
0x516: {  	s5 =	simm.s32 $0x80;
	v8 =	vmul.f32 v10, v6  }
.LBB2_35:
0x517: {  	s6 =	sshra.s32 s5, $0x2;
	p2 =	sne.s32 s5, $0x7C0;
	s5 =	sadd.s32 $0x40, s5;
	vm3 =	vge.f32 v7, $2.000000000e+00;
	v9 =	vmul.f32 v9, v6;
	v6 =	vld [tilespmem:s4+$0x12DF0];
	v10 =	vmov v7  }
.Ltmp18:
0x518: {  	v7 =	vld [tilespmem:s6+$0x12FF0];
	v11 =	vsel vm3, $0x3F800000, v0;
	[tilespmem:s3+$0x133F0] =	vst v8;
	(pc) =	sbr.rel @p2 .LBB2_35-.Ltmp18, $3  }
0x519: {  	v8 =	vadd.f32 v11, v11;
	[tilespmem:s3+$0x131F0] =	vst v9;
	s3 =	smov.u32 s4;
	s4 =	smov.u32 s6;
	_ =	sdelay $0x1  }
0x51a: {  	v9 =	vsub.f32 v10, v8  }
0x51b: {  	v8 =	vmul.f32 v11, v6  }
0x51c: {  	v10 =	vld [tilespmem:s4+$0x12DF0];
	vm3 =	vge.f32 v7, $2.000000000e+00  }
0x51d: {  	v11 =	vsel vm3, $0x3F800000, v0  }
0x51e: {  	v12 =	vadd.f32 v11, v11;
	_ =	sdelay $0x1  }
0x51f: {  	v6 =	vmul.f32 v9, v6;
	v7 =	vsub.f32 v7, v12  }
0x520: {  	[tilespmem:s3+$0x133F0] =	vst v8;
	v8 =	vmul.f32 v11, v10  }
0x521: {  	[tilespmem:s3+$0x131F0] =	vst v6;
	v6 =	vmul.f32 v7, v10  }
0x522: {  	[tilespmem:s4+$0x133F0] =	vst v8  }
0x523: {  	s18 =	simm.s32 $0x131F0;
	[tilespmem:s4+$0x131F0] =	vst v6  }
0x524: {  	[spmem:s17] =	stream.indirect.scatter.add.f32 [tilespmem:s18], [sflag:$0x5], $0x1, s28, s26, $0xb8;
	[tilespmem:$0x18670] =	vst v63  }
0x525: {  	s19 =	simm.s32 $0x133F0;
	s20 =	simm.s32 $0x4  }
0x526: {  	[spmem:s22] =	stream.indirect.scatter.add.f32 [tilespmem:s19], [sflag:$0x5], $0x1, s28, s26, $0xb8;
	[tilespmem:$0x18670] =	vst v63  }
0x527: {  	_ =	swait.ge [sflag:s20], $0x200  }
0x528: {  	[sflag:s20] =	ssyncset.done $0x0  }
0x529: {  	s3 =	simm.s32 $0x0;
	[sflag:s20] =	ssyncadd.s32 $0xFFFFFE00  }
0x52a: {  	v8 =	vld [tilespmem:s3+$0x13BF0];
	_ =	sdelay $0x4  }
0x52b: {  	s4 =	simm.s32 $0x10;
	v6 =	vld [tilespmem:s3+$0x139F0];
	vm3 =	vge.f32 v8, $2.000000000e+00  }
0x52c: {  	v7 =	vld [tilespmem:s4+$0x13BF0];
	v10 =	vsel vm3, $0x3F800000, v0  }
0x52d: {  	v9 =	vadd.f32 v10, v10;
	_ =	sdelay $0x1  }
0x52e: {  	v9 =	vsub.f32 v8, v9  }
0x52f: {  	s5 =	simm.s32 $0x80;
	v8 =	vmul.f32 v10, v6  }
.LBB2_37:
0x530: {  	s6 =	sshra.s32 s5, $0x2;
	p2 =	sne.s32 s5, $0x7C0;
	s5 =	sadd.s32 $0x40, s5;
	vm3 =	vge.f32 v7, $2.000000000e+00;
	v9 =	vmul.f32 v9, v6;
	v6 =	vld [tilespmem:s4+$0x139F0];
	v10 =	vmov v7  }
.Ltmp19:
0x531: {  	v7 =	vld [tilespmem:s6+$0x13BF0];
	v11 =	vsel vm3, $0x3F800000, v0;
	[tilespmem:s3+$0x13FF0] =	vst v8;
	(pc) =	sbr.rel @p2 .LBB2_37-.Ltmp19, $3  }
0x532: {  	v8 =	vadd.f32 v11, v11;
	[tilespmem:s3+$0x13DF0] =	vst v9;
	s3 =	smov.u32 s4;
	s4 =	smov.u32 s6;
	_ =	sdelay $0x1  }
0x533: {  	v9 =	vsub.f32 v10, v8  }
0x534: {  	v8 =	vmul.f32 v11, v6  }
0x535: {  	v10 =	vld [tilespmem:s4+$0x139F0];
	vm3 =	vge.f32 v7, $2.000000000e+00  }
0x536: {  	v11 =	vsel vm3, $0x3F800000, v0  }
0x537: {  	v12 =	vadd.f32 v11, v11;
	_ =	sdelay $0x1  }
0x538: {  	v6 =	vmul.f32 v9, v6;
	v7 =	vsub.f32 v7, v12  }
0x539: {  	[tilespmem:s3+$0x13FF0] =	vst v8;
	v63 =	vmul.f32 v11, v10  }
0x53a: {  	[tilespmem:s3+$0x13DF0] =	vst v6;
	v6 =	vmul.f32 v7, v10  }
0x53b: {  	[tilespmem:s4+$0x13FF0] =	vst v63  }
0x53c: {  	s6 =	simm.s32 $0x5;
	[tilespmem:s4+$0x13DF0] =	vst v6  }
0x53d: {  	_ =	swait.ge [sflag:s6], $0x200  }
0x53e: {  	[sflag:s6] =	ssyncset.done $0x0  }
0x53f: {  	[sflag:s6] =	ssyncadd.s32 $0xFFFFFE00  }
0x540: {  	_ =	swait.ge [sflag:s6], $0x200  }
0x541: {  	[sflag:s6] =	ssyncset.done $0x0  }
0x542: {  	s18 =	simm.s32 $0x13DF0;
	[sflag:s6] =	ssyncadd.s32 $0xFFFFFE00  }
0x543: {  	[spmem:s17] =	stream.indirect.scatter.add.f32 [tilespmem:s18], [sflag:$0x6], $0x1, s31, s26, $0xb8;
	[tilespmem:$0x18670] =	vst v63  }
0x544: {  	s19 =	simm.s32 $0x13FF0;
	s20 =	simm.s32 $0x6;
	s2 =	sadd.s32 $0x1, s2  }
0x545: {  	[spmem:s22] =	stream.indirect.scatter.add.f32 [tilespmem:s19], [sflag:$0x6], $0x1, s31, s26, $0xb8;
	[tilespmem:$0x18670] =	vst v63  }
0x546: {  	p2 =	sne.s32 s2, $0x62;
	_ =	swait.ge [sflag:s20], $0x200  }
.Ltmp20:
0x547: {  	[sflag:s20] =	ssyncset.done $0x0;
	(pc) =	sbr.rel @p2 .LBB2_30-.Ltmp20, $4  }
0x548: {  	[sflag:s20] =	ssyncadd.s32 $0xFFFFFE00  }
0x549: {  	_ =	swait.ge [sflag:s20], $0x200  }
0x54a: {  	[sflag:s20] =	ssyncset.done $0x0  }
0x54b: {  	[sflag:s20] =	ssyncadd.s32 $0xFFFFFE00  }
0x54c: {  	[bflag:$0x0] =	sbarrier.arrive $0xFFFF;
	s3 =	simm.s32 $0x0;
	s5 =	simm.s32 $0xAFF0  }
0x54d: {  	s8 =	simm.s32 $0xC8F0;
	s18 =	simm.s32 $0xE1F0;
	s19 =	simm.s32 $0xFAF0  }
0x54e: {  	s23 =	simm.s32 $0xBC70;
	s24 =	simm.s32 $0xD570;
	s25 =	simm.s32 $0xEE70  }
0x54f: {  	s26 =	simm.s32 $0x10770;
	s13 =	simm.s32 $0x15570;
	s29 =	simm.s32 $0x16270  }
.LBB2_40:
0x550: {  	s1 =	smul.u32 $0x190, s3;
	s2 =	rddreg [dreg:$0x8]  }
0x551: {  	s10 =	sld [smem:$0x7A8]  }
0x552: {  	s6 =	sadd.s32 s2, s1  }
0x553: {  	s1 =	sshrl.u32 s6, $0x1  }
0x554: {  	s4 =	simm.s32 $0x168F0;
	s11 =	sld [smem:$0x7A9];
	s2 =	sadd.s32 s10, s1  }
0x555: {  	[tilespmem:s4], [sflag:$0x7] =	stream.linear.gather [hbm4b:s2+s7], $0x640, $0x38;
	[tilespmem:$0x18670] =	vst v63  }
0x556: {  	s4 =	sld [smem:$0x7AD]  }
0x557: {  	s20 =	simm.s32 $0x16F70;
	s2 =	sadd.s32 s11, s1  }
0x558: {  	[tilespmem:s20], [sflag:$0x7] =	stream.linear.gather [hbm4b:s2+s7], $0x640, $0x38;
	[tilespmem:$0x18670] =	vst v63  }
0x559: {  	s10 =	simm.s32 $0x175F0;
	s11 =	rddreg [dreg:$0x1f];
	s1 =	sadd.s32 s4, s1  }
0x55a: {  	[tilespmem:s10], [sflag:$0x7] =	stream.linear.gather [hbm4b:s1+s7], $0x640, $0x38;
	[tilespmem:$0x18670] =	vst v63  }
0x55b: {  	s4 =	sld [smem:$0x79E];
	s1 =	sshrl.u32 s6, $0x3  }
0x55c: {  	s20 =	simm.s32 $0x113F0;
	s2 =	sadd.s32 s11, s1;
	s11 =	sld [smem:$0x79F]  }
0x55d: {  	[tilespmem:s20], [sflag:$0x7] =	stream.linear.gather [hbm4b:s2+s7], $0x190, $0x38;
	[tilespmem:$0x18670] =	vst v63  }
0x55e: {  	s10 =	simm.s32 $0x115F0;
	s2 =	sadd.s32 s4, s1;
	s4 =	sld [smem:$0x7A0]  }
0x55f: {  	[tilespmem:s10], [sflag:$0x7] =	stream.linear.gather [hbm4b:s2+s7], $0x190, $0x38;
	[tilespmem:$0x18670] =	vst v63  }
0x560: {  	s20 =	simm.s32 $0x117F0;
	s2 =	sadd.s32 s11, s1;
	s11 =	sld [smem:$0x7A1]  }
0x561: {  	[tilespmem:s20], [sflag:$0x7] =	stream.linear.gather [hbm4b:s2+s7], $0x190, $0x38;
	[tilespmem:$0x18670] =	vst v63  }
0x562: {  	s10 =	simm.s32 $0x119F0;
	s2 =	sadd.s32 s4, s1;
	s4 =	sld [smem:$0x7A2]  }
0x563: {  	[tilespmem:s10], [sflag:$0x7] =	stream.linear.gather [hbm4b:s2+s7], $0x190, $0x38;
	[tilespmem:$0x18670] =	vst v63  }
0x564: {  	s20 =	simm.s32 $0x11BF0;
	s2 =	sadd.s32 s11, s1;
	s11 =	sld [smem:$0x7A3]  }
0x565: {  	[tilespmem:s20], [sflag:$0x7] =	stream.linear.gather [hbm4b:s2+s7], $0x190, $0x38;
	[tilespmem:$0x18670] =	vst v63  }
0x566: {  	s10 =	simm.s32 $0x11DF0;
	s2 =	sadd.s32 s4, s1;
	s4 =	sld [smem:$0x7A4]  }
0x567: {  	[tilespmem:s10], [sflag:$0x7] =	stream.linear.gather [hbm4b:s2+s7], $0x190, $0x38;
	[tilespmem:$0x18670] =	vst v63  }
0x568: {  	s20 =	simm.s32 $0x11FF0;
	s2 =	sadd.s32 s11, s1;
	s11 =	sld [smem:$0x7A7]  }
0x569: {  	[tilespmem:s20], [sflag:$0x7] =	stream.linear.gather [hbm4b:s2+s7], $0x190, $0x38;
	[tilespmem:$0x18670] =	vst v63  }
0x56a: {  	s10 =	simm.s32 $0x121F0;
	s2 =	sadd.s32 s4, s1;
	s4 =	sld [smem:$0x7AC]  }
0x56b: {  	[tilespmem:s10], [sflag:$0x7] =	stream.linear.gather [hbm4b:s2+s7], $0x190, $0x38;
	[tilespmem:$0x18670] =	vst v63  }
0x56c: {  	s20 =	simm.s32 $0x123F0;
	s2 =	sadd.s32 s11, s1;
	s10 =	sld [smem:$0x7A5]  }
0x56d: {  	[tilespmem:s20], [sflag:$0x7] =	stream.linear.gather [hbm4b:s2+s7], $0x190, $0x38;
	[tilespmem:$0x18670] =	vst v63  }
0x56e: {  	s20 =	sld [smem:$0x7A6]  }
0x56f: {  	s11 =	simm.s32 $0x125F0;
	s2 =	sadd.s32 s10, s1;
	s10 =	simm.s32 $0x127F0  }
0x570: {  	[tilespmem:s11], [sflag:$0x7] =	stream.linear.gather [hbm4b:s2+s7], $0x190, $0x38;
	[tilespmem:$0x18670] =	vst v63  }
0x571: {  	s2 =	sshll.u32 s6, $0x2;
	s11 =	rddreg [dreg:$0x13];
	s1 =	sadd.s32 s20, s1  }
0x572: {  	[tilespmem:s10], [sflag:$0x7] =	stream.linear.gather [hbm4b:s1+s7], $0x190, $0x38;
	[tilespmem:$0x18670] =	vst v63  }
0x573: {  	s20 =	sld [smem:$0x7AF];
	s1 =	sadd.s32 s11, s2  }
0x574: {  	s11 =	sld [smem:$0x7AE];
	s1 =	sshrl.u32 s1, $0x3  }
0x575: {  	s28 =	sadd.s32 s4, s1  }
0x576: {  	[tilespmem:s14], [sflag:$0x7] =	stream.linear.gather [hbm4b:s28+s7], $0x640, $0x38;
	[tilespmem:$0x18670] =	vst v63  }
0x577: {  	s10 =	sadd.s32 s11, s1;
	s1 =	sadd.s32 s20, s2  }
0x578: {  	s1 =	sshrl.u32 s1, $0x3  }
0x579: {  	[tilespmem:s15], [sflag:$0x7] =	stream.linear.gather [hbm4b:s10+s7], $0x640, $0x38;
	[tilespmem:$0x18670] =	vst v63  }
0x57a: {  	p2 =	sgt.u32 s6, $0xC34F;
	s20 =	sadd.s32 s4, s1  }
0x57b: {  	[tilespmem:s13], [sflag:$0x7] =	stream.linear.gather [hbm4b:s20+s7], $0x640, $0x38;
	[tilespmem:$0x18670] =	vst v63  }
0x57c: {  	s4 =	sadd.s32 s11, s1;
	s1 =	sadd.s32 @!p2 s6, s30  }
0x57d: {  	[tilespmem:s29], [sflag:$0x7] =	stream.linear.gather [hbm4b:s4+s7], $0x640, $0x38;
	[tilespmem:$0x18670] =	vst v63  }
0x57e: {  	s11 =	simm.s32 @!p2 $0x17C70;
	s1 =	sadd.s32 @!p2 $0x3D090, s1  }
0x57f: {  	[tilespmem:s11], [sflag:$0x8] =	stream.linear.gather @!p2 [spmem:s1], $0x190, $0x38;
	[tilespmem:$0x18670] =	vst v63  }
0x580: {  	s1 =	simm.s32 @!p2 $0x8  }
0x581: {  	_ =	swait.ge @!p2 [sflag:s1], $0x190  }
0x582: {  	[sflag:s1] =	ssyncset.done @!p2 $0x0  }
0x583: {  	s13 =	simm.s32 @!p2 $0x141F0;
	s11 =	sadd.s32 @!p2 s2, s17;
	[sflag:s1] =	ssyncadd.s32 @!p2 $0xFFFFFE70  }
0x584: {  	[tilespmem:s13], [sflag:$0x8] =	stream.linear.gather @!p2 [spmem:s11], $0x640, $0x38;
	[tilespmem:$0x18670] =	vst v63  }
0x585: {  	_ =	swait.ge @!p2 [sflag:s1], $0x640  }
0x586: {  	[sflag:s1] =	ssyncset.done @!p2 $0x0  }
0x587: {  	s2 =	sadd.s32 @!p2 s2, s22;
	s11 =	simm.s32 @!p2 $0x14870;
	[sflag:s1] =	ssyncadd.s32 @!p2 $0xFFFFF9C0  }
0x588: {  	[tilespmem:s11], [sflag:$0x8] =	stream.linear.gather @!p2 [spmem:s2], $0x640, $0x38;
	[tilespmem:$0x18670] =	vst v63  }
0x589: {  	_ =	swait.ge @!p2 [sflag:s1], $0x640  }
0x58a: {  	[sflag:s1] =	ssyncset.done @!p2 $0x0  }
0x58b: {  	[sflag:s1] =	ssyncadd.s32 @!p2 $0xFFFFF9C0  }
0x58c: {  	_ =	swait.ge [sflag:s12], $0x640  }
0x58d: {  	[sflag:s12] =	ssyncset.done $0x0  }
0x58e: {  	[sflag:s12] =	ssyncadd.s32 $0xFFFFF9C0  }
0x58f: {  	_ =	swait.ge [sflag:s12], $0x640  }
0x590: {  	[sflag:s12] =	ssyncset.done $0x0  }
0x591: {  	[sflag:s12] =	ssyncadd.s32 $0xFFFFF9C0  }
0x592: {  	_ =	swait.ge [sflag:s12], $0x640  }
0x593: {  	[sflag:s12] =	ssyncset.done $0x0  }
0x594: {  	[sflag:s12] =	ssyncadd.s32 $0xFFFFF9C0  }
0x595: {  	_ =	swait.ge [sflag:s12], $0x190  }
0x596: {  	[sflag:s12] =	ssyncset.done $0x0  }
0x597: {  	[sflag:s12] =	ssyncadd.s32 $0xFFFFFE70  }
0x598: {  	_ =	swait.ge [sflag:s12], $0x190  }
0x599: {  	[sflag:s12] =	ssyncset.done $0x0  }
0x59a: {  	[sflag:s12] =	ssyncadd.s32 $0xFFFFFE70  }
0x59b: {  	_ =	swait.ge [sflag:s12], $0x190  }
0x59c: {  	[sflag:s12] =	ssyncset.done $0x0  }
0x59d: {  	[sflag:s12] =	ssyncadd.s32 $0xFFFFFE70  }
0x59e: {  	_ =	swait.ge [sflag:s12], $0x190  }
0x59f: {  	[sflag:s12] =	ssyncset.done $0x0  }
0x5a0: {  	[sflag:s12] =	ssyncadd.s32 $0xFFFFFE70  }
0x5a1: {  	_ =	swait.ge [sflag:s12], $0x190  }
0x5a2: {  	[sflag:s12] =	ssyncset.done $0x0  }
0x5a3: {  	[sflag:s12] =	ssyncadd.s32 $0xFFFFFE70  }
0x5a4: {  	_ =	swait.ge [sflag:s12], $0x190  }
0x5a5: {  	[sflag:s12] =	ssyncset.done $0x0  }
0x5a6: {  	[sflag:s12] =	ssyncadd.s32 $0xFFFFFE70  }
0x5a7: {  	_ =	swait.ge [sflag:s12], $0x190  }
0x5a8: {  	[sflag:s12] =	ssyncset.done $0x0  }
0x5a9: {  	[sflag:s12] =	ssyncadd.s32 $0xFFFFFE70  }
0x5aa: {  	_ =	swait.ge [sflag:s12], $0x190  }
0x5ab: {  	[sflag:s12] =	ssyncset.done $0x0  }
0x5ac: {  	[sflag:s12] =	ssyncadd.s32 $0xFFFFFE70  }
0x5ad: {  	_ =	swait.ge [sflag:s12], $0x190  }
0x5ae: {  	[sflag:s12] =	ssyncset.done $0x0  }
0x5af: {  	[sflag:s12] =	ssyncadd.s32 $0xFFFFFE70  }
0x5b0: {  	_ =	swait.ge [sflag:s12], $0x190  }
0x5b1: {  	[sflag:s12] =	ssyncset.done $0x0  }
0x5b2: {  	[sflag:s12] =	ssyncadd.s32 $0xFFFFFE70  }
0x5b3: {  	_ =	swait.ge [sflag:s12], $0x190  }
0x5b4: {  	[sflag:s12] =	ssyncset.done $0x0  }
0x5b5: {  	[sflag:s12] =	ssyncadd.s32 $0xFFFFFE70  }
0x5b6: {  	_ =	swait.ge [sflag:s12], $0x640  }
0x5b7: {  	[sflag:s12] =	ssyncset.done $0x0  }
0x5b8: {  	[sflag:s12] =	ssyncadd.s32 $0xFFFFF9C0  }
0x5b9: {  	_ =	swait.ge [sflag:s12], $0x640  }
0x5ba: {  	[sflag:s12] =	ssyncset.done $0x0  }
0x5bb: {  	[sflag:s12] =	ssyncadd.s32 $0xFFFFF9C0  }
0x5bc: {  	_ =	swait.ge [sflag:s12], $0x640  }
0x5bd: {  	s31 =	simm.s32 $0x0;
	s14 =	simm.s32 $0x15C10;
	[sflag:s12] =	ssyncset.done $0x0  }
0x5be: {  	s30 =	simm.s32 $0x16910;
	s29 =	simm.s32 $0x16F90;
	[sflag:s12] =	ssyncadd.s32 $0xFFFFF9C0  }
0x5bf: {  	s22 =	simm.s32 $0x14F10;
	s17 =	simm.s32 $0x17610;
	_ =	swait.ge [sflag:s12], $0x640  }
0x5c0: {  	v6 =	vmov s5;
	s13 =	simm.s32 $0x17610;
	s11 =	simm.s32 $0x14210;
	[sflag:s12] =	ssyncset.done $0x0  }
0x5c1: {  	v7 =	vmov s8;
	v8 =	vmov s18;
	v9 =	vmov s19;
	s2 =	simm.s32 $0x16F90;
	s1 =	simm.s32 $0x16910;
	[sflag:s12] =	ssyncadd.s32 $0xFFFFF9C0  }
.LBB2_41:
0x5c2: {  	v10 =	vld [tilespmem:s22+$0xFFFFFFE0]  }
0x5c3: {  	v11 =	vld [tilespmem:s11+$0xFFFFFFE0]  }
0x5c4: {  	v12 =	vld [tilespmem:s30+$0xFFFFFFE0]  }
0x5c5: {  	v13 =	vld [tilespmem:s29+$0xFFFFFFE0]  }
0x5c6: {  	v14 =	vld [tilespmem:s17+$0xFFFFFFE0]  }
0x5c7: {  	v15 =	vld [tilespmem:s14+$0xFFFFFFE0];
	_ =	sdelay $0x1  }
0x5c8: {  	v11 =	vadd.f32 v12, v11;
	_ =	sdelay $0x1  }
0x5c9: {  	v10 =	vmul.f32 v13, v10;
	v11 =	vmul.f32 v14, v11  }
0x5ca: {  	v23 =	vmul.f32 v13, v15  }
0x5cb: {  	v11 =	vadd.f32 v11, v10  }
0x5cc: {  	v10 =	vadd.f32 v10, v23  }
0x5cd: {  	[tilespmem:s22+$0xFFFFFFE0] =	vst v11  }
0x5ce: {  	[tilespmem:s14+$0xFFFFFFE0] =	vst v10  }
0x5cf: {  	v10 =	vld [tilespmem:s22+$0xFFFFFFF0]  }
0x5d0: {  	v11 =	vld [tilespmem:s11+$0xFFFFFFF0]  }
0x5d1: {  	v24 =	vld [tilespmem:s30+$0xFFFFFFF0]  }
0x5d2: {  	v25 =	vld [tilespmem:s29+$0xFFFFFFF0]  }
0x5d3: {  	v26 =	vld [tilespmem:s17+$0xFFFFFFF0]  }
0x5d4: {  	v27 =	vld [tilespmem:s14+$0xFFFFFFF0];
	_ =	sdelay $0x1  }
0x5d5: {  	v11 =	vadd.f32 v24, v11;
	_ =	sdelay $0x1  }
0x5d6: {  	v10 =	vmul.f32 v25, v10;
	v11 =	vmul.f32 v26, v11  }
0x5d7: {  	v28 =	vmul.f32 v25, v27  }
0x5d8: {  	v11 =	vadd.f32 v11, v10  }
0x5d9: {  	v10 =	vadd.f32 v10, v28  }
0x5da: {  	[tilespmem:s22+$0xFFFFFFF0] =	vst v11  }
0x5db: {  	[tilespmem:s14+$0xFFFFFFF0] =	vst v10  }
0x5dc: {  	v10 =	vld [tilespmem:s22+$0x0]  }
0x5dd: {  	v11 =	vld [tilespmem:s11+$0x0]  }
0x5de: {  	v29 =	vld [tilespmem:s30+$0x0]  }
0x5df: {  	v30 =	vld [tilespmem:s29+$0x0]  }
0x5e0: {  	v31 =	vld [tilespmem:s17+$0x0]  }
0x5e1: {  	v32 =	vld [tilespmem:s14+$0x0];
	_ =	sdelay $0x1  }
0x5e2: {  	v11 =	vadd.f32 v29, v11;
	_ =	sdelay $0x1  }
0x5e3: {  	v10 =	vmul.f32 v30, v10;
	v11 =	vmul.f32 v31, v11  }
0x5e4: {  	v33 =	vmul.f32 v30, v32  }
0x5e5: {  	v11 =	vadd.f32 v11, v10  }
0x5e6: {  	v10 =	vadd.f32 v10, v33  }
0x5e7: {  	[tilespmem:s22+$0x0] =	vst v11  }
0x5e8: {  	[tilespmem:s14+$0x0] =	vst v10  }
0x5e9: {  	v10 =	vld [tilespmem:s22+$0x10]  }
0x5ea: {  	v11 =	vld [tilespmem:s11+$0x10]  }
0x5eb: {  	v34 =	vld [tilespmem:s30+$0x10]  }
0x5ec: {  	v35 =	vld [tilespmem:s29+$0x10]  }
0x5ed: {  	v36 =	vld [tilespmem:s17+$0x10];
	_ =	sdelay $0x2  }
0x5ee: {  	v11 =	vadd.f32 v34, v11;
	_ =	sdelay $0x1  }
0x5ef: {  	v37 =	vld [tilespmem:s14+$0x10];
	v10 =	vmul.f32 v35, v10;
	v11 =	vmul.f32 v36, v11;
	_ =	sdelay $0x1  }
0x5f0: {  	v11 =	vadd.f32 v11, v10;
	_ =	sdelay $0x1  }
0x5f1: {  	[tilespmem:s22+$0x10] =	vst v11  }
0x5f2: {  	v38 =	vmul.f32 v35, v37;
	v11 =	vld [tilespmem:s14+$0x0];
	_ =	sdelay $0x1  }
0x5f3: {  	v10 =	vadd.f32 v10, v38;
	v39 =	vld [tilespmem:s14+$0xFFFFFFF0]  }
0x5f4: {  	v40 =	vld [tilespmem:s14+$0xFFFFFFE0]  }
0x5f5: {  	s15 =	sshra.s32 s31, $0x2;
	v42 =	vperm.xlane v10, v1;
	[tilespmem:s14+$0x10] =	vst v10  }
0x5f6: {  	v17 =	vld [tilespmem:s15+$0x17C70];
	v41 =	vperm.xlane v11, v1  }
0x5f7: {  	v10 =	vadd.f32 v42, v10  }
0x5f8: {  	v43 =	vld.idx.msk [tilespmem:v8+s15+$0x0 ss:$0x1], $0xffff;
	v16 =	vperm.xlane v39, v1;
	v11 =	vadd.f32 v41, v11  }
0x5f9: {  	v45 =	vld.idx.msk [tilespmem:v9+s15+$0x0 ss:$0x1], $0xffff;
	v19 =	vperm.xlane v10, v2;
	v44 =	vperm.xlane v40, v1  }
0x5fa: {  	v21 =	vld [tilespmem:s15+$0x121F0];
	v12 =	vadd.f32 v16, v39;
	v18 =	vperm.xlane v11, v2  }
0x5fb: {  	v20 =	vld [tilespmem:s15+$0x11DF0];
	v10 =	vadd.f32 v19, v10;
	vm3 =	vge.f32 v17, $2.000000000e+00;
	v13 =	vadd.f32 v44, v40  }
0x5fc: {  	v47 =	vld [tilespmem:s15+$0x11FF0];
	v49 =	vsel vm3, $0x40000000, v0;
	v46 =	vperm.xlane v12, v2;
	v11 =	vadd.f32 v18, v11  }
0x5fd: {  	v22 =	vld [tilespmem:s15+$0x123F0];
	v15 =	vsub.f32 v17, v49;
	v48 =	vperm.xlane v13, v2  }
0x5fe: {  	v10 =	vperm.xlane v10, v3;
	v12 =	vadd.f32 v46, v12;
	v11 =	vperm.xlane v11, v3  }
0x5ff: {  	v50 =	vld [tilespmem:s15+$0x113F0];
	v52 =	vmul.f32 v21, v15;
	v13 =	vadd.f32 v48, v13  }
0x600: {  	v51 =	vld [tilespmem:s15+$0x115F0];
	v12 =	vperm.xlane v12, v3;
	v10 =	vsel vm0, v10, v11;
	v11 =	vmul.f32 v20, v43  }
0x601: {  	v53 =	vld [tilespmem:s15+$0x119F0];
	v16 =	vmul.f32 v47, v45;
	v13 =	vperm.xlane v13, v3  }
0x602: {  	v54 =	vld.idx.msk [tilespmem:v6+s15+$0x0 ss:$0x1], $0xffff;
	v55 =	vmul.f32 v22, v15;
	v10 =	vsel vm1, v10, v12;
	v11 =	vadd.f32 v52, v11  }
0x603: {  	v56 =	vld [tilespmem:s15+$0x125F0];
	v10 =	vsel vm2, v13, v10  }
0x604: {  	v57 =	vld [tilespmem:s15+$0x127F0];
	v16 =	vadd.f32 v55, v16;
	v10 =	vadd.f32 v11, v10  }
0x605: {  	v58 =	vld [tilespmem:s15+$0x117F0]  }
0x606: {  	v14 =	vsub.f32 v50, v51;
	v12 =	vmul.f32 v53, v51;
	v10 =	vadd.f32 v16, v10;
	_ =	sdelay $0x1  }
0x607: {  	(erf) = vrcp.f32 v14;
	v10 =	vadd.f32 v10, v12  }
0x608: {  	v59 =	vld [tilespmem:s15+$0x11BF0]  }
0x609: {  	v60 =	vsub.f32 v58, v50;
	v13 =	vmul.f32 v56, v54;
	v10 =	vmul.f32 v10, v57  }
0x60a: {  	v61 =	vld.idx.msk [tilespmem:v7+s15+$0x0 ss:$0x1], $0xffff  }
0x60b: {  	v62 =	vmul.f32 v60, v15;
	v10 =	vadd.f32 v10, v13;
	_ =	sdelay $0x1  }
0x60c: {  	v12 =	vmul.f32 v59, v15;
	v10 =	vadd.f32 v62, v10;
	_ =	sdelay $0x1  }
0x60d: {  	v12 =	vadd.f32 v12, v61;
	v13 =	vsub.f32 v10, v50  }
0x60e: {  	v63 =	vpop (erf)  }
0x60f: {  	v12 =	vadd.f32 $-1.000000000e+00, v12;
	v13 =	vmul.f32 v13, v63  }
0x610: {  	p2 =	sne.s32 s31, $0x600  }
.Ltmp21:
0x611: {  	v12 =	vmax.f32 v12, $0.0e+00;
	[tilespmem:v6+s15+$0x0 ss:$0x1] =	vst.idx.msk $0xffff, v10;
	vm3 =	vgt.f32 v13, $0.0e+00;
	(pc) =	sbr.rel @p2 .LBB2_41-.Ltmp21, $4  }
0x612: {  	vm4 =	vgt.f32 v12, $0.0e+00;
	[tilespmem:v7+s15+$0x0 ss:$0x1] =	vst.idx.msk $0xffff, v12;
	vm3 =	vmneg vm3  }
0x613: {  	s31 =	sadd.s32 $0x40, s31;
	[tilespmem:v8+s15+$0x0 ss:$0x1] =	vst.idx.msk $0xffff, v11;
	vm3 =	vmor vm4, vm3  }
0x614: {  	s17 =	sadd.s32 $0x40, s17;
	s30 =	sadd.s32 $0x40, s30;
	s11 =	sadd.s32 $0x40, s11;
	[tilespmem:v9+s15+$0x0 ss:$0x1] =	vst.idx.msk $0xffff, v16;
	v10 =	vsel vm3, $0x0, v4  }
0x615: {  	s29 =	sadd.s32 $0x40, s29;
	s22 =	sadd.s32 $0x40, s22;
	s14 =	sadd.s32 $0x40, s14;
	[tilespmem:s15+$0x17E70] =	vst v10  }
0x616: {  	s11 =	simm.s32 $0x0;
	v6 =	vmov s23  }
0x617: {  	s14 =	simm.s32 $0x14890;
	s22 =	simm.s32 $0x16290;
	s29 =	simm.s32 $0x15590;
	v7 =	vmov s24;
	v8 =	vmov s25;
	v9 =	vmov s26  }
.LBB2_43:
0x618: {  	v10 =	vld [tilespmem:s29+$0xFFFFFFE0]  }
0x619: {  	v11 =	vld [tilespmem:s14+$0xFFFFFFE0]  }
0x61a: {  	v12 =	vld [tilespmem:s1+$0xFFFFFFE0]  }
0x61b: {  	v13 =	vld [tilespmem:s2+$0xFFFFFFE0]  }
0x61c: {  	v14 =	vld [tilespmem:s13+$0xFFFFFFE0]  }
0x61d: {  	v15 =	vld [tilespmem:s22+$0xFFFFFFE0];
	_ =	sdelay $0x1  }
0x61e: {  	v11 =	vadd.f32 v12, v11;
	_ =	sdelay $0x1  }
0x61f: {  	v10 =	vmul.f32 v13, v10;
	v11 =	vmul.f32 v14, v11  }
0x620: {  	v24 =	vmul.f32 v13, v15  }
0x621: {  	v11 =	vadd.f32 v11, v10  }
0x622: {  	v10 =	vadd.f32 v10, v24  }
0x623: {  	[tilespmem:s29+$0xFFFFFFE0] =	vst v11  }
0x624: {  	[tilespmem:s22+$0xFFFFFFE0] =	vst v10  }
0x625: {  	v10 =	vld [tilespmem:s29+$0xFFFFFFF0]  }
0x626: {  	v11 =	vld [tilespmem:s14+$0xFFFFFFF0]  }
0x627: {  	v25 =	vld [tilespmem:s1+$0xFFFFFFF0]  }
0x628: {  	v26 =	vld [tilespmem:s2+$0xFFFFFFF0]  }
0x629: {  	v27 =	vld [tilespmem:s13+$0xFFFFFFF0]  }
0x62a: {  	v28 =	vld [tilespmem:s22+$0xFFFFFFF0];
	_ =	sdelay $0x1  }
0x62b: {  	v11 =	vadd.f32 v25, v11;
	_ =	sdelay $0x1  }
0x62c: {  	v10 =	vmul.f32 v26, v10;
	v11 =	vmul.f32 v27, v11  }
0x62d: {  	v29 =	vmul.f32 v26, v28  }
0x62e: {  	v11 =	vadd.f32 v11, v10  }
0x62f: {  	v10 =	vadd.f32 v10, v29  }
0x630: {  	[tilespmem:s29+$0xFFFFFFF0] =	vst v11  }
0x631: {  	[tilespmem:s22+$0xFFFFFFF0] =	vst v10  }
0x632: {  	v10 =	vld [tilespmem:s29+$0x0]  }
0x633: {  	v11 =	vld [tilespmem:s14+$0x0]  }
0x634: {  	v30 =	vld [tilespmem:s1+$0x0]  }
0x635: {  	v31 =	vld [tilespmem:s2+$0x0]  }
0x636: {  	v32 =	vld [tilespmem:s13+$0x0]  }
0x637: {  	v33 =	vld [tilespmem:s22+$0x0];
	_ =	sdelay $0x1  }
0x638: {  	v11 =	vadd.f32 v30, v11;
	_ =	sdelay $0x1  }
0x639: {  	v10 =	vmul.f32 v31, v10;
	v11 =	vmul.f32 v32, v11  }
0x63a: {  	v34 =	vmul.f32 v31, v33  }
0x63b: {  	v11 =	vadd.f32 v11, v10  }
0x63c: {  	v10 =	vadd.f32 v10, v34  }
0x63d: {  	[tilespmem:s29+$0x0] =	vst v11  }
0x63e: {  	[tilespmem:s22+$0x0] =	vst v10  }
0x63f: {  	v10 =	vld [tilespmem:s29+$0x10]  }
0x640: {  	v11 =	vld [tilespmem:s14+$0x10]  }
0x641: {  	v35 =	vld [tilespmem:s1+$0x10]  }
0x642: {  	v36 =	vld [tilespmem:s2+$0x10]  }
0x643: {  	v37 =	vld [tilespmem:s13+$0x10];
	_ =	sdelay $0x2  }
0x644: {  	v11 =	vadd.f32 v35, v11;
	_ =	sdelay $0x1  }
0x645: {  	v38 =	vld [tilespmem:s22+$0x10];
	v10 =	vmul.f32 v36, v10;
	v11 =	vmul.f32 v37, v11;
	_ =	sdelay $0x1  }
0x646: {  	v11 =	vadd.f32 v11, v10;
	_ =	sdelay $0x1  }
0x647: {  	[tilespmem:s29+$0x10] =	vst v11  }
0x648: {  	v39 =	vmul.f32 v36, v38;
	v11 =	vld [tilespmem:s22+$0x0];
	_ =	sdelay $0x1  }
0x649: {  	v10 =	vadd.f32 v10, v39;
	v40 =	vld [tilespmem:s22+$0xFFFFFFF0]  }
0x64a: {  	v41 =	vld [tilespmem:s22+$0xFFFFFFE0]  }
0x64b: {  	v43 =	vperm.xlane v10, v1  }
0x64c: {  	s15 =	sshra.s32 s11, $0x2;
	[tilespmem:s22+$0x10] =	vst v10;
	v42 =	vperm.xlane v11, v1  }
0x64d: {  	v17 =	vld [tilespmem:s15+$0x17C70];
	v10 =	vadd.f32 v43, v10  }
0x64e: {  	v44 =	vld.idx.msk [tilespmem:v8+s15+$0x0 ss:$0x1], $0xffff;
	v16 =	vperm.xlane v40, v1;
	v11 =	vadd.f32 v42, v11  }
0x64f: {  	v46 =	vld.idx.msk [tilespmem:v9+s15+$0x0 ss:$0x1], $0xffff;
	v19 =	vperm.xlane v10, v2;
	v45 =	vperm.xlane v41, v1  }
0x650: {  	v21 =	vld [tilespmem:s15+$0x121F0];
	v12 =	vadd.f32 v16, v40;
	v18 =	vperm.xlane v11, v2  }
0x651: {  	v20 =	vld [tilespmem:s15+$0x11DF0];
	v10 =	vadd.f32 v19, v10;
	v13 =	vadd.f32 v45, v41  }
0x652: {  	v48 =	vld [tilespmem:s15+$0x11FF0];
	v47 =	vperm.xlane v12, v2;
	v11 =	vadd.f32 v18, v11  }
0x653: {  	v50 =	vld [tilespmem:s15+$0x123F0];
	vm3 =	vge.f32 v17, $2.000000000e+00;
	v10 =	vperm.xlane v10, v3;
	v49 =	vperm.xlane v13, v2  }
0x654: {  	v17 =	vsel vm3, $0x3F800000, v0;
	v12 =	vadd.f32 v47, v12;
	v11 =	vperm.xlane v11, v3  }
0x655: {  	v51 =	vld [tilespmem:s15+$0x113F0];
	v53 =	vmul.f32 v21, v17;
	v13 =	vadd.f32 v49, v13  }
0x656: {  	v52 =	vld [tilespmem:s15+$0x115F0];
	v12 =	vperm.xlane v12, v3;
	v10 =	vsel vm0, v10, v11;
	v11 =	vmul.f32 v20, v44  }
0x657: {  	v54 =	vld [tilespmem:s15+$0x119F0];
	v16 =	vmul.f32 v48, v46;
	v13 =	vperm.xlane v13, v3  }
0x658: {  	v55 =	vld.idx.msk [tilespmem:v6+s15+$0x0 ss:$0x1], $0xffff;
	v15 =	vmul.f32 v50, v17;
	v10 =	vsel vm1, v10, v12;
	v11 =	vadd.f32 v53, v11  }
0x659: {  	v56 =	vld [tilespmem:s15+$0x125F0];
	v10 =	vsel vm2, v13, v10  }
0x65a: {  	v57 =	vld [tilespmem:s15+$0x127F0];
	v15 =	vadd.f32 v15, v16;
	v10 =	vadd.f32 v11, v10  }
0x65b: {  	v58 =	vld [tilespmem:s15+$0x117F0]  }
0x65c: {  	v14 =	vsub.f32 v51, v52;
	v12 =	vmul.f32 v54, v52;
	v10 =	vadd.f32 v15, v10;
	_ =	sdelay $0x1  }
0x65d: {  	(erf) = vrcp.f32 v14;
	v10 =	vadd.f32 v10, v12  }
0x65e: {  	v59 =	vld [tilespmem:s15+$0x11BF0]  }
0x65f: {  	v60 =	vsub.f32 v58, v51;
	v13 =	vmul.f32 v56, v55;
	v10 =	vmul.f32 v10, v57  }
0x660: {  	v61 =	vld.idx.msk [tilespmem:v7+s15+$0x0 ss:$0x1], $0xffff  }
0x661: {  	v62 =	vmul.f32 v60, v17;
	v10 =	vadd.f32 v10, v13;
	_ =	sdelay $0x1  }
0x662: {  	v12 =	vmul.f32 v59, v17;
	v10 =	vadd.f32 v62, v10;
	_ =	sdelay $0x1  }
0x663: {  	v12 =	vadd.f32 v12, v61;
	v13 =	vsub.f32 v10, v51  }
0x664: {  	v63 =	vpop (erf)  }
0x665: {  	v12 =	vadd.f32 $-1.000000000e+00, v12;
	v13 =	vmul.f32 v13, v63  }
0x666: {  	p2 =	sne.s32 s11, $0x600  }
.Ltmp22:
0x667: {  	v12 =	vmax.f32 v12, $0.0e+00;
	[tilespmem:v6+s15+$0x0 ss:$0x1] =	vst.idx.msk $0xffff, v10;
	vm3 =	vgt.f32 v13, $0.0e+00;
	(pc) =	sbr.rel @p2 .LBB2_43-.Ltmp22, $4  }
0x668: {  	vm4 =	vgt.f32 v12, $0.0e+00;
	[tilespmem:v7+s15+$0x0 ss:$0x1] =	vst.idx.msk $0xffff, v12;
	vm3 =	vmneg vm3  }
0x669: {  	s11 =	sadd.s32 $0x40, s11;
	[tilespmem:v8+s15+$0x0 ss:$0x1] =	vst.idx.msk $0xffff, v11;
	vm3 =	vmor vm4, vm3  }
0x66a: {  	s13 =	sadd.s32 $0x40, s13;
	s1 =	sadd.s32 $0x40, s1;
	s14 =	sadd.s32 $0x40, s14;
	[tilespmem:v9+s15+$0x0 ss:$0x1] =	vst.idx.msk $0xffff, v15;
	v10 =	vsel vm3, $0x0, v4  }
0x66b: {  	s2 =	sadd.s32 $0x40, s2;
	s29 =	sadd.s32 $0x40, s29;
	s22 =	sadd.s32 $0x40, s22;
	[tilespmem:s15+$0x18070] =	vst v10  }
0x66c: {  	s14 =	simm.s32 $0x14EF0  }
0x66d: {  	[hbm4b:s28+s7] =	stream.linear.scatter [tilespmem:s14], [sflag:$0x8], $0x640, $0x38;
	[tilespmem:$0x18670] =	vst v63  }
0x66e: {  	_ =	swait.ge [sflag:s9], $0x640  }
0x66f: {  	[sflag:s9] =	ssyncset.done $0x0  }
0x670: {  	s15 =	simm.s32 $0x15BF0;
	[sflag:s9] =	ssyncadd.s32 $0xFFFFF9C0  }
0x671: {  	[hbm4b:s10+s7] =	stream.linear.scatter [tilespmem:s15], [sflag:$0x8], $0x640, $0x38;
	[tilespmem:$0x18670] =	vst v63  }
0x672: {  	_ =	swait.ge [sflag:s9], $0x640  }
0x673: {  	s1 =	sld [smem:$0x7B8];
	_ =	sdelay $0x1  }
0x674: {  	s2 =	sld [smem:$0x7AB]  }
0x675: {  	s1 =	sadd.s32 s1, s6  }
0x676: {  	[sflag:s9] =	ssyncset.done $0x0;
	s1 =	sshrl.u32 s1, $0x3  }
0x677: {  	s22 =	simm.s32 $0x17E70;
	[sflag:s9] =	ssyncadd.s32 $0xFFFFF9C0;
	s1 =	sadd.s32 s2, s1  }
0x678: {  	[hbm4b:s1+s7] =	stream.linear.scatter [tilespmem:s22], [sflag:$0x8], $0x190, $0x38;
	[tilespmem:$0x18670] =	vst v63  }
0x679: {  	_ =	swait.ge [sflag:s9], $0x190  }
0x67a: {  	[sflag:s9] =	ssyncset.done $0x0  }
0x67b: {  	s13 =	simm.s32 $0x15570;
	[sflag:s9] =	ssyncadd.s32 $0xFFFFFE70  }
0x67c: {  	[hbm4b:s20+s7] =	stream.linear.scatter [tilespmem:s13], [sflag:$0x8], $0x640, $0x38;
	[tilespmem:$0x18670] =	vst v63  }
0x67d: {  	_ =	swait.ge [sflag:s9], $0x640  }
0x67e: {  	[sflag:s9] =	ssyncset.done $0x0  }
0x67f: {  	s29 =	simm.s32 $0x16270;
	[sflag:s9] =	ssyncadd.s32 $0xFFFFF9C0  }
0x680: {  	[hbm4b:s4+s7] =	stream.linear.scatter [tilespmem:s29], [sflag:$0x8], $0x640, $0x38;
	[tilespmem:$0x18670] =	vst v63  }
0x681: {  	_ =	swait.ge [sflag:s9], $0x640  }
0x682: {  	s28 =	sld [smem:$0x7B9];
	_ =	sdelay $0x2  }
0x683: {  	s1 =	sadd.s32 s6, s28  }
0x684: {  	s31 =	simm.s32 $0x18070;
	[sflag:s9] =	ssyncset.done $0x0;
	s1 =	sshrl.u32 s1, $0x3  }
0x685: {  	s3 =	sadd.s32 $0x1, s3;
	[sflag:s9] =	ssyncadd.s32 $0xFFFFF9C0;
	s1 =	sadd.s32 s2, s1  }
0x686: {  	[hbm4b:s1+s7] =	stream.linear.scatter [tilespmem:s31], [sflag:$0x8], $0x190, $0x38;
	[tilespmem:$0x18670] =	vst v63  }
0x687: {  	p2 =	sne.s32 s3, $0x8;
	_ =	swait.ge [sflag:s9], $0x190  }
.Ltmp23:
0x688: {  	[sflag:s9] =	ssyncset.done $0x0;
	(pc) =	sbr.rel @p2 .LBB2_40-.Ltmp23, $4  }
0x689: {  	s5 =	sadd.s32 $0x190, s5;
	s8 =	sadd.s32 $0x190, s8;
	[sflag:s9] =	ssyncadd.s32 $0xFFFFFE70  }
0x68a: {  	s18 =	sadd.s32 $0x190, s18;
	s19 =	sadd.s32 $0x190, s19;
	s17 =	rddreg [dreg:$0x2]  }
0x68b: {  	s23 =	sadd.s32 $0x190, s23;
	s24 =	sadd.s32 $0x190, s24;
	s22 =	rddreg [dreg:$0x3]  }
0x68c: {  	s25 =	sadd.s32 $0x190, s25;
	s26 =	sadd.s32 $0x190, s26;
	s30 =	rddreg [dreg:$0x4]  }
0x68d: {  	s2 =	sld [smem:$0x79C]  }
0x68e: {  	s1 =	sld [smem:$0x7B0];
	[bflag:$0x0] =	sbarrier.arrive $0xFFFF  }
0x68f: {  	s18 =	rddreg [dreg:$0x5]  }
0x690: {  	s13 =	rddreg [dreg:$0x17]  }
0x691: {  	s15 =	rddreg [dreg:$0x18]  }
0x692: {  	s20 =	rddreg [dreg:$0x19]  }
0x693: {  	s23 =	rddreg [dreg:$0x1a];
	s2 =	sadd.s32 $0x1, s2  }
0x694: {  	s24 =	rddreg [dreg:$0x1b];
	p2 =	sne.s32 s2, s1  }
.Ltmp24:
0x695: {  	s25 =	rddreg [dreg:$0x1c];
	(pc) =	sbr.rel @p2 .LBB2_1-.Ltmp24, $4  }
0x696: {  	s14 =	sld [smem:$0x7FA]  }
0x697: {  	s10 =	simm.s32 $0x129F0;
	s8 =	sld [smem:$0x7FB]  }
0x698: {  	s11 =	simm.s32 $0x12BF0;
	s28 =	simm.s32 $0x12DF0;
	s19 =	sld [smem:$0x7FC]  }
0x699: {  	s29 =	simm.s32 $0x135F0;
	s31 =	simm.s32 $0x137F0;
	s26 =	sld [smem:$0x7FD]  }
0x69a: {  	_ =	sfence.sel $0x180000  }
0x69b: {  	[bflag:$0x0] =	sbarrier.arrive $0xFFFF  }
0x69c: {  	_ =	strace $0x90000047  }
0x69d: {  	s0 =	stileid.u32;
	[bflag:$0x2] =	sbarrier.arrive $0xFFFF  }
0x69e: {  	p0 =	sne.s32 s0, $0x0;
	s0 =	rddreg [dreg:$0x7]  }
0x69f: {  	s0 =	sadd.s32 @!p0 $0x100000, s0  }
0x6a0: {  	[sflag:s0] =	ssyncadd.tile.s32 @!p0 $0x1;
	_ =	shalt  }
.Lfunc_end2:
_tile_overlayer_lowered:
.L_overlay_start_2:
0x6a1: {  	(tag) =	ssettag $0x2  }
0x6a2: {  	s0 =	rddreg [dreg:$0x0];
	s2 =	stileid.u32  }
0x6a3: {  	s1 =	rddreg [dreg:$0x1];
	p0 =	sne.s32 s2, $0x0  }
0x6a4: {  	s3 =	rddreg [dreg:$0x2];
	[bflag:$0x3] =	sbarrier.arrive $0xFFFF;
	s2 =	simm.s32 @!p0 $0x1C08  }
0x6a5: {  	[timem:s3], [sflag:s2] =	dma.local @!p0 [hbm:s0], s1  }
0x6a6: {  	s0 =	simm.s32 @!p0 $0x8  }
0x6a7: {  	_ =	swait.ge @!p0 [sflag:s0], s1  }
0x6a8: {  	s1 =	ssub.s32 @!p0 $0x0, s1;
	[sflag:s0] =	ssyncset.done @!p0 $0x0  }
0x6a9: {  	[sflag:s0] =	ssyncadd.s32 @!p0 s1  }
0x6aa: {  	[bflag:$0x3] =	sbarrier.arrive $0xFFFF  }
0x6ab: {  	_ =	shalt  }

</sc_bundles>
